<compile_context>
chip_gen: v7x
topology: tpu7x:2x2x1
jax: 0.10.2.dev20260603
libtpu: 0.0.44.dev20260713+nightly
codegen_flags: <defaults>
</compile_context>

<pallas_src>
import functools

import jax
import jax.numpy as jnp
from jax import lax
from jax.experimental import pallas as pl
from jax.experimental.pallas import tpu as pltpu
from jax.experimental.pallas import tpu_sc as plsc

N_NODES = 10000
N_EDGES = 320000
D = 128

NC = 2
NS = 16
NW = NC * NS
E_PER_W = N_EDGES // NW
K = 80
NCH = E_PER_W // K
RPT = 632
PIECE = 80


def _dense_body(x_ref, w1t_ref, b1_ref, w2t_ref, b2_ref, a1wt_ref, a1b_ref,
                a2wt_ref, a2b_ref, fj_ref, base_ref, a1_ref, a2_ref):
    x = x_ref[:]
    fi = jnp.maximum(
        jnp.dot(x, w1t_ref[:], preferred_element_type=jnp.float32) + b1_ref[:], 0.0)
    fj = jnp.maximum(
        jnp.dot(x, w2t_ref[:], preferred_element_type=jnp.float32) + b2_ref[:], 0.0)
    a1 = jnp.dot(fi, a1wt_ref[:], preferred_element_type=jnp.float32) + a1b_ref[0, 0]
    a2 = jnp.dot(fj, a2wt_ref[:], preferred_element_type=jnp.float32) + a2b_ref[0, 0]
    att_self = jax.nn.sigmoid(a1 + a2)
    fj_ref[:] = fj
    base_ref[:] = fi + att_self * fj
    a1_ref[:] = a1
    a2_ref[:] = a2


def _dense_stage(features, W1T, b1, W2T, b2, a1wT, a1b, a2wT, a2b):
    R = 1000
    grid = N_NODES // R
    full = lambda shp: pl.BlockSpec(shp, lambda i: (0, 0))
    return pl.pallas_call(
        _dense_body,
        grid=(grid,),
        in_specs=[
            pl.BlockSpec((R, D), lambda i: (i, 0)),
            full((D, D)), full((1, D)), full((D, D)), full((1, D)),
            full((D, 1)), full((1, 1)), full((D, 1)), full((1, 1)),
        ],
        out_specs=[
            pl.BlockSpec((R, D), lambda i: (i, 0)),
            pl.BlockSpec((R, D), lambda i: (i, 0)),
            pl.BlockSpec((R, 1), lambda i: (i, 0)),
            pl.BlockSpec((R, 1), lambda i: (i, 0)),
        ],
        out_shape=[
            jax.ShapeDtypeStruct((N_NODES, D), jnp.float32),
            jax.ShapeDtypeStruct((N_NODES, D), jnp.float32),
            jax.ShapeDtypeStruct((N_NODES, 1), jnp.float32),
            jax.ShapeDtypeStruct((N_NODES, 1), jnp.float32),
        ],
    )(features, W1T, b1, W2T, b2, a1wT, a1b, a2wT, a2b)


NSLOT = 5


def _edge_body(fj_hbm, a1_hbm, a2_hbm, src_hbm, dst_hbm, part_hbm,
               src_c, dst_c, a1c, a2c, raw0, raw1, scd0, scd1, att_v,
               a1_sh, a2_sh, acc,
               sem_src, sem_dst, sem_g, sem_a1, sem_a2, sem_sc):
    c = lax.axis_index("c")
    s = lax.axis_index("s")
    wid = c * NS + s
    ebase = wid * E_PER_W
    base = s * RPT
    rows_total = jnp.where(s < NS - 1, RPT, N_NODES - (NS - 1) * RPT)
    n_pieces = (rows_total + PIECE - 1) // PIECE

    def _zrow(i, carry):
        z = jnp.zeros((16,), jnp.float32)
        for q in range(8):
            raw0[i, pl.ds(q * 16, 16)] = z
        return carry
    lax.fori_loop(0, PIECE, _zrow, 0)

    def _zpiece(k, carry):
        off = base + jnp.minimum(k * PIECE, rows_total - PIECE)
        pltpu.async_copy(raw0, acc.at[pl.ds(off, PIECE)], sem_g.at[0])
        return carry
    lax.fori_loop(0, n_pieces, _zpiece, 0)

    def _zdrain(k, carry):
        off = base + jnp.minimum(k * PIECE, rows_total - PIECE)
        pltpu.make_async_copy(raw0, acc.at[pl.ds(off, PIECE)],
                              sem_g.at[0]).wait()
        return carry
    lax.fori_loop(0, n_pieces, _zdrain, 0)

    @pl.when(s == 0)
    def _():
        pltpu.sync_copy(a1_hbm, a1_sh)

    @pl.when(s == 1)
    def _():
        pltpu.sync_copy(a2_hbm, a2_sh)

    plsc.subcore_barrier()

    raws = (raw0, raw1)
    scds = (scd0, scd1)

    def idx_start(j):
        m = j % NSLOT
        pltpu.async_copy(src_hbm.at[pl.ds(ebase + j * K, K)], src_c.at[m],
                         sem_src.at[m])
        pltpu.async_copy(dst_hbm.at[pl.ds(ebase + j * K, K)], dst_c.at[m],
                         sem_dst.at[m])

    def fetch_start(j, b):
        m = j % NSLOT
        pltpu.make_async_copy(src_hbm.at[pl.ds(ebase + j * K, K)],
                              src_c.at[m], sem_src.at[m]).wait()
        pltpu.make_async_copy(dst_hbm.at[pl.ds(ebase + j * K, K)],
                              dst_c.at[m], sem_dst.at[m]).wait()
        pltpu.async_copy(fj_hbm.at[dst_c.at[m]], raws[b], sem_g.at[b])
        pltpu.async_copy(a1_sh.at[src_c.at[m]], a1c.at[b], sem_a1.at[b])
        pltpu.async_copy(a2_sh.at[dst_c.at[m]], a2c.at[b], sem_a2.at[b])

    def proc(j, b, wait_prev):
        m = j % NSLOT
        raw = raws[b]
        scd = scds[b]
        pltpu.make_async_copy(a1_sh.at[src_c.at[m]], a1c.at[b],
                              sem_a1.at[b]).wait()
        pltpu.make_async_copy(a2_sh.at[dst_c.at[m]], a2c.at[b],
                              sem_a2.at[b]).wait()

        for g in range(5):
            x = a1c[b, pl.ds(g * 16, 16)] + a2c[b, pl.ds(g * 16, 16)]
            att_v[pl.ds(g * 16, 16)] = 1.0 / (1.0 + jnp.exp(-x))

        pltpu.make_async_copy(fj_hbm.at[dst_c.at[m]], raw, sem_g.at[b]).wait()
        if wait_prev:
            m2 = (j - 2) % NSLOT
            pltpu.make_async_copy(scd, acc.at[src_c.at[m2]],
                                  sem_sc.at[b]).wait()

        @plsc.parallel_loop(0, K, 1, unroll=4)
        def _scale(e):
            idx = lax.broadcast_in_dim(e, (16,), ())
            a = plsc.load_gather(att_v, [idx])
            for q in range(8):
                scd[e, pl.ds(q * 16, 16)] = raw[e, pl.ds(q * 16, 16)] * a

        pltpu.async_copy(scd, acc.at[src_c.at[m]], sem_sc.at[b], add=True)

    idx_start(0)
    idx_start(1)
    idx_start(2)
    idx_start(3)
    fetch_start(0, 0)
    fetch_start(1, 1)
    proc(0, 0, False)
    fetch_start(2, 0)
    proc(1, 1, False)

    def _pair(t, carry):
        ja = 2 * t
        jb = ja + 1
        idx_start(ja + 2)
        fetch_start(jb, 1)
        proc(ja, 0, True)
        idx_start(jb + 2)
        fetch_start(jb + 1, 0)
        proc(jb, 1, True)
        return carry
    lax.fori_loop(1, 61, _pair, 0)

    idx_start(124)
    fetch_start(123, 1)
    proc(122, 0, True)
    fetch_start(124, 0)
    proc(123, 1, True)
    proc(124, 0, True)
    pltpu.make_async_copy(scds[1], acc.at[src_c.at[123 % NSLOT]],
                          sem_sc.at[1]).wait()
    pltpu.make_async_copy(scds[0], acc.at[src_c.at[124 % NSLOT]],
                          sem_sc.at[0]).wait()

    plsc.subcore_barrier()

    def _cpiece(k, carry):
        off = base + jnp.minimum(k * PIECE, rows_total - PIECE)
        pltpu.async_copy(acc.at[pl.ds(off, PIECE)],
                         part_hbm.at[c].at[pl.ds(off, PIECE)], sem_g.at[0])
        return carry
    lax.fori_loop(0, n_pieces, _cpiece, 0)

    def _cdrain(k, carry):
        off = base + jnp.minimum(k * PIECE, rows_total - PIECE)
        pltpu.make_async_copy(acc.at[pl.ds(off, PIECE)],
                              part_hbm.at[c].at[pl.ds(off, PIECE)],
                              sem_g.at[0]).wait()
        return carry
    lax.fori_loop(0, n_pieces, _cdrain, 0)


def _edge_stage(fj, a1, a2, src_r, dst_r):
    mesh = plsc.VectorSubcoreMesh(
        core_axis_name="c", subcore_axis_name="s", num_cores=NC, num_subcores=NS)
    kfn = pl.kernel(
        _edge_body,
        out_type=jax.ShapeDtypeStruct((NC, N_NODES, D), jnp.float32),
        mesh=mesh,
        scratch_types=[
            pltpu.VMEM((NSLOT, K), jnp.int32),
            pltpu.VMEM((NSLOT, K), jnp.int32),
            pltpu.VMEM((2, K), jnp.float32),
            pltpu.VMEM((2, K), jnp.float32),
            pltpu.VMEM((K, D), jnp.float32),
            pltpu.VMEM((K, D), jnp.float32),
            pltpu.VMEM((K, D), jnp.float32),
            pltpu.VMEM((K, D), jnp.float32),
            pltpu.VMEM((K,), jnp.float32),
            pltpu.VMEM_SHARED((N_NODES,), jnp.float32),
            pltpu.VMEM_SHARED((N_NODES,), jnp.float32),
            pltpu.VMEM_SHARED((N_NODES, D), jnp.float32),
            pltpu.SemaphoreType.DMA((NSLOT,)),
            pltpu.SemaphoreType.DMA((NSLOT,)),
            pltpu.SemaphoreType.DMA((2,)),
            pltpu.SemaphoreType.DMA((2,)),
            pltpu.SemaphoreType.DMA((2,)),
            pltpu.SemaphoreType.DMA((2,)),
        ],
        compiler_params=pltpu.CompilerParams(needs_layout_passes=False),
    )
    return kfn(fj, a1, a2, src_r, dst_r)


def _combine_body(p0_ref, p1_ref, base_ref, out_ref):
    out_ref[:] = p0_ref[:] + p1_ref[:] + base_ref[:]


def _combine_stage(p0, p1, base):
    R = 1000
    return pl.pallas_call(
        _combine_body,
        grid=(N_NODES // R,),
        in_specs=[pl.BlockSpec((R, D), lambda i: (i, 0))] * 3,
        out_specs=pl.BlockSpec((R, D), lambda i: (i, 0)),
        out_shape=jax.ShapeDtypeStruct((N_NODES, D), jnp.float32),
    )(p0, p1, base)


def kernel(features, adj_indices, W1, b1, W2, b2, a1_w, a1_b, a2_w, a2_b):
    adj = adj_indices.astype(jnp.int32)
    src_r = adj[0]
    dst_r = adj[1]

    fj, base, a1, a2 = _dense_stage(
        features,
        W1.T, b1.reshape(1, D),
        W2.T, b2.reshape(1, D),
        a1_w.reshape(1, D).T, a1_b.reshape(1, 1),
        a2_w.reshape(1, D).T, a2_b.reshape(1, 1),
    )

    part = _edge_stage(fj, a1.reshape(N_NODES), a2.reshape(N_NODES),
                       src_r, dst_r)

    return _combine_stage(part[0], part[1], base)

# --- scband reference (transcript-rebuilt; emitter-appended) ---
"""Pipeline reference for scband-gatlayer-regular-78812649882202 (READ-ONLY COPY).

The authoritative reference and input builder live on the scoring server;
editing this copy changes nothing except your own understanding.
"""

import jax, jax.numpy as jnp
import numpy as np

N_NODES = 10000
N_EDGES = 320000
D_IN = 128
D_OUT = 128


def setup_inputs(seed: int = 0) -> dict:
    key = jax.random.key(seed)
    ks = jax.random.split(key, 12)
    features = jax.random.normal(ks[0], (N_NODES, D_IN), dtype=jnp.float32)
    adj_indices = jax.random.randint(ks[1], (2, N_EDGES), 0, N_NODES, dtype=jnp.int64)
    W1 = jax.random.normal(ks[2], (D_OUT, D_IN), dtype=jnp.float32) * 0.05
    b1 = jax.random.normal(ks[3], (D_OUT,), dtype=jnp.float32) * 0.05
    W2 = jax.random.normal(ks[4], (D_OUT, D_IN), dtype=jnp.float32) * 0.05
    b2 = jax.random.normal(ks[5], (D_OUT,), dtype=jnp.float32) * 0.05
    a1_w = jax.random.normal(ks[6], (1, D_OUT), dtype=jnp.float32) * 0.05
    a1_b = jax.random.normal(ks[7], (1,), dtype=jnp.float32) * 0.05
    a2_w = jax.random.normal(ks[8], (1, D_OUT), dtype=jnp.float32) * 0.05
    a2_b = jax.random.normal(ks[9], (1,), dtype=jnp.float32) * 0.05
    return {"features": features, "adj_indices": adj_indices, "W1": W1, "b1": b1,
            "W2": W2, "b2": b2, "a1_w": a1_w, "a1_b": a1_b, "a2_w": a2_w, "a2_b": a2_b}


def reference(features, adj_indices, W1, b1, W2, b2, a1_w, a1_b, a2_w, a2_b):
    n = features.shape[0]
    # features_i = relu(Linearlayer1(features)); features_j = relu(Linearlayer2(features))
    fi = jax.nn.relu(features @ W1.T + b1)
    fj = jax.nn.relu(features @ W2.T + b2)
    # append self-loop indices
    self_idx = jnp.tile(jnp.arange(n, dtype=adj_indices.dtype)[None, :], (2, 1))
    idx = jnp.concatenate([adj_indices, self_idx], axis=1)
    src = idx[0]
    dst = idx[1]
    # a_1 = self.a_1(features_i); a_2 = self.a_2(features_j)
    a1 = fi @ a1_w.T + a1_b  # [N, 1]
    a2 = fj @ a2_w.T + a2_b  # [N, 1]
    # attention_v = sigmoid(a_1 + a_2.T)[src, dst]
    att = jax.nn.sigmoid(a1[src, 0] + a2[dst, 0])  # [E+N]
    # sparse.mm(attention, features_j): out[i] = sum_{(i,j) in idx} att * fj[j]
    msgs = att[:, None] * jnp.take(fj, dst, axis=0)
    out = jax.ops.segment_sum(msgs, src, num_segments=n)
    return out + fi

if __name__ == "__main__":
    import jax
    _d = setup_inputs()
    print(jax.jit(kernel)(*tuple(_d.values())))

</pallas_src>

<mosaic_0001>
#map = affine_map<(d0, d1) -> (0, 0)>
#map1 = affine_map<(d0, d1) -> (0)>
#map2 = affine_map<(d0, d1) -> (0, 0, 0)>
module attributes {stable_mosaic.version = 14 : i64} {
  func.func @_edge_body(%arg0: i32, %arg1: i32, %arg2: memref<10000x128xf32, #tpu.memory_space<hbm>>, %arg3: memref<10000xf32, #tpu.memory_space<hbm>>, %arg4: memref<10000xf32, #tpu.memory_space<hbm>>, %arg5: memref<320000xi32, #tpu.memory_space<hbm>>, %arg6: memref<320000xi32, #tpu.memory_space<hbm>>, %arg7: memref<2x10000x128xf32, #tpu.memory_space<hbm>>, %arg8: memref<5x80xi32, #tpu.memory_space<vmem>>, %arg9: memref<5x80xi32, #tpu.memory_space<vmem>>, %arg10: memref<2x80xf32, #tpu.memory_space<vmem>>, %arg11: memref<2x80xf32, #tpu.memory_space<vmem>>, %arg12: memref<80x128xf32, #tpu.memory_space<vmem>>, %arg13: memref<80x128xf32, #tpu.memory_space<vmem>>, %arg14: memref<80x128xf32, #tpu.memory_space<vmem>>, %arg15: memref<80x128xf32, #tpu.memory_space<vmem>>, %arg16: memref<80xf32, #tpu.memory_space<vmem>>, %arg17: memref<10000xf32, #tpu.memory_space<vmem_shared>>, %arg18: memref<10000xf32, #tpu.memory_space<vmem_shared>>, %arg19: memref<10000x128xf32, #tpu.memory_space<vmem_shared>>, %arg20: memref<5x!tpu.dma_semaphore, #tpu.memory_space<semaphore_mem>>, %arg21: memref<5x!tpu.dma_semaphore, #tpu.memory_space<semaphore_mem>>, %arg22: memref<2x!tpu.dma_semaphore, #tpu.memory_space<semaphore_mem>>, %arg23: memref<2x!tpu.dma_semaphore, #tpu.memory_space<semaphore_mem>>, %arg24: memref<2x!tpu.dma_semaphore, #tpu.memory_space<semaphore_mem>>, %arg25: memref<2x!tpu.dma_semaphore, #tpu.memory_space<semaphore_mem>>) attributes {dimension_semantics = [#tpu.dimension_semantics<core_parallel>, #tpu.dimension_semantics<subcore_parallel>], iteration_bounds = array<i64: 2, 16>, scalar_prefetch = 0 : i64, scratch_operands = 18 : i64, tpu.core_type = #tpu.core_type<sc_vector_subcore>, window_params = [{transform_indices = #map}, {transform_indices = #map1}, {transform_indices = #map1}, {transform_indices = #map1}, {transform_indices = #map1}, {transform_indices = #map2}]} {
    %mul3A = arith.constant 16 : i32
    %mul3A_0 = arith.muli %arg0, %mul3A : i32
    %add3A = arith.addi %mul3A_0, %arg1 : i32
    %mul3A_1 = arith.constant 10000 : i32
    %mul3A_2 = arith.muli %add3A, %mul3A_1 : i32
    %mul3A_3 = arith.constant 632 : i32
    %mul3A_4 = arith.muli %arg1, %mul3A_3 : i32
    %lt3A = arith.constant 15 : i32
    %lt3A_5 = arith.cmpi slt, %arg1, %lt3A : i32
    %jit3A = arith.constant 632 : i32
    %jit3A_6 = arith.constant 520 : i32
    %select_n3A = arith.select %lt3A_5, %jit3A, %jit3A_6 : i32
    %add3A_7 = arith.constant 80 : i32
    %add3A_8 = arith.addi %select_n3A, %add3A_7 : i32
    %sub3A = arith.constant 1 : i32
    %sub3A_9 = arith.subi %add3A_8, %sub3A : i32
    %jit3A_10 = arith.constant 80 : i32
    %div3A = arith.divsi %sub3A_9, %jit3A_10 : i32
    %sign3A = arith.constant 0 : i32
    %sign3A_11 = arith.cmpi sgt, %sub3A_9, %sign3A : i32
    %sign3A_12 = arith.extui %sign3A_11 : i1 to i32
    %sign3A_13 = arith.constant 0 : i32
    %sign3A_14 = arith.cmpi slt, %sub3A_9, %sign3A_13 : i32
    %sign3A_15 = arith.extui %sign3A_14 : i1 to i32
    %sign3A_16 = arith.subi %sign3A_12, %sign3A_15 : i32
    %sign3A_17 = arith.constant 0 : i32
    %sign3A_18 = arith.cmpi sgt, %jit3A_10, %sign3A_17 : i32
    %sign3A_19 = arith.extui %sign3A_18 : i1 to i32
    %sign3A_20 = arith.constant 0 : i32
    %sign3A_21 = arith.cmpi slt, %jit3A_10, %sign3A_20 : i32
    %sign3A_22 = arith.extui %sign3A_21 : i1 to i32
    %sign3A_23 = arith.subi %sign3A_19, %sign3A_22 : i32
    %ne3A = arith.cmpi ne, %sign3A_16, %sign3A_23 : i32
    %rem3A = arith.remsi %sub3A_9, %jit3A_10 : i32
    %ne3A_24 = arith.constant 0 : i32
    %ne3A_25 = arith.cmpi ne, %rem3A, %ne3A_24 : i32
    %and3A = arith.andi %ne3A, %ne3A_25 : i1
    %sub3A_26 = arith.constant 1 : i32
    %sub3A_27 = arith.subi %div3A, %sub3A_26 : i32
    %select_n3A_28 = arith.select %and3A, %sub3A_27, %div3A : i32
    %scan3A = arith.constant 0 : i32
    %scan3A_29 = arith.constant 0 : i32
    %scan3A_30 = arith.constant 80 : i32
    %scan3A_31 = arith.addi %scan3A_29, %scan3A_30 : i32
    %scan3A_32 = arith.constant 1 : i32
    scf.for %scan3A_1360 = %scan3A_29 to %scan3A_31 step %scan3A_32  : i32 {
      %broadcast_in_dim3A = arith.constant 0.000000e+00 : f32
      %broadcast_in_dim3A_1361 = vector.broadcast %broadcast_in_dim3A : f32 to vector<16xf32>
      %swap3A_1362 = arith.index_cast %scan3A_1360 : i32 to index
      %swap3A_1363 = arith.constant 0 : index
      %swap3A_1364 = tpu.vector_load %arg12[%swap3A_1362, %swap3A_1363] {strides = array<i32>} : memref<80x128xf32, #tpu.memory_space<vmem>>, vector<16xf32>,
      tpu.vector_store %arg12[%swap3A_1362, %swap3A_1363], %broadcast_in_dim3A_1361 {strides = array<i32>} : memref<80x128xf32, #tpu.memory_space<vmem>>, vector<16xf32>,
      %swap3A_1365 = arith.index_cast %scan3A_1360 : i32 to index
      %swap3A_1366 = arith.constant 16 : index
      %swap3A_1367 = tpu.vector_load %arg12[%swap3A_1365, %swap3A_1366] {strides = array<i32>} : memref<80x128xf32, #tpu.memory_space<vmem>>, vector<16xf32>,
      tpu.vector_store %arg12[%swap3A_1365, %swap3A_1366], %broadcast_in_dim3A_1361 {strides = array<i32>} : memref<80x128xf32, #tpu.memory_space<vmem>>, vector<16xf32>,
      %swap3A_1368 = arith.index_cast %scan3A_1360 : i32 to index
      %swap3A_1369 = arith.constant 32 : index
      %swap3A_1370 = tpu.vector_load %arg12[%swap3A_1368, %swap3A_1369] {strides = array<i32>} : memref<80x128xf32, #tpu.memory_space<vmem>>, vector<16xf32>,
      tpu.vector_store %arg12[%swap3A_1368, %swap3A_1369], %broadcast_in_dim3A_1361 {strides = array<i32>} : memref<80x128xf32, #tpu.memory_space<vmem>>, vector<16xf32>,
      %swap3A_1371 = arith.index_cast %scan3A_1360 : i32 to index
      %swap3A_1372 = arith.constant 48 : index
      %swap3A_1373 = tpu.vector_load %arg12[%swap3A_1371, %swap3A_1372] {strides = array<i32>} : memref<80x128xf32, #tpu.memory_space<vmem>>, vector<16xf32>,
      tpu.vector_store %arg12[%swap3A_1371, %swap3A_1372], %broadcast_in_dim3A_1361 {strides = array<i32>} : memref<80x128xf32, #tpu.memory_space<vmem>>, vector<16xf32>,
      %swap3A_1374 = arith.index_cast %scan3A_1360 : i32 to index
      %swap3A_1375 = arith.constant 64 : index
      %swap3A_1376 = tpu.vector_load %arg12[%swap3A_1374, %swap3A_1375] {strides = array<i32>} : memref<80x128xf32, #tpu.memory_space<vmem>>, vector<16xf32>,
      tpu.vector_store %arg12[%swap3A_1374, %swap3A_1375], %broadcast_in_dim3A_1361 {strides = array<i32>} : memref<80x128xf32, #tpu.memory_space<vmem>>, vector<16xf32>,
      %swap3A_1377 = arith.index_cast %scan3A_1360 : i32 to index
      %swap3A_1378 = arith.constant 80 : index
      %swap3A_1379 = tpu.vector_load %arg12[%swap3A_1377, %swap3A_1378] {strides = array<i32>} : memref<80x128xf32, #tpu.memory_space<vmem>>, vector<16xf32>,
      tpu.vector_store %arg12[%swap3A_1377, %swap3A_1378], %broadcast_in_dim3A_1361 {strides = array<i32>} : memref<80x128xf32, #tpu.memory_space<vmem>>, vector<16xf32>,
      %swap3A_1380 = arith.index_cast %scan3A_1360 : i32 to index
      %swap3A_1381 = arith.constant 96 : index
      %swap3A_1382 = tpu.vector_load %arg12[%swap3A_1380, %swap3A_1381] {strides = array<i32>} : memref<80x128xf32, #tpu.memory_space<vmem>>, vector<16xf32>,
      tpu.vector_store %arg12[%swap3A_1380, %swap3A_1381], %broadcast_in_dim3A_1361 {strides = array<i32>} : memref<80x128xf32, #tpu.memory_space<vmem>>, vector<16xf32>,
      %swap3A_1383 = arith.index_cast %scan3A_1360 : i32 to index
      %swap3A_1384 = arith.constant 112 : index
      %swap3A_1385 = tpu.vector_load %arg12[%swap3A_1383, %swap3A_1384] {strides = array<i32>} : memref<80x128xf32, #tpu.memory_space<vmem>>, vector<16xf32>,
      tpu.vector_store %arg12[%swap3A_1383, %swap3A_1384], %broadcast_in_dim3A_1361 {strides = array<i32>} : memref<80x128xf32, #tpu.memory_space<vmem>>, vector<16xf32>,
    }
    %scan3A_33 = arith.constant 80 : i32
    %while3A = arith.constant 0 : i32
    %while3A_34 = arith.constant 0 : i32
    %while3A_35 = arith.subi %select_n3A_28, %while3A_34 : i32
    %while3A_36 = arith.addi %while3A_34, %while3A_35 : i32
    %while3A_37 = arith.constant 1 : i32
    %while3A_38 = arith.divsi %while3A_35, %while3A_37 : i32
    %while3A_39 = arith.muli %while3A_38, %while3A_37 : i32
    %while3A_40 = arith.addi %while3A_34, %while3A_39 : i32
    %while3A_41 = arith.constant 1 : i32
    scf.for %while3A_1360 = %while3A_34 to %while3A_40 step %while3A_41  : i32 {
      %mul3A_1361 = arith.constant 80 : i32
      %mul3A_1362 = arith.muli %while3A_1360, %mul3A_1361 : i32
      %sub3A_1363 = arith.constant 80 : i32
      %sub3A_1364 = arith.subi %select_n3A, %sub3A_1363 : i32
      %min3A = arith.minsi %mul3A_1362, %sub3A_1364 : i32
      %add3A_1365 = arith.addi %mul3A_4, %min3A : i32
      %dma_start3A_1366 = arith.constant 0 : i32
      %dma_start3A_1367 = arith.constant 0 : i32
      %dma_start3A_1368 = tpu.memref_slice %arg19[%add3A_1365, %dma_start3A_1367] : memref<10000x128xf32, #tpu.memory_space<vmem_shared>> -> memref<80x128xf32, #tpu.memory_space<vmem_shared>>
      %dma_start3A_1369 = tpu.memref_slice %arg22[%dma_start3A_1366] : memref<2x!tpu.dma_semaphore, #tpu.memory_space<semaphore_mem>> -> memref<1x!tpu.dma_semaphore, #tpu.memory_space<semaphore_mem>>
      %dma_start3A_1370 = tpu.memref_squeeze %dma_start3A_1369 : memref<1x!tpu.dma_semaphore, #tpu.memory_space<semaphore_mem>> -> memref<!tpu.dma_semaphore, #tpu.memory_space<semaphore_mem>>
      %dma_start3A_1371 = arith.constant 0 : i32
      %dma_start3A_1372 = tpu.memref_slice %arg19[%add3A_1365, %dma_start3A_1371] : memref<10000x128xf32, #tpu.memory_space<vmem_shared>> -> memref<80x128xf32, #tpu.memory_space<vmem_shared>>
      tpu.enqueue_dma source(%arg12 : memref<80x128xf32, #tpu.memory_space<vmem>>) target(%dma_start3A_1372 : memref<80x128xf32, #tpu.memory_space<vmem_shared>>) target_semaphore(%dma_start3A_1370 : memref<!tpu.dma_semaphore, #tpu.memory_space<semaphore_mem>>)
    }
    %while3A_42 = arith.constant 1 : i32
    scf.for %while3A_1360 = %while3A_40 to %while3A_36 step %while3A_42  : i32 {
      %mul3A_1361 = arith.constant 80 : i32
      %mul3A_1362 = arith.muli %while3A_1360, %mul3A_1361 : i32
      %sub3A_1363 = arith.constant 80 : i32
      %sub3A_1364 = arith.subi %select_n3A, %sub3A_1363 : i32
      %min3A = arith.minsi %mul3A_1362, %sub3A_1364 : i32
      %add3A_1365 = arith.addi %mul3A_4, %min3A : i32
      %dma_start3A_1366 = arith.constant 0 : i32
      %dma_start3A_1367 = arith.constant 0 : i32
      %dma_start3A_1368 = tpu.memref_slice %arg19[%add3A_1365, %dma_start3A_1367] : memref<10000x128xf32, #tpu.memory_space<vmem_shared>> -> memref<80x128xf32, #tpu.memory_space<vmem_shared>>
      %dma_start3A_1369 = tpu.memref_slice %arg22[%dma_start3A_1366] : memref<2x!tpu.dma_semaphore, #tpu.memory_space<semaphore_mem>> -> memref<1x!tpu.dma_semaphore, #tpu.memory_space<semaphore_mem>>
      %dma_start3A_1370 = tpu.memref_squeeze %dma_start3A_1369 : memref<1x!tpu.dma_semaphore, #tpu.memory_space<semaphore_mem>> -> memref<!tpu.dma_semaphore, #tpu.memory_space<semaphore_mem>>
      %dma_start3A_1371 = arith.constant 0 : i32
      %dma_start3A_1372 = tpu.memref_slice %arg19[%add3A_1365, %dma_start3A_1371] : memref<10000x128xf32, #tpu.memory_space<vmem_shared>> -> memref<80x128xf32, #tpu.memory_space<vmem_shared>>
      tpu.enqueue_dma source(%arg12 : memref<80x128xf32, #tpu.memory_space<vmem>>) target(%dma_start3A_1372 : memref<80x128xf32, #tpu.memory_space<vmem_shared>>) target_semaphore(%dma_start3A_1370 : memref<!tpu.dma_semaphore, #tpu.memory_space<semaphore_mem>>)
    }
    %while3A_43 = arith.constant 0 : i32
    %while3A_44 = arith.constant 0 : i32
    %while3A_45 = arith.subi %select_n3A_28, %while3A_44 : i32
    %while3A_46 = arith.addi %while3A_44, %while3A_45 : i32
    %while3A_47 = arith.constant 1 : i32
    %while3A_48 = arith.divsi %while3A_45, %while3A_47 : i32
    %while3A_49 = arith.muli %while3A_48, %while3A_47 : i32
    %while3A_50 = arith.addi %while3A_44, %while3A_49 : i32
    %while3A_51 = arith.constant 1 : i32
    scf.for %while3A_1360 = %while3A_44 to %while3A_50 step %while3A_51  : i32 {
      %mul3A_1361 = arith.constant 80 : i32
      %mul3A_1362 = arith.muli %while3A_1360, %mul3A_1361 : i32
      %sub3A_1363 = arith.constant 80 : i32
      %sub3A_1364 = arith.subi %select_n3A, %sub3A_1363 : i32
      %min3A = arith.minsi %mul3A_1362, %sub3A_1364 : i32
      %add3A_1365 = arith.addi %mul3A_4, %min3A : i32
      %dma_wait3A_1366 = arith.constant 0 : i32
      %dma_wait3A_1367 = arith.constant 0 : i32
      %dma_wait3A_1368 = tpu.memref_slice %arg19[%add3A_1365, %dma_wait3A_1367] : memref<10000x128xf32, #tpu.memory_space<vmem_shared>> -> memref<80x128xf32, #tpu.memory_space<vmem_shared>>
      %dma_wait3A_1369 = tpu.memref_slice %arg22[%dma_wait3A_1366] : memref<2x!tpu.dma_semaphore, #tpu.memory_space<semaphore_mem>> -> memref<1x!tpu.dma_semaphore, #tpu.memory_space<semaphore_mem>>
      %dma_wait3A_1370 = tpu.memref_squeeze %dma_wait3A_1369 : memref<1x!tpu.dma_semaphore, #tpu.memory_space<semaphore_mem>> -> memref<!tpu.dma_semaphore, #tpu.memory_space<semaphore_mem>>
      %dma_wait3A_1371 = arith.constant 0 : i32
      %dma_wait3A_1372 = tpu.memref_slice %arg19[%add3A_1365, %dma_wait3A_1371] : memref<10000x128xf32, #tpu.memory_space<vmem_shared>> -> memref<80x128xf32, #tpu.memory_space<vmem_shared>>
      tpu.wait_dma2 semaphore(%dma_wait3A_1370 : memref<!tpu.dma_semaphore, #tpu.memory_space<semaphore_mem>>) src(%arg12 : memref<80x128xf32, #tpu.memory_space<vmem>>) dst(%dma_wait3A_1372 : memref<80x128xf32, #tpu.memory_space<vmem_shared>>)
    }
    %while3A_52 = arith.constant 1 : i32
    scf.for %while3A_1360 = %while3A_50 to %while3A_46 step %while3A_52  : i32 {
      %mul3A_1361 = arith.constant 80 : i32
      %mul3A_1362 = arith.muli %while3A_1360, %mul3A_1361 : i32
      %sub3A_1363 = arith.constant 80 : i32
      %sub3A_1364 = arith.subi %select_n3A, %sub3A_1363 : i32
      %min3A = arith.minsi %mul3A_1362, %sub3A_1364 : i32
      %add3A_1365 = arith.addi %mul3A_4, %min3A : i32
      %dma_wait3A_1366 = arith.constant 0 : i32
      %dma_wait3A_1367 = arith.constant 0 : i32
      %dma_wait3A_1368 = tpu.memref_slice %arg19[%add3A_1365, %dma_wait3A_1367] : memref<10000x128xf32, #tpu.memory_space<vmem_shared>> -> memref<80x128xf32, #tpu.memory_space<vmem_shared>>
      %dma_wait3A_1369 = tpu.memref_slice %arg22[%dma_wait3A_1366] : memref<2x!tpu.dma_semaphore, #tpu.memory_space<semaphore_mem>> -> memref<1x!tpu.dma_semaphore, #tpu.memory_space<semaphore_mem>>
      %dma_wait3A_1370 = tpu.memref_squeeze %dma_wait3A_1369 : memref<1x!tpu.dma_semaphore, #tpu.memory_space<semaphore_mem>> -> memref<!tpu.dma_semaphore, #tpu.memory_space<semaphore_mem>>
      %dma_wait3A_1371 = arith.constant 0 : i32
      %dma_wait3A_1372 = tpu.memref_slice %arg19[%add3A_1365, %dma_wait3A_1371] : memref<10000x128xf32, #tpu.memory_space<vmem_shared>> -> memref<80x128xf32, #tpu.memory_space<vmem_shared>>
      tpu.wait_dma2 semaphore(%dma_wait3A_1370 : memref<!tpu.dma_semaphore, #tpu.memory_space<semaphore_mem>>) src(%arg12 : memref<80x128xf32, #tpu.memory_space<vmem>>) dst(%dma_wait3A_1372 : memref<80x128xf32, #tpu.memory_space<vmem_shared>>)
    }
    %eq3A = arith.constant 0 : i32
    %eq3A_53 = arith.cmpi eq, %arg1, %eq3A : i32
    %convert_element_type3A = arith.extui %eq3A_53 : i1 to i32
    %cond3A = arith.constant 0 : i32
    %cond3A_54 = arith.cmpi ne, %convert_element_type3A, %cond3A : i32
    scf.if %cond3A_54 {
      "tpu.region"() ({
        %run_scoped3A = tpu.sem_alloc : memref<!tpu.dma_semaphore, #tpu.memory_space<semaphore_mem>>
        tpu.enqueue_dma source(%arg3 : memref<10000xf32, #tpu.memory_space<hbm>>) target(%arg17 : memref<10000xf32, #tpu.memory_space<vmem_shared>>) target_semaphore(%run_scoped3A : memref<!tpu.dma_semaphore, #tpu.memory_space<semaphore_mem>>)
        tpu.wait_dma2 semaphore(%run_scoped3A : memref<!tpu.dma_semaphore, #tpu.memory_space<semaphore_mem>>) src(%arg3 : memref<10000xf32, #tpu.memory_space<hbm>>) dst(%arg17 : memref<10000xf32, #tpu.memory_space<vmem_shared>>)
        tpu.yield
      }) : () -> ()
    } else {
    }
    %eq3A_55 = arith.constant 1 : i32
    %eq3A_56 = arith.cmpi eq, %arg1, %eq3A_55 : i32
    %convert_element_type3A_57 = arith.extui %eq3A_56 : i1 to i32
    %cond3A_58 = arith.constant 0 : i32
    %cond3A_59 = arith.cmpi ne, %convert_element_type3A_57, %cond3A_58 : i32
    scf.if %cond3A_59 {
      "tpu.region"() ({
        %run_scoped3A = tpu.sem_alloc : memref<!tpu.dma_semaphore, #tpu.memory_space<semaphore_mem>>
        tpu.enqueue_dma source(%arg4 : memref<10000xf32, #tpu.memory_space<hbm>>) target(%arg18 : memref<10000xf32, #tpu.memory_space<vmem_shared>>) target_semaphore(%run_scoped3A : memref<!tpu.dma_semaphore, #tpu.memory_space<semaphore_mem>>)
        tpu.wait_dma2 semaphore(%run_scoped3A : memref<!tpu.dma_semaphore, #tpu.memory_space<semaphore_mem>>) src(%arg4 : memref<10000xf32, #tpu.memory_space<hbm>>) dst(%arg18 : memref<10000xf32, #tpu.memory_space<vmem_shared>>)
        tpu.yield
      }) : () -> ()
    } else {
    }
    %barrier3A = arith.constant 0 : index
    tpu.barrier barrier_id(%barrier3A)
    %add3A_60 = arith.constant 0 : i32
    %add3A_61 = arith.addi %mul3A_2, %add3A_60 : i32
    %dma_start3A = arith.constant 0 : i32
    %dma_start3A_62 = arith.constant 0 : i32
    %dma_start3A_63 = arith.constant 0 : i32
    %dma_start3A_64 = tpu.memref_slice %arg8[%dma_start3A, %dma_start3A_63] : memref<5x80xi32, #tpu.memory_space<vmem>> -> memref<1x80xi32, #tpu.memory_space<vmem>>
    %dma_start3A_65 = tpu.memref_squeeze %dma_start3A_64 : memref<1x80xi32, #tpu.memory_space<vmem>> -> memref<80xi32, #tpu.memory_space<vmem>>
    %dma_start3A_66 = tpu.memref_slice %arg5[%add3A_61] : memref<320000xi32, #tpu.memory_space<hbm>> -> memref<80xi32, #tpu.memory_space<hbm>>
    %dma_start3A_67 = tpu.memref_slice %arg20[%dma_start3A_62] : memref<5x!tpu.dma_semaphore, #tpu.memory_space<semaphore_mem>> -> memref<1x!tpu.dma_semaphore, #tpu.memory_space<semaphore_mem>>
    %dma_start3A_68 = tpu.memref_squeeze %dma_start3A_67 : memref<1x!tpu.dma_semaphore, #tpu.memory_space<semaphore_mem>> -> memref<!tpu.dma_semaphore, #tpu.memory_space<semaphore_mem>>
    %dma_start3A_69 = arith.constant 0 : i32
    %dma_start3A_70 = tpu.memref_slice %arg8[%dma_start3A, %dma_start3A_69] : memref<5x80xi32, #tpu.memory_space<vmem>> -> memref<1x80xi32, #tpu.memory_space<vmem>>
    %dma_start3A_71 = tpu.memref_squeeze %dma_start3A_70 : memref<1x80xi32, #tpu.memory_space<vmem>> -> memref<80xi32, #tpu.memory_space<vmem>>
    %dma_start3A_72 = tpu.memref_slice %arg5[%add3A_61] : memref<320000xi32, #tpu.memory_space<hbm>> -> memref<80xi32, #tpu.memory_space<hbm>>
    tpu.enqueue_dma source(%dma_start3A_72 : memref<80xi32, #tpu.memory_space<hbm>>) target(%dma_start3A_71 : memref<80xi32, #tpu.memory_space<vmem>>) target_semaphore(%dma_start3A_68 : memref<!tpu.dma_semaphore, #tpu.memory_space<semaphore_mem>>)
    %add3A_73 = arith.constant 0 : i32
    %add3A_74 = arith.addi %mul3A_2, %add3A_73 : i32
    %dma_start3A_75 = arith.constant 0 : i32
    %dma_start3A_76 = arith.constant 0 : i32
    %dma_start3A_77 = arith.constant 0 : i32
    %dma_start3A_78 = tpu.memref_slice %arg9[%dma_start3A_75, %dma_start3A_77] : memref<5x80xi32, #tpu.memory_space<vmem>> -> memref<1x80xi32, #tpu.memory_space<vmem>>
    %dma_start3A_79 = tpu.memref_squeeze %dma_start3A_78 : memref<1x80xi32, #tpu.memory_space<vmem>> -> memref<80xi32, #tpu.memory_space<vmem>>
    %dma_start3A_80 = tpu.memref_slice %arg6[%add3A_74] : memref<320000xi32, #tpu.memory_space<hbm>> -> memref<80xi32, #tpu.memory_space<hbm>>
    %dma_start3A_81 = tpu.memref_slice %arg21[%dma_start3A_76] : memref<5x!tpu.dma_semaphore, #tpu.memory_space<semaphore_mem>> -> memref<1x!tpu.dma_semaphore, #tpu.memory_space<semaphore_mem>>
    %dma_start3A_82 = tpu.memref_squeeze %dma_start3A_81 : memref<1x!tpu.dma_semaphore, #tpu.memory_space<semaphore_mem>> -> memref<!tpu.dma_semaphore, #tpu.memory_space<semaphore_mem>>
    %dma_start3A_83 = arith.constant 0 : i32
    %dma_start3A_84 = tpu.memref_slice %arg9[%dma_start3A_75, %dma_start3A_83] : memref<5x80xi32, #tpu.memory_space<vmem>> -> memref<1x80xi32, #tpu.memory_space<vmem>>
    %dma_start3A_85 = tpu.memref_squeeze %dma_start3A_84 : memref<1x80xi32, #tpu.memory_space<vmem>> -> memref<80xi32, #tpu.memory_space<vmem>>
    %dma_start3A_86 = tpu.memref_slice %arg6[%add3A_74] : memref<320000xi32, #tpu.memory_space<hbm>> -> memref<80xi32, #tpu.memory_space<hbm>>
    tpu.enqueue_dma source(%dma_start3A_86 : memref<80xi32, #tpu.memory_space<hbm>>) target(%dma_start3A_85 : memref<80xi32, #tpu.memory_space<vmem>>) target_semaphore(%dma_start3A_82 : memref<!tpu.dma_semaphore, #tpu.memory_space<semaphore_mem>>)
    %add3A_87 = arith.constant 80 : i32
    %add3A_88 = arith.addi %mul3A_2, %add3A_87 : i32
    %dma_start3A_89 = arith.constant 1 : i32
    %dma_start3A_90 = arith.constant 1 : i32
    %dma_start3A_91 = arith.constant 0 : i32
    %dma_start3A_92 = tpu.memref_slice %arg8[%dma_start3A_89, %dma_start3A_91] : memref<5x80xi32, #tpu.memory_space<vmem>> -> memref<1x80xi32, #tpu.memory_space<vmem>>
    %dma_start3A_93 = tpu.memref_squeeze %dma_start3A_92 : memref<1x80xi32, #tpu.memory_space<vmem>> -> memref<80xi32, #tpu.memory_space<vmem>>
    %dma_start3A_94 = tpu.memref_slice %arg5[%add3A_88] : memref<320000xi32, #tpu.memory_space<hbm>> -> memref<80xi32, #tpu.memory_space<hbm>>
    %dma_start3A_95 = tpu.memref_slice %arg20[%dma_start3A_90] : memref<5x!tpu.dma_semaphore, #tpu.memory_space<semaphore_mem>> -> memref<1x!tpu.dma_semaphore, #tpu.memory_space<semaphore_mem>>
    %dma_start3A_96 = tpu.memref_squeeze %dma_start3A_95 : memref<1x!tpu.dma_semaphore, #tpu.memory_space<semaphore_mem>> -> memref<!tpu.dma_semaphore, #tpu.memory_space<semaphore_mem>>
    %dma_start3A_97 = arith.constant 0 : i32
    %dma_start3A_98 = tpu.memref_slice %arg8[%dma_start3A_89, %dma_start3A_97] : memref<5x80xi32, #tpu.memory_space<vmem>> -> memref<1x80xi32, #tpu.memory_space<vmem>>
    %dma_start3A_99 = tpu.memref_squeeze %dma_start3A_98 : memref<1x80xi32, #tpu.memory_space<vmem>> -> memref<80xi32, #tpu.memory_space<vmem>>
    %dma_start3A_100 = tpu.memref_slice %arg5[%add3A_88] : memref<320000xi32, #tpu.memory_space<hbm>> -> memref<80xi32, #tpu.memory_space<hbm>>
    tpu.enqueue_dma source(%dma_start3A_100 : memref<80xi32, #tpu.memory_space<hbm>>) target(%dma_start3A_99 : memref<80xi32, #tpu.memory_space<vmem>>) target_semaphore(%dma_start3A_96 : memref<!tpu.dma_semaphore, #tpu.memory_space<semaphore_mem>>)
    %add3A_101 = arith.constant 80 : i32
    %add3A_102 = arith.addi %mul3A_2, %add3A_101 : i32
    %dma_start3A_103 = arith.constant 1 : i32
    %dma_start3A_104 = arith.constant 1 : i32
    %dma_start3A_105 = arith.constant 0 : i32
    %dma_start3A_106 = tpu.memref_slice %arg9[%dma_start3A_103, %dma_start3A_105] : memref<5x80xi32, #tpu.memory_space<vmem>> -> memref<1x80xi32, #tpu.memory_space<vmem>>
    %dma_start3A_107 = tpu.memref_squeeze %dma_start3A_106 : memref<1x80xi32, #tpu.memory_space<vmem>> -> memref<80xi32, #tpu.memory_space<vmem>>
    %dma_start3A_108 = tpu.memref_slice %arg6[%add3A_102] : memref<320000xi32, #tpu.memory_space<hbm>> -> memref<80xi32, #tpu.memory_space<hbm>>
    %dma_start3A_109 = tpu.memref_slice %arg21[%dma_start3A_104] : memref<5x!tpu.dma_semaphore, #tpu.memory_space<semaphore_mem>> -> memref<1x!tpu.dma_semaphore, #tpu.memory_space<semaphore_mem>>
    %dma_start3A_110 = tpu.memref_squeeze %dma_start3A_109 : memref<1x!tpu.dma_semaphore, #tpu.memory_space<semaphore_mem>> -> memref<!tpu.dma_semaphore, #tpu.memory_space<semaphore_mem>>
    %dma_start3A_111 = arith.constant 0 : i32
    %dma_start3A_112 = tpu.memref_slice %arg9[%dma_start3A_103, %dma_start3A_111] : memref<5x80xi32, #tpu.memory_space<vmem>> -> memref<1x80xi32, #tpu.memory_space<vmem>>
    %dma_start3A_113 = tpu.memref_squeeze %dma_start3A_112 : memref<1x80xi32, #tpu.memory_space<vmem>> -> memref<80xi32, #tpu.memory_space<vmem>>
    %dma_start3A_114 = tpu.memref_slice %arg6[%add3A_102] : memref<320000xi32, #tpu.memory_space<hbm>> -> memref<80xi32, #tpu.memory_space<hbm>>
    tpu.enqueue_dma source(%dma_start3A_114 : memref<80xi32, #tpu.memory_space<hbm>>) target(%dma_start3A_113 : memref<80xi32, #tpu.memory_space<vmem>>) target_semaphore(%dma_start3A_110 : memref<!tpu.dma_semaphore, #tpu.memory_space<semaphore_mem>>)
    %add3A_115 = arith.constant 160 : i32
    %add3A_116 = arith.addi %mul3A_2, %add3A_115 : i32
    %dma_start3A_117 = arith.constant 2 : i32
    %dma_start3A_118 = arith.constant 2 : i32
    %dma_start3A_119 = arith.constant 0 : i32
    %dma_start3A_120 = tpu.memref_slice %arg8[%dma_start3A_117, %dma_start3A_119] : memref<5x80xi32, #tpu.memory_space<vmem>> -> memref<1x80xi32, #tpu.memory_space<vmem>>
    %dma_start3A_121 = tpu.memref_squeeze %dma_start3A_120 : memref<1x80xi32, #tpu.memory_space<vmem>> -> memref<80xi32, #tpu.memory_space<vmem>>
    %dma_start3A_122 = tpu.memref_slice %arg5[%add3A_116] : memref<320000xi32, #tpu.memory_space<hbm>> -> memref<80xi32, #tpu.memory_space<hbm>>
    %dma_start3A_123 = tpu.memref_slice %arg20[%dma_start3A_118] : memref<5x!tpu.dma_semaphore, #tpu.memory_space<semaphore_mem>> -> memref<1x!tpu.dma_semaphore, #tpu.memory_space<semaphore_mem>>
    %dma_start3A_124 = tpu.memref_squeeze %dma_start3A_123 : memref<1x!tpu.dma_semaphore, #tpu.memory_space<semaphore_mem>> -> memref<!tpu.dma_semaphore, #tpu.memory_space<semaphore_mem>>
    %dma_start3A_125 = arith.constant 0 : i32
    %dma_start3A_126 = tpu.memref_slice %arg8[%dma_start3A_117, %dma_start3A_125] : memref<5x80xi32, #tpu.memory_space<vmem>> -> memref<1x80xi32, #tpu.memory_space<vmem>>
    %dma_start3A_127 = tpu.memref_squeeze %dma_start3A_126 : memref<1x80xi32, #tpu.memory_space<vmem>> -> memref<80xi32, #tpu.memory_space<vmem>>
    %dma_start3A_128 = tpu.memref_slice %arg5[%add3A_116] : memref<320000xi32, #tpu.memory_space<hbm>> -> memref<80xi32, #tpu.memory_space<hbm>>
    tpu.enqueue_dma source(%dma_start3A_128 : memref<80xi32, #tpu.memory_space<hbm>>) target(%dma_start3A_127 : memref<80xi32, #tpu.memory_space<vmem>>) target_semaphore(%dma_start3A_124 : memref<!tpu.dma_semaphore, #tpu.memory_space<semaphore_mem>>)
    %add3A_129 = arith.constant 160 : i32
    %add3A_130 = arith.addi %mul3A_2, %add3A_129 : i32
    %dma_start3A_131 = arith.constant 2 : i32
    %dma_start3A_132 = arith.constant 2 : i32
    %dma_start3A_133 = arith.constant 0 : i32
    %dma_start3A_134 = tpu.memref_slice %arg9[%dma_start3A_131, %dma_start3A_133] : memref<5x80xi32, #tpu.memory_space<vmem>> -> memref<1x80xi32, #tpu.memory_space<vmem>>
    %dma_start3A_135 = tpu.memref_squeeze %dma_start3A_134 : memref<1x80xi32, #tpu.memory_space<vmem>> -> memref<80xi32, #tpu.memory_space<vmem>>
    %dma_start3A_136 = tpu.memref_slice %arg6[%add3A_130] : memref<320000xi32, #tpu.memory_space<hbm>> -> memref<80xi32, #tpu.memory_space<hbm>>
    %dma_start3A_137 = tpu.memref_slice %arg21[%dma_start3A_132] : memref<5x!tpu.dma_semaphore, #tpu.memory_space<semaphore_mem>> -> memref<1x!tpu.dma_semaphore, #tpu.memory_space<semaphore_mem>>
    %dma_start3A_138 = tpu.memref_squeeze %dma_start3A_137 : memref<1x!tpu.dma_semaphore, #tpu.memory_space<semaphore_mem>> -> memref<!tpu.dma_semaphore, #tpu.memory_space<semaphore_mem>>
    %dma_start3A_139 = arith.constant 0 : i32
    %dma_start3A_140 = tpu.memref_slice %arg9[%dma_start3A_131, %dma_start3A_139] : memref<5x80xi32, #tpu.memory_space<vmem>> -> memref<1x80xi32, #tpu.memory_space<vmem>>
    %dma_start3A_141 = tpu.memref_squeeze %dma_start3A_140 : memref<1x80xi32, #tpu.memory_space<vmem>> -> memref<80xi32, #tpu.memory_space<vmem>>
    %dma_start3A_142 = tpu.memref_slice %arg6[%add3A_130] : memref<320000xi32, #tpu.memory_space<hbm>> -> memref<80xi32, #tpu.memory_space<hbm>>
    tpu.enqueue_dma source(%dma_start3A_142 : memref<80xi32, #tpu.memory_space<hbm>>) target(%dma_start3A_141 : memref<80xi32, #tpu.memory_space<vmem>>) target_semaphore(%dma_start3A_138 : memref<!tpu.dma_semaphore, #tpu.memory_space<semaphore_mem>>)
    %add3A_143 = arith.constant 240 : i32
    %add3A_144 = arith.addi %mul3A_2, %add3A_143 : i32
    %dma_start3A_145 = arith.constant 3 : i32
    %dma_start3A_146 = arith.constant 3 : i32
    %dma_start3A_147 = arith.constant 0 : i32
    %dma_start3A_148 = tpu.memref_slice %arg8[%dma_start3A_145, %dma_start3A_147] : memref<5x80xi32, #tpu.memory_space<vmem>> -> memref<1x80xi32, #tpu.memory_space<vmem>>
    %dma_start3A_149 = tpu.memref_squeeze %dma_start3A_148 : memref<1x80xi32, #tpu.memory_space<vmem>> -> memref<80xi32, #tpu.memory_space<vmem>>
    %dma_start3A_150 = tpu.memref_slice %arg5[%add3A_144] : memref<320000xi32, #tpu.memory_space<hbm>> -> memref<80xi32, #tpu.memory_space<hbm>>
    %dma_start3A_151 = tpu.memref_slice %arg20[%dma_start3A_146] : memref<5x!tpu.dma_semaphore, #tpu.memory_space<semaphore_mem>> -> memref<1x!tpu.dma_semaphore, #tpu.memory_space<semaphore_mem>>
    %dma_start3A_152 = tpu.memref_squeeze %dma_start3A_151 : memref<1x!tpu.dma_semaphore, #tpu.memory_space<semaphore_mem>> -> memref<!tpu.dma_semaphore, #tpu.memory_space<semaphore_mem>>
    %dma_start3A_153 = arith.constant 0 : i32
    %dma_start3A_154 = tpu.memref_slice %arg8[%dma_start3A_145, %dma_start3A_153] : memref<5x80xi32, #tpu.memory_space<vmem>> -> memref<1x80xi32, #tpu.memory_space<vmem>>
    %dma_start3A_155 = tpu.memref_squeeze %dma_start3A_154 : memref<1x80xi32, #tpu.memory_space<vmem>> -> memref<80xi32, #tpu.memory_space<vmem>>
    %dma_start3A_156 = tpu.memref_slice %arg5[%add3A_144] : memref<320000xi32, #tpu.memory_space<hbm>> -> memref<80xi32, #tpu.memory_space<hbm>>
    tpu.enqueue_dma source(%dma_start3A_156 : memref<80xi32, #tpu.memory_space<hbm>>) target(%dma_start3A_155 : memref<80xi32, #tpu.memory_space<vmem>>) target_semaphore(%dma_start3A_152 : memref<!tpu.dma_semaphore, #tpu.memory_space<semaphore_mem>>)
    %add3A_157 = arith.constant 240 : i32
    %add3A_158 = arith.addi %mul3A_2, %add3A_157 : i32
    %dma_start3A_159 = arith.constant 3 : i32
    %dma_start3A_160 = arith.constant 3 : i32
    %dma_start3A_161 = arith.constant 0 : i32
    %dma_start3A_162 = tpu.memref_slice %arg9[%dma_start3A_159, %dma_start3A_161] : memref<5x80xi32, #tpu.memory_space<vmem>> -> memref<1x80xi32, #tpu.memory_space<vmem>>
    %dma_start3A_163 = tpu.memref_squeeze %dma_start3A_162 : memref<1x80xi32, #tpu.memory_space<vmem>> -> memref<80xi32, #tpu.memory_space<vmem>>
    %dma_start3A_164 = tpu.memref_slice %arg6[%add3A_158] : memref<320000xi32, #tpu.memory_space<hbm>> -> memref<80xi32, #tpu.memory_space<hbm>>
    %dma_start3A_165 = tpu.memref_slice %arg21[%dma_start3A_160] : memref<5x!tpu.dma_semaphore, #tpu.memory_space<semaphore_mem>> -> memref<1x!tpu.dma_semaphore, #tpu.memory_space<semaphore_mem>>
    %dma_start3A_166 = tpu.memref_squeeze %dma_start3A_165 : memref<1x!tpu.dma_semaphore, #tpu.memory_space<semaphore_mem>> -> memref<!tpu.dma_semaphore, #tpu.memory_space<semaphore_mem>>
    %dma_start3A_167 = arith.constant 0 : i32
    %dma_start3A_168 = tpu.memref_slice %arg9[%dma_start3A_159, %dma_start3A_167] : memref<5x80xi32, #tpu.memory_space<vmem>> -> memref<1x80xi32, #tpu.memory_space<vmem>>
    %dma_start3A_169 = tpu.memref_squeeze %dma_start3A_168 : memref<1x80xi32, #tpu.memory_space<vmem>> -> memref<80xi32, #tpu.memory_space<vmem>>
    %dma_start3A_170 = tpu.memref_slice %arg6[%add3A_158] : memref<320000xi32, #tpu.memory_space<hbm>> -> memref<80xi32, #tpu.memory_space<hbm>>
    tpu.enqueue_dma source(%dma_start3A_170 : memref<80xi32, #tpu.memory_space<hbm>>) target(%dma_start3A_169 : memref<80xi32, #tpu.memory_space<vmem>>) target_semaphore(%dma_start3A_166 : memref<!tpu.dma_semaphore, #tpu.memory_space<semaphore_mem>>)
    %add3A_171 = arith.constant 0 : i32
    %add3A_172 = arith.addi %mul3A_2, %add3A_171 : i32
    %dma_wait3A = arith.constant 0 : i32
    %dma_wait3A_173 = arith.constant 0 : i32
    %dma_wait3A_174 = arith.constant 0 : i32
    %dma_wait3A_175 = tpu.memref_slice %arg8[%dma_wait3A, %dma_wait3A_174] : memref<5x80xi32, #tpu.memory_space<vmem>> -> memref<1x80xi32, #tpu.memory_space<vmem>>
    %dma_wait3A_176 = tpu.memref_squeeze %dma_wait3A_175 : memref<1x80xi32, #tpu.memory_space<vmem>> -> memref<80xi32, #tpu.memory_space<vmem>>
    %dma_wait3A_177 = tpu.memref_slice %arg5[%add3A_172] : memref<320000xi32, #tpu.memory_space<hbm>> -> memref<80xi32, #tpu.memory_space<hbm>>
    %dma_wait3A_178 = tpu.memref_slice %arg20[%dma_wait3A_173] : memref<5x!tpu.dma_semaphore, #tpu.memory_space<semaphore_mem>> -> memref<1x!tpu.dma_semaphore, #tpu.memory_space<semaphore_mem>>
    %dma_wait3A_179 = tpu.memref_squeeze %dma_wait3A_178 : memref<1x!tpu.dma_semaphore, #tpu.memory_space<semaphore_mem>> -> memref<!tpu.dma_semaphore, #tpu.memory_space<semaphore_mem>>
    %dma_wait3A_180 = arith.constant 0 : i32
    %dma_wait3A_181 = tpu.memref_slice %arg8[%dma_wait3A, %dma_wait3A_180] : memref<5x80xi32, #tpu.memory_space<vmem>> -> memref<1x80xi32, #tpu.memory_space<vmem>>
    %dma_wait3A_182 = tpu.memref_squeeze %dma_wait3A_181 : memref<1x80xi32, #tpu.memory_space<vmem>> -> memref<80xi32, #tpu.memory_space<vmem>>
    %dma_wait3A_183 = tpu.memref_slice %arg5[%add3A_172] : memref<320000xi32, #tpu.memory_space<hbm>> -> memref<80xi32, #tpu.memory_space<hbm>>
    tpu.wait_dma2 semaphore(%dma_wait3A_179 : memref<!tpu.dma_semaphore, #tpu.memory_space<semaphore_mem>>) src(%dma_wait3A_183 : memref<80xi32, #tpu.memory_space<hbm>>) dst(%dma_wait3A_182 : memref<80xi32, #tpu.memory_space<vmem>>)
    %add3A_184 = arith.constant 0 : i32
    %add3A_185 = arith.addi %mul3A_2, %add3A_184 : i32
    %dma_wait3A_186 = arith.constant 0 : i32
    %dma_wait3A_187 = arith.constant 0 : i32
    %dma_wait3A_188 = arith.constant 0 : i32
    %dma_wait3A_189 = tpu.memref_slice %arg9[%dma_wait3A_186, %dma_wait3A_188] : memref<5x80xi32, #tpu.memory_space<vmem>> -> memref<1x80xi32, #tpu.memory_space<vmem>>
    %dma_wait3A_190 = tpu.memref_squeeze %dma_wait3A_189 : memref<1x80xi32, #tpu.memory_space<vmem>> -> memref<80xi32, #tpu.memory_space<vmem>>
    %dma_wait3A_191 = tpu.memref_slice %arg6[%add3A_185] : memref<320000xi32, #tpu.memory_space<hbm>> -> memref<80xi32, #tpu.memory_space<hbm>>
    %dma_wait3A_192 = tpu.memref_slice %arg21[%dma_wait3A_187] : memref<5x!tpu.dma_semaphore, #tpu.memory_space<semaphore_mem>> -> memref<1x!tpu.dma_semaphore, #tpu.memory_space<semaphore_mem>>
    %dma_wait3A_193 = tpu.memref_squeeze %dma_wait3A_192 : memref<1x!tpu.dma_semaphore, #tpu.memory_space<semaphore_mem>> -> memref<!tpu.dma_semaphore, #tpu.memory_space<semaphore_mem>>
    %dma_wait3A_194 = arith.constant 0 : i32
    %dma_wait3A_195 = tpu.memref_slice %arg9[%dma_wait3A_186, %dma_wait3A_194] : memref<5x80xi32, #tpu.memory_space<vmem>> -> memref<1x80xi32, #tpu.memory_space<vmem>>
    %dma_wait3A_196 = tpu.memref_squeeze %dma_wait3A_195 : memref<1x80xi32, #tpu.memory_space<vmem>> -> memref<80xi32, #tpu.memory_space<vmem>>
    %dma_wait3A_197 = tpu.memref_slice %arg6[%add3A_185] : memref<320000xi32, #tpu.memory_space<hbm>> -> memref<80xi32, #tpu.memory_space<hbm>>
    tpu.wait_dma2 semaphore(%dma_wait3A_193 : memref<!tpu.dma_semaphore, #tpu.memory_space<semaphore_mem>>) src(%dma_wait3A_197 : memref<80xi32, #tpu.memory_space<hbm>>) dst(%dma_wait3A_196 : memref<80xi32, #tpu.memory_space<vmem>>)
    %dma_start3A_198 = arith.constant 0 : i32
    %dma_start3A_199 = arith.constant 0 : i32
    %dma_start3A_200 = arith.constant 0 : i32
    %dma_start3A_201 = tpu.memref_slice %arg9[%dma_start3A_198, %dma_start3A_200] : memref<5x80xi32, #tpu.memory_space<vmem>> -> memref<1x80xi32, #tpu.memory_space<vmem>>
    %dma_start3A_202 = tpu.memref_squeeze %dma_start3A_201 : memref<1x80xi32, #tpu.memory_space<vmem>> -> memref<80xi32, #tpu.memory_space<vmem>>
    %dma_start3A_203 = arith.constant 0 : i32
    %dma_start3A_204 = arith.constant 0 : i32
    %dma_start3A_205 = tpu.memref_slice %arg2[%dma_start3A_203, %dma_start3A_204] : memref<10000x128xf32, #tpu.memory_space<hbm>> -> memref<10000x128xf32, #tpu.memory_space<hbm>>
    %dma_start3A_206 = tpu.memref_slice %arg22[%dma_start3A_199] : memref<2x!tpu.dma_semaphore, #tpu.memory_space<semaphore_mem>> -> memref<1x!tpu.dma_semaphore, #tpu.memory_space<semaphore_mem>>
    %dma_start3A_207 = tpu.memref_squeeze %dma_start3A_206 : memref<1x!tpu.dma_semaphore, #tpu.memory_space<semaphore_mem>> -> memref<!tpu.dma_semaphore, #tpu.memory_space<semaphore_mem>>
    tpu.enqueue_indirect_dma source(%dma_start3A_205 : memref<10000x128xf32, #tpu.memory_space<hbm>>) target(%arg12 : memref<80x128xf32, #tpu.memory_space<vmem>>) offsets(%dma_start3A_202 : memref<80xi32, #tpu.memory_space<vmem>>) semaphore(%dma_start3A_207 : memref<!tpu.dma_semaphore, #tpu.memory_space<semaphore_mem>>)
    %dma_start3A_208 = arith.constant 0 : i32
    %dma_start3A_209 = arith.constant 0 : i32
    %dma_start3A_210 = arith.constant 0 : i32
    %dma_start3A_211 = arith.constant 0 : i32
    %dma_start3A_212 = tpu.memref_slice %arg10[%dma_start3A_209, %dma_start3A_211] : memref<2x80xf32, #tpu.memory_space<vmem>> -> memref<1x80xf32, #tpu.memory_space<vmem>>
    %dma_start3A_213 = tpu.memref_squeeze %dma_start3A_212 : memref<1x80xf32, #tpu.memory_space<vmem>> -> memref<80xf32, #tpu.memory_space<vmem>>
    %dma_start3A_214 = arith.constant 0 : i32
    %dma_start3A_215 = tpu.memref_slice %arg8[%dma_start3A_208, %dma_start3A_214] : memref<5x80xi32, #tpu.memory_space<vmem>> -> memref<1x80xi32, #tpu.memory_space<vmem>>
    %dma_start3A_216 = tpu.memref_squeeze %dma_start3A_215 : memref<1x80xi32, #tpu.memory_space<vmem>> -> memref<80xi32, #tpu.memory_space<vmem>>
    %dma_start3A_217 = arith.constant 0 : i32
    %dma_start3A_218 = tpu.memref_slice %arg17[%dma_start3A_217] : memref<10000xf32, #tpu.memory_space<vmem_shared>> -> memref<10000xf32, #tpu.memory_space<vmem_shared>>
    %dma_start3A_219 = tpu.memref_slice %arg23[%dma_start3A_210] : memref<2x!tpu.dma_semaphore, #tpu.memory_space<semaphore_mem>> -> memref<1x!tpu.dma_semaphore, #tpu.memory_space<semaphore_mem>>
    %dma_start3A_220 = tpu.memref_squeeze %dma_start3A_219 : memref<1x!tpu.dma_semaphore, #tpu.memory_space<semaphore_mem>> -> memref<!tpu.dma_semaphore, #tpu.memory_space<semaphore_mem>>
    tpu.enqueue_indirect_dma source(%dma_start3A_218 : memref<10000xf32, #tpu.memory_space<vmem_shared>>) target(%dma_start3A_213 : memref<80xf32, #tpu.memory_space<vmem>>) offsets(%dma_start3A_216 : memref<80xi32, #tpu.memory_space<vmem>>) semaphore(%dma_start3A_220 : memref<!tpu.dma_semaphore, #tpu.memory_space<semaphore_mem>>)
    %dma_start3A_221 = arith.constant 0 : i32
    %dma_start3A_222 = arith.constant 0 : i32
    %dma_start3A_223 = arith.constant 0 : i32
    %dma_start3A_224 = arith.constant 0 : i32
    %dma_start3A_225 = tpu.memref_slice %arg11[%dma_start3A_222, %dma_start3A_224] : memref<2x80xf32, #tpu.memory_space<vmem>> -> memref<1x80xf32, #tpu.memory_space<vmem>>
    %dma_start3A_226 = tpu.memref_squeeze %dma_start3A_225 : memref<1x80xf32, #tpu.memory_space<vmem>> -> memref<80xf32, #tpu.memory_space<vmem>>
    %dma_start3A_227 = arith.constant 0 : i32
    %dma_start3A_228 = tpu.memref_slice %arg9[%dma_start3A_221, %dma_start3A_227] : memref<5x80xi32, #tpu.memory_space<vmem>> -> memref<1x80xi32, #tpu.memory_space<vmem>>
    %dma_start3A_229 = tpu.memref_squeeze %dma_start3A_228 : memref<1x80xi32, #tpu.memory_space<vmem>> -> memref<80xi32, #tpu.memory_space<vmem>>
    %dma_start3A_230 = arith.constant 0 : i32
    %dma_start3A_231 = tpu.memref_slice %arg18[%dma_start3A_230] : memref<10000xf32, #tpu.memory_space<vmem_shared>> -> memref<10000xf32, #tpu.memory_space<vmem_shared>>
    %dma_start3A_232 = tpu.memref_slice %arg24[%dma_start3A_223] : memref<2x!tpu.dma_semaphore, #tpu.memory_space<semaphore_mem>> -> memref<1x!tpu.dma_semaphore, #tpu.memory_space<semaphore_mem>>
    %dma_start3A_233 = tpu.memref_squeeze %dma_start3A_232 : memref<1x!tpu.dma_semaphore, #tpu.memory_space<semaphore_mem>> -> memref<!tpu.dma_semaphore, #tpu.memory_space<semaphore_mem>>
    tpu.enqueue_indirect_dma source(%dma_start3A_231 : memref<10000xf32, #tpu.memory_space<vmem_shared>>) target(%dma_start3A_226 : memref<80xf32, #tpu.memory_space<vmem>>) offsets(%dma_start3A_229 : memref<80xi32, #tpu.memory_space<vmem>>) semaphore(%dma_start3A_233 : memref<!tpu.dma_semaphore, #tpu.memory_space<semaphore_mem>>)
    %add3A_234 = arith.constant 80 : i32
    %add3A_235 = arith.addi %mul3A_2, %add3A_234 : i32
    %dma_wait3A_236 = arith.constant 1 : i32
    %dma_wait3A_237 = arith.constant 1 : i32
    %dma_wait3A_238 = arith.constant 0 : i32
    %dma_wait3A_239 = tpu.memref_slice %arg8[%dma_wait3A_236, %dma_wait3A_238] : memref<5x80xi32, #tpu.memory_space<vmem>> -> memref<1x80xi32, #tpu.memory_space<vmem>>
    %dma_wait3A_240 = tpu.memref_squeeze %dma_wait3A_239 : memref<1x80xi32, #tpu.memory_space<vmem>> -> memref<80xi32, #tpu.memory_space<vmem>>
    %dma_wait3A_241 = tpu.memref_slice %arg5[%add3A_235] : memref<320000xi32, #tpu.memory_space<hbm>> -> memref<80xi32, #tpu.memory_space<hbm>>
    %dma_wait3A_242 = tpu.memref_slice %arg20[%dma_wait3A_237] : memref<5x!tpu.dma_semaphore, #tpu.memory_space<semaphore_mem>> -> memref<1x!tpu.dma_semaphore, #tpu.memory_space<semaphore_mem>>
    %dma_wait3A_243 = tpu.memref_squeeze %dma_wait3A_242 : memref<1x!tpu.dma_semaphore, #tpu.memory_space<semaphore_mem>> -> memref<!tpu.dma_semaphore, #tpu.memory_space<semaphore_mem>>
    %dma_wait3A_244 = arith.constant 0 : i32
    %dma_wait3A_245 = tpu.memref_slice %arg8[%dma_wait3A_236, %dma_wait3A_244] : memref<5x80xi32, #tpu.memory_space<vmem>> -> memref<1x80xi32, #tpu.memory_space<vmem>>
    %dma_wait3A_246 = tpu.memref_squeeze %dma_wait3A_245 : memref<1x80xi32, #tpu.memory_space<vmem>> -> memref<80xi32, #tpu.memory_space<vmem>>
    %dma_wait3A_247 = tpu.memref_slice %arg5[%add3A_235] : memref<320000xi32, #tpu.memory_space<hbm>> -> memref<80xi32, #tpu.memory_space<hbm>>
    tpu.wait_dma2 semaphore(%dma_wait3A_243 : memref<!tpu.dma_semaphore, #tpu.memory_space<semaphore_mem>>) src(%dma_wait3A_247 : memref<80xi32, #tpu.memory_space<hbm>>) dst(%dma_wait3A_246 : memref<80xi32, #tpu.memory_space<vmem>>)
    %add3A_248 = arith.constant 80 : i32
    %add3A_249 = arith.addi %mul3A_2, %add3A_248 : i32
    %dma_wait3A_250 = arith.constant 1 : i32
    %dma_wait3A_251 = arith.constant 1 : i32
    %dma_wait3A_252 = arith.constant 0 : i32
    %dma_wait3A_253 = tpu.memref_slice %arg9[%dma_wait3A_250, %dma_wait3A_252] : memref<5x80xi32, #tpu.memory_space<vmem>> -> memref<1x80xi32, #tpu.memory_space<vmem>>
    %dma_wait3A_254 = tpu.memref_squeeze %dma_wait3A_253 : memref<1x80xi32, #tpu.memory_space<vmem>> -> memref<80xi32, #tpu.memory_space<vmem>>
    %dma_wait3A_255 = tpu.memref_slice %arg6[%add3A_249] : memref<320000xi32, #tpu.memory_space<hbm>> -> memref<80xi32, #tpu.memory_space<hbm>>
    %dma_wait3A_256 = tpu.memref_slice %arg21[%dma_wait3A_251] : memref<5x!tpu.dma_semaphore, #tpu.memory_space<semaphore_mem>> -> memref<1x!tpu.dma_semaphore, #tpu.memory_space<semaphore_mem>>
    %dma_wait3A_257 = tpu.memref_squeeze %dma_wait3A_256 : memref<1x!tpu.dma_semaphore, #tpu.memory_space<semaphore_mem>> -> memref<!tpu.dma_semaphore, #tpu.memory_space<semaphore_mem>>
    %dma_wait3A_258 = arith.constant 0 : i32
    %dma_wait3A_259 = tpu.memref_slice %arg9[%dma_wait3A_250, %dma_wait3A_258] : memref<5x80xi32, #tpu.memory_space<vmem>> -> memref<1x80xi32, #tpu.memory_space<vmem>>
    %dma_wait3A_260 = tpu.memref_squeeze %dma_wait3A_259 : memref<1x80xi32, #tpu.memory_space<vmem>> -> memref<80xi32, #tpu.memory_space<vmem>>
    %dma_wait3A_261 = tpu.memref_slice %arg6[%add3A_249] : memref<320000xi32, #tpu.memory_space<hbm>> -> memref<80xi32, #tpu.memory_space<hbm>>
    tpu.wait_dma2 semaphore(%dma_wait3A_257 : memref<!tpu.dma_semaphore, #tpu.memory_space<semaphore_mem>>) src(%dma_wait3A_261 : memref<80xi32, #tpu.memory_space<hbm>>) dst(%dma_wait3A_260 : memref<80xi32, #tpu.memory_space<vmem>>)
    %dma_start3A_262 = arith.constant 1 : i32
    %dma_start3A_263 = arith.constant 1 : i32
    %dma_start3A_264 = arith.constant 0 : i32
    %dma_start3A_265 = tpu.memref_slice %arg9[%dma_start3A_262, %dma_start3A_264] : memref<5x80xi32, #tpu.memory_space<vmem>> -> memref<1x80xi32, #tpu.memory_space<vmem>>
    %dma_start3A_266 = tpu.memref_squeeze %dma_start3A_265 : memref<1x80xi32, #tpu.memory_space<vmem>> -> memref<80xi32, #tpu.memory_space<vmem>>
    %dma_start3A_267 = arith.constant 0 : i32
    %dma_start3A_268 = arith.constant 0 : i32
    %dma_start3A_269 = tpu.memref_slice %arg2[%dma_start3A_267, %dma_start3A_268] : memref<10000x128xf32, #tpu.memory_space<hbm>> -> memref<10000x128xf32, #tpu.memory_space<hbm>>
    %dma_start3A_270 = tpu.memref_slice %arg22[%dma_start3A_263] : memref<2x!tpu.dma_semaphore, #tpu.memory_space<semaphore_mem>> -> memref<1x!tpu.dma_semaphore, #tpu.memory_space<semaphore_mem>>
    %dma_start3A_271 = tpu.memref_squeeze %dma_start3A_270 : memref<1x!tpu.dma_semaphore, #tpu.memory_space<semaphore_mem>> -> memref<!tpu.dma_semaphore, #tpu.memory_space<semaphore_mem>>
    tpu.enqueue_indirect_dma source(%dma_start3A_269 : memref<10000x128xf32, #tpu.memory_space<hbm>>) target(%arg13 : memref<80x128xf32, #tpu.memory_space<vmem>>) offsets(%dma_start3A_266 : memref<80xi32, #tpu.memory_space<vmem>>) semaphore(%dma_start3A_271 : memref<!tpu.dma_semaphore, #tpu.memory_space<semaphore_mem>>)
    %dma_start3A_272 = arith.constant 1 : i32
    %dma_start3A_273 = arith.constant 1 : i32
    %dma_start3A_274 = arith.constant 1 : i32
    %dma_start3A_275 = arith.constant 0 : i32
    %dma_start3A_276 = tpu.memref_slice %arg10[%dma_start3A_273, %dma_start3A_275] : memref<2x80xf32, #tpu.memory_space<vmem>> -> memref<1x80xf32, #tpu.memory_space<vmem>>
    %dma_start3A_277 = tpu.memref_squeeze %dma_start3A_276 : memref<1x80xf32, #tpu.memory_space<vmem>> -> memref<80xf32, #tpu.memory_space<vmem>>
    %dma_start3A_278 = arith.constant 0 : i32
    %dma_start3A_279 = tpu.memref_slice %arg8[%dma_start3A_272, %dma_start3A_278] : memref<5x80xi32, #tpu.memory_space<vmem>> -> memref<1x80xi32, #tpu.memory_space<vmem>>
    %dma_start3A_280 = tpu.memref_squeeze %dma_start3A_279 : memref<1x80xi32, #tpu.memory_space<vmem>> -> memref<80xi32, #tpu.memory_space<vmem>>
    %dma_start3A_281 = arith.constant 0 : i32
    %dma_start3A_282 = tpu.memref_slice %arg17[%dma_start3A_281] : memref<10000xf32, #tpu.memory_space<vmem_shared>> -> memref<10000xf32, #tpu.memory_space<vmem_shared>>
    %dma_start3A_283 = tpu.memref_slice %arg23[%dma_start3A_274] : memref<2x!tpu.dma_semaphore, #tpu.memory_space<semaphore_mem>> -> memref<1x!tpu.dma_semaphore, #tpu.memory_space<semaphore_mem>>
    %dma_start3A_284 = tpu.memref_squeeze %dma_start3A_283 : memref<1x!tpu.dma_semaphore, #tpu.memory_space<semaphore_mem>> -> memref<!tpu.dma_semaphore, #tpu.memory_space<semaphore_mem>>
    tpu.enqueue_indirect_dma source(%dma_start3A_282 : memref<10000xf32, #tpu.memory_space<vmem_shared>>) target(%dma_start3A_277 : memref<80xf32, #tpu.memory_space<vmem>>) offsets(%dma_start3A_280 : memref<80xi32, #tpu.memory_space<vmem>>) semaphore(%dma_start3A_284 : memref<!tpu.dma_semaphore, #tpu.memory_space<semaphore_mem>>)
    %dma_start3A_285 = arith.constant 1 : i32
    %dma_start3A_286 = arith.constant 1 : i32
    %dma_start3A_287 = arith.constant 1 : i32
    %dma_start3A_288 = arith.constant 0 : i32
    %dma_start3A_289 = tpu.memref_slice %arg11[%dma_start3A_286, %dma_start3A_288] : memref<2x80xf32, #tpu.memory_space<vmem>> -> memref<1x80xf32, #tpu.memory_space<vmem>>
    %dma_start3A_290 = tpu.memref_squeeze %dma_start3A_289 : memref<1x80xf32, #tpu.memory_space<vmem>> -> memref<80xf32, #tpu.memory_space<vmem>>
    %dma_start3A_291 = arith.constant 0 : i32
    %dma_start3A_292 = tpu.memref_slice %arg9[%dma_start3A_285, %dma_start3A_291] : memref<5x80xi32, #tpu.memory_space<vmem>> -> memref<1x80xi32, #tpu.memory_space<vmem>>
    %dma_start3A_293 = tpu.memref_squeeze %dma_start3A_292 : memref<1x80xi32, #tpu.memory_space<vmem>> -> memref<80xi32, #tpu.memory_space<vmem>>
    %dma_start3A_294 = arith.constant 0 : i32
    %dma_start3A_295 = tpu.memref_slice %arg18[%dma_start3A_294] : memref<10000xf32, #tpu.memory_space<vmem_shared>> -> memref<10000xf32, #tpu.memory_space<vmem_shared>>
    %dma_start3A_296 = tpu.memref_slice %arg24[%dma_start3A_287] : memref<2x!tpu.dma_semaphore, #tpu.memory_space<semaphore_mem>> -> memref<1x!tpu.dma_semaphore, #tpu.memory_space<semaphore_mem>>
    %dma_start3A_297 = tpu.memref_squeeze %dma_start3A_296 : memref<1x!tpu.dma_semaphore, #tpu.memory_space<semaphore_mem>> -> memref<!tpu.dma_semaphore, #tpu.memory_space<semaphore_mem>>
    tpu.enqueue_indirect_dma source(%dma_start3A_295 : memref<10000xf32, #tpu.memory_space<vmem_shared>>) target(%dma_start3A_290 : memref<80xf32, #tpu.memory_space<vmem>>) offsets(%dma_start3A_293 : memref<80xi32, #tpu.memory_space<vmem>>) semaphore(%dma_start3A_297 : memref<!tpu.dma_semaphore, #tpu.memory_space<semaphore_mem>>)
    %dma_wait3A_298 = arith.constant 0 : i32
    %dma_wait3A_299 = arith.constant 0 : i32
    %dma_wait3A_300 = arith.constant 0 : i32
    %dma_wait3A_301 = arith.constant 0 : i32
    %dma_wait3A_302 = tpu.memref_slice %arg10[%dma_wait3A_299, %dma_wait3A_301] : memref<2x80xf32, #tpu.memory_space<vmem>> -> memref<1x80xf32, #tpu.memory_space<vmem>>
    %dma_wait3A_303 = tpu.memref_squeeze %dma_wait3A_302 : memref<1x80xf32, #tpu.memory_space<vmem>> -> memref<80xf32, #tpu.memory_space<vmem>>
    %dma_wait3A_304 = arith.constant 0 : i32
    %dma_wait3A_305 = tpu.memref_slice %arg8[%dma_wait3A_298, %dma_wait3A_304] : memref<5x80xi32, #tpu.memory_space<vmem>> -> memref<1x80xi32, #tpu.memory_space<vmem>>
    %dma_wait3A_306 = tpu.memref_squeeze %dma_wait3A_305 : memref<1x80xi32, #tpu.memory_space<vmem>> -> memref<80xi32, #tpu.memory_space<vmem>>
    %dma_wait3A_307 = arith.constant 0 : i32
    %dma_wait3A_308 = tpu.memref_slice %arg17[%dma_wait3A_307] : memref<10000xf32, #tpu.memory_space<vmem_shared>> -> memref<10000xf32, #tpu.memory_space<vmem_shared>>
    %dma_wait3A_309 = tpu.memref_slice %arg23[%dma_wait3A_300] : memref<2x!tpu.dma_semaphore, #tpu.memory_space<semaphore_mem>> -> memref<1x!tpu.dma_semaphore, #tpu.memory_space<semaphore_mem>>
    %dma_wait3A_310 = tpu.memref_squeeze %dma_wait3A_309 : memref<1x!tpu.dma_semaphore, #tpu.memory_space<semaphore_mem>> -> memref<!tpu.dma_semaphore, #tpu.memory_space<semaphore_mem>>
    tpu.wait_indirect_dma semaphore(%dma_wait3A_310 : memref<!tpu.dma_semaphore, #tpu.memory_space<semaphore_mem>>) src(%dma_wait3A_308 : memref<10000xf32, #tpu.memory_space<vmem_shared>>) dst(%dma_wait3A_303 : memref<80xf32, #tpu.memory_space<vmem>>)
    %dma_wait3A_311 = arith.constant 0 : i32
    %dma_wait3A_312 = arith.constant 0 : i32
    %dma_wait3A_313 = arith.constant 0 : i32
    %dma_wait3A_314 = arith.constant 0 : i32
    %dma_wait3A_315 = tpu.memref_slice %arg11[%dma_wait3A_312, %dma_wait3A_314] : memref<2x80xf32, #tpu.memory_space<vmem>> -> memref<1x80xf32, #tpu.memory_space<vmem>>
    %dma_wait3A_316 = tpu.memref_squeeze %dma_wait3A_315 : memref<1x80xf32, #tpu.memory_space<vmem>> -> memref<80xf32, #tpu.memory_space<vmem>>
    %dma_wait3A_317 = arith.constant 0 : i32
    %dma_wait3A_318 = tpu.memref_slice %arg9[%dma_wait3A_311, %dma_wait3A_317] : memref<5x80xi32, #tpu.memory_space<vmem>> -> memref<1x80xi32, #tpu.memory_space<vmem>>
    %dma_wait3A_319 = tpu.memref_squeeze %dma_wait3A_318 : memref<1x80xi32, #tpu.memory_space<vmem>> -> memref<80xi32, #tpu.memory_space<vmem>>
    %dma_wait3A_320 = arith.constant 0 : i32
    %dma_wait3A_321 = tpu.memref_slice %arg18[%dma_wait3A_320] : memref<10000xf32, #tpu.memory_space<vmem_shared>> -> memref<10000xf32, #tpu.memory_space<vmem_shared>>
    %dma_wait3A_322 = tpu.memref_slice %arg24[%dma_wait3A_313] : memref<2x!tpu.dma_semaphore, #tpu.memory_space<semaphore_mem>> -> memref<1x!tpu.dma_semaphore, #tpu.memory_space<semaphore_mem>>
    %dma_wait3A_323 = tpu.memref_squeeze %dma_wait3A_322 : memref<1x!tpu.dma_semaphore, #tpu.memory_space<semaphore_mem>> -> memref<!tpu.dma_semaphore, #tpu.memory_space<semaphore_mem>>
    tpu.wait_indirect_dma semaphore(%dma_wait3A_323 : memref<!tpu.dma_semaphore, #tpu.memory_space<semaphore_mem>>) src(%dma_wait3A_321 : memref<10000xf32, #tpu.memory_space<vmem_shared>>) dst(%dma_wait3A_316 : memref<80xf32, #tpu.memory_space<vmem>>)
    %get3A = arith.constant 0 : i32
    %get3A_324 = arith.index_cast %get3A : i32 to index
    %get3A_325 = arith.constant 0 : index
    %get3A_326 = tpu.vector_load %arg10[%get3A_324, %get3A_325] {strides = array<i32>} : memref<2x80xf32, #tpu.memory_space<vmem>>, vector<16xf32>,
    %get3A_327 = arith.constant 0 : i32
    %get3A_328 = arith.index_cast %get3A_327 : i32 to index
    %get3A_329 = arith.constant 0 : index
    %get3A_330 = tpu.vector_load %arg11[%get3A_328, %get3A_329] {strides = array<i32>} : memref<2x80xf32, #tpu.memory_space<vmem>>, vector<16xf32>,
    %add3A_331 = arith.addf %get3A_326, %get3A_330 : vector<16xf32>
    %neg3A = arith.constant 0.000000e+00 : f32
    %neg3A_332 = vector.broadcast %neg3A : f32 to vector<16xf32>
    %neg3A_333 = arith.subf %neg3A_332, %add3A_331 : vector<16xf32>
    %exp3A = math.exp %neg3A_333 : vector<16xf32>
    %add3A_334 = arith.constant 1.000000e+00 : f32
    %add3A_335 = vector.broadcast %add3A_334 : f32 to vector<16xf32>
    %add3A_336 = arith.addf %add3A_335, %exp3A : vector<16xf32>
    %div3A_337 = arith.constant 1.000000e+00 : f32
    %div3A_338 = vector.broadcast %div3A_337 : f32 to vector<16xf32>
    %div3A_339 = arith.divf %div3A_338, %add3A_336 : vector<16xf32>
    %swap3A = arith.constant 0 : index
    %swap3A_340 = tpu.vector_load %arg16[%swap3A] {strides = array<i32>} : memref<80xf32, #tpu.memory_space<vmem>>, vector<16xf32>,
    tpu.vector_store %arg16[%swap3A], %div3A_339 {strides = array<i32>} : memref<80xf32, #tpu.memory_space<vmem>>, vector<16xf32>,
    %get3A_341 = arith.constant 0 : i32
    %get3A_342 = arith.index_cast %get3A_341 : i32 to index
    %get3A_343 = arith.constant 16 : index
    %get3A_344 = tpu.vector_load %arg10[%get3A_342, %get3A_343] {strides = array<i32>} : memref<2x80xf32, #tpu.memory_space<vmem>>, vector<16xf32>,
    %get3A_345 = arith.constant 0 : i32
    %get3A_346 = arith.index_cast %get3A_345 : i32 to index
    %get3A_347 = arith.constant 16 : index
    %get3A_348 = tpu.vector_load %arg11[%get3A_346, %get3A_347] {strides = array<i32>} : memref<2x80xf32, #tpu.memory_space<vmem>>, vector<16xf32>,
    %add3A_349 = arith.addf %get3A_344, %get3A_348 : vector<16xf32>
    %neg3A_350 = arith.constant 0.000000e+00 : f32
    %neg3A_351 = vector.broadcast %neg3A_350 : f32 to vector<16xf32>
    %neg3A_352 = arith.subf %neg3A_351, %add3A_349 : vector<16xf32>
    %exp3A_353 = math.exp %neg3A_352 : vector<16xf32>
    %add3A_354 = arith.constant 1.000000e+00 : f32
    %add3A_355 = vector.broadcast %add3A_354 : f32 to vector<16xf32>
    %add3A_356 = arith.addf %add3A_355, %exp3A_353 : vector<16xf32>
    %div3A_357 = arith.constant 1.000000e+00 : f32
    %div3A_358 = vector.broadcast %div3A_357 : f32 to vector<16xf32>
    %div3A_359 = arith.divf %div3A_358, %add3A_356 : vector<16xf32>
    %swap3A_360 = arith.constant 16 : index
    %swap3A_361 = tpu.vector_load %arg16[%swap3A_360] {strides = array<i32>} : memref<80xf32, #tpu.memory_space<vmem>>, vector<16xf32>,
    tpu.vector_store %arg16[%swap3A_360], %div3A_359 {strides = array<i32>} : memref<80xf32, #tpu.memory_space<vmem>>, vector<16xf32>,
    %get3A_362 = arith.constant 0 : i32
    %get3A_363 = arith.index_cast %get3A_362 : i32 to index
    %get3A_364 = arith.constant 32 : index
    %get3A_365 = tpu.vector_load %arg10[%get3A_363, %get3A_364] {strides = array<i32>} : memref<2x80xf32, #tpu.memory_space<vmem>>, vector<16xf32>,
    %get3A_366 = arith.constant 0 : i32
    %get3A_367 = arith.index_cast %get3A_366 : i32 to index
    %get3A_368 = arith.constant 32 : index
    %get3A_369 = tpu.vector_load %arg11[%get3A_367, %get3A_368] {strides = array<i32>} : memref<2x80xf32, #tpu.memory_space<vmem>>, vector<16xf32>,
    %add3A_370 = arith.addf %get3A_365, %get3A_369 : vector<16xf32>
    %neg3A_371 = arith.constant 0.000000e+00 : f32
    %neg3A_372 = vector.broadcast %neg3A_371 : f32 to vector<16xf32>
    %neg3A_373 = arith.subf %neg3A_372, %add3A_370 : vector<16xf32>
    %exp3A_374 = math.exp %neg3A_373 : vector<16xf32>
    %add3A_375 = arith.constant 1.000000e+00 : f32
    %add3A_376 = vector.broadcast %add3A_375 : f32 to vector<16xf32>
    %add3A_377 = arith.addf %add3A_376, %exp3A_374 : vector<16xf32>
    %div3A_378 = arith.constant 1.000000e+00 : f32
    %div3A_379 = vector.broadcast %div3A_378 : f32 to vector<16xf32>
    %div3A_380 = arith.divf %div3A_379, %add3A_377 : vector<16xf32>
    %swap3A_381 = arith.constant 32 : index
    %swap3A_382 = tpu.vector_load %arg16[%swap3A_381] {strides = array<i32>} : memref<80xf32, #tpu.memory_space<vmem>>, vector<16xf32>,
    tpu.vector_store %arg16[%swap3A_381], %div3A_380 {strides = array<i32>} : memref<80xf32, #tpu.memory_space<vmem>>, vector<16xf32>,
    %get3A_383 = arith.constant 0 : i32
    %get3A_384 = arith.index_cast %get3A_383 : i32 to index
    %get3A_385 = arith.constant 48 : index
    %get3A_386 = tpu.vector_load %arg10[%get3A_384, %get3A_385] {strides = array<i32>} : memref<2x80xf32, #tpu.memory_space<vmem>>, vector<16xf32>,
    %get3A_387 = arith.constant 0 : i32
    %get3A_388 = arith.index_cast %get3A_387 : i32 to index
    %get3A_389 = arith.constant 48 : index
    %get3A_390 = tpu.vector_load %arg11[%get3A_388, %get3A_389] {strides = array<i32>} : memref<2x80xf32, #tpu.memory_space<vmem>>, vector<16xf32>,
    %add3A_391 = arith.addf %get3A_386, %get3A_390 : vector<16xf32>
    %neg3A_392 = arith.constant 0.000000e+00 : f32
    %neg3A_393 = vector.broadcast %neg3A_392 : f32 to vector<16xf32>
    %neg3A_394 = arith.subf %neg3A_393, %add3A_391 : vector<16xf32>
    %exp3A_395 = math.exp %neg3A_394 : vector<16xf32>
    %add3A_396 = arith.constant 1.000000e+00 : f32
    %add3A_397 = vector.broadcast %add3A_396 : f32 to vector<16xf32>
    %add3A_398 = arith.addf %add3A_397, %exp3A_395 : vector<16xf32>
    %div3A_399 = arith.constant 1.000000e+00 : f32
    %div3A_400 = vector.broadcast %div3A_399 : f32 to vector<16xf32>
    %div3A_401 = arith.divf %div3A_400, %add3A_398 : vector<16xf32>
    %swap3A_402 = arith.constant 48 : index
    %swap3A_403 = tpu.vector_load %arg16[%swap3A_402] {strides = array<i32>} : memref<80xf32, #tpu.memory_space<vmem>>, vector<16xf32>,
    tpu.vector_store %arg16[%swap3A_402], %div3A_401 {strides = array<i32>} : memref<80xf32, #tpu.memory_space<vmem>>, vector<16xf32>,
    %get3A_404 = arith.constant 0 : i32
    %get3A_405 = arith.index_cast %get3A_404 : i32 to index
    %get3A_406 = arith.constant 64 : index
    %get3A_407 = tpu.vector_load %arg10[%get3A_405, %get3A_406] {strides = array<i32>} : memref<2x80xf32, #tpu.memory_space<vmem>>, vector<16xf32>,
    %get3A_408 = arith.constant 0 : i32
    %get3A_409 = arith.index_cast %get3A_408 : i32 to index
    %get3A_410 = arith.constant 64 : index
    %get3A_411 = tpu.vector_load %arg11[%get3A_409, %get3A_410] {strides = array<i32>} : memref<2x80xf32, #tpu.memory_space<vmem>>, vector<16xf32>,
    %add3A_412 = arith.addf %get3A_407, %get3A_411 : vector<16xf32>
    %neg3A_413 = arith.constant 0.000000e+00 : f32
    %neg3A_414 = vector.broadcast %neg3A_413 : f32 to vector<16xf32>
    %neg3A_415 = arith.subf %neg3A_414, %add3A_412 : vector<16xf32>
    %exp3A_416 = math.exp %neg3A_415 : vector<16xf32>
    %add3A_417 = arith.constant 1.000000e+00 : f32
    %add3A_418 = vector.broadcast %add3A_417 : f32 to vector<16xf32>
    %add3A_419 = arith.addf %add3A_418, %exp3A_416 : vector<16xf32>
    %div3A_420 = arith.constant 1.000000e+00 : f32
    %div3A_421 = vector.broadcast %div3A_420 : f32 to vector<16xf32>
    %div3A_422 = arith.divf %div3A_421, %add3A_419 : vector<16xf32>
    %swap3A_423 = arith.constant 64 : index
    %swap3A_424 = tpu.vector_load %arg16[%swap3A_423] {strides = array<i32>} : memref<80xf32, #tpu.memory_space<vmem>>, vector<16xf32>,
    tpu.vector_store %arg16[%swap3A_423], %div3A_422 {strides = array<i32>} : memref<80xf32, #tpu.memory_space<vmem>>, vector<16xf32>,
    %dma_wait3A_425 = arith.constant 0 : i32
    %dma_wait3A_426 = arith.constant 0 : i32
    %dma_wait3A_427 = arith.constant 0 : i32
    %dma_wait3A_428 = tpu.memref_slice %arg9[%dma_wait3A_425, %dma_wait3A_427] : memref<5x80xi32, #tpu.memory_space<vmem>> -> memref<1x80xi32, #tpu.memory_space<vmem>>
    %dma_wait3A_429 = tpu.memref_squeeze %dma_wait3A_428 : memref<1x80xi32, #tpu.memory_space<vmem>> -> memref<80xi32, #tpu.memory_space<vmem>>
    %dma_wait3A_430 = arith.constant 0 : i32
    %dma_wait3A_431 = arith.constant 0 : i32
    %dma_wait3A_432 = tpu.memref_slice %arg2[%dma_wait3A_430, %dma_wait3A_431] : memref<10000x128xf32, #tpu.memory_space<hbm>> -> memref<10000x128xf32, #tpu.memory_space<hbm>>
    %dma_wait3A_433 = tpu.memref_slice %arg22[%dma_wait3A_426] : memref<2x!tpu.dma_semaphore, #tpu.memory_space<semaphore_mem>> -> memref<1x!tpu.dma_semaphore, #tpu.memory_space<semaphore_mem>>
    %dma_wait3A_434 = tpu.memref_squeeze %dma_wait3A_433 : memref<1x!tpu.dma_semaphore, #tpu.memory_space<semaphore_mem>> -> memref<!tpu.dma_semaphore, #tpu.memory_space<semaphore_mem>>
    tpu.wait_indirect_dma semaphore(%dma_wait3A_434 : memref<!tpu.dma_semaphore, #tpu.memory_space<semaphore_mem>>) src(%dma_wait3A_432 : memref<10000x128xf32, #tpu.memory_space<hbm>>) dst(%arg12 : memref<80x128xf32, #tpu.memory_space<vmem>>)
    %parallel_loop3A = arith.constant 0 : i32
    %parallel_loop3A_435 = arith.constant 80 : i32
    %parallel_loop3A_436 = arith.constant 1 : i32
    scf.for %parallel_loop3A_1360 = %parallel_loop3A to %parallel_loop3A_435 step %parallel_loop3A_436  : i32 {
      %parallel_loop3A_1361 = vector.broadcast %parallel_loop3A_1360 : i32 to vector<16xi32>
      %parallel_loop3A_1362 = tpu.vector_load_idx %arg16[%parallel_loop3A_1361] : memref<80xf32, #tpu.memory_space<vmem>>[vector<16xi32>], vector<16xf32>,
      %parallel_loop3A_1363 = arith.index_cast %parallel_loop3A_1360 : i32 to index
      %parallel_loop3A_1364 = arith.constant 0 : index
      %parallel_loop3A_1365 = tpu.vector_load %arg12[%parallel_loop3A_1363, %parallel_loop3A_1364] {strides = array<i32>} : memref<80x128xf32, #tpu.memory_space<vmem>>, vector<16xf32>,
      %parallel_loop3A_1366 = arith.mulf %parallel_loop3A_1365, %parallel_loop3A_1362 : vector<16xf32>
      %parallel_loop3A_1367 = arith.index_cast %parallel_loop3A_1360 : i32 to index
      %parallel_loop3A_1368 = arith.constant 0 : index
      %parallel_loop3A_1369 = tpu.vector_load %arg14[%parallel_loop3A_1367, %parallel_loop3A_1368] {strides = array<i32>} : memref<80x128xf32, #tpu.memory_space<vmem>>, vector<16xf32>,
      tpu.vector_store %arg14[%parallel_loop3A_1367, %parallel_loop3A_1368], %parallel_loop3A_1366 {strides = array<i32>} : memref<80x128xf32, #tpu.memory_space<vmem>>, vector<16xf32>,
      %parallel_loop3A_1370 = arith.index_cast %parallel_loop3A_1360 : i32 to index
      %parallel_loop3A_1371 = arith.constant 16 : index
      %parallel_loop3A_1372 = tpu.vector_load %arg12[%parallel_loop3A_1370, %parallel_loop3A_1371] {strides = array<i32>} : memref<80x128xf32, #tpu.memory_space<vmem>>, vector<16xf32>,
      %parallel_loop3A_1373 = arith.mulf %parallel_loop3A_1372, %parallel_loop3A_1362 : vector<16xf32>
      %parallel_loop3A_1374 = arith.index_cast %parallel_loop3A_1360 : i32 to index
      %parallel_loop3A_1375 = arith.constant 16 : index
      %parallel_loop3A_1376 = tpu.vector_load %arg14[%parallel_loop3A_1374, %parallel_loop3A_1375] {strides = array<i32>} : memref<80x128xf32, #tpu.memory_space<vmem>>, vector<16xf32>,
      tpu.vector_store %arg14[%parallel_loop3A_1374, %parallel_loop3A_1375], %parallel_loop3A_1373 {strides = array<i32>} : memref<80x128xf32, #tpu.memory_space<vmem>>, vector<16xf32>,
      %parallel_loop3A_1377 = arith.index_cast %parallel_loop3A_1360 : i32 to index
      %parallel_loop3A_1378 = arith.constant 32 : index
      %parallel_loop3A_1379 = tpu.vector_load %arg12[%parallel_loop3A_1377, %parallel_loop3A_1378] {strides = array<i32>} : memref<80x128xf32, #tpu.memory_space<vmem>>, vector<16xf32>,
      %parallel_loop3A_1380 = arith.mulf %parallel_loop3A_1379, %parallel_loop3A_1362 : vector<16xf32>
      %parallel_loop3A_1381 = arith.index_cast %parallel_loop3A_1360 : i32 to index
      %parallel_loop3A_1382 = arith.constant 32 : index
      %parallel_loop3A_1383 = tpu.vector_load %arg14[%parallel_loop3A_1381, %parallel_loop3A_1382] {strides = array<i32>} : memref<80x128xf32, #tpu.memory_space<vmem>>, vector<16xf32>,
      tpu.vector_store %arg14[%parallel_loop3A_1381, %parallel_loop3A_1382], %parallel_loop3A_1380 {strides = array<i32>} : memref<80x128xf32, #tpu.memory_space<vmem>>, vector<16xf32>,
      %parallel_loop3A_1384 = arith.index_cast %parallel_loop3A_1360 : i32 to index
      %parallel_loop3A_1385 = arith.constant 48 : index
      %parallel_loop3A_1386 = tpu.vector_load %arg12[%parallel_loop3A_1384, %parallel_loop3A_1385] {strides = array<i32>} : memref<80x128xf32, #tpu.memory_space<vmem>>, vector<16xf32>,
      %parallel_loop3A_1387 = arith.mulf %parallel_loop3A_1386, %parallel_loop3A_1362 : vector<16xf32>
      %parallel_loop3A_1388 = arith.index_cast %parallel_loop3A_1360 : i32 to index
      %parallel_loop3A_1389 = arith.constant 48 : index
      %parallel_loop3A_1390 = tpu.vector_load %arg14[%parallel_loop3A_1388, %parallel_loop3A_1389] {strides = array<i32>} : memref<80x128xf32, #tpu.memory_space<vmem>>, vector<16xf32>,
      tpu.vector_store %arg14[%parallel_loop3A_1388, %parallel_loop3A_1389], %parallel_loop3A_1387 {strides = array<i32>} : memref<80x128xf32, #tpu.memory_space<vmem>>, vector<16xf32>,
      %parallel_loop3A_1391 = arith.index_cast %parallel_loop3A_1360 : i32 to index
      %parallel_loop3A_1392 = arith.constant 64 : index
      %parallel_loop3A_1393 = tpu.vector_load %arg12[%parallel_loop3A_1391, %parallel_loop3A_1392] {strides = array<i32>} : memref<80x128xf32, #tpu.memory_space<vmem>>, vector<16xf32>,
      %parallel_loop3A_1394 = arith.mulf %parallel_loop3A_1393, %parallel_loop3A_1362 : vector<16xf32>
      %parallel_loop3A_1395 = arith.index_cast %parallel_loop3A_1360 : i32 to index
      %parallel_loop3A_1396 = arith.constant 64 : index
      %parallel_loop3A_1397 = tpu.vector_load %arg14[%parallel_loop3A_1395, %parallel_loop3A_1396] {strides = array<i32>} : memref<80x128xf32, #tpu.memory_space<vmem>>, vector<16xf32>,
      tpu.vector_store %arg14[%parallel_loop3A_1395, %parallel_loop3A_1396], %parallel_loop3A_1394 {strides = array<i32>} : memref<80x128xf32, #tpu.memory_space<vmem>>, vector<16xf32>,
      %parallel_loop3A_1398 = arith.index_cast %parallel_loop3A_1360 : i32 to index
      %parallel_loop3A_1399 = arith.constant 80 : index
      %parallel_loop3A_1400 = tpu.vector_load %arg12[%parallel_loop3A_1398, %parallel_loop3A_1399] {strides = array<i32>} : memref<80x128xf32, #tpu.memory_space<vmem>>, vector<16xf32>,
      %parallel_loop3A_1401 = arith.mulf %parallel_loop3A_1400, %parallel_loop3A_1362 : vector<16xf32>
      %parallel_loop3A_1402 = arith.index_cast %parallel_loop3A_1360 : i32 to index
      %parallel_loop3A_1403 = arith.constant 80 : index
      %parallel_loop3A_1404 = tpu.vector_load %arg14[%parallel_loop3A_1402, %parallel_loop3A_1403] {strides = array<i32>} : memref<80x128xf32, #tpu.memory_space<vmem>>, vector<16xf32>,
      tpu.vector_store %arg14[%parallel_loop3A_1402, %parallel_loop3A_1403], %parallel_loop3A_1401 {strides = array<i32>} : memref<80x128xf32, #tpu.memory_space<vmem>>, vector<16xf32>,
      %parallel_loop3A_1405 = arith.index_cast %parallel_loop3A_1360 : i32 to index
      %parallel_loop3A_1406 = arith.constant 96 : index
      %parallel_loop3A_1407 = tpu.vector_load %arg12[%parallel_loop3A_1405, %parallel_loop3A_1406] {strides = array<i32>} : memref<80x128xf32, #tpu.memory_space<vmem>>, vector<16xf32>,
      %parallel_loop3A_1408 = arith.mulf %parallel_loop3A_1407, %parallel_loop3A_1362 : vector<16xf32>
      %parallel_loop3A_1409 = arith.index_cast %parallel_loop3A_1360 : i32 to index
      %parallel_loop3A_1410 = arith.constant 96 : index
      %parallel_loop3A_1411 = tpu.vector_load %arg14[%parallel_loop3A_1409, %parallel_loop3A_1410] {strides = array<i32>} : memref<80x128xf32, #tpu.memory_space<vmem>>, vector<16xf32>,
      tpu.vector_store %arg14[%parallel_loop3A_1409, %parallel_loop3A_1410], %parallel_loop3A_1408 {strides = array<i32>} : memref<80x128xf32, #tpu.memory_space<vmem>>, vector<16xf32>,
      %parallel_loop3A_1412 = arith.index_cast %parallel_loop3A_1360 : i32 to index
      %parallel_loop3A_1413 = arith.constant 112 : index
      %parallel_loop3A_1414 = tpu.vector_load %arg12[%parallel_loop3A_1412, %parallel_loop3A_1413] {strides = array<i32>} : memref<80x128xf32, #tpu.memory_space<vmem>>, vector<16xf32>,
      %parallel_loop3A_1415 = arith.mulf %parallel_loop3A_1414, %parallel_loop3A_1362 : vector<16xf32>
      %parallel_loop3A_1416 = arith.index_cast %parallel_loop3A_1360 : i32 to index
      %parallel_loop3A_1417 = arith.constant 112 : index
      %parallel_loop3A_1418 = tpu.vector_load %arg14[%parallel_loop3A_1416, %parallel_loop3A_1417] {strides = array<i32>} : memref<80x128xf32, #tpu.memory_space<vmem>>, vector<16xf32>,
      tpu.vector_store %arg14[%parallel_loop3A_1416, %parallel_loop3A_1417], %parallel_loop3A_1415 {strides = array<i32>} : memref<80x128xf32, #tpu.memory_space<vmem>>, vector<16xf32>,
    } {sc.loop_unroll_factor = 4 : i64, sc.parallel_access}
    %dma_start3A_437 = arith.constant 0 : i32
    %dma_start3A_438 = arith.constant 0 : i32
    %dma_start3A_439 = arith.constant 0 : i32
    %dma_start3A_440 = tpu.memref_slice %arg8[%dma_start3A_437, %dma_start3A_439] : memref<5x80xi32, #tpu.memory_space<vmem>> -> memref<1x80xi32, #tpu.memory_space<vmem>>
    %dma_start3A_441 = tpu.memref_squeeze %dma_start3A_440 : memref<1x80xi32, #tpu.memory_space<vmem>> -> memref<80xi32, #tpu.memory_space<vmem>>
    %dma_start3A_442 = arith.constant 0 : i32
    %dma_start3A_443 = arith.constant 0 : i32
    %dma_start3A_444 = tpu.memref_slice %arg19[%dma_start3A_442, %dma_start3A_443] : memref<10000x128xf32, #tpu.memory_space<vmem_shared>> -> memref<10000x128xf32, #tpu.memory_space<vmem_shared>>
    %dma_start3A_445 = tpu.memref_slice %arg25[%dma_start3A_438] : memref<2x!tpu.dma_semaphore, #tpu.memory_space<semaphore_mem>> -> memref<1x!tpu.dma_semaphore, #tpu.memory_space<semaphore_mem>>
    %dma_start3A_446 = tpu.memref_squeeze %dma_start3A_445 : memref<1x!tpu.dma_semaphore, #tpu.memory_space<semaphore_mem>> -> memref<!tpu.dma_semaphore, #tpu.memory_space<semaphore_mem>>
    tpu.enqueue_indirect_dma source(%arg14 : memref<80x128xf32, #tpu.memory_space<vmem>>) target(%dma_start3A_444 : memref<10000x128xf32, #tpu.memory_space<vmem_shared>>) offsets(%dma_start3A_441 : memref<80xi32, #tpu.memory_space<vmem>>) semaphore(%dma_start3A_446 : memref<!tpu.dma_semaphore, #tpu.memory_space<semaphore_mem>>) {add = true}
    %add3A_447 = arith.constant 160 : i32
    %add3A_448 = arith.addi %mul3A_2, %add3A_447 : i32
    %dma_wait3A_449 = arith.constant 2 : i32
    %dma_wait3A_450 = arith.constant 2 : i32
    %dma_wait3A_451 = arith.constant 0 : i32
    %dma_wait3A_452 = tpu.memref_slice %arg8[%dma_wait3A_449, %dma_wait3A_451] : memref<5x80xi32, #tpu.memory_space<vmem>> -> memref<1x80xi32, #tpu.memory_space<vmem>>
    %dma_wait3A_453 = tpu.memref_squeeze %dma_wait3A_452 : memref<1x80xi32, #tpu.memory_space<vmem>> -> memref<80xi32, #tpu.memory_space<vmem>>
    %dma_wait3A_454 = tpu.memref_slice %arg5[%add3A_448] : memref<320000xi32, #tpu.memory_space<hbm>> -> memref<80xi32, #tpu.memory_space<hbm>>
    %dma_wait3A_455 = tpu.memref_slice %arg20[%dma_wait3A_450] : memref<5x!tpu.dma_semaphore, #tpu.memory_space<semaphore_mem>> -> memref<1x!tpu.dma_semaphore, #tpu.memory_space<semaphore_mem>>
    %dma_wait3A_456 = tpu.memref_squeeze %dma_wait3A_455 : memref<1x!tpu.dma_semaphore, #tpu.memory_space<semaphore_mem>> -> memref<!tpu.dma_semaphore, #tpu.memory_space<semaphore_mem>>
    %dma_wait3A_457 = arith.constant 0 : i32
    %dma_wait3A_458 = tpu.memref_slice %arg8[%dma_wait3A_449, %dma_wait3A_457] : memref<5x80xi32, #tpu.memory_space<vmem>> -> memref<1x80xi32, #tpu.memory_space<vmem>>
    %dma_wait3A_459 = tpu.memref_squeeze %dma_wait3A_458 : memref<1x80xi32, #tpu.memory_space<vmem>> -> memref<80xi32, #tpu.memory_space<vmem>>
    %dma_wait3A_460 = tpu.memref_slice %arg5[%add3A_448] : memref<320000xi32, #tpu.memory_space<hbm>> -> memref<80xi32, #tpu.memory_space<hbm>>
    tpu.wait_dma2 semaphore(%dma_wait3A_456 : memref<!tpu.dma_semaphore, #tpu.memory_space<semaphore_mem>>) src(%dma_wait3A_460 : memref<80xi32, #tpu.memory_space<hbm>>) dst(%dma_wait3A_459 : memref<80xi32, #tpu.memory_space<vmem>>)
    %add3A_461 = arith.constant 160 : i32
    %add3A_462 = arith.addi %mul3A_2, %add3A_461 : i32
    %dma_wait3A_463 = arith.constant 2 : i32
    %dma_wait3A_464 = arith.constant 2 : i32
    %dma_wait3A_465 = arith.constant 0 : i32
    %dma_wait3A_466 = tpu.memref_slice %arg9[%dma_wait3A_463, %dma_wait3A_465] : memref<5x80xi32, #tpu.memory_space<vmem>> -> memref<1x80xi32, #tpu.memory_space<vmem>>
    %dma_wait3A_467 = tpu.memref_squeeze %dma_wait3A_466 : memref<1x80xi32, #tpu.memory_space<vmem>> -> memref<80xi32, #tpu.memory_space<vmem>>
    %dma_wait3A_468 = tpu.memref_slice %arg6[%add3A_462] : memref<320000xi32, #tpu.memory_space<hbm>> -> memref<80xi32, #tpu.memory_space<hbm>>
    %dma_wait3A_469 = tpu.memref_slice %arg21[%dma_wait3A_464] : memref<5x!tpu.dma_semaphore, #tpu.memory_space<semaphore_mem>> -> memref<1x!tpu.dma_semaphore, #tpu.memory_space<semaphore_mem>>
    %dma_wait3A_470 = tpu.memref_squeeze %dma_wait3A_469 : memref<1x!tpu.dma_semaphore, #tpu.memory_space<semaphore_mem>> -> memref<!tpu.dma_semaphore, #tpu.memory_space<semaphore_mem>>
    %dma_wait3A_471 = arith.constant 0 : i32
    %dma_wait3A_472 = tpu.memref_slice %arg9[%dma_wait3A_463, %dma_wait3A_471] : memref<5x80xi32, #tpu.memory_space<vmem>> -> memref<1x80xi32, #tpu.memory_space<vmem>>
    %dma_wait3A_473 = tpu.memref_squeeze %dma_wait3A_472 : memref<1x80xi32, #tpu.memory_space<vmem>> -> memref<80xi32, #tpu.memory_space<vmem>>
    %dma_wait3A_474 = tpu.memref_slice %arg6[%add3A_462] : memref<320000xi32, #tpu.memory_space<hbm>> -> memref<80xi32, #tpu.memory_space<hbm>>
    tpu.wait_dma2 semaphore(%dma_wait3A_470 : memref<!tpu.dma_semaphore, #tpu.memory_space<semaphore_mem>>) src(%dma_wait3A_474 : memref<80xi32, #tpu.memory_space<hbm>>) dst(%dma_wait3A_473 : memref<80xi32, #tpu.memory_space<vmem>>)
    %dma_start3A_475 = arith.constant 2 : i32
    %dma_start3A_476 = arith.constant 0 : i32
    %dma_start3A_477 = arith.constant 0 : i32
    %dma_start3A_478 = tpu.memref_slice %arg9[%dma_start3A_475, %dma_start3A_477] : memref<5x80xi32, #tpu.memory_space<vmem>> -> memref<1x80xi32, #tpu.memory_space<vmem>>
    %dma_start3A_479 = tpu.memref_squeeze %dma_start3A_478 : memref<1x80xi32, #tpu.memory_space<vmem>> -> memref<80xi32, #tpu.memory_space<vmem>>
    %dma_start3A_480 = arith.constant 0 : i32
    %dma_start3A_481 = arith.constant 0 : i32
    %dma_start3A_482 = tpu.memref_slice %arg2[%dma_start3A_480, %dma_start3A_481] : memref<10000x128xf32, #tpu.memory_space<hbm>> -> memref<10000x128xf32, #tpu.memory_space<hbm>>
    %dma_start3A_483 = tpu.memref_slice %arg22[%dma_start3A_476] : memref<2x!tpu.dma_semaphore, #tpu.memory_space<semaphore_mem>> -> memref<1x!tpu.dma_semaphore, #tpu.memory_space<semaphore_mem>>
    %dma_start3A_484 = tpu.memref_squeeze %dma_start3A_483 : memref<1x!tpu.dma_semaphore, #tpu.memory_space<semaphore_mem>> -> memref<!tpu.dma_semaphore, #tpu.memory_space<semaphore_mem>>
    tpu.enqueue_indirect_dma source(%dma_start3A_482 : memref<10000x128xf32, #tpu.memory_space<hbm>>) target(%arg12 : memref<80x128xf32, #tpu.memory_space<vmem>>) offsets(%dma_start3A_479 : memref<80xi32, #tpu.memory_space<vmem>>) semaphore(%dma_start3A_484 : memref<!tpu.dma_semaphore, #tpu.memory_space<semaphore_mem>>)
    %dma_start3A_485 = arith.constant 2 : i32
    %dma_start3A_486 = arith.constant 0 : i32
    %dma_start3A_487 = arith.constant 0 : i32
    %dma_start3A_488 = arith.constant 0 : i32
    %dma_start3A_489 = tpu.memref_slice %arg10[%dma_start3A_486, %dma_start3A_488] : memref<2x80xf32, #tpu.memory_space<vmem>> -> memref<1x80xf32, #tpu.memory_space<vmem>>
    %dma_start3A_490 = tpu.memref_squeeze %dma_start3A_489 : memref<1x80xf32, #tpu.memory_space<vmem>> -> memref<80xf32, #tpu.memory_space<vmem>>
    %dma_start3A_491 = arith.constant 0 : i32
    %dma_start3A_492 = tpu.memref_slice %arg8[%dma_start3A_485, %dma_start3A_491] : memref<5x80xi32, #tpu.memory_space<vmem>> -> memref<1x80xi32, #tpu.memory_space<vmem>>
    %dma_start3A_493 = tpu.memref_squeeze %dma_start3A_492 : memref<1x80xi32, #tpu.memory_space<vmem>> -> memref<80xi32, #tpu.memory_space<vmem>>
    %dma_start3A_494 = arith.constant 0 : i32
    %dma_start3A_495 = tpu.memref_slice %arg17[%dma_start3A_494] : memref<10000xf32, #tpu.memory_space<vmem_shared>> -> memref<10000xf32, #tpu.memory_space<vmem_shared>>
    %dma_start3A_496 = tpu.memref_slice %arg23[%dma_start3A_487] : memref<2x!tpu.dma_semaphore, #tpu.memory_space<semaphore_mem>> -> memref<1x!tpu.dma_semaphore, #tpu.memory_space<semaphore_mem>>
    %dma_start3A_497 = tpu.memref_squeeze %dma_start3A_496 : memref<1x!tpu.dma_semaphore, #tpu.memory_space<semaphore_mem>> -> memref<!tpu.dma_semaphore, #tpu.memory_space<semaphore_mem>>
    tpu.enqueue_indirect_dma source(%dma_start3A_495 : memref<10000xf32, #tpu.memory_space<vmem_shared>>) target(%dma_start3A_490 : memref<80xf32, #tpu.memory_space<vmem>>) offsets(%dma_start3A_493 : memref<80xi32, #tpu.memory_space<vmem>>) semaphore(%dma_start3A_497 : memref<!tpu.dma_semaphore, #tpu.memory_space<semaphore_mem>>)
    %dma_start3A_498 = arith.constant 2 : i32
    %dma_start3A_499 = arith.constant 0 : i32
    %dma_start3A_500 = arith.constant 0 : i32
    %dma_start3A_501 = arith.constant 0 : i32
    %dma_start3A_502 = tpu.memref_slice %arg11[%dma_start3A_499, %dma_start3A_501] : memref<2x80xf32, #tpu.memory_space<vmem>> -> memref<1x80xf32, #tpu.memory_space<vmem>>
    %dma_start3A_503 = tpu.memref_squeeze %dma_start3A_502 : memref<1x80xf32, #tpu.memory_space<vmem>> -> memref<80xf32, #tpu.memory_space<vmem>>
    %dma_start3A_504 = arith.constant 0 : i32
    %dma_start3A_505 = tpu.memref_slice %arg9[%dma_start3A_498, %dma_start3A_504] : memref<5x80xi32, #tpu.memory_space<vmem>> -> memref<1x80xi32, #tpu.memory_space<vmem>>
    %dma_start3A_506 = tpu.memref_squeeze %dma_start3A_505 : memref<1x80xi32, #tpu.memory_space<vmem>> -> memref<80xi32, #tpu.memory_space<vmem>>
    %dma_start3A_507 = arith.constant 0 : i32
    %dma_start3A_508 = tpu.memref_slice %arg18[%dma_start3A_507] : memref<10000xf32, #tpu.memory_space<vmem_shared>> -> memref<10000xf32, #tpu.memory_space<vmem_shared>>
    %dma_start3A_509 = tpu.memref_slice %arg24[%dma_start3A_500] : memref<2x!tpu.dma_semaphore, #tpu.memory_space<semaphore_mem>> -> memref<1x!tpu.dma_semaphore, #tpu.memory_space<semaphore_mem>>
    %dma_start3A_510 = tpu.memref_squeeze %dma_start3A_509 : memref<1x!tpu.dma_semaphore, #tpu.memory_space<semaphore_mem>> -> memref<!tpu.dma_semaphore, #tpu.memory_space<semaphore_mem>>
    tpu.enqueue_indirect_dma source(%dma_start3A_508 : memref<10000xf32, #tpu.memory_space<vmem_shared>>) target(%dma_start3A_503 : memref<80xf32, #tpu.memory_space<vmem>>) offsets(%dma_start3A_506 : memref<80xi32, #tpu.memory_space<vmem>>) semaphore(%dma_start3A_510 : memref<!tpu.dma_semaphore, #tpu.memory_space<semaphore_mem>>)
    %dma_wait3A_511 = arith.constant 1 : i32
    %dma_wait3A_512 = arith.constant 1 : i32
    %dma_wait3A_513 = arith.constant 1 : i32
    %dma_wait3A_514 = arith.constant 0 : i32
    %dma_wait3A_515 = tpu.memref_slice %arg10[%dma_wait3A_512, %dma_wait3A_514] : memref<2x80xf32, #tpu.memory_space<vmem>> -> memref<1x80xf32, #tpu.memory_space<vmem>>
    %dma_wait3A_516 = tpu.memref_squeeze %dma_wait3A_515 : memref<1x80xf32, #tpu.memory_space<vmem>> -> memref<80xf32, #tpu.memory_space<vmem>>
    %dma_wait3A_517 = arith.constant 0 : i32
    %dma_wait3A_518 = tpu.memref_slice %arg8[%dma_wait3A_511, %dma_wait3A_517] : memref<5x80xi32, #tpu.memory_space<vmem>> -> memref<1x80xi32, #tpu.memory_space<vmem>>
    %dma_wait3A_519 = tpu.memref_squeeze %dma_wait3A_518 : memref<1x80xi32, #tpu.memory_space<vmem>> -> memref<80xi32, #tpu.memory_space<vmem>>
    %dma_wait3A_520 = arith.constant 0 : i32
    %dma_wait3A_521 = tpu.memref_slice %arg17[%dma_wait3A_520] : memref<10000xf32, #tpu.memory_space<vmem_shared>> -> memref<10000xf32, #tpu.memory_space<vmem_shared>>
    %dma_wait3A_522 = tpu.memref_slice %arg23[%dma_wait3A_513] : memref<2x!tpu.dma_semaphore, #tpu.memory_space<semaphore_mem>> -> memref<1x!tpu.dma_semaphore, #tpu.memory_space<semaphore_mem>>
    %dma_wait3A_523 = tpu.memref_squeeze %dma_wait3A_522 : memref<1x!tpu.dma_semaphore, #tpu.memory_space<semaphore_mem>> -> memref<!tpu.dma_semaphore, #tpu.memory_space<semaphore_mem>>
    tpu.wait_indirect_dma semaphore(%dma_wait3A_523 : memref<!tpu.dma_semaphore, #tpu.memory_space<semaphore_mem>>) src(%dma_wait3A_521 : memref<10000xf32, #tpu.memory_space<vmem_shared>>) dst(%dma_wait3A_516 : memref<80xf32, #tpu.memory_space<vmem>>)
    %dma_wait3A_524 = arith.constant 1 : i32
    %dma_wait3A_525 = arith.constant 1 : i32
    %dma_wait3A_526 = arith.constant 1 : i32
    %dma_wait3A_527 = arith.constant 0 : i32
    %dma_wait3A_528 = tpu.memref_slice %arg11[%dma_wait3A_525, %dma_wait3A_527] : memref<2x80xf32, #tpu.memory_space<vmem>> -> memref<1x80xf32, #tpu.memory_space<vmem>>
    %dma_wait3A_529 = tpu.memref_squeeze %dma_wait3A_528 : memref<1x80xf32, #tpu.memory_space<vmem>> -> memref<80xf32, #tpu.memory_space<vmem>>
    %dma_wait3A_530 = arith.constant 0 : i32
    %dma_wait3A_531 = tpu.memref_slice %arg9[%dma_wait3A_524, %dma_wait3A_530] : memref<5x80xi32, #tpu.memory_space<vmem>> -> memref<1x80xi32, #tpu.memory_space<vmem>>
    %dma_wait3A_532 = tpu.memref_squeeze %dma_wait3A_531 : memref<1x80xi32, #tpu.memory_space<vmem>> -> memref<80xi32, #tpu.memory_space<vmem>>
    %dma_wait3A_533 = arith.constant 0 : i32
    %dma_wait3A_534 = tpu.memref_slice %arg18[%dma_wait3A_533] : memref<10000xf32, #tpu.memory_space<vmem_shared>> -> memref<10000xf32, #tpu.memory_space<vmem_shared>>
    %dma_wait3A_535 = tpu.memref_slice %arg24[%dma_wait3A_526] : memref<2x!tpu.dma_semaphore, #tpu.memory_space<semaphore_mem>> -> memref<1x!tpu.dma_semaphore, #tpu.memory_space<semaphore_mem>>
    %dma_wait3A_536 = tpu.memref_squeeze %dma_wait3A_535 : memref<1x!tpu.dma_semaphore, #tpu.memory_space<semaphore_mem>> -> memref<!tpu.dma_semaphore, #tpu.memory_space<semaphore_mem>>
    tpu.wait_indirect_dma semaphore(%dma_wait3A_536 : memref<!tpu.dma_semaphore, #tpu.memory_space<semaphore_mem>>) src(%dma_wait3A_534 : memref<10000xf32, #tpu.memory_space<vmem_shared>>) dst(%dma_wait3A_529 : memref<80xf32, #tpu.memory_space<vmem>>)
    %get3A_537 = arith.constant 1 : i32
    %get3A_538 = arith.index_cast %get3A_537 : i32 to index
    %get3A_539 = arith.constant 0 : index
    %get3A_540 = tpu.vector_load %arg10[%get3A_538, %get3A_539] {strides = array<i32>} : memref<2x80xf32, #tpu.memory_space<vmem>>, vector<16xf32>,
    %get3A_541 = arith.constant 1 : i32
    %get3A_542 = arith.index_cast %get3A_541 : i32 to index
    %get3A_543 = arith.constant 0 : index
    %get3A_544 = tpu.vector_load %arg11[%get3A_542, %get3A_543] {strides = array<i32>} : memref<2x80xf32, #tpu.memory_space<vmem>>, vector<16xf32>,
    %add3A_545 = arith.addf %get3A_540, %get3A_544 : vector<16xf32>
    %neg3A_546 = arith.constant 0.000000e+00 : f32
    %neg3A_547 = vector.broadcast %neg3A_546 : f32 to vector<16xf32>
    %neg3A_548 = arith.subf %neg3A_547, %add3A_545 : vector<16xf32>
    %exp3A_549 = math.exp %neg3A_548 : vector<16xf32>
    %add3A_550 = arith.constant 1.000000e+00 : f32
    %add3A_551 = vector.broadcast %add3A_550 : f32 to vector<16xf32>
    %add3A_552 = arith.addf %add3A_551, %exp3A_549 : vector<16xf32>
    %div3A_553 = arith.constant 1.000000e+00 : f32
    %div3A_554 = vector.broadcast %div3A_553 : f32 to vector<16xf32>
    %div3A_555 = arith.divf %div3A_554, %add3A_552 : vector<16xf32>
    %swap3A_556 = arith.constant 0 : index
    %swap3A_557 = tpu.vector_load %arg16[%swap3A_556] {strides = array<i32>} : memref<80xf32, #tpu.memory_space<vmem>>, vector<16xf32>,
    tpu.vector_store %arg16[%swap3A_556], %div3A_555 {strides = array<i32>} : memref<80xf32, #tpu.memory_space<vmem>>, vector<16xf32>,
    %get3A_558 = arith.constant 1 : i32
    %get3A_559 = arith.index_cast %get3A_558 : i32 to index
    %get3A_560 = arith.constant 16 : index
    %get3A_561 = tpu.vector_load %arg10[%get3A_559, %get3A_560] {strides = array<i32>} : memref<2x80xf32, #tpu.memory_space<vmem>>, vector<16xf32>,
    %get3A_562 = arith.constant 1 : i32
    %get3A_563 = arith.index_cast %get3A_562 : i32 to index
    %get3A_564 = arith.constant 16 : index
    %get3A_565 = tpu.vector_load %arg11[%get3A_563, %get3A_564] {strides = array<i32>} : memref<2x80xf32, #tpu.memory_space<vmem>>, vector<16xf32>,
    %add3A_566 = arith.addf %get3A_561, %get3A_565 : vector<16xf32>
    %neg3A_567 = arith.constant 0.000000e+00 : f32
    %neg3A_568 = vector.broadcast %neg3A_567 : f32 to vector<16xf32>
    %neg3A_569 = arith.subf %neg3A_568, %add3A_566 : vector<16xf32>
    %exp3A_570 = math.exp %neg3A_569 : vector<16xf32>
    %add3A_571 = arith.constant 1.000000e+00 : f32
    %add3A_572 = vector.broadcast %add3A_571 : f32 to vector<16xf32>
    %add3A_573 = arith.addf %add3A_572, %exp3A_570 : vector<16xf32>
    %div3A_574 = arith.constant 1.000000e+00 : f32
    %div3A_575 = vector.broadcast %div3A_574 : f32 to vector<16xf32>
    %div3A_576 = arith.divf %div3A_575, %add3A_573 : vector<16xf32>
    %swap3A_577 = arith.constant 16 : index
    %swap3A_578 = tpu.vector_load %arg16[%swap3A_577] {strides = array<i32>} : memref<80xf32, #tpu.memory_space<vmem>>, vector<16xf32>,
    tpu.vector_store %arg16[%swap3A_577], %div3A_576 {strides = array<i32>} : memref<80xf32, #tpu.memory_space<vmem>>, vector<16xf32>,
    %get3A_579 = arith.constant 1 : i32
    %get3A_580 = arith.index_cast %get3A_579 : i32 to index
    %get3A_581 = arith.constant 32 : index
    %get3A_582 = tpu.vector_load %arg10[%get3A_580, %get3A_581] {strides = array<i32>} : memref<2x80xf32, #tpu.memory_space<vmem>>, vector<16xf32>,
    %get3A_583 = arith.constant 1 : i32
    %get3A_584 = arith.index_cast %get3A_583 : i32 to index
    %get3A_585 = arith.constant 32 : index
    %get3A_586 = tpu.vector_load %arg11[%get3A_584, %get3A_585] {strides = array<i32>} : memref<2x80xf32, #tpu.memory_space<vmem>>, vector<16xf32>,
    %add3A_587 = arith.addf %get3A_582, %get3A_586 : vector<16xf32>
    %neg3A_588 = arith.constant 0.000000e+00 : f32
    %neg3A_589 = vector.broadcast %neg3A_588 : f32 to vector<16xf32>
    %neg3A_590 = arith.subf %neg3A_589, %add3A_587 : vector<16xf32>
    %exp3A_591 = math.exp %neg3A_590 : vector<16xf32>
    %add3A_592 = arith.constant 1.000000e+00 : f32
    %add3A_593 = vector.broadcast %add3A_592 : f32 to vector<16xf32>
    %add3A_594 = arith.addf %add3A_593, %exp3A_591 : vector<16xf32>
    %div3A_595 = arith.constant 1.000000e+00 : f32
    %div3A_596 = vector.broadcast %div3A_595 : f32 to vector<16xf32>
    %div3A_597 = arith.divf %div3A_596, %add3A_594 : vector<16xf32>
    %swap3A_598 = arith.constant 32 : index
    %swap3A_599 = tpu.vector_load %arg16[%swap3A_598] {strides = array<i32>} : memref<80xf32, #tpu.memory_space<vmem>>, vector<16xf32>,
    tpu.vector_store %arg16[%swap3A_598], %div3A_597 {strides = array<i32>} : memref<80xf32, #tpu.memory_space<vmem>>, vector<16xf32>,
    %get3A_600 = arith.constant 1 : i32
    %get3A_601 = arith.index_cast %get3A_600 : i32 to index
    %get3A_602 = arith.constant 48 : index
    %get3A_603 = tpu.vector_load %arg10[%get3A_601, %get3A_602] {strides = array<i32>} : memref<2x80xf32, #tpu.memory_space<vmem>>, vector<16xf32>,
    %get3A_604 = arith.constant 1 : i32
    %get3A_605 = arith.index_cast %get3A_604 : i32 to index
    %get3A_606 = arith.constant 48 : index
    %get3A_607 = tpu.vector_load %arg11[%get3A_605, %get3A_606] {strides = array<i32>} : memref<2x80xf32, #tpu.memory_space<vmem>>, vector<16xf32>,
    %add3A_608 = arith.addf %get3A_603, %get3A_607 : vector<16xf32>
    %neg3A_609 = arith.constant 0.000000e+00 : f32
    %neg3A_610 = vector.broadcast %neg3A_609 : f32 to vector<16xf32>
    %neg3A_611 = arith.subf %neg3A_610, %add3A_608 : vector<16xf32>
    %exp3A_612 = math.exp %neg3A_611 : vector<16xf32>
    %add3A_613 = arith.constant 1.000000e+00 : f32
    %add3A_614 = vector.broadcast %add3A_613 : f32 to vector<16xf32>
    %add3A_615 = arith.addf %add3A_614, %exp3A_612 : vector<16xf32>
    %div3A_616 = arith.constant 1.000000e+00 : f32
    %div3A_617 = vector.broadcast %div3A_616 : f32 to vector<16xf32>
    %div3A_618 = arith.divf %div3A_617, %add3A_615 : vector<16xf32>
    %swap3A_619 = arith.constant 48 : index
    %swap3A_620 = tpu.vector_load %arg16[%swap3A_619] {strides = array<i32>} : memref<80xf32, #tpu.memory_space<vmem>>, vector<16xf32>,
    tpu.vector_store %arg16[%swap3A_619], %div3A_618 {strides = array<i32>} : memref<80xf32, #tpu.memory_space<vmem>>, vector<16xf32>,
    %get3A_621 = arith.constant 1 : i32
    %get3A_622 = arith.index_cast %get3A_621 : i32 to index
    %get3A_623 = arith.constant 64 : index
    %get3A_624 = tpu.vector_load %arg10[%get3A_622, %get3A_623] {strides = array<i32>} : memref<2x80xf32, #tpu.memory_space<vmem>>, vector<16xf32>,
    %get3A_625 = arith.constant 1 : i32
    %get3A_626 = arith.index_cast %get3A_625 : i32 to index
    %get3A_627 = arith.constant 64 : index
    %get3A_628 = tpu.vector_load %arg11[%get3A_626, %get3A_627] {strides = array<i32>} : memref<2x80xf32, #tpu.memory_space<vmem>>, vector<16xf32>,
    %add3A_629 = arith.addf %get3A_624, %get3A_628 : vector<16xf32>
    %neg3A_630 = arith.constant 0.000000e+00 : f32
    %neg3A_631 = vector.broadcast %neg3A_630 : f32 to vector<16xf32>
    %neg3A_632 = arith.subf %neg3A_631, %add3A_629 : vector<16xf32>
    %exp3A_633 = math.exp %neg3A_632 : vector<16xf32>
    %add3A_634 = arith.constant 1.000000e+00 : f32
    %add3A_635 = vector.broadcast %add3A_634 : f32 to vector<16xf32>
    %add3A_636 = arith.addf %add3A_635, %exp3A_633 : vector<16xf32>
    %div3A_637 = arith.constant 1.000000e+00 : f32
    %div3A_638 = vector.broadcast %div3A_637 : f32 to vector<16xf32>
    %div3A_639 = arith.divf %div3A_638, %add3A_636 : vector<16xf32>
    %swap3A_640 = arith.constant 64 : index
    %swap3A_641 = tpu.vector_load %arg16[%swap3A_640] {strides = array<i32>} : memref<80xf32, #tpu.memory_space<vmem>>, vector<16xf32>,
    tpu.vector_store %arg16[%swap3A_640], %div3A_639 {strides = array<i32>} : memref<80xf32, #tpu.memory_space<vmem>>, vector<16xf32>,
    %dma_wait3A_642 = arith.constant 1 : i32
    %dma_wait3A_643 = arith.constant 1 : i32
    %dma_wait3A_644 = arith.constant 0 : i32
    %dma_wait3A_645 = tpu.memref_slice %arg9[%dma_wait3A_642, %dma_wait3A_644] : memref<5x80xi32, #tpu.memory_space<vmem>> -> memref<1x80xi32, #tpu.memory_space<vmem>>
    %dma_wait3A_646 = tpu.memref_squeeze %dma_wait3A_645 : memref<1x80xi32, #tpu.memory_space<vmem>> -> memref<80xi32, #tpu.memory_space<vmem>>
    %dma_wait3A_647 = arith.constant 0 : i32
    %dma_wait3A_648 = arith.constant 0 : i32
    %dma_wait3A_649 = tpu.memref_slice %arg2[%dma_wait3A_647, %dma_wait3A_648] : memref<10000x128xf32, #tpu.memory_space<hbm>> -> memref<10000x128xf32, #tpu.memory_space<hbm>>
    %dma_wait3A_650 = tpu.memref_slice %arg22[%dma_wait3A_643] : memref<2x!tpu.dma_semaphore, #tpu.memory_space<semaphore_mem>> -> memref<1x!tpu.dma_semaphore, #tpu.memory_space<semaphore_mem>>
    %dma_wait3A_651 = tpu.memref_squeeze %dma_wait3A_650 : memref<1x!tpu.dma_semaphore, #tpu.memory_space<semaphore_mem>> -> memref<!tpu.dma_semaphore, #tpu.memory_space<semaphore_mem>>
    tpu.wait_indirect_dma semaphore(%dma_wait3A_651 : memref<!tpu.dma_semaphore, #tpu.memory_space<semaphore_mem>>) src(%dma_wait3A_649 : memref<10000x128xf32, #tpu.memory_space<hbm>>) dst(%arg13 : memref<80x128xf32, #tpu.memory_space<vmem>>)
    %parallel_loop3A_652 = arith.constant 0 : i32
    %parallel_loop3A_653 = arith.constant 80 : i32
    %parallel_loop3A_654 = arith.constant 1 : i32
    scf.for %parallel_loop3A_1360 = %parallel_loop3A_652 to %parallel_loop3A_653 step %parallel_loop3A_654  : i32 {
      %parallel_loop3A_1361 = vector.broadcast %parallel_loop3A_1360 : i32 to vector<16xi32>
      %parallel_loop3A_1362 = tpu.vector_load_idx %arg16[%parallel_loop3A_1361] : memref<80xf32, #tpu.memory_space<vmem>>[vector<16xi32>], vector<16xf32>,
      %parallel_loop3A_1363 = arith.index_cast %parallel_loop3A_1360 : i32 to index
      %parallel_loop3A_1364 = arith.constant 0 : index
      %parallel_loop3A_1365 = tpu.vector_load %arg13[%parallel_loop3A_1363, %parallel_loop3A_1364] {strides = array<i32>} : memref<80x128xf32, #tpu.memory_space<vmem>>, vector<16xf32>,
      %parallel_loop3A_1366 = arith.mulf %parallel_loop3A_1365, %parallel_loop3A_1362 : vector<16xf32>
      %parallel_loop3A_1367 = arith.index_cast %parallel_loop3A_1360 : i32 to index
      %parallel_loop3A_1368 = arith.constant 0 : index
      %parallel_loop3A_1369 = tpu.vector_load %arg15[%parallel_loop3A_1367, %parallel_loop3A_1368] {strides = array<i32>} : memref<80x128xf32, #tpu.memory_space<vmem>>, vector<16xf32>,
      tpu.vector_store %arg15[%parallel_loop3A_1367, %parallel_loop3A_1368], %parallel_loop3A_1366 {strides = array<i32>} : memref<80x128xf32, #tpu.memory_space<vmem>>, vector<16xf32>,
      %parallel_loop3A_1370 = arith.index_cast %parallel_loop3A_1360 : i32 to index
      %parallel_loop3A_1371 = arith.constant 16 : index
      %parallel_loop3A_1372 = tpu.vector_load %arg13[%parallel_loop3A_1370, %parallel_loop3A_1371] {strides = array<i32>} : memref<80x128xf32, #tpu.memory_space<vmem>>, vector<16xf32>,
      %parallel_loop3A_1373 = arith.mulf %parallel_loop3A_1372, %parallel_loop3A_1362 : vector<16xf32>
      %parallel_loop3A_1374 = arith.index_cast %parallel_loop3A_1360 : i32 to index
      %parallel_loop3A_1375 = arith.constant 16 : index
      %parallel_loop3A_1376 = tpu.vector_load %arg15[%parallel_loop3A_1374, %parallel_loop3A_1375] {strides = array<i32>} : memref<80x128xf32, #tpu.memory_space<vmem>>, vector<16xf32>,
      tpu.vector_store %arg15[%parallel_loop3A_1374, %parallel_loop3A_1375], %parallel_loop3A_1373 {strides = array<i32>} : memref<80x128xf32, #tpu.memory_space<vmem>>, vector<16xf32>,
      %parallel_loop3A_1377 = arith.index_cast %parallel_loop3A_1360 : i32 to index
      %parallel_loop3A_1378 = arith.constant 32 : index
      %parallel_loop3A_1379 = tpu.vector_load %arg13[%parallel_loop3A_1377, %parallel_loop3A_1378] {strides = array<i32>} : memref<80x128xf32, #tpu.memory_space<vmem>>, vector<16xf32>,
      %parallel_loop3A_1380 = arith.mulf %parallel_loop3A_1379, %parallel_loop3A_1362 : vector<16xf32>
      %parallel_loop3A_1381 = arith.index_cast %parallel_loop3A_1360 : i32 to index
      %parallel_loop3A_1382 = arith.constant 32 : index
      %parallel_loop3A_1383 = tpu.vector_load %arg15[%parallel_loop3A_1381, %parallel_loop3A_1382] {strides = array<i32>} : memref<80x128xf32, #tpu.memory_space<vmem>>, vector<16xf32>,
      tpu.vector_store %arg15[%parallel_loop3A_1381, %parallel_loop3A_1382], %parallel_loop3A_1380 {strides = array<i32>} : memref<80x128xf32, #tpu.memory_space<vmem>>, vector<16xf32>,
      %parallel_loop3A_1384 = arith.index_cast %parallel_loop3A_1360 : i32 to index
      %parallel_loop3A_1385 = arith.constant 48 : index
      %parallel_loop3A_1386 = tpu.vector_load %arg13[%parallel_loop3A_1384, %parallel_loop3A_1385] {strides = array<i32>} : memref<80x128xf32, #tpu.memory_space<vmem>>, vector<16xf32>,
      %parallel_loop3A_1387 = arith.mulf %parallel_loop3A_1386, %parallel_loop3A_1362 : vector<16xf32>
      %parallel_loop3A_1388 = arith.index_cast %parallel_loop3A_1360 : i32 to index
      %parallel_loop3A_1389 = arith.constant 48 : index
      %parallel_loop3A_1390 = tpu.vector_load %arg15[%parallel_loop3A_1388, %parallel_loop3A_1389] {strides = array<i32>} : memref<80x128xf32, #tpu.memory_space<vmem>>, vector<16xf32>,
      tpu.vector_store %arg15[%parallel_loop3A_1388, %parallel_loop3A_1389], %parallel_loop3A_1387 {strides = array<i32>} : memref<80x128xf32, #tpu.memory_space<vmem>>, vector<16xf32>,
      %parallel_loop3A_1391 = arith.index_cast %parallel_loop3A_1360 : i32 to index
      %parallel_loop3A_1392 = arith.constant 64 : index
      %parallel_loop3A_1393 = tpu.vector_load %arg13[%parallel_loop3A_1391, %parallel_loop3A_1392] {strides = array<i32>} : memref<80x128xf32, #tpu.memory_space<vmem>>, vector<16xf32>,
      %parallel_loop3A_1394 = arith.mulf %parallel_loop3A_1393, %parallel_loop3A_1362 : vector<16xf32>
      %parallel_loop3A_1395 = arith.index_cast %parallel_loop3A_1360 : i32 to index
      %parallel_loop3A_1396 = arith.constant 64 : index
      %parallel_loop3A_1397 = tpu.vector_load %arg15[%parallel_loop3A_1395, %parallel_loop3A_1396] {strides = array<i32>} : memref<80x128xf32, #tpu.memory_space<vmem>>, vector<16xf32>,
      tpu.vector_store %arg15[%parallel_loop3A_1395, %parallel_loop3A_1396], %parallel_loop3A_1394 {strides = array<i32>} : memref<80x128xf32, #tpu.memory_space<vmem>>, vector<16xf32>,
      %parallel_loop3A_1398 = arith.index_cast %parallel_loop3A_1360 : i32 to index
      %parallel_loop3A_1399 = arith.constant 80 : index
      %parallel_loop3A_1400 = tpu.vector_load %arg13[%parallel_loop3A_1398, %parallel_loop3A_1399] {strides = array<i32>} : memref<80x128xf32, #tpu.memory_space<vmem>>, vector<16xf32>,
      %parallel_loop3A_1401 = arith.mulf %parallel_loop3A_1400, %parallel_loop3A_1362 : vector<16xf32>
      %parallel_loop3A_1402 = arith.index_cast %parallel_loop3A_1360 : i32 to index
      %parallel_loop3A_1403 = arith.constant 80 : index
      %parallel_loop3A_1404 = tpu.vector_load %arg15[%parallel_loop3A_1402, %parallel_loop3A_1403] {strides = array<i32>} : memref<80x128xf32, #tpu.memory_space<vmem>>, vector<16xf32>,
      tpu.vector_store %arg15[%parallel_loop3A_1402, %parallel_loop3A_1403], %parallel_loop3A_1401 {strides = array<i32>} : memref<80x128xf32, #tpu.memory_space<vmem>>, vector<16xf32>,
      %parallel_loop3A_1405 = arith.index_cast %parallel_loop3A_1360 : i32 to index
      %parallel_loop3A_1406 = arith.constant 96 : index
      %parallel_loop3A_1407 = tpu.vector_load %arg13[%parallel_loop3A_1405, %parallel_loop3A_1406] {strides = array<i32>} : memref<80x128xf32, #tpu.memory_space<vmem>>, vector<16xf32>,
      %parallel_loop3A_1408 = arith.mulf %parallel_loop3A_1407, %parallel_loop3A_1362 : vector<16xf32>
      %parallel_loop3A_1409 = arith.index_cast %parallel_loop3A_1360 : i32 to index
      %parallel_loop3A_1410 = arith.constant 96 : index
      %parallel_loop3A_1411 = tpu.vector_load %arg15[%parallel_loop3A_1409, %parallel_loop3A_1410] {strides = array<i32>} : memref<80x128xf32, #tpu.memory_space<vmem>>, vector<16xf32>,
      tpu.vector_store %arg15[%parallel_loop3A_1409, %parallel_loop3A_1410], %parallel_loop3A_1408 {strides = array<i32>} : memref<80x128xf32, #tpu.memory_space<vmem>>, vector<16xf32>,
      %parallel_loop3A_1412 = arith.index_cast %parallel_loop3A_1360 : i32 to index
      %parallel_loop3A_1413 = arith.constant 112 : index
      %parallel_loop3A_1414 = tpu.vector_load %arg13[%parallel_loop3A_1412, %parallel_loop3A_1413] {strides = array<i32>} : memref<80x128xf32, #tpu.memory_space<vmem>>, vector<16xf32>,
      %parallel_loop3A_1415 = arith.mulf %parallel_loop3A_1414, %parallel_loop3A_1362 : vector<16xf32>
      %parallel_loop3A_1416 = arith.index_cast %parallel_loop3A_1360 : i32 to index
      %parallel_loop3A_1417 = arith.constant 112 : index
      %parallel_loop3A_1418 = tpu.vector_load %arg15[%parallel_loop3A_1416, %parallel_loop3A_1417] {strides = array<i32>} : memref<80x128xf32, #tpu.memory_space<vmem>>, vector<16xf32>,
      tpu.vector_store %arg15[%parallel_loop3A_1416, %parallel_loop3A_1417], %parallel_loop3A_1415 {strides = array<i32>} : memref<80x128xf32, #tpu.memory_space<vmem>>, vector<16xf32>,
    } {sc.loop_unroll_factor = 4 : i64, sc.parallel_access}
    %dma_start3A_655 = arith.constant 1 : i32
    %dma_start3A_656 = arith.constant 1 : i32
    %dma_start3A_657 = arith.constant 0 : i32
    %dma_start3A_658 = tpu.memref_slice %arg8[%dma_start3A_655, %dma_start3A_657] : memref<5x80xi32, #tpu.memory_space<vmem>> -> memref<1x80xi32, #tpu.memory_space<vmem>>
    %dma_start3A_659 = tpu.memref_squeeze %dma_start3A_658 : memref<1x80xi32, #tpu.memory_space<vmem>> -> memref<80xi32, #tpu.memory_space<vmem>>
    %dma_start3A_660 = arith.constant 0 : i32
    %dma_start3A_661 = arith.constant 0 : i32
    %dma_start3A_662 = tpu.memref_slice %arg19[%dma_start3A_660, %dma_start3A_661] : memref<10000x128xf32, #tpu.memory_space<vmem_shared>> -> memref<10000x128xf32, #tpu.memory_space<vmem_shared>>
    %dma_start3A_663 = tpu.memref_slice %arg25[%dma_start3A_656] : memref<2x!tpu.dma_semaphore, #tpu.memory_space<semaphore_mem>> -> memref<1x!tpu.dma_semaphore, #tpu.memory_space<semaphore_mem>>
    %dma_start3A_664 = tpu.memref_squeeze %dma_start3A_663 : memref<1x!tpu.dma_semaphore, #tpu.memory_space<semaphore_mem>> -> memref<!tpu.dma_semaphore, #tpu.memory_space<semaphore_mem>>
    tpu.enqueue_indirect_dma source(%arg15 : memref<80x128xf32, #tpu.memory_space<vmem>>) target(%dma_start3A_662 : memref<10000x128xf32, #tpu.memory_space<vmem_shared>>) offsets(%dma_start3A_659 : memref<80xi32, #tpu.memory_space<vmem>>) semaphore(%dma_start3A_664 : memref<!tpu.dma_semaphore, #tpu.memory_space<semaphore_mem>>) {add = true}
    %scan3A_665 = arith.constant 0 : i32
    %scan3A_666 = arith.constant 1 : i32
    %scan3A_667 = arith.constant 60 : i32
    %scan3A_668 = arith.addi %scan3A_666, %scan3A_667 : i32
    %scan3A_669 = arith.constant 1 : i32
    scf.for %scan3A_1360 = %scan3A_666 to %scan3A_668 step %scan3A_669  : i32 {
      %mul3A_1361 = arith.constant 2 : i32
      %mul3A_1362 = arith.muli %mul3A_1361, %scan3A_1360 : i32
      %add3A_1363 = arith.constant 1 : i32
      %add3A_1364 = arith.addi %mul3A_1362, %add3A_1363 : i32
      %add3A_1365 = arith.constant 2 : i32
      %add3A_1366 = arith.addi %mul3A_1362, %add3A_1365 : i32
      %jit3A_1367 = arith.constant 5 : i32
      %eq3A_1368 = arith.constant 0 : i32
      %eq3A_1369 = arith.cmpi eq, %jit3A_1367, %eq3A_1368 : i32
      %jit3A_1370 = arith.constant 1 : i32
      %select_n3A_1371 = arith.select %eq3A_1369, %jit3A_1370, %jit3A_1367 : i32
      %rem3A_1372 = arith.remsi %add3A_1366, %select_n3A_1371 : i32
      %ne3A_1373 = arith.constant 0 : i32
      %ne3A_1374 = arith.cmpi ne, %rem3A_1372, %ne3A_1373 : i32
      %lt3A_1375 = arith.constant 0 : i32
      %lt3A_1376 = arith.cmpi slt, %rem3A_1372, %lt3A_1375 : i32
      %lt3A_1377 = arith.constant 0 : i32
      %lt3A_1378 = arith.cmpi slt, %select_n3A_1371, %lt3A_1377 : i32
      %ne3A_1379 = arith.xori %lt3A_1376, %lt3A_1378 : i1
      %and3A_1380 = arith.andi %ne3A_1379, %ne3A_1374 : i1
      %add3A_1381 = arith.addi %rem3A_1372, %select_n3A_1371 : i32
      %select_n3A_1382 = arith.select %and3A_1380, %add3A_1381, %rem3A_1372 : i32
      %mul3A_1383 = arith.constant 80 : i32
      %mul3A_1384 = arith.muli %add3A_1366, %mul3A_1383 : i32
      %add3A_1385 = arith.addi %mul3A_2, %mul3A_1384 : i32
      %dma_start3A_1386 = arith.constant 0 : i32
      %dma_start3A_1387 = tpu.memref_slice %arg8[%select_n3A_1382, %dma_start3A_1386] : memref<5x80xi32, #tpu.memory_space<vmem>> -> memref<1x80xi32, #tpu.memory_space<vmem>>
      %dma_start3A_1388 = tpu.memref_squeeze %dma_start3A_1387 : memref<1x80xi32, #tpu.memory_space<vmem>> -> memref<80xi32, #tpu.memory_space<vmem>>
      %dma_start3A_1389 = tpu.memref_slice %arg5[%add3A_1385] : memref<320000xi32, #tpu.memory_space<hbm>> -> memref<80xi32, #tpu.memory_space<hbm>>
      %dma_start3A_1390 = tpu.memref_slice %arg20[%select_n3A_1382] : memref<5x!tpu.dma_semaphore, #tpu.memory_space<semaphore_mem>> -> memref<1x!tpu.dma_semaphore, #tpu.memory_space<semaphore_mem>>
      %dma_start3A_1391 = tpu.memref_squeeze %dma_start3A_1390 : memref<1x!tpu.dma_semaphore, #tpu.memory_space<semaphore_mem>> -> memref<!tpu.dma_semaphore, #tpu.memory_space<semaphore_mem>>
      %dma_start3A_1392 = arith.constant 0 : i32
      %dma_start3A_1393 = tpu.memref_slice %arg8[%select_n3A_1382, %dma_start3A_1392] : memref<5x80xi32, #tpu.memory_space<vmem>> -> memref<1x80xi32, #tpu.memory_space<vmem>>
      %dma_start3A_1394 = tpu.memref_squeeze %dma_start3A_1393 : memref<1x80xi32, #tpu.memory_space<vmem>> -> memref<80xi32, #tpu.memory_space<vmem>>
      %dma_start3A_1395 = tpu.memref_slice %arg5[%add3A_1385] : memref<320000xi32, #tpu.memory_space<hbm>> -> memref<80xi32, #tpu.memory_space<hbm>>
      tpu.enqueue_dma source(%dma_start3A_1395 : memref<80xi32, #tpu.memory_space<hbm>>) target(%dma_start3A_1394 : memref<80xi32, #tpu.memory_space<vmem>>) target_semaphore(%dma_start3A_1391 : memref<!tpu.dma_semaphore, #tpu.memory_space<semaphore_mem>>)
      %mul3A_1396 = arith.constant 80 : i32
      %mul3A_1397 = arith.muli %add3A_1366, %mul3A_1396 : i32
      %add3A_1398 = arith.addi %mul3A_2, %mul3A_1397 : i32
      %dma_start3A_1399 = arith.constant 0 : i32
      %dma_start3A_1400 = tpu.memref_slice %arg9[%select_n3A_1382, %dma_start3A_1399] : memref<5x80xi32, #tpu.memory_space<vmem>> -> memref<1x80xi32, #tpu.memory_space<vmem>>
      %dma_start3A_1401 = tpu.memref_squeeze %dma_start3A_1400 : memref<1x80xi32, #tpu.memory_space<vmem>> -> memref<80xi32, #tpu.memory_space<vmem>>
      %dma_start3A_1402 = tpu.memref_slice %arg6[%add3A_1398] : memref<320000xi32, #tpu.memory_space<hbm>> -> memref<80xi32, #tpu.memory_space<hbm>>
      %dma_start3A_1403 = tpu.memref_slice %arg21[%select_n3A_1382] : memref<5x!tpu.dma_semaphore, #tpu.memory_space<semaphore_mem>> -> memref<1x!tpu.dma_semaphore, #tpu.memory_space<semaphore_mem>>
      %dma_start3A_1404 = tpu.memref_squeeze %dma_start3A_1403 : memref<1x!tpu.dma_semaphore, #tpu.memory_space<semaphore_mem>> -> memref<!tpu.dma_semaphore, #tpu.memory_space<semaphore_mem>>
      %dma_start3A_1405 = arith.constant 0 : i32
      %dma_start3A_1406 = tpu.memref_slice %arg9[%select_n3A_1382, %dma_start3A_1405] : memref<5x80xi32, #tpu.memory_space<vmem>> -> memref<1x80xi32, #tpu.memory_space<vmem>>
      %dma_start3A_1407 = tpu.memref_squeeze %dma_start3A_1406 : memref<1x80xi32, #tpu.memory_space<vmem>> -> memref<80xi32, #tpu.memory_space<vmem>>
      %dma_start3A_1408 = tpu.memref_slice %arg6[%add3A_1398] : memref<320000xi32, #tpu.memory_space<hbm>> -> memref<80xi32, #tpu.memory_space<hbm>>
      tpu.enqueue_dma source(%dma_start3A_1408 : memref<80xi32, #tpu.memory_space<hbm>>) target(%dma_start3A_1407 : memref<80xi32, #tpu.memory_space<vmem>>) target_semaphore(%dma_start3A_1404 : memref<!tpu.dma_semaphore, #tpu.memory_space<semaphore_mem>>)
      %jit3A_1409 = arith.constant 5 : i32
      %eq3A_1410 = arith.constant 0 : i32
      %eq3A_1411 = arith.cmpi eq, %jit3A_1409, %eq3A_1410 : i32
      %jit3A_1412 = arith.constant 1 : i32
      %select_n3A_1413 = arith.select %eq3A_1411, %jit3A_1412, %jit3A_1409 : i32
      %rem3A_1414 = arith.remsi %add3A_1364, %select_n3A_1413 : i32
      %ne3A_1415 = arith.constant 0 : i32
      %ne3A_1416 = arith.cmpi ne, %rem3A_1414, %ne3A_1415 : i32
      %lt3A_1417 = arith.constant 0 : i32
      %lt3A_1418 = arith.cmpi slt, %rem3A_1414, %lt3A_1417 : i32
      %lt3A_1419 = arith.constant 0 : i32
      %lt3A_1420 = arith.cmpi slt, %select_n3A_1413, %lt3A_1419 : i32
      %ne3A_1421 = arith.xori %lt3A_1418, %lt3A_1420 : i1
      %and3A_1422 = arith.andi %ne3A_1421, %ne3A_1416 : i1
      %add3A_1423 = arith.addi %rem3A_1414, %select_n3A_1413 : i32
      %select_n3A_1424 = arith.select %and3A_1422, %add3A_1423, %rem3A_1414 : i32
      %mul3A_1425 = arith.constant 80 : i32
      %mul3A_1426 = arith.muli %add3A_1364, %mul3A_1425 : i32
      %add3A_1427 = arith.addi %mul3A_2, %mul3A_1426 : i32
      %dma_wait3A_1428 = arith.constant 0 : i32
      %dma_wait3A_1429 = tpu.memref_slice %arg8[%select_n3A_1424, %dma_wait3A_1428] : memref<5x80xi32, #tpu.memory_space<vmem>> -> memref<1x80xi32, #tpu.memory_space<vmem>>
      %dma_wait3A_1430 = tpu.memref_squeeze %dma_wait3A_1429 : memref<1x80xi32, #tpu.memory_space<vmem>> -> memref<80xi32, #tpu.memory_space<vmem>>
      %dma_wait3A_1431 = tpu.memref_slice %arg5[%add3A_1427] : memref<320000xi32, #tpu.memory_space<hbm>> -> memref<80xi32, #tpu.memory_space<hbm>>
      %dma_wait3A_1432 = tpu.memref_slice %arg20[%select_n3A_1424] : memref<5x!tpu.dma_semaphore, #tpu.memory_space<semaphore_mem>> -> memref<1x!tpu.dma_semaphore, #tpu.memory_space<semaphore_mem>>
      %dma_wait3A_1433 = tpu.memref_squeeze %dma_wait3A_1432 : memref<1x!tpu.dma_semaphore, #tpu.memory_space<semaphore_mem>> -> memref<!tpu.dma_semaphore, #tpu.memory_space<semaphore_mem>>
      %dma_wait3A_1434 = arith.constant 0 : i32
      %dma_wait3A_1435 = tpu.memref_slice %arg8[%select_n3A_1424, %dma_wait3A_1434] : memref<5x80xi32, #tpu.memory_space<vmem>> -> memref<1x80xi32, #tpu.memory_space<vmem>>
      %dma_wait3A_1436 = tpu.memref_squeeze %dma_wait3A_1435 : memref<1x80xi32, #tpu.memory_space<vmem>> -> memref<80xi32, #tpu.memory_space<vmem>>
      %dma_wait3A_1437 = tpu.memref_slice %arg5[%add3A_1427] : memref<320000xi32, #tpu.memory_space<hbm>> -> memref<80xi32, #tpu.memory_space<hbm>>
      tpu.wait_dma2 semaphore(%dma_wait3A_1433 : memref<!tpu.dma_semaphore, #tpu.memory_space<semaphore_mem>>) src(%dma_wait3A_1437 : memref<80xi32, #tpu.memory_space<hbm>>) dst(%dma_wait3A_1436 : memref<80xi32, #tpu.memory_space<vmem>>)
      %mul3A_1438 = arith.constant 80 : i32
      %mul3A_1439 = arith.muli %add3A_1364, %mul3A_1438 : i32
      %add3A_1440 = arith.addi %mul3A_2, %mul3A_1439 : i32
      %dma_wait3A_1441 = arith.constant 0 : i32
      %dma_wait3A_1442 = tpu.memref_slice %arg9[%select_n3A_1424, %dma_wait3A_1441] : memref<5x80xi32, #tpu.memory_space<vmem>> -> memref<1x80xi32, #tpu.memory_space<vmem>>
      %dma_wait3A_1443 = tpu.memref_squeeze %dma_wait3A_1442 : memref<1x80xi32, #tpu.memory_space<vmem>> -> memref<80xi32, #tpu.memory_space<vmem>>
      %dma_wait3A_1444 = tpu.memref_slice %arg6[%add3A_1440] : memref<320000xi32, #tpu.memory_space<hbm>> -> memref<80xi32, #tpu.memory_space<hbm>>
      %dma_wait3A_1445 = tpu.memref_slice %arg21[%select_n3A_1424] : memref<5x!tpu.dma_semaphore, #tpu.memory_space<semaphore_mem>> -> memref<1x!tpu.dma_semaphore, #tpu.memory_space<semaphore_mem>>
      %dma_wait3A_1446 = tpu.memref_squeeze %dma_wait3A_1445 : memref<1x!tpu.dma_semaphore, #tpu.memory_space<semaphore_mem>> -> memref<!tpu.dma_semaphore, #tpu.memory_space<semaphore_mem>>
      %dma_wait3A_1447 = arith.constant 0 : i32
      %dma_wait3A_1448 = tpu.memref_slice %arg9[%select_n3A_1424, %dma_wait3A_1447] : memref<5x80xi32, #tpu.memory_space<vmem>> -> memref<1x80xi32, #tpu.memory_space<vmem>>
      %dma_wait3A_1449 = tpu.memref_squeeze %dma_wait3A_1448 : memref<1x80xi32, #tpu.memory_space<vmem>> -> memref<80xi32, #tpu.memory_space<vmem>>
      %dma_wait3A_1450 = tpu.memref_slice %arg6[%add3A_1440] : memref<320000xi32, #tpu.memory_space<hbm>> -> memref<80xi32, #tpu.memory_space<hbm>>
      tpu.wait_dma2 semaphore(%dma_wait3A_1446 : memref<!tpu.dma_semaphore, #tpu.memory_space<semaphore_mem>>) src(%dma_wait3A_1450 : memref<80xi32, #tpu.memory_space<hbm>>) dst(%dma_wait3A_1449 : memref<80xi32, #tpu.memory_space<vmem>>)
      %dma_start3A_1451 = arith.constant 1 : i32
      %dma_start3A_1452 = arith.constant 0 : i32
      %dma_start3A_1453 = tpu.memref_slice %arg9[%select_n3A_1424, %dma_start3A_1452] : memref<5x80xi32, #tpu.memory_space<vmem>> -> memref<1x80xi32, #tpu.memory_space<vmem>>
      %dma_start3A_1454 = tpu.memref_squeeze %dma_start3A_1453 : memref<1x80xi32, #tpu.memory_space<vmem>> -> memref<80xi32, #tpu.memory_space<vmem>>
      %dma_start3A_1455 = arith.constant 0 : i32
      %dma_start3A_1456 = arith.constant 0 : i32
      %dma_start3A_1457 = tpu.memref_slice %arg2[%dma_start3A_1455, %dma_start3A_1456] : memref<10000x128xf32, #tpu.memory_space<hbm>> -> memref<10000x128xf32, #tpu.memory_space<hbm>>
      %dma_start3A_1458 = tpu.memref_slice %arg22[%dma_start3A_1451] : memref<2x!tpu.dma_semaphore, #tpu.memory_space<semaphore_mem>> -> memref<1x!tpu.dma_semaphore, #tpu.memory_space<semaphore_mem>>
      %dma_start3A_1459 = tpu.memref_squeeze %dma_start3A_1458 : memref<1x!tpu.dma_semaphore, #tpu.memory_space<semaphore_mem>> -> memref<!tpu.dma_semaphore, #tpu.memory_space<semaphore_mem>>
      tpu.enqueue_indirect_dma source(%dma_start3A_1457 : memref<10000x128xf32, #tpu.memory_space<hbm>>) target(%arg13 : memref<80x128xf32, #tpu.memory_space<vmem>>) offsets(%dma_start3A_1454 : memref<80xi32, #tpu.memory_space<vmem>>) semaphore(%dma_start3A_1459 : memref<!tpu.dma_semaphore, #tpu.memory_space<semaphore_mem>>)
      %dma_start3A_1460 = arith.constant 1 : i32
      %dma_start3A_1461 = arith.constant 1 : i32
      %dma_start3A_1462 = arith.constant 0 : i32
      %dma_start3A_1463 = tpu.memref_slice %arg10[%dma_start3A_1460, %dma_start3A_1462] : memref<2x80xf32, #tpu.memory_space<vmem>> -> memref<1x80xf32, #tpu.memory_space<vmem>>
      %dma_start3A_1464 = tpu.memref_squeeze %dma_start3A_1463 : memref<1x80xf32, #tpu.memory_space<vmem>> -> memref<80xf32, #tpu.memory_space<vmem>>
      %dma_start3A_1465 = arith.constant 0 : i32
      %dma_start3A_1466 = tpu.memref_slice %arg8[%select_n3A_1424, %dma_start3A_1465] : memref<5x80xi32, #tpu.memory_space<vmem>> -> memref<1x80xi32, #tpu.memory_space<vmem>>
      %dma_start3A_1467 = tpu.memref_squeeze %dma_start3A_1466 : memref<1x80xi32, #tpu.memory_space<vmem>> -> memref<80xi32, #tpu.memory_space<vmem>>
      %dma_start3A_1468 = arith.constant 0 : i32
      %dma_start3A_1469 = tpu.memref_slice %arg17[%dma_start3A_1468] : memref<10000xf32, #tpu.memory_space<vmem_shared>> -> memref<10000xf32, #tpu.memory_space<vmem_shared>>
      %dma_start3A_1470 = tpu.memref_slice %arg23[%dma_start3A_1461] : memref<2x!tpu.dma_semaphore, #tpu.memory_space<semaphore_mem>> -> memref<1x!tpu.dma_semaphore, #tpu.memory_space<semaphore_mem>>
      %dma_start3A_1471 = tpu.memref_squeeze %dma_start3A_1470 : memref<1x!tpu.dma_semaphore, #tpu.memory_space<semaphore_mem>> -> memref<!tpu.dma_semaphore, #tpu.memory_space<semaphore_mem>>
      tpu.enqueue_indirect_dma source(%dma_start3A_1469 : memref<10000xf32, #tpu.memory_space<vmem_shared>>) target(%dma_start3A_1464 : memref<80xf32, #tpu.memory_space<vmem>>) offsets(%dma_start3A_1467 : memref<80xi32, #tpu.memory_space<vmem>>) semaphore(%dma_start3A_1471 : memref<!tpu.dma_semaphore, #tpu.memory_space<semaphore_mem>>)
      %dma_start3A_1472 = arith.constant 1 : i32
      %dma_start3A_1473 = arith.constant 1 : i32
      %dma_start3A_1474 = arith.constant 0 : i32
      %dma_start3A_1475 = tpu.memref_slice %arg11[%dma_start3A_1472, %dma_start3A_1474] : memref<2x80xf32, #tpu.memory_space<vmem>> -> memref<1x80xf32, #tpu.memory_space<vmem>>
      %dma_start3A_1476 = tpu.memref_squeeze %dma_start3A_1475 : memref<1x80xf32, #tpu.memory_space<vmem>> -> memref<80xf32, #tpu.memory_space<vmem>>
      %dma_start3A_1477 = arith.constant 0 : i32
      %dma_start3A_1478 = tpu.memref_slice %arg9[%select_n3A_1424, %dma_start3A_1477] : memref<5x80xi32, #tpu.memory_space<vmem>> -> memref<1x80xi32, #tpu.memory_space<vmem>>
      %dma_start3A_1479 = tpu.memref_squeeze %dma_start3A_1478 : memref<1x80xi32, #tpu.memory_space<vmem>> -> memref<80xi32, #tpu.memory_space<vmem>>
      %dma_start3A_1480 = arith.constant 0 : i32
      %dma_start3A_1481 = tpu.memref_slice %arg18[%dma_start3A_1480] : memref<10000xf32, #tpu.memory_space<vmem_shared>> -> memref<10000xf32, #tpu.memory_space<vmem_shared>>
      %dma_start3A_1482 = tpu.memref_slice %arg24[%dma_start3A_1473] : memref<2x!tpu.dma_semaphore, #tpu.memory_space<semaphore_mem>> -> memref<1x!tpu.dma_semaphore, #tpu.memory_space<semaphore_mem>>
      %dma_start3A_1483 = tpu.memref_squeeze %dma_start3A_1482 : memref<1x!tpu.dma_semaphore, #tpu.memory_space<semaphore_mem>> -> memref<!tpu.dma_semaphore, #tpu.memory_space<semaphore_mem>>
      tpu.enqueue_indirect_dma source(%dma_start3A_1481 : memref<10000xf32, #tpu.memory_space<vmem_shared>>) target(%dma_start3A_1476 : memref<80xf32, #tpu.memory_space<vmem>>) offsets(%dma_start3A_1479 : memref<80xi32, #tpu.memory_space<vmem>>) semaphore(%dma_start3A_1483 : memref<!tpu.dma_semaphore, #tpu.memory_space<semaphore_mem>>)
      %jit3A_1484 = arith.constant 5 : i32
      %eq3A_1485 = arith.constant 0 : i32
      %eq3A_1486 = arith.cmpi eq, %jit3A_1484, %eq3A_1485 : i32
      %jit3A_1487 = arith.constant 1 : i32
      %select_n3A_1488 = arith.select %eq3A_1486, %jit3A_1487, %jit3A_1484 : i32
      %rem3A_1489 = arith.remsi %mul3A_1362, %select_n3A_1488 : i32
      %ne3A_1490 = arith.constant 0 : i32
      %ne3A_1491 = arith.cmpi ne, %rem3A_1489, %ne3A_1490 : i32
      %lt3A_1492 = arith.constant 0 : i32
      %lt3A_1493 = arith.cmpi slt, %rem3A_1489, %lt3A_1492 : i32
      %lt3A_1494 = arith.constant 0 : i32
      %lt3A_1495 = arith.cmpi slt, %select_n3A_1488, %lt3A_1494 : i32
      %ne3A_1496 = arith.xori %lt3A_1493, %lt3A_1495 : i1
      %and3A_1497 = arith.andi %ne3A_1496, %ne3A_1491 : i1
      %add3A_1498 = arith.addi %rem3A_1489, %select_n3A_1488 : i32
      %select_n3A_1499 = arith.select %and3A_1497, %add3A_1498, %rem3A_1489 : i32
      %dma_wait3A_1500 = arith.constant 0 : i32
      %dma_wait3A_1501 = arith.constant 0 : i32
      %dma_wait3A_1502 = arith.constant 0 : i32
      %dma_wait3A_1503 = tpu.memref_slice %arg10[%dma_wait3A_1500, %dma_wait3A_1502] : memref<2x80xf32, #tpu.memory_space<vmem>> -> memref<1x80xf32, #tpu.memory_space<vmem>>
      %dma_wait3A_1504 = tpu.memref_squeeze %dma_wait3A_1503 : memref<1x80xf32, #tpu.memory_space<vmem>> -> memref<80xf32, #tpu.memory_space<vmem>>
      %dma_wait3A_1505 = arith.constant 0 : i32
      %dma_wait3A_1506 = tpu.memref_slice %arg8[%select_n3A_1499, %dma_wait3A_1505] : memref<5x80xi32, #tpu.memory_space<vmem>> -> memref<1x80xi32, #tpu.memory_space<vmem>>
      %dma_wait3A_1507 = tpu.memref_squeeze %dma_wait3A_1506 : memref<1x80xi32, #tpu.memory_space<vmem>> -> memref<80xi32, #tpu.memory_space<vmem>>
      %dma_wait3A_1508 = arith.constant 0 : i32
      %dma_wait3A_1509 = tpu.memref_slice %arg17[%dma_wait3A_1508] : memref<10000xf32, #tpu.memory_space<vmem_shared>> -> memref<10000xf32, #tpu.memory_space<vmem_shared>>
      %dma_wait3A_1510 = tpu.memref_slice %arg23[%dma_wait3A_1501] : memref<2x!tpu.dma_semaphore, #tpu.memory_space<semaphore_mem>> -> memref<1x!tpu.dma_semaphore, #tpu.memory_space<semaphore_mem>>
      %dma_wait3A_1511 = tpu.memref_squeeze %dma_wait3A_1510 : memref<1x!tpu.dma_semaphore, #tpu.memory_space<semaphore_mem>> -> memref<!tpu.dma_semaphore, #tpu.memory_space<semaphore_mem>>
      tpu.wait_indirect_dma semaphore(%dma_wait3A_1511 : memref<!tpu.dma_semaphore, #tpu.memory_space<semaphore_mem>>) src(%dma_wait3A_1509 : memref<10000xf32, #tpu.memory_space<vmem_shared>>) dst(%dma_wait3A_1504 : memref<80xf32, #tpu.memory_space<vmem>>)
      %dma_wait3A_1512 = arith.constant 0 : i32
      %dma_wait3A_1513 = arith.constant 0 : i32
      %dma_wait3A_1514 = arith.constant 0 : i32
      %dma_wait3A_1515 = tpu.memref_slice %arg11[%dma_wait3A_1512, %dma_wait3A_1514] : memref<2x80xf32, #tpu.memory_space<vmem>> -> memref<1x80xf32, #tpu.memory_space<vmem>>
      %dma_wait3A_1516 = tpu.memref_squeeze %dma_wait3A_1515 : memref<1x80xf32, #tpu.memory_space<vmem>> -> memref<80xf32, #tpu.memory_space<vmem>>
      %dma_wait3A_1517 = arith.constant 0 : i32
      %dma_wait3A_1518 = tpu.memref_slice %arg9[%select_n3A_1499, %dma_wait3A_1517] : memref<5x80xi32, #tpu.memory_space<vmem>> -> memref<1x80xi32, #tpu.memory_space<vmem>>
      %dma_wait3A_1519 = tpu.memref_squeeze %dma_wait3A_1518 : memref<1x80xi32, #tpu.memory_space<vmem>> -> memref<80xi32, #tpu.memory_space<vmem>>
      %dma_wait3A_1520 = arith.constant 0 : i32
      %dma_wait3A_1521 = tpu.memref_slice %arg18[%dma_wait3A_1520] : memref<10000xf32, #tpu.memory_space<vmem_shared>> -> memref<10000xf32, #tpu.memory_space<vmem_shared>>
      %dma_wait3A_1522 = tpu.memref_slice %arg24[%dma_wait3A_1513] : memref<2x!tpu.dma_semaphore, #tpu.memory_space<semaphore_mem>> -> memref<1x!tpu.dma_semaphore, #tpu.memory_space<semaphore_mem>>
      %dma_wait3A_1523 = tpu.memref_squeeze %dma_wait3A_1522 : memref<1x!tpu.dma_semaphore, #tpu.memory_space<semaphore_mem>> -> memref<!tpu.dma_semaphore, #tpu.memory_space<semaphore_mem>>
      tpu.wait_indirect_dma semaphore(%dma_wait3A_1523 : memref<!tpu.dma_semaphore, #tpu.memory_space<semaphore_mem>>) src(%dma_wait3A_1521 : memref<10000xf32, #tpu.memory_space<vmem_shared>>) dst(%dma_wait3A_1516 : memref<80xf32, #tpu.memory_space<vmem>>)
      %get3A_1524 = arith.constant 0 : i32
      %get3A_1525 = arith.index_cast %get3A_1524 : i32 to index
      %get3A_1526 = arith.constant 0 : index
      %get3A_1527 = tpu.vector_load %arg10[%get3A_1525, %get3A_1526] {strides = array<i32>} : memref<2x80xf32, #tpu.memory_space<vmem>>, vector<16xf32>,
      %get3A_1528 = arith.constant 0 : i32
      %get3A_1529 = arith.index_cast %get3A_1528 : i32 to index
      %get3A_1530 = arith.constant 0 : index
      %get3A_1531 = tpu.vector_load %arg11[%get3A_1529, %get3A_1530] {strides = array<i32>} : memref<2x80xf32, #tpu.memory_space<vmem>>, vector<16xf32>,
      %add3A_1532 = arith.addf %get3A_1527, %get3A_1531 : vector<16xf32>
      %neg3A_1533 = arith.constant 0.000000e+00 : f32
      %neg3A_1534 = vector.broadcast %neg3A_1533 : f32 to vector<16xf32>
      %neg3A_1535 = arith.subf %neg3A_1534, %add3A_1532 : vector<16xf32>
      %exp3A_1536 = math.exp %neg3A_1535 : vector<16xf32>
      %add3A_1537 = arith.constant 1.000000e+00 : f32
      %add3A_1538 = vector.broadcast %add3A_1537 : f32 to vector<16xf32>
      %add3A_1539 = arith.addf %add3A_1538, %exp3A_1536 : vector<16xf32>
      %div3A_1540 = arith.constant 1.000000e+00 : f32
      %div3A_1541 = vector.broadcast %div3A_1540 : f32 to vector<16xf32>
      %div3A_1542 = arith.divf %div3A_1541, %add3A_1539 : vector<16xf32>
      %swap3A_1543 = arith.constant 0 : index
      %swap3A_1544 = tpu.vector_load %arg16[%swap3A_1543] {strides = array<i32>} : memref<80xf32, #tpu.memory_space<vmem>>, vector<16xf32>,
      tpu.vector_store %arg16[%swap3A_1543], %div3A_1542 {strides = array<i32>} : memref<80xf32, #tpu.memory_space<vmem>>, vector<16xf32>,
      %get3A_1545 = arith.constant 0 : i32
      %get3A_1546 = arith.index_cast %get3A_1545 : i32 to index
      %get3A_1547 = arith.constant 16 : index
      %get3A_1548 = tpu.vector_load %arg10[%get3A_1546, %get3A_1547] {strides = array<i32>} : memref<2x80xf32, #tpu.memory_space<vmem>>, vector<16xf32>,
      %get3A_1549 = arith.constant 0 : i32
      %get3A_1550 = arith.index_cast %get3A_1549 : i32 to index
      %get3A_1551 = arith.constant 16 : index
      %get3A_1552 = tpu.vector_load %arg11[%get3A_1550, %get3A_1551] {strides = array<i32>} : memref<2x80xf32, #tpu.memory_space<vmem>>, vector<16xf32>,
      %add3A_1553 = arith.addf %get3A_1548, %get3A_1552 : vector<16xf32>
      %neg3A_1554 = arith.constant 0.000000e+00 : f32
      %neg3A_1555 = vector.broadcast %neg3A_1554 : f32 to vector<16xf32>
      %neg3A_1556 = arith.subf %neg3A_1555, %add3A_1553 : vector<16xf32>
      %exp3A_1557 = math.exp %neg3A_1556 : vector<16xf32>
      %add3A_1558 = arith.constant 1.000000e+00 : f32
      %add3A_1559 = vector.broadcast %add3A_1558 : f32 to vector<16xf32>
      %add3A_1560 = arith.addf %add3A_1559, %exp3A_1557 : vector<16xf32>
      %div3A_1561 = arith.constant 1.000000e+00 : f32
      %div3A_1562 = vector.broadcast %div3A_1561 : f32 to vector<16xf32>
      %div3A_1563 = arith.divf %div3A_1562, %add3A_1560 : vector<16xf32>
      %swap3A_1564 = arith.constant 16 : index
      %swap3A_1565 = tpu.vector_load %arg16[%swap3A_1564] {strides = array<i32>} : memref<80xf32, #tpu.memory_space<vmem>>, vector<16xf32>,
      tpu.vector_store %arg16[%swap3A_1564], %div3A_1563 {strides = array<i32>} : memref<80xf32, #tpu.memory_space<vmem>>, vector<16xf32>,
      %get3A_1566 = arith.constant 0 : i32
      %get3A_1567 = arith.index_cast %get3A_1566 : i32 to index
      %get3A_1568 = arith.constant 32 : index
      %get3A_1569 = tpu.vector_load %arg10[%get3A_1567, %get3A_1568] {strides = array<i32>} : memref<2x80xf32, #tpu.memory_space<vmem>>, vector<16xf32>,
      %get3A_1570 = arith.constant 0 : i32
      %get3A_1571 = arith.index_cast %get3A_1570 : i32 to index
      %get3A_1572 = arith.constant 32 : index
      %get3A_1573 = tpu.vector_load %arg11[%get3A_1571, %get3A_1572] {strides = array<i32>} : memref<2x80xf32, #tpu.memory_space<vmem>>, vector<16xf32>,
      %add3A_1574 = arith.addf %get3A_1569, %get3A_1573 : vector<16xf32>
      %neg3A_1575 = arith.constant 0.000000e+00 : f32
      %neg3A_1576 = vector.broadcast %neg3A_1575 : f32 to vector<16xf32>
      %neg3A_1577 = arith.subf %neg3A_1576, %add3A_1574 : vector<16xf32>
      %exp3A_1578 = math.exp %neg3A_1577 : vector<16xf32>
      %add3A_1579 = arith.constant 1.000000e+00 : f32
      %add3A_1580 = vector.broadcast %add3A_1579 : f32 to vector<16xf32>
      %add3A_1581 = arith.addf %add3A_1580, %exp3A_1578 : vector<16xf32>
      %div3A_1582 = arith.constant 1.000000e+00 : f32
      %div3A_1583 = vector.broadcast %div3A_1582 : f32 to vector<16xf32>
      %div3A_1584 = arith.divf %div3A_1583, %add3A_1581 : vector<16xf32>
      %swap3A_1585 = arith.constant 32 : index
      %swap3A_1586 = tpu.vector_load %arg16[%swap3A_1585] {strides = array<i32>} : memref<80xf32, #tpu.memory_space<vmem>>, vector<16xf32>,
      tpu.vector_store %arg16[%swap3A_1585], %div3A_1584 {strides = array<i32>} : memref<80xf32, #tpu.memory_space<vmem>>, vector<16xf32>,
      %get3A_1587 = arith.constant 0 : i32
      %get3A_1588 = arith.index_cast %get3A_1587 : i32 to index
      %get3A_1589 = arith.constant 48 : index
      %get3A_1590 = tpu.vector_load %arg10[%get3A_1588, %get3A_1589] {strides = array<i32>} : memref<2x80xf32, #tpu.memory_space<vmem>>, vector<16xf32>,
      %get3A_1591 = arith.constant 0 : i32
      %get3A_1592 = arith.index_cast %get3A_1591 : i32 to index
      %get3A_1593 = arith.constant 48 : index
      %get3A_1594 = tpu.vector_load %arg11[%get3A_1592, %get3A_1593] {strides = array<i32>} : memref<2x80xf32, #tpu.memory_space<vmem>>, vector<16xf32>,
      %add3A_1595 = arith.addf %get3A_1590, %get3A_1594 : vector<16xf32>
      %neg3A_1596 = arith.constant 0.000000e+00 : f32
      %neg3A_1597 = vector.broadcast %neg3A_1596 : f32 to vector<16xf32>
      %neg3A_1598 = arith.subf %neg3A_1597, %add3A_1595 : vector<16xf32>
      %exp3A_1599 = math.exp %neg3A_1598 : vector<16xf32>
      %add3A_1600 = arith.constant 1.000000e+00 : f32
      %add3A_1601 = vector.broadcast %add3A_1600 : f32 to vector<16xf32>
      %add3A_1602 = arith.addf %add3A_1601, %exp3A_1599 : vector<16xf32>
      %div3A_1603 = arith.constant 1.000000e+00 : f32
      %div3A_1604 = vector.broadcast %div3A_1603 : f32 to vector<16xf32>
      %div3A_1605 = arith.divf %div3A_1604, %add3A_1602 : vector<16xf32>
      %swap3A_1606 = arith.constant 48 : index
      %swap3A_1607 = tpu.vector_load %arg16[%swap3A_1606] {strides = array<i32>} : memref<80xf32, #tpu.memory_space<vmem>>, vector<16xf32>,
      tpu.vector_store %arg16[%swap3A_1606], %div3A_1605 {strides = array<i32>} : memref<80xf32, #tpu.memory_space<vmem>>, vector<16xf32>,
      %get3A_1608 = arith.constant 0 : i32
      %get3A_1609 = arith.index_cast %get3A_1608 : i32 to index
      %get3A_1610 = arith.constant 64 : index
      %get3A_1611 = tpu.vector_load %arg10[%get3A_1609, %get3A_1610] {strides = array<i32>} : memref<2x80xf32, #tpu.memory_space<vmem>>, vector<16xf32>,
      %get3A_1612 = arith.constant 0 : i32
      %get3A_1613 = arith.index_cast %get3A_1612 : i32 to index
      %get3A_1614 = arith.constant 64 : index
      %get3A_1615 = tpu.vector_load %arg11[%get3A_1613, %get3A_1614] {strides = array<i32>} : memref<2x80xf32, #tpu.memory_space<vmem>>, vector<16xf32>,
      %add3A_1616 = arith.addf %get3A_1611, %get3A_1615 : vector<16xf32>
      %neg3A_1617 = arith.constant 0.000000e+00 : f32
      %neg3A_1618 = vector.broadcast %neg3A_1617 : f32 to vector<16xf32>
      %neg3A_1619 = arith.subf %neg3A_1618, %add3A_1616 : vector<16xf32>
      %exp3A_1620 = math.exp %neg3A_1619 : vector<16xf32>
      %add3A_1621 = arith.constant 1.000000e+00 : f32
      %add3A_1622 = vector.broadcast %add3A_1621 : f32 to vector<16xf32>
      %add3A_1623 = arith.addf %add3A_1622, %exp3A_1620 : vector<16xf32>
      %div3A_1624 = arith.constant 1.000000e+00 : f32
      %div3A_1625 = vector.broadcast %div3A_1624 : f32 to vector<16xf32>
      %div3A_1626 = arith.divf %div3A_1625, %add3A_1623 : vector<16xf32>
      %swap3A_1627 = arith.constant 64 : index
      %swap3A_1628 = tpu.vector_load %arg16[%swap3A_1627] {strides = array<i32>} : memref<80xf32, #tpu.memory_space<vmem>>, vector<16xf32>,
      tpu.vector_store %arg16[%swap3A_1627], %div3A_1626 {strides = array<i32>} : memref<80xf32, #tpu.memory_space<vmem>>, vector<16xf32>,
      %dma_wait3A_1629 = arith.constant 0 : i32
      %dma_wait3A_1630 = arith.constant 0 : i32
      %dma_wait3A_1631 = tpu.memref_slice %arg9[%select_n3A_1499, %dma_wait3A_1630] : memref<5x80xi32, #tpu.memory_space<vmem>> -> memref<1x80xi32, #tpu.memory_space<vmem>>
      %dma_wait3A_1632 = tpu.memref_squeeze %dma_wait3A_1631 : memref<1x80xi32, #tpu.memory_space<vmem>> -> memref<80xi32, #tpu.memory_space<vmem>>
      %dma_wait3A_1633 = arith.constant 0 : i32
      %dma_wait3A_1634 = arith.constant 0 : i32
      %dma_wait3A_1635 = tpu.memref_slice %arg2[%dma_wait3A_1633, %dma_wait3A_1634] : memref<10000x128xf32, #tpu.memory_space<hbm>> -> memref<10000x128xf32, #tpu.memory_space<hbm>>
      %dma_wait3A_1636 = tpu.memref_slice %arg22[%dma_wait3A_1629] : memref<2x!tpu.dma_semaphore, #tpu.memory_space<semaphore_mem>> -> memref<1x!tpu.dma_semaphore, #tpu.memory_space<semaphore_mem>>
      %dma_wait3A_1637 = tpu.memref_squeeze %dma_wait3A_1636 : memref<1x!tpu.dma_semaphore, #tpu.memory_space<semaphore_mem>> -> memref<!tpu.dma_semaphore, #tpu.memory_space<semaphore_mem>>
      tpu.wait_indirect_dma semaphore(%dma_wait3A_1637 : memref<!tpu.dma_semaphore, #tpu.memory_space<semaphore_mem>>) src(%dma_wait3A_1635 : memref<10000x128xf32, #tpu.memory_space<hbm>>) dst(%arg12 : memref<80x128xf32, #tpu.memory_space<vmem>>)
      %sub3A_1638 = arith.constant 2 : i32
      %sub3A_1639 = arith.subi %mul3A_1362, %sub3A_1638 : i32
      %jit3A_1640 = arith.constant 5 : i32
      %eq3A_1641 = arith.constant 0 : i32
      %eq3A_1642 = arith.cmpi eq, %jit3A_1640, %eq3A_1641 : i32
      %jit3A_1643 = arith.constant 1 : i32
      %select_n3A_1644 = arith.select %eq3A_1642, %jit3A_1643, %jit3A_1640 : i32
      %rem3A_1645 = arith.remsi %sub3A_1639, %select_n3A_1644 : i32
      %ne3A_1646 = arith.constant 0 : i32
      %ne3A_1647 = arith.cmpi ne, %rem3A_1645, %ne3A_1646 : i32
      %lt3A_1648 = arith.constant 0 : i32
      %lt3A_1649 = arith.cmpi slt, %rem3A_1645, %lt3A_1648 : i32
      %lt3A_1650 = arith.constant 0 : i32
      %lt3A_1651 = arith.cmpi slt, %select_n3A_1644, %lt3A_1650 : i32
      %ne3A_1652 = arith.xori %lt3A_1649, %lt3A_1651 : i1
      %and3A_1653 = arith.andi %ne3A_1652, %ne3A_1647 : i1
      %add3A_1654 = arith.addi %rem3A_1645, %select_n3A_1644 : i32
      %select_n3A_1655 = arith.select %and3A_1653, %add3A_1654, %rem3A_1645 : i32
      %dma_wait3A_1656 = arith.constant 0 : i32
      %dma_wait3A_1657 = arith.constant 0 : i32
      %dma_wait3A_1658 = tpu.memref_slice %arg8[%select_n3A_1655, %dma_wait3A_1657] : memref<5x80xi32, #tpu.memory_space<vmem>> -> memref<1x80xi32, #tpu.memory_space<vmem>>
      %dma_wait3A_1659 = tpu.memref_squeeze %dma_wait3A_1658 : memref<1x80xi32, #tpu.memory_space<vmem>> -> memref<80xi32, #tpu.memory_space<vmem>>
      %dma_wait3A_1660 = arith.constant 0 : i32
      %dma_wait3A_1661 = arith.constant 0 : i32
      %dma_wait3A_1662 = tpu.memref_slice %arg19[%dma_wait3A_1660, %dma_wait3A_1661] : memref<10000x128xf32, #tpu.memory_space<vmem_shared>> -> memref<10000x128xf32, #tpu.memory_space<vmem_shared>>
      %dma_wait3A_1663 = tpu.memref_slice %arg25[%dma_wait3A_1656] : memref<2x!tpu.dma_semaphore, #tpu.memory_space<semaphore_mem>> -> memref<1x!tpu.dma_semaphore, #tpu.memory_space<semaphore_mem>>
      %dma_wait3A_1664 = tpu.memref_squeeze %dma_wait3A_1663 : memref<1x!tpu.dma_semaphore, #tpu.memory_space<semaphore_mem>> -> memref<!tpu.dma_semaphore, #tpu.memory_space<semaphore_mem>>
      tpu.wait_indirect_dma semaphore(%dma_wait3A_1664 : memref<!tpu.dma_semaphore, #tpu.memory_space<semaphore_mem>>) src(%arg14 : memref<80x128xf32, #tpu.memory_space<vmem>>) dst(%dma_wait3A_1662 : memref<10000x128xf32, #tpu.memory_space<vmem_shared>>)
      %parallel_loop3A_1665 = arith.constant 0 : i32
      %parallel_loop3A_1666 = arith.constant 80 : i32
      %parallel_loop3A_1667 = arith.constant 1 : i32
      scf.for %parallel_loop3A_1991 = %parallel_loop3A_1665 to %parallel_loop3A_1666 step %parallel_loop3A_1667  : i32 {
        %parallel_loop3A_1992 = vector.broadcast %parallel_loop3A_1991 : i32 to vector<16xi32>
        %parallel_loop3A_1993 = tpu.vector_load_idx %arg16[%parallel_loop3A_1992] : memref<80xf32, #tpu.memory_space<vmem>>[vector<16xi32>], vector<16xf32>,
        %parallel_loop3A_1994 = arith.index_cast %parallel_loop3A_1991 : i32 to index
        %parallel_loop3A_1995 = arith.constant 0 : index
        %parallel_loop3A_1996 = tpu.vector_load %arg12[%parallel_loop3A_1994, %parallel_loop3A_1995] {strides = array<i32>} : memref<80x128xf32, #tpu.memory_space<vmem>>, vector<16xf32>,
        %parallel_loop3A_1997 = arith.mulf %parallel_loop3A_1996, %parallel_loop3A_1993 : vector<16xf32>
        %parallel_loop3A_1998 = arith.index_cast %parallel_loop3A_1991 : i32 to index
        %parallel_loop3A_1999 = arith.constant 0 : index
        %parallel_loop3A_2000 = tpu.vector_load %arg14[%parallel_loop3A_1998, %parallel_loop3A_1999] {strides = array<i32>} : memref<80x128xf32, #tpu.memory_space<vmem>>, vector<16xf32>,
        tpu.vector_store %arg14[%parallel_loop3A_1998, %parallel_loop3A_1999], %parallel_loop3A_1997 {strides = array<i32>} : memref<80x128xf32, #tpu.memory_space<vmem>>, vector<16xf32>,
        %parallel_loop3A_2001 = arith.index_cast %parallel_loop3A_1991 : i32 to index
        %parallel_loop3A_2002 = arith.constant 16 : index
        %parallel_loop3A_2003 = tpu.vector_load %arg12[%parallel_loop3A_2001, %parallel_loop3A_2002] {strides = array<i32>} : memref<80x128xf32, #tpu.memory_space<vmem>>, vector<16xf32>,
        %parallel_loop3A_2004 = arith.mulf %parallel_loop3A_2003, %parallel_loop3A_1993 : vector<16xf32>
        %parallel_loop3A_2005 = arith.index_cast %parallel_loop3A_1991 : i32 to index
        %parallel_loop3A_2006 = arith.constant 16 : index
        %parallel_loop3A_2007 = tpu.vector_load %arg14[%parallel_loop3A_2005, %parallel_loop3A_2006] {strides = array<i32>} : memref<80x128xf32, #tpu.memory_space<vmem>>, vector<16xf32>,
        tpu.vector_store %arg14[%parallel_loop3A_2005, %parallel_loop3A_2006], %parallel_loop3A_2004 {strides = array<i32>} : memref<80x128xf32, #tpu.memory_space<vmem>>, vector<16xf32>,
        %parallel_loop3A_2008 = arith.index_cast %parallel_loop3A_1991 : i32 to index
        %parallel_loop3A_2009 = arith.constant 32 : index
        %parallel_loop3A_2010 = tpu.vector_load %arg12[%parallel_loop3A_2008, %parallel_loop3A_2009] {strides = array<i32>} : memref<80x128xf32, #tpu.memory_space<vmem>>, vector<16xf32>,
        %parallel_loop3A_2011 = arith.mulf %parallel_loop3A_2010, %parallel_loop3A_1993 : vector<16xf32>
        %parallel_loop3A_2012 = arith.index_cast %parallel_loop3A_1991 : i32 to index
        %parallel_loop3A_2013 = arith.constant 32 : index
        %parallel_loop3A_2014 = tpu.vector_load %arg14[%parallel_loop3A_2012, %parallel_loop3A_2013] {strides = array<i32>} : memref<80x128xf32, #tpu.memory_space<vmem>>, vector<16xf32>,
        tpu.vector_store %arg14[%parallel_loop3A_2012, %parallel_loop3A_2013], %parallel_loop3A_2011 {strides = array<i32>} : memref<80x128xf32, #tpu.memory_space<vmem>>, vector<16xf32>,
        %parallel_loop3A_2015 = arith.index_cast %parallel_loop3A_1991 : i32 to index
        %parallel_loop3A_2016 = arith.constant 48 : index
        %parallel_loop3A_2017 = tpu.vector_load %arg12[%parallel_loop3A_2015, %parallel_loop3A_2016] {strides = array<i32>} : memref<80x128xf32, #tpu.memory_space<vmem>>, vector<16xf32>,
        %parallel_loop3A_2018 = arith.mulf %parallel_loop3A_2017, %parallel_loop3A_1993 : vector<16xf32>
        %parallel_loop3A_2019 = arith.index_cast %parallel_loop3A_1991 : i32 to index
        %parallel_loop3A_2020 = arith.constant 48 : index
        %parallel_loop3A_2021 = tpu.vector_load %arg14[%parallel_loop3A_2019, %parallel_loop3A_2020] {strides = array<i32>} : memref<80x128xf32, #tpu.memory_space<vmem>>, vector<16xf32>,
        tpu.vector_store %arg14[%parallel_loop3A_2019, %parallel_loop3A_2020], %parallel_loop3A_2018 {strides = array<i32>} : memref<80x128xf32, #tpu.memory_space<vmem>>, vector<16xf32>,
        %parallel_loop3A_2022 = arith.index_cast %parallel_loop3A_1991 : i32 to index
        %parallel_loop3A_2023 = arith.constant 64 : index
        %parallel_loop3A_2024 = tpu.vector_load %arg12[%parallel_loop3A_2022, %parallel_loop3A_2023] {strides = array<i32>} : memref<80x128xf32, #tpu.memory_space<vmem>>, vector<16xf32>,
        %parallel_loop3A_2025 = arith.mulf %parallel_loop3A_2024, %parallel_loop3A_1993 : vector<16xf32>
        %parallel_loop3A_2026 = arith.index_cast %parallel_loop3A_1991 : i32 to index
        %parallel_loop3A_2027 = arith.constant 64 : index
        %parallel_loop3A_2028 = tpu.vector_load %arg14[%parallel_loop3A_2026, %parallel_loop3A_2027] {strides = array<i32>} : memref<80x128xf32, #tpu.memory_space<vmem>>, vector<16xf32>,
        tpu.vector_store %arg14[%parallel_loop3A_2026, %parallel_loop3A_2027], %parallel_loop3A_2025 {strides = array<i32>} : memref<80x128xf32, #tpu.memory_space<vmem>>, vector<16xf32>,
        %parallel_loop3A_2029 = arith.index_cast %parallel_loop3A_1991 : i32 to index
        %parallel_loop3A_2030 = arith.constant 80 : index
        %parallel_loop3A_2031 = tpu.vector_load %arg12[%parallel_loop3A_2029, %parallel_loop3A_2030] {strides = array<i32>} : memref<80x128xf32, #tpu.memory_space<vmem>>, vector<16xf32>,
        %parallel_loop3A_2032 = arith.mulf %parallel_loop3A_2031, %parallel_loop3A_1993 : vector<16xf32>
        %parallel_loop3A_2033 = arith.index_cast %parallel_loop3A_1991 : i32 to index
        %parallel_loop3A_2034 = arith.constant 80 : index
        %parallel_loop3A_2035 = tpu.vector_load %arg14[%parallel_loop3A_2033, %parallel_loop3A_2034] {strides = array<i32>} : memref<80x128xf32, #tpu.memory_space<vmem>>, vector<16xf32>,
        tpu.vector_store %arg14[%parallel_loop3A_2033, %parallel_loop3A_2034], %parallel_loop3A_2032 {strides = array<i32>} : memref<80x128xf32, #tpu.memory_space<vmem>>, vector<16xf32>,
        %parallel_loop3A_2036 = arith.index_cast %parallel_loop3A_1991 : i32 to index
        %parallel_loop3A_2037 = arith.constant 96 : index
        %parallel_loop3A_2038 = tpu.vector_load %arg12[%parallel_loop3A_2036, %parallel_loop3A_2037] {strides = array<i32>} : memref<80x128xf32, #tpu.memory_space<vmem>>, vector<16xf32>,
        %parallel_loop3A_2039 = arith.mulf %parallel_loop3A_2038, %parallel_loop3A_1993 : vector<16xf32>
        %parallel_loop3A_2040 = arith.index_cast %parallel_loop3A_1991 : i32 to index
        %parallel_loop3A_2041 = arith.constant 96 : index
        %parallel_loop3A_2042 = tpu.vector_load %arg14[%parallel_loop3A_2040, %parallel_loop3A_2041] {strides = array<i32>} : memref<80x128xf32, #tpu.memory_space<vmem>>, vector<16xf32>,
        tpu.vector_store %arg14[%parallel_loop3A_2040, %parallel_loop3A_2041], %parallel_loop3A_2039 {strides = array<i32>} : memref<80x128xf32, #tpu.memory_space<vmem>>, vector<16xf32>,
        %parallel_loop3A_2043 = arith.index_cast %parallel_loop3A_1991 : i32 to index
        %parallel_loop3A_2044 = arith.constant 112 : index
        %parallel_loop3A_2045 = tpu.vector_load %arg12[%parallel_loop3A_2043, %parallel_loop3A_2044] {strides = array<i32>} : memref<80x128xf32, #tpu.memory_space<vmem>>, vector<16xf32>,
        %parallel_loop3A_2046 = arith.mulf %parallel_loop3A_2045, %parallel_loop3A_1993 : vector<16xf32>
        %parallel_loop3A_2047 = arith.index_cast %parallel_loop3A_1991 : i32 to index
        %parallel_loop3A_2048 = arith.constant 112 : index
        %parallel_loop3A_2049 = tpu.vector_load %arg14[%parallel_loop3A_2047, %parallel_loop3A_2048] {strides = array<i32>} : memref<80x128xf32, #tpu.memory_space<vmem>>, vector<16xf32>,
        tpu.vector_store %arg14[%parallel_loop3A_2047, %parallel_loop3A_2048], %parallel_loop3A_2046 {strides = array<i32>} : memref<80x128xf32, #tpu.memory_space<vmem>>, vector<16xf32>,
      } {sc.loop_unroll_factor = 4 : i64, sc.parallel_access}
      %dma_start3A_1668 = arith.constant 0 : i32
      %dma_start3A_1669 = arith.constant 0 : i32
      %dma_start3A_1670 = tpu.memref_slice %arg8[%select_n3A_1499, %dma_start3A_1669] : memref<5x80xi32, #tpu.memory_space<vmem>> -> memref<1x80xi32, #tpu.memory_space<vmem>>
      %dma_start3A_1671 = tpu.memref_squeeze %dma_start3A_1670 : memref<1x80xi32, #tpu.memory_space<vmem>> -> memref<80xi32, #tpu.memory_space<vmem>>
      %dma_start3A_1672 = arith.constant 0 : i32
      %dma_start3A_1673 = arith.constant 0 : i32
      %dma_start3A_1674 = tpu.memref_slice %arg19[%dma_start3A_1672, %dma_start3A_1673] : memref<10000x128xf32, #tpu.memory_space<vmem_shared>> -> memref<10000x128xf32, #tpu.memory_space<vmem_shared>>
      %dma_start3A_1675 = tpu.memref_slice %arg25[%dma_start3A_1668] : memref<2x!tpu.dma_semaphore, #tpu.memory_space<semaphore_mem>> -> memref<1x!tpu.dma_semaphore, #tpu.memory_space<semaphore_mem>>
      %dma_start3A_1676 = tpu.memref_squeeze %dma_start3A_1675 : memref<1x!tpu.dma_semaphore, #tpu.memory_space<semaphore_mem>> -> memref<!tpu.dma_semaphore, #tpu.memory_space<semaphore_mem>>
      tpu.enqueue_indirect_dma source(%arg14 : memref<80x128xf32, #tpu.memory_space<vmem>>) target(%dma_start3A_1674 : memref<10000x128xf32, #tpu.memory_space<vmem_shared>>) offsets(%dma_start3A_1671 : memref<80xi32, #tpu.memory_space<vmem>>) semaphore(%dma_start3A_1676 : memref<!tpu.dma_semaphore, #tpu.memory_space<semaphore_mem>>) {add = true}
      %add3A_1677 = arith.constant 2 : i32
      %add3A_1678 = arith.addi %add3A_1364, %add3A_1677 : i32
      %jit3A_1679 = arith.constant 5 : i32
      %eq3A_1680 = arith.constant 0 : i32
      %eq3A_1681 = arith.cmpi eq, %jit3A_1679, %eq3A_1680 : i32
      %jit3A_1682 = arith.constant 1 : i32
      %select_n3A_1683 = arith.select %eq3A_1681, %jit3A_1682, %jit3A_1679 : i32
      %rem3A_1684 = arith.remsi %add3A_1678, %select_n3A_1683 : i32
      %ne3A_1685 = arith.constant 0 : i32
      %ne3A_1686 = arith.cmpi ne, %rem3A_1684, %ne3A_1685 : i32
      %lt3A_1687 = arith.constant 0 : i32
      %lt3A_1688 = arith.cmpi slt, %rem3A_1684, %lt3A_1687 : i32
      %lt3A_1689 = arith.constant 0 : i32
      %lt3A_1690 = arith.cmpi slt, %select_n3A_1683, %lt3A_1689 : i32
      %ne3A_1691 = arith.xori %lt3A_1688, %lt3A_1690 : i1
      %and3A_1692 = arith.andi %ne3A_1691, %ne3A_1686 : i1
      %add3A_1693 = arith.addi %rem3A_1684, %select_n3A_1683 : i32
      %select_n3A_1694 = arith.select %and3A_1692, %add3A_1693, %rem3A_1684 : i32
      %mul3A_1695 = arith.constant 80 : i32
      %mul3A_1696 = arith.muli %add3A_1678, %mul3A_1695 : i32
      %add3A_1697 = arith.addi %mul3A_2, %mul3A_1696 : i32
      %dma_start3A_1698 = arith.constant 0 : i32
      %dma_start3A_1699 = tpu.memref_slice %arg8[%select_n3A_1694, %dma_start3A_1698] : memref<5x80xi32, #tpu.memory_space<vmem>> -> memref<1x80xi32, #tpu.memory_space<vmem>>
      %dma_start3A_1700 = tpu.memref_squeeze %dma_start3A_1699 : memref<1x80xi32, #tpu.memory_space<vmem>> -> memref<80xi32, #tpu.memory_space<vmem>>
      %dma_start3A_1701 = tpu.memref_slice %arg5[%add3A_1697] : memref<320000xi32, #tpu.memory_space<hbm>> -> memref<80xi32, #tpu.memory_space<hbm>>
      %dma_start3A_1702 = tpu.memref_slice %arg20[%select_n3A_1694] : memref<5x!tpu.dma_semaphore, #tpu.memory_space<semaphore_mem>> -> memref<1x!tpu.dma_semaphore, #tpu.memory_space<semaphore_mem>>
      %dma_start3A_1703 = tpu.memref_squeeze %dma_start3A_1702 : memref<1x!tpu.dma_semaphore, #tpu.memory_space<semaphore_mem>> -> memref<!tpu.dma_semaphore, #tpu.memory_space<semaphore_mem>>
      %dma_start3A_1704 = arith.constant 0 : i32
      %dma_start3A_1705 = tpu.memref_slice %arg8[%select_n3A_1694, %dma_start3A_1704] : memref<5x80xi32, #tpu.memory_space<vmem>> -> memref<1x80xi32, #tpu.memory_space<vmem>>
      %dma_start3A_1706 = tpu.memref_squeeze %dma_start3A_1705 : memref<1x80xi32, #tpu.memory_space<vmem>> -> memref<80xi32, #tpu.memory_space<vmem>>
      %dma_start3A_1707 = tpu.memref_slice %arg5[%add3A_1697] : memref<320000xi32, #tpu.memory_space<hbm>> -> memref<80xi32, #tpu.memory_space<hbm>>
      tpu.enqueue_dma source(%dma_start3A_1707 : memref<80xi32, #tpu.memory_space<hbm>>) target(%dma_start3A_1706 : memref<80xi32, #tpu.memory_space<vmem>>) target_semaphore(%dma_start3A_1703 : memref<!tpu.dma_semaphore, #tpu.memory_space<semaphore_mem>>)
      %mul3A_1708 = arith.constant 80 : i32
      %mul3A_1709 = arith.muli %add3A_1678, %mul3A_1708 : i32
      %add3A_1710 = arith.addi %mul3A_2, %mul3A_1709 : i32
      %dma_start3A_1711 = arith.constant 0 : i32
      %dma_start3A_1712 = tpu.memref_slice %arg9[%select_n3A_1694, %dma_start3A_1711] : memref<5x80xi32, #tpu.memory_space<vmem>> -> memref<1x80xi32, #tpu.memory_space<vmem>>
      %dma_start3A_1713 = tpu.memref_squeeze %dma_start3A_1712 : memref<1x80xi32, #tpu.memory_space<vmem>> -> memref<80xi32, #tpu.memory_space<vmem>>
      %dma_start3A_1714 = tpu.memref_slice %arg6[%add3A_1710] : memref<320000xi32, #tpu.memory_space<hbm>> -> memref<80xi32, #tpu.memory_space<hbm>>
      %dma_start3A_1715 = tpu.memref_slice %arg21[%select_n3A_1694] : memref<5x!tpu.dma_semaphore, #tpu.memory_space<semaphore_mem>> -> memref<1x!tpu.dma_semaphore, #tpu.memory_space<semaphore_mem>>
      %dma_start3A_1716 = tpu.memref_squeeze %dma_start3A_1715 : memref<1x!tpu.dma_semaphore, #tpu.memory_space<semaphore_mem>> -> memref<!tpu.dma_semaphore, #tpu.memory_space<semaphore_mem>>
      %dma_start3A_1717 = arith.constant 0 : i32
      %dma_start3A_1718 = tpu.memref_slice %arg9[%select_n3A_1694, %dma_start3A_1717] : memref<5x80xi32, #tpu.memory_space<vmem>> -> memref<1x80xi32, #tpu.memory_space<vmem>>
      %dma_start3A_1719 = tpu.memref_squeeze %dma_start3A_1718 : memref<1x80xi32, #tpu.memory_space<vmem>> -> memref<80xi32, #tpu.memory_space<vmem>>
      %dma_start3A_1720 = tpu.memref_slice %arg6[%add3A_1710] : memref<320000xi32, #tpu.memory_space<hbm>> -> memref<80xi32, #tpu.memory_space<hbm>>
      tpu.enqueue_dma source(%dma_start3A_1720 : memref<80xi32, #tpu.memory_space<hbm>>) target(%dma_start3A_1719 : memref<80xi32, #tpu.memory_space<vmem>>) target_semaphore(%dma_start3A_1716 : memref<!tpu.dma_semaphore, #tpu.memory_space<semaphore_mem>>)
      %add3A_1721 = arith.constant 1 : i32
      %add3A_1722 = arith.addi %add3A_1364, %add3A_1721 : i32
      %jit3A_1723 = arith.constant 5 : i32
      %eq3A_1724 = arith.constant 0 : i32
      %eq3A_1725 = arith.cmpi eq, %jit3A_1723, %eq3A_1724 : i32
      %jit3A_1726 = arith.constant 1 : i32
      %select_n3A_1727 = arith.select %eq3A_1725, %jit3A_1726, %jit3A_1723 : i32
      %rem3A_1728 = arith.remsi %add3A_1722, %select_n3A_1727 : i32
      %ne3A_1729 = arith.constant 0 : i32
      %ne3A_1730 = arith.cmpi ne, %rem3A_1728, %ne3A_1729 : i32
      %lt3A_1731 = arith.constant 0 : i32
      %lt3A_1732 = arith.cmpi slt, %rem3A_1728, %lt3A_1731 : i32
      %lt3A_1733 = arith.constant 0 : i32
      %lt3A_1734 = arith.cmpi slt, %select_n3A_1727, %lt3A_1733 : i32
      %ne3A_1735 = arith.xori %lt3A_1732, %lt3A_1734 : i1
      %and3A_1736 = arith.andi %ne3A_1735, %ne3A_1730 : i1
      %add3A_1737 = arith.addi %rem3A_1728, %select_n3A_1727 : i32
      %select_n3A_1738 = arith.select %and3A_1736, %add3A_1737, %rem3A_1728 : i32
      %mul3A_1739 = arith.constant 80 : i32
      %mul3A_1740 = arith.muli %add3A_1722, %mul3A_1739 : i32
      %add3A_1741 = arith.addi %mul3A_2, %mul3A_1740 : i32
      %dma_wait3A_1742 = arith.constant 0 : i32
      %dma_wait3A_1743 = tpu.memref_slice %arg8[%select_n3A_1738, %dma_wait3A_1742] : memref<5x80xi32, #tpu.memory_space<vmem>> -> memref<1x80xi32, #tpu.memory_space<vmem>>
      %dma_wait3A_1744 = tpu.memref_squeeze %dma_wait3A_1743 : memref<1x80xi32, #tpu.memory_space<vmem>> -> memref<80xi32, #tpu.memory_space<vmem>>
      %dma_wait3A_1745 = tpu.memref_slice %arg5[%add3A_1741] : memref<320000xi32, #tpu.memory_space<hbm>> -> memref<80xi32, #tpu.memory_space<hbm>>
      %dma_wait3A_1746 = tpu.memref_slice %arg20[%select_n3A_1738] : memref<5x!tpu.dma_semaphore, #tpu.memory_space<semaphore_mem>> -> memref<1x!tpu.dma_semaphore, #tpu.memory_space<semaphore_mem>>
      %dma_wait3A_1747 = tpu.memref_squeeze %dma_wait3A_1746 : memref<1x!tpu.dma_semaphore, #tpu.memory_space<semaphore_mem>> -> memref<!tpu.dma_semaphore, #tpu.memory_space<semaphore_mem>>
      %dma_wait3A_1748 = arith.constant 0 : i32
      %dma_wait3A_1749 = tpu.memref_slice %arg8[%select_n3A_1738, %dma_wait3A_1748] : memref<5x80xi32, #tpu.memory_space<vmem>> -> memref<1x80xi32, #tpu.memory_space<vmem>>
      %dma_wait3A_1750 = tpu.memref_squeeze %dma_wait3A_1749 : memref<1x80xi32, #tpu.memory_space<vmem>> -> memref<80xi32, #tpu.memory_space<vmem>>
      %dma_wait3A_1751 = tpu.memref_slice %arg5[%add3A_1741] : memref<320000xi32, #tpu.memory_space<hbm>> -> memref<80xi32, #tpu.memory_space<hbm>>
      tpu.wait_dma2 semaphore(%dma_wait3A_1747 : memref<!tpu.dma_semaphore, #tpu.memory_space<semaphore_mem>>) src(%dma_wait3A_1751 : memref<80xi32, #tpu.memory_space<hbm>>) dst(%dma_wait3A_1750 : memref<80xi32, #tpu.memory_space<vmem>>)
      %mul3A_1752 = arith.constant 80 : i32
      %mul3A_1753 = arith.muli %add3A_1722, %mul3A_1752 : i32
      %add3A_1754 = arith.addi %mul3A_2, %mul3A_1753 : i32
      %dma_wait3A_1755 = arith.constant 0 : i32
      %dma_wait3A_1756 = tpu.memref_slice %arg9[%select_n3A_1738, %dma_wait3A_1755] : memref<5x80xi32, #tpu.memory_space<vmem>> -> memref<1x80xi32, #tpu.memory_space<vmem>>
      %dma_wait3A_1757 = tpu.memref_squeeze %dma_wait3A_1756 : memref<1x80xi32, #tpu.memory_space<vmem>> -> memref<80xi32, #tpu.memory_space<vmem>>
      %dma_wait3A_1758 = tpu.memref_slice %arg6[%add3A_1754] : memref<320000xi32, #tpu.memory_space<hbm>> -> memref<80xi32, #tpu.memory_space<hbm>>
      %dma_wait3A_1759 = tpu.memref_slice %arg21[%select_n3A_1738] : memref<5x!tpu.dma_semaphore, #tpu.memory_space<semaphore_mem>> -> memref<1x!tpu.dma_semaphore, #tpu.memory_space<semaphore_mem>>
      %dma_wait3A_1760 = tpu.memref_squeeze %dma_wait3A_1759 : memref<1x!tpu.dma_semaphore, #tpu.memory_space<semaphore_mem>> -> memref<!tpu.dma_semaphore, #tpu.memory_space<semaphore_mem>>
      %dma_wait3A_1761 = arith.constant 0 : i32
      %dma_wait3A_1762 = tpu.memref_slice %arg9[%select_n3A_1738, %dma_wait3A_1761] : memref<5x80xi32, #tpu.memory_space<vmem>> -> memref<1x80xi32, #tpu.memory_space<vmem>>
      %dma_wait3A_1763 = tpu.memref_squeeze %dma_wait3A_1762 : memref<1x80xi32, #tpu.memory_space<vmem>> -> memref<80xi32, #tpu.memory_space<vmem>>
      %dma_wait3A_1764 = tpu.memref_slice %arg6[%add3A_1754] : memref<320000xi32, #tpu.memory_space<hbm>> -> memref<80xi32, #tpu.memory_space<hbm>>
      tpu.wait_dma2 semaphore(%dma_wait3A_1760 : memref<!tpu.dma_semaphore, #tpu.memory_space<semaphore_mem>>) src(%dma_wait3A_1764 : memref<80xi32, #tpu.memory_space<hbm>>) dst(%dma_wait3A_1763 : memref<80xi32, #tpu.memory_space<vmem>>)
      %dma_start3A_1765 = arith.constant 0 : i32
      %dma_start3A_1766 = arith.constant 0 : i32
      %dma_start3A_1767 = tpu.memref_slice %arg9[%select_n3A_1738, %dma_start3A_1766] : memref<5x80xi32, #tpu.memory_space<vmem>> -> memref<1x80xi32, #tpu.memory_space<vmem>>
      %dma_start3A_1768 = tpu.memref_squeeze %dma_start3A_1767 : memref<1x80xi32, #tpu.memory_space<vmem>> -> memref<80xi32, #tpu.memory_space<vmem>>
      %dma_start3A_1769 = arith.constant 0 : i32
      %dma_start3A_1770 = arith.constant 0 : i32
      %dma_start3A_1771 = tpu.memref_slice %arg2[%dma_start3A_1769, %dma_start3A_1770] : memref<10000x128xf32, #tpu.memory_space<hbm>> -> memref<10000x128xf32, #tpu.memory_space<hbm>>
      %dma_start3A_1772 = tpu.memref_slice %arg22[%dma_start3A_1765] : memref<2x!tpu.dma_semaphore, #tpu.memory_space<semaphore_mem>> -> memref<1x!tpu.dma_semaphore, #tpu.memory_space<semaphore_mem>>
      %dma_start3A_1773 = tpu.memref_squeeze %dma_start3A_1772 : memref<1x!tpu.dma_semaphore, #tpu.memory_space<semaphore_mem>> -> memref<!tpu.dma_semaphore, #tpu.memory_space<semaphore_mem>>
      tpu.enqueue_indirect_dma source(%dma_start3A_1771 : memref<10000x128xf32, #tpu.memory_space<hbm>>) target(%arg12 : memref<80x128xf32, #tpu.memory_space<vmem>>) offsets(%dma_start3A_1768 : memref<80xi32, #tpu.memory_space<vmem>>) semaphore(%dma_start3A_1773 : memref<!tpu.dma_semaphore, #tpu.memory_space<semaphore_mem>>)
      %dma_start3A_1774 = arith.constant 0 : i32
      %dma_start3A_1775 = arith.constant 0 : i32
      %dma_start3A_1776 = arith.constant 0 : i32
      %dma_start3A_1777 = tpu.memref_slice %arg10[%dma_start3A_1774, %dma_start3A_1776] : memref<2x80xf32, #tpu.memory_space<vmem>> -> memref<1x80xf32, #tpu.memory_space<vmem>>
      %dma_start3A_1778 = tpu.memref_squeeze %dma_start3A_1777 : memref<1x80xf32, #tpu.memory_space<vmem>> -> memref<80xf32, #tpu.memory_space<vmem>>
      %dma_start3A_1779 = arith.constant 0 : i32
      %dma_start3A_1780 = tpu.memref_slice %arg8[%select_n3A_1738, %dma_start3A_1779] : memref<5x80xi32, #tpu.memory_space<vmem>> -> memref<1x80xi32, #tpu.memory_space<vmem>>
      %dma_start3A_1781 = tpu.memref_squeeze %dma_start3A_1780 : memref<1x80xi32, #tpu.memory_space<vmem>> -> memref<80xi32, #tpu.memory_space<vmem>>
      %dma_start3A_1782 = arith.constant 0 : i32
      %dma_start3A_1783 = tpu.memref_slice %arg17[%dma_start3A_1782] : memref<10000xf32, #tpu.memory_space<vmem_shared>> -> memref<10000xf32, #tpu.memory_space<vmem_shared>>
      %dma_start3A_1784 = tpu.memref_slice %arg23[%dma_start3A_1775] : memref<2x!tpu.dma_semaphore, #tpu.memory_space<semaphore_mem>> -> memref<1x!tpu.dma_semaphore, #tpu.memory_space<semaphore_mem>>
      %dma_start3A_1785 = tpu.memref_squeeze %dma_start3A_1784 : memref<1x!tpu.dma_semaphore, #tpu.memory_space<semaphore_mem>> -> memref<!tpu.dma_semaphore, #tpu.memory_space<semaphore_mem>>
      tpu.enqueue_indirect_dma source(%dma_start3A_1783 : memref<10000xf32, #tpu.memory_space<vmem_shared>>) target(%dma_start3A_1778 : memref<80xf32, #tpu.memory_space<vmem>>) offsets(%dma_start3A_1781 : memref<80xi32, #tpu.memory_space<vmem>>) semaphore(%dma_start3A_1785 : memref<!tpu.dma_semaphore, #tpu.memory_space<semaphore_mem>>)
      %dma_start3A_1786 = arith.constant 0 : i32
      %dma_start3A_1787 = arith.constant 0 : i32
      %dma_start3A_1788 = arith.constant 0 : i32
      %dma_start3A_1789 = tpu.memref_slice %arg11[%dma_start3A_1786, %dma_start3A_1788] : memref<2x80xf32, #tpu.memory_space<vmem>> -> memref<1x80xf32, #tpu.memory_space<vmem>>
      %dma_start3A_1790 = tpu.memref_squeeze %dma_start3A_1789 : memref<1x80xf32, #tpu.memory_space<vmem>> -> memref<80xf32, #tpu.memory_space<vmem>>
      %dma_start3A_1791 = arith.constant 0 : i32
      %dma_start3A_1792 = tpu.memref_slice %arg9[%select_n3A_1738, %dma_start3A_1791] : memref<5x80xi32, #tpu.memory_space<vmem>> -> memref<1x80xi32, #tpu.memory_space<vmem>>
      %dma_start3A_1793 = tpu.memref_squeeze %dma_start3A_1792 : memref<1x80xi32, #tpu.memory_space<vmem>> -> memref<80xi32, #tpu.memory_space<vmem>>
      %dma_start3A_1794 = arith.constant 0 : i32
      %dma_start3A_1795 = tpu.memref_slice %arg18[%dma_start3A_1794] : memref<10000xf32, #tpu.memory_space<vmem_shared>> -> memref<10000xf32, #tpu.memory_space<vmem_shared>>
      %dma_start3A_1796 = tpu.memref_slice %arg24[%dma_start3A_1787] : memref<2x!tpu.dma_semaphore, #tpu.memory_space<semaphore_mem>> -> memref<1x!tpu.dma_semaphore, #tpu.memory_space<semaphore_mem>>
      %dma_start3A_1797 = tpu.memref_squeeze %dma_start3A_1796 : memref<1x!tpu.dma_semaphore, #tpu.memory_space<semaphore_mem>> -> memref<!tpu.dma_semaphore, #tpu.memory_space<semaphore_mem>>
      tpu.enqueue_indirect_dma source(%dma_start3A_1795 : memref<10000xf32, #tpu.memory_space<vmem_shared>>) target(%dma_start3A_1790 : memref<80xf32, #tpu.memory_space<vmem>>) offsets(%dma_start3A_1793 : memref<80xi32, #tpu.memory_space<vmem>>) semaphore(%dma_start3A_1797 : memref<!tpu.dma_semaphore, #tpu.memory_space<semaphore_mem>>)
      %jit3A_1798 = arith.constant 5 : i32
      %eq3A_1799 = arith.constant 0 : i32
      %eq3A_1800 = arith.cmpi eq, %jit3A_1798, %eq3A_1799 : i32
      %jit3A_1801 = arith.constant 1 : i32
      %select_n3A_1802 = arith.select %eq3A_1800, %jit3A_1801, %jit3A_1798 : i32
      %rem3A_1803 = arith.remsi %add3A_1364, %select_n3A_1802 : i32
      %ne3A_1804 = arith.constant 0 : i32
      %ne3A_1805 = arith.cmpi ne, %rem3A_1803, %ne3A_1804 : i32
      %lt3A_1806 = arith.constant 0 : i32
      %lt3A_1807 = arith.cmpi slt, %rem3A_1803, %lt3A_1806 : i32
      %lt3A_1808 = arith.constant 0 : i32
      %lt3A_1809 = arith.cmpi slt, %select_n3A_1802, %lt3A_1808 : i32
      %ne3A_1810 = arith.xori %lt3A_1807, %lt3A_1809 : i1
      %and3A_1811 = arith.andi %ne3A_1810, %ne3A_1805 : i1
      %add3A_1812 = arith.addi %rem3A_1803, %select_n3A_1802 : i32
      %select_n3A_1813 = arith.select %and3A_1811, %add3A_1812, %rem3A_1803 : i32
      %dma_wait3A_1814 = arith.constant 1 : i32
      %dma_wait3A_1815 = arith.constant 1 : i32
      %dma_wait3A_1816 = arith.constant 0 : i32
      %dma_wait3A_1817 = tpu.memref_slice %arg10[%dma_wait3A_1814, %dma_wait3A_1816] : memref<2x80xf32, #tpu.memory_space<vmem>> -> memref<1x80xf32, #tpu.memory_space<vmem>>
      %dma_wait3A_1818 = tpu.memref_squeeze %dma_wait3A_1817 : memref<1x80xf32, #tpu.memory_space<vmem>> -> memref<80xf32, #tpu.memory_space<vmem>>
      %dma_wait3A_1819 = arith.constant 0 : i32
      %dma_wait3A_1820 = tpu.memref_slice %arg8[%select_n3A_1813, %dma_wait3A_1819] : memref<5x80xi32, #tpu.memory_space<vmem>> -> memref<1x80xi32, #tpu.memory_space<vmem>>
      %dma_wait3A_1821 = tpu.memref_squeeze %dma_wait3A_1820 : memref<1x80xi32, #tpu.memory_space<vmem>> -> memref<80xi32, #tpu.memory_space<vmem>>
      %dma_wait3A_1822 = arith.constant 0 : i32
      %dma_wait3A_1823 = tpu.memref_slice %arg17[%dma_wait3A_1822] : memref<10000xf32, #tpu.memory_space<vmem_shared>> -> memref<10000xf32, #tpu.memory_space<vmem_shared>>
      %dma_wait3A_1824 = tpu.memref_slice %arg23[%dma_wait3A_1815] : memref<2x!tpu.dma_semaphore, #tpu.memory_space<semaphore_mem>> -> memref<1x!tpu.dma_semaphore, #tpu.memory_space<semaphore_mem>>
      %dma_wait3A_1825 = tpu.memref_squeeze %dma_wait3A_1824 : memref<1x!tpu.dma_semaphore, #tpu.memory_space<semaphore_mem>> -> memref<!tpu.dma_semaphore, #tpu.memory_space<semaphore_mem>>
      tpu.wait_indirect_dma semaphore(%dma_wait3A_1825 : memref<!tpu.dma_semaphore, #tpu.memory_space<semaphore_mem>>) src(%dma_wait3A_1823 : memref<10000xf32, #tpu.memory_space<vmem_shared>>) dst(%dma_wait3A_1818 : memref<80xf32, #tpu.memory_space<vmem>>)
      %dma_wait3A_1826 = arith.constant 1 : i32
      %dma_wait3A_1827 = arith.constant 1 : i32
      %dma_wait3A_1828 = arith.constant 0 : i32
      %dma_wait3A_1829 = tpu.memref_slice %arg11[%dma_wait3A_1826, %dma_wait3A_1828] : memref<2x80xf32, #tpu.memory_space<vmem>> -> memref<1x80xf32, #tpu.memory_space<vmem>>
      %dma_wait3A_1830 = tpu.memref_squeeze %dma_wait3A_1829 : memref<1x80xf32, #tpu.memory_space<vmem>> -> memref<80xf32, #tpu.memory_space<vmem>>
      %dma_wait3A_1831 = arith.constant 0 : i32
      %dma_wait3A_1832 = tpu.memref_slice %arg9[%select_n3A_1813, %dma_wait3A_1831] : memref<5x80xi32, #tpu.memory_space<vmem>> -> memref<1x80xi32, #tpu.memory_space<vmem>>
      %dma_wait3A_1833 = tpu.memref_squeeze %dma_wait3A_1832 : memref<1x80xi32, #tpu.memory_space<vmem>> -> memref<80xi32, #tpu.memory_space<vmem>>
      %dma_wait3A_1834 = arith.constant 0 : i32
      %dma_wait3A_1835 = tpu.memref_slice %arg18[%dma_wait3A_1834] : memref<10000xf32, #tpu.memory_space<vmem_shared>> -> memref<10000xf32, #tpu.memory_space<vmem_shared>>
      %dma_wait3A_1836 = tpu.memref_slice %arg24[%dma_wait3A_1827] : memref<2x!tpu.dma_semaphore, #tpu.memory_space<semaphore_mem>> -> memref<1x!tpu.dma_semaphore, #tpu.memory_space<semaphore_mem>>
      %dma_wait3A_1837 = tpu.memref_squeeze %dma_wait3A_1836 : memref<1x!tpu.dma_semaphore, #tpu.memory_space<semaphore_mem>> -> memref<!tpu.dma_semaphore, #tpu.memory_space<semaphore_mem>>
      tpu.wait_indirect_dma semaphore(%dma_wait3A_1837 : memref<!tpu.dma_semaphore, #tpu.memory_space<semaphore_mem>>) src(%dma_wait3A_1835 : memref<10000xf32, #tpu.memory_space<vmem_shared>>) dst(%dma_wait3A_1830 : memref<80xf32, #tpu.memory_space<vmem>>)
      %get3A_1838 = arith.constant 1 : i32
      %get3A_1839 = arith.index_cast %get3A_1838 : i32 to index
      %get3A_1840 = arith.constant 0 : index
      %get3A_1841 = tpu.vector_load %arg10[%get3A_1839, %get3A_1840] {strides = array<i32>} : memref<2x80xf32, #tpu.memory_space<vmem>>, vector<16xf32>,
      %get3A_1842 = arith.constant 1 : i32
      %get3A_1843 = arith.index_cast %get3A_1842 : i32 to index
      %get3A_1844 = arith.constant 0 : index
      %get3A_1845 = tpu.vector_load %arg11[%get3A_1843, %get3A_1844] {strides = array<i32>} : memref<2x80xf32, #tpu.memory_space<vmem>>, vector<16xf32>,
      %add3A_1846 = arith.addf %get3A_1841, %get3A_1845 : vector<16xf32>
      %neg3A_1847 = arith.constant 0.000000e+00 : f32
      %neg3A_1848 = vector.broadcast %neg3A_1847 : f32 to vector<16xf32>
      %neg3A_1849 = arith.subf %neg3A_1848, %add3A_1846 : vector<16xf32>
      %exp3A_1850 = math.exp %neg3A_1849 : vector<16xf32>
      %add3A_1851 = arith.constant 1.000000e+00 : f32
      %add3A_1852 = vector.broadcast %add3A_1851 : f32 to vector<16xf32>
      %add3A_1853 = arith.addf %add3A_1852, %exp3A_1850 : vector<16xf32>
      %div3A_1854 = arith.constant 1.000000e+00 : f32
      %div3A_1855 = vector.broadcast %div3A_1854 : f32 to vector<16xf32>
      %div3A_1856 = arith.divf %div3A_1855, %add3A_1853 : vector<16xf32>
      %swap3A_1857 = arith.constant 0 : index
      %swap3A_1858 = tpu.vector_load %arg16[%swap3A_1857] {strides = array<i32>} : memref<80xf32, #tpu.memory_space<vmem>>, vector<16xf32>,
      tpu.vector_store %arg16[%swap3A_1857], %div3A_1856 {strides = array<i32>} : memref<80xf32, #tpu.memory_space<vmem>>, vector<16xf32>,
      %get3A_1859 = arith.constant 1 : i32
      %get3A_1860 = arith.index_cast %get3A_1859 : i32 to index
      %get3A_1861 = arith.constant 16 : index
      %get3A_1862 = tpu.vector_load %arg10[%get3A_1860, %get3A_1861] {strides = array<i32>} : memref<2x80xf32, #tpu.memory_space<vmem>>, vector<16xf32>,
      %get3A_1863 = arith.constant 1 : i32
      %get3A_1864 = arith.index_cast %get3A_1863 : i32 to index
      %get3A_1865 = arith.constant 16 : index
      %get3A_1866 = tpu.vector_load %arg11[%get3A_1864, %get3A_1865] {strides = array<i32>} : memref<2x80xf32, #tpu.memory_space<vmem>>, vector<16xf32>,
      %add3A_1867 = arith.addf %get3A_1862, %get3A_1866 : vector<16xf32>
      %neg3A_1868 = arith.constant 0.000000e+00 : f32
      %neg3A_1869 = vector.broadcast %neg3A_1868 : f32 to vector<16xf32>
      %neg3A_1870 = arith.subf %neg3A_1869, %add3A_1867 : vector<16xf32>
      %exp3A_1871 = math.exp %neg3A_1870 : vector<16xf32>
      %add3A_1872 = arith.constant 1.000000e+00 : f32
      %add3A_1873 = vector.broadcast %add3A_1872 : f32 to vector<16xf32>
      %add3A_1874 = arith.addf %add3A_1873, %exp3A_1871 : vector<16xf32>
      %div3A_1875 = arith.constant 1.000000e+00 : f32
      %div3A_1876 = vector.broadcast %div3A_1875 : f32 to vector<16xf32>
      %div3A_1877 = arith.divf %div3A_1876, %add3A_1874 : vector<16xf32>
      %swap3A_1878 = arith.constant 16 : index
      %swap3A_1879 = tpu.vector_load %arg16[%swap3A_1878] {strides = array<i32>} : memref<80xf32, #tpu.memory_space<vmem>>, vector<16xf32>,
      tpu.vector_store %arg16[%swap3A_1878], %div3A_1877 {strides = array<i32>} : memref<80xf32, #tpu.memory_space<vmem>>, vector<16xf32>,
      %get3A_1880 = arith.constant 1 : i32
      %get3A_1881 = arith.index_cast %get3A_1880 : i32 to index
      %get3A_1882 = arith.constant 32 : index
      %get3A_1883 = tpu.vector_load %arg10[%get3A_1881, %get3A_1882] {strides = array<i32>} : memref<2x80xf32, #tpu.memory_space<vmem>>, vector<16xf32>,
      %get3A_1884 = arith.constant 1 : i32
      %get3A_1885 = arith.index_cast %get3A_1884 : i32 to index
      %get3A_1886 = arith.constant 32 : index
      %get3A_1887 = tpu.vector_load %arg11[%get3A_1885, %get3A_1886] {strides = array<i32>} : memref<2x80xf32, #tpu.memory_space<vmem>>, vector<16xf32>,
      %add3A_1888 = arith.addf %get3A_1883, %get3A_1887 : vector<16xf32>
      %neg3A_1889 = arith.constant 0.000000e+00 : f32
      %neg3A_1890 = vector.broadcast %neg3A_1889 : f32 to vector<16xf32>
      %neg3A_1891 = arith.subf %neg3A_1890, %add3A_1888 : vector<16xf32>
      %exp3A_1892 = math.exp %neg3A_1891 : vector<16xf32>
      %add3A_1893 = arith.constant 1.000000e+00 : f32
      %add3A_1894 = vector.broadcast %add3A_1893 : f32 to vector<16xf32>
      %add3A_1895 = arith.addf %add3A_1894, %exp3A_1892 : vector<16xf32>
      %div3A_1896 = arith.constant 1.000000e+00 : f32
      %div3A_1897 = vector.broadcast %div3A_1896 : f32 to vector<16xf32>
      %div3A_1898 = arith.divf %div3A_1897, %add3A_1895 : vector<16xf32>
      %swap3A_1899 = arith.constant 32 : index
      %swap3A_1900 = tpu.vector_load %arg16[%swap3A_1899] {strides = array<i32>} : memref<80xf32, #tpu.memory_space<vmem>>, vector<16xf32>,
      tpu.vector_store %arg16[%swap3A_1899], %div3A_1898 {strides = array<i32>} : memref<80xf32, #tpu.memory_space<vmem>>, vector<16xf32>,
      %get3A_1901 = arith.constant 1 : i32
      %get3A_1902 = arith.index_cast %get3A_1901 : i32 to index
      %get3A_1903 = arith.constant 48 : index
      %get3A_1904 = tpu.vector_load %arg10[%get3A_1902, %get3A_1903] {strides = array<i32>} : memref<2x80xf32, #tpu.memory_space<vmem>>, vector<16xf32>,
      %get3A_1905 = arith.constant 1 : i32
      %get3A_1906 = arith.index_cast %get3A_1905 : i32 to index
      %get3A_1907 = arith.constant 48 : index
      %get3A_1908 = tpu.vector_load %arg11[%get3A_1906, %get3A_1907] {strides = array<i32>} : memref<2x80xf32, #tpu.memory_space<vmem>>, vector<16xf32>,
      %add3A_1909 = arith.addf %get3A_1904, %get3A_1908 : vector<16xf32>
      %neg3A_1910 = arith.constant 0.000000e+00 : f32
      %neg3A_1911 = vector.broadcast %neg3A_1910 : f32 to vector<16xf32>
      %neg3A_1912 = arith.subf %neg3A_1911, %add3A_1909 : vector<16xf32>
      %exp3A_1913 = math.exp %neg3A_1912 : vector<16xf32>
      %add3A_1914 = arith.constant 1.000000e+00 : f32
      %add3A_1915 = vector.broadcast %add3A_1914 : f32 to vector<16xf32>
      %add3A_1916 = arith.addf %add3A_1915, %exp3A_1913 : vector<16xf32>
      %div3A_1917 = arith.constant 1.000000e+00 : f32
      %div3A_1918 = vector.broadcast %div3A_1917 : f32 to vector<16xf32>
      %div3A_1919 = arith.divf %div3A_1918, %add3A_1916 : vector<16xf32>
      %swap3A_1920 = arith.constant 48 : index
      %swap3A_1921 = tpu.vector_load %arg16[%swap3A_1920] {strides = array<i32>} : memref<80xf32, #tpu.memory_space<vmem>>, vector<16xf32>,
      tpu.vector_store %arg16[%swap3A_1920], %div3A_1919 {strides = array<i32>} : memref<80xf32, #tpu.memory_space<vmem>>, vector<16xf32>,
      %get3A_1922 = arith.constant 1 : i32
      %get3A_1923 = arith.index_cast %get3A_1922 : i32 to index
      %get3A_1924 = arith.constant 64 : index
      %get3A_1925 = tpu.vector_load %arg10[%get3A_1923, %get3A_1924] {strides = array<i32>} : memref<2x80xf32, #tpu.memory_space<vmem>>, vector<16xf32>,
      %get3A_1926 = arith.constant 1 : i32
      %get3A_1927 = arith.index_cast %get3A_1926 : i32 to index
      %get3A_1928 = arith.constant 64 : index
      %get3A_1929 = tpu.vector_load %arg11[%get3A_1927, %get3A_1928] {strides = array<i32>} : memref<2x80xf32, #tpu.memory_space<vmem>>, vector<16xf32>,
      %add3A_1930 = arith.addf %get3A_1925, %get3A_1929 : vector<16xf32>
      %neg3A_1931 = arith.constant 0.000000e+00 : f32
      %neg3A_1932 = vector.broadcast %neg3A_1931 : f32 to vector<16xf32>
      %neg3A_1933 = arith.subf %neg3A_1932, %add3A_1930 : vector<16xf32>
      %exp3A_1934 = math.exp %neg3A_1933 : vector<16xf32>
      %add3A_1935 = arith.constant 1.000000e+00 : f32
      %add3A_1936 = vector.broadcast %add3A_1935 : f32 to vector<16xf32>
      %add3A_1937 = arith.addf %add3A_1936, %exp3A_1934 : vector<16xf32>
      %div3A_1938 = arith.constant 1.000000e+00 : f32
      %div3A_1939 = vector.broadcast %div3A_1938 : f32 to vector<16xf32>
      %div3A_1940 = arith.divf %div3A_1939, %add3A_1937 : vector<16xf32>
      %swap3A_1941 = arith.constant 64 : index
      %swap3A_1942 = tpu.vector_load %arg16[%swap3A_1941] {strides = array<i32>} : memref<80xf32, #tpu.memory_space<vmem>>, vector<16xf32>,
      tpu.vector_store %arg16[%swap3A_1941], %div3A_1940 {strides = array<i32>} : memref<80xf32, #tpu.memory_space<vmem>>, vector<16xf32>,
      %dma_wait3A_1943 = arith.constant 1 : i32
      %dma_wait3A_1944 = arith.constant 0 : i32
      %dma_wait3A_1945 = tpu.memref_slice %arg9[%select_n3A_1813, %dma_wait3A_1944] : memref<5x80xi32, #tpu.memory_space<vmem>> -> memref<1x80xi32, #tpu.memory_space<vmem>>
      %dma_wait3A_1946 = tpu.memref_squeeze %dma_wait3A_1945 : memref<1x80xi32, #tpu.memory_space<vmem>> -> memref<80xi32, #tpu.memory_space<vmem>>
      %dma_wait3A_1947 = arith.constant 0 : i32
      %dma_wait3A_1948 = arith.constant 0 : i32
      %dma_wait3A_1949 = tpu.memref_slice %arg2[%dma_wait3A_1947, %dma_wait3A_1948] : memref<10000x128xf32, #tpu.memory_space<hbm>> -> memref<10000x128xf32, #tpu.memory_space<hbm>>
      %dma_wait3A_1950 = tpu.memref_slice %arg22[%dma_wait3A_1943] : memref<2x!tpu.dma_semaphore, #tpu.memory_space<semaphore_mem>> -> memref<1x!tpu.dma_semaphore, #tpu.memory_space<semaphore_mem>>
      %dma_wait3A_1951 = tpu.memref_squeeze %dma_wait3A_1950 : memref<1x!tpu.dma_semaphore, #tpu.memory_space<semaphore_mem>> -> memref<!tpu.dma_semaphore, #tpu.memory_space<semaphore_mem>>
      tpu.wait_indirect_dma semaphore(%dma_wait3A_1951 : memref<!tpu.dma_semaphore, #tpu.memory_space<semaphore_mem>>) src(%dma_wait3A_1949 : memref<10000x128xf32, #tpu.memory_space<hbm>>) dst(%arg13 : memref<80x128xf32, #tpu.memory_space<vmem>>)
      %sub3A_1952 = arith.constant 2 : i32
      %sub3A_1953 = arith.subi %add3A_1364, %sub3A_1952 : i32
      %jit3A_1954 = arith.constant 5 : i32
      %eq3A_1955 = arith.constant 0 : i32
      %eq3A_1956 = arith.cmpi eq, %jit3A_1954, %eq3A_1955 : i32
      %jit3A_1957 = arith.constant 1 : i32
      %select_n3A_1958 = arith.select %eq3A_1956, %jit3A_1957, %jit3A_1954 : i32
      %rem3A_1959 = arith.remsi %sub3A_1953, %select_n3A_1958 : i32
      %ne3A_1960 = arith.constant 0 : i32
      %ne3A_1961 = arith.cmpi ne, %rem3A_1959, %ne3A_1960 : i32
      %lt3A_1962 = arith.constant 0 : i32
      %lt3A_1963 = arith.cmpi slt, %rem3A_1959, %lt3A_1962 : i32
      %lt3A_1964 = arith.constant 0 : i32
      %lt3A_1965 = arith.cmpi slt, %select_n3A_1958, %lt3A_1964 : i32
      %ne3A_1966 = arith.xori %lt3A_1963, %lt3A_1965 : i1
      %and3A_1967 = arith.andi %ne3A_1966, %ne3A_1961 : i1
      %add3A_1968 = arith.addi %rem3A_1959, %select_n3A_1958 : i32
      %select_n3A_1969 = arith.select %and3A_1967, %add3A_1968, %rem3A_1959 : i32
      %dma_wait3A_1970 = arith.constant 1 : i32
      %dma_wait3A_1971 = arith.constant 0 : i32
      %dma_wait3A_1972 = tpu.memref_slice %arg8[%select_n3A_1969, %dma_wait3A_1971] : memref<5x80xi32, #tpu.memory_space<vmem>> -> memref<1x80xi32, #tpu.memory_space<vmem>>
      %dma_wait3A_1973 = tpu.memref_squeeze %dma_wait3A_1972 : memref<1x80xi32, #tpu.memory_space<vmem>> -> memref<80xi32, #tpu.memory_space<vmem>>
      %dma_wait3A_1974 = arith.constant 0 : i32
      %dma_wait3A_1975 = arith.constant 0 : i32
      %dma_wait3A_1976 = tpu.memref_slice %arg19[%dma_wait3A_1974, %dma_wait3A_1975] : memref<10000x128xf32, #tpu.memory_space<vmem_shared>> -> memref<10000x128xf32, #tpu.memory_space<vmem_shared>>
      %dma_wait3A_1977 = tpu.memref_slice %arg25[%dma_wait3A_1970] : memref<2x!tpu.dma_semaphore, #tpu.memory_space<semaphore_mem>> -> memref<1x!tpu.dma_semaphore, #tpu.memory_space<semaphore_mem>>
      %dma_wait3A_1978 = tpu.memref_squeeze %dma_wait3A_1977 : memref<1x!tpu.dma_semaphore, #tpu.memory_space<semaphore_mem>> -> memref<!tpu.dma_semaphore, #tpu.memory_space<semaphore_mem>>
      tpu.wait_indirect_dma semaphore(%dma_wait3A_1978 : memref<!tpu.dma_semaphore, #tpu.memory_space<semaphore_mem>>) src(%arg15 : memref<80x128xf32, #tpu.memory_space<vmem>>) dst(%dma_wait3A_1976 : memref<10000x128xf32, #tpu.memory_space<vmem_shared>>)
      %parallel_loop3A_1979 = arith.constant 0 : i32
      %parallel_loop3A_1980 = arith.constant 80 : i32
      %parallel_loop3A_1981 = arith.constant 1 : i32
      scf.for %parallel_loop3A_1991 = %parallel_loop3A_1979 to %parallel_loop3A_1980 step %parallel_loop3A_1981  : i32 {
        %parallel_loop3A_1992 = vector.broadcast %parallel_loop3A_1991 : i32 to vector<16xi32>
        %parallel_loop3A_1993 = tpu.vector_load_idx %arg16[%parallel_loop3A_1992] : memref<80xf32, #tpu.memory_space<vmem>>[vector<16xi32>], vector<16xf32>,
        %parallel_loop3A_1994 = arith.index_cast %parallel_loop3A_1991 : i32 to index
        %parallel_loop3A_1995 = arith.constant 0 : index
        %parallel_loop3A_1996 = tpu.vector_load %arg13[%parallel_loop3A_1994, %parallel_loop3A_1995] {strides = array<i32>} : memref<80x128xf32, #tpu.memory_space<vmem>>, vector<16xf32>,
        %parallel_loop3A_1997 = arith.mulf %parallel_loop3A_1996, %parallel_loop3A_1993 : vector<16xf32>
        %parallel_loop3A_1998 = arith.index_cast %parallel_loop3A_1991 : i32 to index
        %parallel_loop3A_1999 = arith.constant 0 : index
        %parallel_loop3A_2000 = tpu.vector_load %arg15[%parallel_loop3A_1998, %parallel_loop3A_1999] {strides = array<i32>} : memref<80x128xf32, #tpu.memory_space<vmem>>, vector<16xf32>,
        tpu.vector_store %arg15[%parallel_loop3A_1998, %parallel_loop3A_1999], %parallel_loop3A_1997 {strides = array<i32>} : memref<80x128xf32, #tpu.memory_space<vmem>>, vector<16xf32>,
        %parallel_loop3A_2001 = arith.index_cast %parallel_loop3A_1991 : i32 to index
        %parallel_loop3A_2002 = arith.constant 16 : index
        %parallel_loop3A_2003 = tpu.vector_load %arg13[%parallel_loop3A_2001, %parallel_loop3A_2002] {strides = array<i32>} : memref<80x128xf32, #tpu.memory_space<vmem>>, vector<16xf32>,
        %parallel_loop3A_2004 = arith.mulf %parallel_loop3A_2003, %parallel_loop3A_1993 : vector<16xf32>
        %parallel_loop3A_2005 = arith.index_cast %parallel_loop3A_1991 : i32 to index
        %parallel_loop3A_2006 = arith.constant 16 : index
        %parallel_loop3A_2007 = tpu.vector_load %arg15[%parallel_loop3A_2005, %parallel_loop3A_2006] {strides = array<i32>} : memref<80x128xf32, #tpu.memory_space<vmem>>, vector<16xf32>,
        tpu.vector_store %arg15[%parallel_loop3A_2005, %parallel_loop3A_2006], %parallel_loop3A_2004 {strides = array<i32>} : memref<80x128xf32, #tpu.memory_space<vmem>>, vector<16xf32>,
        %parallel_loop3A_2008 = arith.index_cast %parallel_loop3A_1991 : i32 to index
        %parallel_loop3A_2009 = arith.constant 32 : index
        %parallel_loop3A_2010 = tpu.vector_load %arg13[%parallel_loop3A_2008, %parallel_loop3A_2009] {strides = array<i32>} : memref<80x128xf32, #tpu.memory_space<vmem>>, vector<16xf32>,
        %parallel_loop3A_2011 = arith.mulf %parallel_loop3A_2010, %parallel_loop3A_1993 : vector<16xf32>
        %parallel_loop3A_2012 = arith.index_cast %parallel_loop3A_1991 : i32 to index
        %parallel_loop3A_2013 = arith.constant 32 : index
        %parallel_loop3A_2014 = tpu.vector_load %arg15[%parallel_loop3A_2012, %parallel_loop3A_2013] {strides = array<i32>} : memref<80x128xf32, #tpu.memory_space<vmem>>, vector<16xf32>,
        tpu.vector_store %arg15[%parallel_loop3A_2012, %parallel_loop3A_2013], %parallel_loop3A_2011 {strides = array<i32>} : memref<80x128xf32, #tpu.memory_space<vmem>>, vector<16xf32>,
        %parallel_loop3A_2015 = arith.index_cast %parallel_loop3A_1991 : i32 to index
        %parallel_loop3A_2016 = arith.constant 48 : index
        %parallel_loop3A_2017 = tpu.vector_load %arg13[%parallel_loop3A_2015, %parallel_loop3A_2016] {strides = array<i32>} : memref<80x128xf32, #tpu.memory_space<vmem>>, vector<16xf32>,
        %parallel_loop3A_2018 = arith.mulf %parallel_loop3A_2017, %parallel_loop3A_1993 : vector<16xf32>
        %parallel_loop3A_2019 = arith.index_cast %parallel_loop3A_1991 : i32 to index
        %parallel_loop3A_2020 = arith.constant 48 : index
        %parallel_loop3A_2021 = tpu.vector_load %arg15[%parallel_loop3A_2019, %parallel_loop3A_2020] {strides = array<i32>} : memref<80x128xf32, #tpu.memory_space<vmem>>, vector<16xf32>,
        tpu.vector_store %arg15[%parallel_loop3A_2019, %parallel_loop3A_2020], %parallel_loop3A_2018 {strides = array<i32>} : memref<80x128xf32, #tpu.memory_space<vmem>>, vector<16xf32>,
        %parallel_loop3A_2022 = arith.index_cast %parallel_loop3A_1991 : i32 to index
        %parallel_loop3A_2023 = arith.constant 64 : index
        %parallel_loop3A_2024 = tpu.vector_load %arg13[%parallel_loop3A_2022, %parallel_loop3A_2023] {strides = array<i32>} : memref<80x128xf32, #tpu.memory_space<vmem>>, vector<16xf32>,
        %parallel_loop3A_2025 = arith.mulf %parallel_loop3A_2024, %parallel_loop3A_1993 : vector<16xf32>
        %parallel_loop3A_2026 = arith.index_cast %parallel_loop3A_1991 : i32 to index
        %parallel_loop3A_2027 = arith.constant 64 : index
        %parallel_loop3A_2028 = tpu.vector_load %arg15[%parallel_loop3A_2026, %parallel_loop3A_2027] {strides = array<i32>} : memref<80x128xf32, #tpu.memory_space<vmem>>, vector<16xf32>,
        tpu.vector_store %arg15[%parallel_loop3A_2026, %parallel_loop3A_2027], %parallel_loop3A_2025 {strides = array<i32>} : memref<80x128xf32, #tpu.memory_space<vmem>>, vector<16xf32>,
        %parallel_loop3A_2029 = arith.index_cast %parallel_loop3A_1991 : i32 to index
        %parallel_loop3A_2030 = arith.constant 80 : index
        %parallel_loop3A_2031 = tpu.vector_load %arg13[%parallel_loop3A_2029, %parallel_loop3A_2030] {strides = array<i32>} : memref<80x128xf32, #tpu.memory_space<vmem>>, vector<16xf32>,
        %parallel_loop3A_2032 = arith.mulf %parallel_loop3A_2031, %parallel_loop3A_1993 : vector<16xf32>
        %parallel_loop3A_2033 = arith.index_cast %parallel_loop3A_1991 : i32 to index
        %parallel_loop3A_2034 = arith.constant 80 : index
        %parallel_loop3A_2035 = tpu.vector_load %arg15[%parallel_loop3A_2033, %parallel_loop3A_2034] {strides = array<i32>} : memref<80x128xf32, #tpu.memory_space<vmem>>, vector<16xf32>,
        tpu.vector_store %arg15[%parallel_loop3A_2033, %parallel_loop3A_2034], %parallel_loop3A_2032 {strides = array<i32>} : memref<80x128xf32, #tpu.memory_space<vmem>>, vector<16xf32>,
        %parallel_loop3A_2036 = arith.index_cast %parallel_loop3A_1991 : i32 to index
        %parallel_loop3A_2037 = arith.constant 96 : index
        %parallel_loop3A_2038 = tpu.vector_load %arg13[%parallel_loop3A_2036, %parallel_loop3A_2037] {strides = array<i32>} : memref<80x128xf32, #tpu.memory_space<vmem>>, vector<16xf32>,
        %parallel_loop3A_2039 = arith.mulf %parallel_loop3A_2038, %parallel_loop3A_1993 : vector<16xf32>
        %parallel_loop3A_2040 = arith.index_cast %parallel_loop3A_1991 : i32 to index
        %parallel_loop3A_2041 = arith.constant 96 : index
        %parallel_loop3A_2042 = tpu.vector_load %arg15[%parallel_loop3A_2040, %parallel_loop3A_2041] {strides = array<i32>} : memref<80x128xf32, #tpu.memory_space<vmem>>, vector<16xf32>,
        tpu.vector_store %arg15[%parallel_loop3A_2040, %parallel_loop3A_2041], %parallel_loop3A_2039 {strides = array<i32>} : memref<80x128xf32, #tpu.memory_space<vmem>>, vector<16xf32>,
        %parallel_loop3A_2043 = arith.index_cast %parallel_loop3A_1991 : i32 to index
        %parallel_loop3A_2044 = arith.constant 112 : index
        %parallel_loop3A_2045 = tpu.vector_load %arg13[%parallel_loop3A_2043, %parallel_loop3A_2044] {strides = array<i32>} : memref<80x128xf32, #tpu.memory_space<vmem>>, vector<16xf32>,
        %parallel_loop3A_2046 = arith.mulf %parallel_loop3A_2045, %parallel_loop3A_1993 : vector<16xf32>
        %parallel_loop3A_2047 = arith.index_cast %parallel_loop3A_1991 : i32 to index
        %parallel_loop3A_2048 = arith.constant 112 : index
        %parallel_loop3A_2049 = tpu.vector_load %arg15[%parallel_loop3A_2047, %parallel_loop3A_2048] {strides = array<i32>} : memref<80x128xf32, #tpu.memory_space<vmem>>, vector<16xf32>,
        tpu.vector_store %arg15[%parallel_loop3A_2047, %parallel_loop3A_2048], %parallel_loop3A_2046 {strides = array<i32>} : memref<80x128xf32, #tpu.memory_space<vmem>>, vector<16xf32>,
      } {sc.loop_unroll_factor = 4 : i64, sc.parallel_access}
      %dma_start3A_1982 = arith.constant 1 : i32
      %dma_start3A_1983 = arith.constant 0 : i32
      %dma_start3A_1984 = tpu.memref_slice %arg8[%select_n3A_1813, %dma_start3A_1983] : memref<5x80xi32, #tpu.memory_space<vmem>> -> memref<1x80xi32, #tpu.memory_space<vmem>>
      %dma_start3A_1985 = tpu.memref_squeeze %dma_start3A_1984 : memref<1x80xi32, #tpu.memory_space<vmem>> -> memref<80xi32, #tpu.memory_space<vmem>>
      %dma_start3A_1986 = arith.constant 0 : i32
      %dma_start3A_1987 = arith.constant 0 : i32
      %dma_start3A_1988 = tpu.memref_slice %arg19[%dma_start3A_1986, %dma_start3A_1987] : memref<10000x128xf32, #tpu.memory_space<vmem_shared>> -> memref<10000x128xf32, #tpu.memory_space<vmem_shared>>
      %dma_start3A_1989 = tpu.memref_slice %arg25[%dma_start3A_1982] : memref<2x!tpu.dma_semaphore, #tpu.memory_space<semaphore_mem>> -> memref<1x!tpu.dma_semaphore, #tpu.memory_space<semaphore_mem>>
      %dma_start3A_1990 = tpu.memref_squeeze %dma_start3A_1989 : memref<1x!tpu.dma_semaphore, #tpu.memory_space<semaphore_mem>> -> memref<!tpu.dma_semaphore, #tpu.memory_space<semaphore_mem>>
      tpu.enqueue_indirect_dma source(%arg15 : memref<80x128xf32, #tpu.memory_space<vmem>>) target(%dma_start3A_1988 : memref<10000x128xf32, #tpu.memory_space<vmem_shared>>) offsets(%dma_start3A_1985 : memref<80xi32, #tpu.memory_space<vmem>>) semaphore(%dma_start3A_1990 : memref<!tpu.dma_semaphore, #tpu.memory_space<semaphore_mem>>) {add = true}
    }
    %scan3A_670 = arith.constant 60 : i32
    %add3A_671 = arith.constant 9920 : i32
    %add3A_672 = arith.addi %mul3A_2, %add3A_671 : i32
    %dma_start3A_673 = arith.constant 4 : i32
    %dma_start3A_674 = arith.constant 4 : i32
    %dma_start3A_675 = arith.constant 0 : i32
    %dma_start3A_676 = tpu.memref_slice %arg8[%dma_start3A_673, %dma_start3A_675] : memref<5x80xi32, #tpu.memory_space<vmem>> -> memref<1x80xi32, #tpu.memory_space<vmem>>
    %dma_start3A_677 = tpu.memref_squeeze %dma_start3A_676 : memref<1x80xi32, #tpu.memory_space<vmem>> -> memref<80xi32, #tpu.memory_space<vmem>>
    %dma_start3A_678 = tpu.memref_slice %arg5[%add3A_672] : memref<320000xi32, #tpu.memory_space<hbm>> -> memref<80xi32, #tpu.memory_space<hbm>>
    %dma_start3A_679 = tpu.memref_slice %arg20[%dma_start3A_674] : memref<5x!tpu.dma_semaphore, #tpu.memory_space<semaphore_mem>> -> memref<1x!tpu.dma_semaphore, #tpu.memory_space<semaphore_mem>>
    %dma_start3A_680 = tpu.memref_squeeze %dma_start3A_679 : memref<1x!tpu.dma_semaphore, #tpu.memory_space<semaphore_mem>> -> memref<!tpu.dma_semaphore, #tpu.memory_space<semaphore_mem>>
    %dma_start3A_681 = arith.constant 0 : i32
    %dma_start3A_682 = tpu.memref_slice %arg8[%dma_start3A_673, %dma_start3A_681] : memref<5x80xi32, #tpu.memory_space<vmem>> -> memref<1x80xi32, #tpu.memory_space<vmem>>
    %dma_start3A_683 = tpu.memref_squeeze %dma_start3A_682 : memref<1x80xi32, #tpu.memory_space<vmem>> -> memref<80xi32, #tpu.memory_space<vmem>>
    %dma_start3A_684 = tpu.memref_slice %arg5[%add3A_672] : memref<320000xi32, #tpu.memory_space<hbm>> -> memref<80xi32, #tpu.memory_space<hbm>>
    tpu.enqueue_dma source(%dma_start3A_684 : memref<80xi32, #tpu.memory_space<hbm>>) target(%dma_start3A_683 : memref<80xi32, #tpu.memory_space<vmem>>) target_semaphore(%dma_start3A_680 : memref<!tpu.dma_semaphore, #tpu.memory_space<semaphore_mem>>)
    %add3A_685 = arith.constant 9920 : i32
    %add3A_686 = arith.addi %mul3A_2, %add3A_685 : i32
    %dma_start3A_687 = arith.constant 4 : i32
    %dma_start3A_688 = arith.constant 4 : i32
    %dma_start3A_689 = arith.constant 0 : i32
    %dma_start3A_690 = tpu.memref_slice %arg9[%dma_start3A_687, %dma_start3A_689] : memref<5x80xi32, #tpu.memory_space<vmem>> -> memref<1x80xi32, #tpu.memory_space<vmem>>
    %dma_start3A_691 = tpu.memref_squeeze %dma_start3A_690 : memref<1x80xi32, #tpu.memory_space<vmem>> -> memref<80xi32, #tpu.memory_space<vmem>>
    %dma_start3A_692 = tpu.memref_slice %arg6[%add3A_686] : memref<320000xi32, #tpu.memory_space<hbm>> -> memref<80xi32, #tpu.memory_space<hbm>>
    %dma_start3A_693 = tpu.memref_slice %arg21[%dma_start3A_688] : memref<5x!tpu.dma_semaphore, #tpu.memory_space<semaphore_mem>> -> memref<1x!tpu.dma_semaphore, #tpu.memory_space<semaphore_mem>>
    %dma_start3A_694 = tpu.memref_squeeze %dma_start3A_693 : memref<1x!tpu.dma_semaphore, #tpu.memory_space<semaphore_mem>> -> memref<!tpu.dma_semaphore, #tpu.memory_space<semaphore_mem>>
    %dma_start3A_695 = arith.constant 0 : i32
    %dma_start3A_696 = tpu.memref_slice %arg9[%dma_start3A_687, %dma_start3A_695] : memref<5x80xi32, #tpu.memory_space<vmem>> -> memref<1x80xi32, #tpu.memory_space<vmem>>
    %dma_start3A_697 = tpu.memref_squeeze %dma_start3A_696 : memref<1x80xi32, #tpu.memory_space<vmem>> -> memref<80xi32, #tpu.memory_space<vmem>>
    %dma_start3A_698 = tpu.memref_slice %arg6[%add3A_686] : memref<320000xi32, #tpu.memory_space<hbm>> -> memref<80xi32, #tpu.memory_space<hbm>>
    tpu.enqueue_dma source(%dma_start3A_698 : memref<80xi32, #tpu.memory_space<hbm>>) target(%dma_start3A_697 : memref<80xi32, #tpu.memory_space<vmem>>) target_semaphore(%dma_start3A_694 : memref<!tpu.dma_semaphore, #tpu.memory_space<semaphore_mem>>)
    %add3A_699 = arith.constant 9840 : i32
    %add3A_700 = arith.addi %mul3A_2, %add3A_699 : i32
    %dma_wait3A_701 = arith.constant 3 : i32
    %dma_wait3A_702 = arith.constant 3 : i32
    %dma_wait3A_703 = arith.constant 0 : i32
    %dma_wait3A_704 = tpu.memref_slice %arg8[%dma_wait3A_701, %dma_wait3A_703] : memref<5x80xi32, #tpu.memory_space<vmem>> -> memref<1x80xi32, #tpu.memory_space<vmem>>
    %dma_wait3A_705 = tpu.memref_squeeze %dma_wait3A_704 : memref<1x80xi32, #tpu.memory_space<vmem>> -> memref<80xi32, #tpu.memory_space<vmem>>
    %dma_wait3A_706 = tpu.memref_slice %arg5[%add3A_700] : memref<320000xi32, #tpu.memory_space<hbm>> -> memref<80xi32, #tpu.memory_space<hbm>>
    %dma_wait3A_707 = tpu.memref_slice %arg20[%dma_wait3A_702] : memref<5x!tpu.dma_semaphore, #tpu.memory_space<semaphore_mem>> -> memref<1x!tpu.dma_semaphore, #tpu.memory_space<semaphore_mem>>
    %dma_wait3A_708 = tpu.memref_squeeze %dma_wait3A_707 : memref<1x!tpu.dma_semaphore, #tpu.memory_space<semaphore_mem>> -> memref<!tpu.dma_semaphore, #tpu.memory_space<semaphore_mem>>
    %dma_wait3A_709 = arith.constant 0 : i32
    %dma_wait3A_710 = tpu.memref_slice %arg8[%dma_wait3A_701, %dma_wait3A_709] : memref<5x80xi32, #tpu.memory_space<vmem>> -> memref<1x80xi32, #tpu.memory_space<vmem>>
    %dma_wait3A_711 = tpu.memref_squeeze %dma_wait3A_710 : memref<1x80xi32, #tpu.memory_space<vmem>> -> memref<80xi32, #tpu.memory_space<vmem>>
    %dma_wait3A_712 = tpu.memref_slice %arg5[%add3A_700] : memref<320000xi32, #tpu.memory_space<hbm>> -> memref<80xi32, #tpu.memory_space<hbm>>
    tpu.wait_dma2 semaphore(%dma_wait3A_708 : memref<!tpu.dma_semaphore, #tpu.memory_space<semaphore_mem>>) src(%dma_wait3A_712 : memref<80xi32, #tpu.memory_space<hbm>>) dst(%dma_wait3A_711 : memref<80xi32, #tpu.memory_space<vmem>>)
    %add3A_713 = arith.constant 9840 : i32
    %add3A_714 = arith.addi %mul3A_2, %add3A_713 : i32
    %dma_wait3A_715 = arith.constant 3 : i32
    %dma_wait3A_716 = arith.constant 3 : i32
    %dma_wait3A_717 = arith.constant 0 : i32
    %dma_wait3A_718 = tpu.memref_slice %arg9[%dma_wait3A_715, %dma_wait3A_717] : memref<5x80xi32, #tpu.memory_space<vmem>> -> memref<1x80xi32, #tpu.memory_space<vmem>>
    %dma_wait3A_719 = tpu.memref_squeeze %dma_wait3A_718 : memref<1x80xi32, #tpu.memory_space<vmem>> -> memref<80xi32, #tpu.memory_space<vmem>>
    %dma_wait3A_720 = tpu.memref_slice %arg6[%add3A_714] : memref<320000xi32, #tpu.memory_space<hbm>> -> memref<80xi32, #tpu.memory_space<hbm>>
    %dma_wait3A_721 = tpu.memref_slice %arg21[%dma_wait3A_716] : memref<5x!tpu.dma_semaphore, #tpu.memory_space<semaphore_mem>> -> memref<1x!tpu.dma_semaphore, #tpu.memory_space<semaphore_mem>>
    %dma_wait3A_722 = tpu.memref_squeeze %dma_wait3A_721 : memref<1x!tpu.dma_semaphore, #tpu.memory_space<semaphore_mem>> -> memref<!tpu.dma_semaphore, #tpu.memory_space<semaphore_mem>>
    %dma_wait3A_723 = arith.constant 0 : i32
    %dma_wait3A_724 = tpu.memref_slice %arg9[%dma_wait3A_715, %dma_wait3A_723] : memref<5x80xi32, #tpu.memory_space<vmem>> -> memref<1x80xi32, #tpu.memory_space<vmem>>
    %dma_wait3A_725 = tpu.memref_squeeze %dma_wait3A_724 : memref<1x80xi32, #tpu.memory_space<vmem>> -> memref<80xi32, #tpu.memory_space<vmem>>
    %dma_wait3A_726 = tpu.memref_slice %arg6[%add3A_714] : memref<320000xi32, #tpu.memory_space<hbm>> -> memref<80xi32, #tpu.memory_space<hbm>>
    tpu.wait_dma2 semaphore(%dma_wait3A_722 : memref<!tpu.dma_semaphore, #tpu.memory_space<semaphore_mem>>) src(%dma_wait3A_726 : memref<80xi32, #tpu.memory_space<hbm>>) dst(%dma_wait3A_725 : memref<80xi32, #tpu.memory_space<vmem>>)
    %dma_start3A_727 = arith.constant 3 : i32
    %dma_start3A_728 = arith.constant 1 : i32
    %dma_start3A_729 = arith.constant 0 : i32
    %dma_start3A_730 = tpu.memref_slice %arg9[%dma_start3A_727, %dma_start3A_729] : memref<5x80xi32, #tpu.memory_space<vmem>> -> memref<1x80xi32, #tpu.memory_space<vmem>>
    %dma_start3A_731 = tpu.memref_squeeze %dma_start3A_730 : memref<1x80xi32, #tpu.memory_space<vmem>> -> memref<80xi32, #tpu.memory_space<vmem>>
    %dma_start3A_732 = arith.constant 0 : i32
    %dma_start3A_733 = arith.constant 0 : i32
    %dma_start3A_734 = tpu.memref_slice %arg2[%dma_start3A_732, %dma_start3A_733] : memref<10000x128xf32, #tpu.memory_space<hbm>> -> memref<10000x128xf32, #tpu.memory_space<hbm>>
    %dma_start3A_735 = tpu.memref_slice %arg22[%dma_start3A_728] : memref<2x!tpu.dma_semaphore, #tpu.memory_space<semaphore_mem>> -> memref<1x!tpu.dma_semaphore, #tpu.memory_space<semaphore_mem>>
    %dma_start3A_736 = tpu.memref_squeeze %dma_start3A_735 : memref<1x!tpu.dma_semaphore, #tpu.memory_space<semaphore_mem>> -> memref<!tpu.dma_semaphore, #tpu.memory_space<semaphore_mem>>
    tpu.enqueue_indirect_dma source(%dma_start3A_734 : memref<10000x128xf32, #tpu.memory_space<hbm>>) target(%arg13 : memref<80x128xf32, #tpu.memory_space<vmem>>) offsets(%dma_start3A_731 : memref<80xi32, #tpu.memory_space<vmem>>) semaphore(%dma_start3A_736 : memref<!tpu.dma_semaphore, #tpu.memory_space<semaphore_mem>>)
    %dma_start3A_737 = arith.constant 3 : i32
    %dma_start3A_738 = arith.constant 1 : i32
    %dma_start3A_739 = arith.constant 1 : i32
    %dma_start3A_740 = arith.constant 0 : i32
    %dma_start3A_741 = tpu.memref_slice %arg10[%dma_start3A_738, %dma_start3A_740] : memref<2x80xf32, #tpu.memory_space<vmem>> -> memref<1x80xf32, #tpu.memory_space<vmem>>
    %dma_start3A_742 = tpu.memref_squeeze %dma_start3A_741 : memref<1x80xf32, #tpu.memory_space<vmem>> -> memref<80xf32, #tpu.memory_space<vmem>>
    %dma_start3A_743 = arith.constant 0 : i32
    %dma_start3A_744 = tpu.memref_slice %arg8[%dma_start3A_737, %dma_start3A_743] : memref<5x80xi32, #tpu.memory_space<vmem>> -> memref<1x80xi32, #tpu.memory_space<vmem>>
    %dma_start3A_745 = tpu.memref_squeeze %dma_start3A_744 : memref<1x80xi32, #tpu.memory_space<vmem>> -> memref<80xi32, #tpu.memory_space<vmem>>
    %dma_start3A_746 = arith.constant 0 : i32
    %dma_start3A_747 = tpu.memref_slice %arg17[%dma_start3A_746] : memref<10000xf32, #tpu.memory_space<vmem_shared>> -> memref<10000xf32, #tpu.memory_space<vmem_shared>>
    %dma_start3A_748 = tpu.memref_slice %arg23[%dma_start3A_739] : memref<2x!tpu.dma_semaphore, #tpu.memory_space<semaphore_mem>> -> memref<1x!tpu.dma_semaphore, #tpu.memory_space<semaphore_mem>>
    %dma_start3A_749 = tpu.memref_squeeze %dma_start3A_748 : memref<1x!tpu.dma_semaphore, #tpu.memory_space<semaphore_mem>> -> memref<!tpu.dma_semaphore, #tpu.memory_space<semaphore_mem>>
    tpu.enqueue_indirect_dma source(%dma_start3A_747 : memref<10000xf32, #tpu.memory_space<vmem_shared>>) target(%dma_start3A_742 : memref<80xf32, #tpu.memory_space<vmem>>) offsets(%dma_start3A_745 : memref<80xi32, #tpu.memory_space<vmem>>) semaphore(%dma_start3A_749 : memref<!tpu.dma_semaphore, #tpu.memory_space<semaphore_mem>>)
    %dma_start3A_750 = arith.constant 3 : i32
    %dma_start3A_751 = arith.constant 1 : i32
    %dma_start3A_752 = arith.constant 1 : i32
    %dma_start3A_753 = arith.constant 0 : i32
    %dma_start3A_754 = tpu.memref_slice %arg11[%dma_start3A_751, %dma_start3A_753] : memref<2x80xf32, #tpu.memory_space<vmem>> -> memref<1x80xf32, #tpu.memory_space<vmem>>
    %dma_start3A_755 = tpu.memref_squeeze %dma_start3A_754 : memref<1x80xf32, #tpu.memory_space<vmem>> -> memref<80xf32, #tpu.memory_space<vmem>>
    %dma_start3A_756 = arith.constant 0 : i32
    %dma_start3A_757 = tpu.memref_slice %arg9[%dma_start3A_750, %dma_start3A_756] : memref<5x80xi32, #tpu.memory_space<vmem>> -> memref<1x80xi32, #tpu.memory_space<vmem>>
    %dma_start3A_758 = tpu.memref_squeeze %dma_start3A_757 : memref<1x80xi32, #tpu.memory_space<vmem>> -> memref<80xi32, #tpu.memory_space<vmem>>
    %dma_start3A_759 = arith.constant 0 : i32
    %dma_start3A_760 = tpu.memref_slice %arg18[%dma_start3A_759] : memref<10000xf32, #tpu.memory_space<vmem_shared>> -> memref<10000xf32, #tpu.memory_space<vmem_shared>>
    %dma_start3A_761 = tpu.memref_slice %arg24[%dma_start3A_752] : memref<2x!tpu.dma_semaphore, #tpu.memory_space<semaphore_mem>> -> memref<1x!tpu.dma_semaphore, #tpu.memory_space<semaphore_mem>>
    %dma_start3A_762 = tpu.memref_squeeze %dma_start3A_761 : memref<1x!tpu.dma_semaphore, #tpu.memory_space<semaphore_mem>> -> memref<!tpu.dma_semaphore, #tpu.memory_space<semaphore_mem>>
    tpu.enqueue_indirect_dma source(%dma_start3A_760 : memref<10000xf32, #tpu.memory_space<vmem_shared>>) target(%dma_start3A_755 : memref<80xf32, #tpu.memory_space<vmem>>) offsets(%dma_start3A_758 : memref<80xi32, #tpu.memory_space<vmem>>) semaphore(%dma_start3A_762 : memref<!tpu.dma_semaphore, #tpu.memory_space<semaphore_mem>>)
    %dma_wait3A_763 = arith.constant 2 : i32
    %dma_wait3A_764 = arith.constant 0 : i32
    %dma_wait3A_765 = arith.constant 0 : i32
    %dma_wait3A_766 = arith.constant 0 : i32
    %dma_wait3A_767 = tpu.memref_slice %arg10[%dma_wait3A_764, %dma_wait3A_766] : memref<2x80xf32, #tpu.memory_space<vmem>> -> memref<1x80xf32, #tpu.memory_space<vmem>>
    %dma_wait3A_768 = tpu.memref_squeeze %dma_wait3A_767 : memref<1x80xf32, #tpu.memory_space<vmem>> -> memref<80xf32, #tpu.memory_space<vmem>>
    %dma_wait3A_769 = arith.constant 0 : i32
    %dma_wait3A_770 = tpu.memref_slice %arg8[%dma_wait3A_763, %dma_wait3A_769] : memref<5x80xi32, #tpu.memory_space<vmem>> -> memref<1x80xi32, #tpu.memory_space<vmem>>
    %dma_wait3A_771 = tpu.memref_squeeze %dma_wait3A_770 : memref<1x80xi32, #tpu.memory_space<vmem>> -> memref<80xi32, #tpu.memory_space<vmem>>
    %dma_wait3A_772 = arith.constant 0 : i32
    %dma_wait3A_773 = tpu.memref_slice %arg17[%dma_wait3A_772] : memref<10000xf32, #tpu.memory_space<vmem_shared>> -> memref<10000xf32, #tpu.memory_space<vmem_shared>>
    %dma_wait3A_774 = tpu.memref_slice %arg23[%dma_wait3A_765] : memref<2x!tpu.dma_semaphore, #tpu.memory_space<semaphore_mem>> -> memref<1x!tpu.dma_semaphore, #tpu.memory_space<semaphore_mem>>
    %dma_wait3A_775 = tpu.memref_squeeze %dma_wait3A_774 : memref<1x!tpu.dma_semaphore, #tpu.memory_space<semaphore_mem>> -> memref<!tpu.dma_semaphore, #tpu.memory_space<semaphore_mem>>
    tpu.wait_indirect_dma semaphore(%dma_wait3A_775 : memref<!tpu.dma_semaphore, #tpu.memory_space<semaphore_mem>>) src(%dma_wait3A_773 : memref<10000xf32, #tpu.memory_space<vmem_shared>>) dst(%dma_wait3A_768 : memref<80xf32, #tpu.memory_space<vmem>>)
    %dma_wait3A_776 = arith.constant 2 : i32
    %dma_wait3A_777 = arith.constant 0 : i32
    %dma_wait3A_778 = arith.constant 0 : i32
    %dma_wait3A_779 = arith.constant 0 : i32
    %dma_wait3A_780 = tpu.memref_slice %arg11[%dma_wait3A_777, %dma_wait3A_779] : memref<2x80xf32, #tpu.memory_space<vmem>> -> memref<1x80xf32, #tpu.memory_space<vmem>>
    %dma_wait3A_781 = tpu.memref_squeeze %dma_wait3A_780 : memref<1x80xf32, #tpu.memory_space<vmem>> -> memref<80xf32, #tpu.memory_space<vmem>>
    %dma_wait3A_782 = arith.constant 0 : i32
    %dma_wait3A_783 = tpu.memref_slice %arg9[%dma_wait3A_776, %dma_wait3A_782] : memref<5x80xi32, #tpu.memory_space<vmem>> -> memref<1x80xi32, #tpu.memory_space<vmem>>
    %dma_wait3A_784 = tpu.memref_squeeze %dma_wait3A_783 : memref<1x80xi32, #tpu.memory_space<vmem>> -> memref<80xi32, #tpu.memory_space<vmem>>
    %dma_wait3A_785 = arith.constant 0 : i32
    %dma_wait3A_786 = tpu.memref_slice %arg18[%dma_wait3A_785] : memref<10000xf32, #tpu.memory_space<vmem_shared>> -> memref<10000xf32, #tpu.memory_space<vmem_shared>>
    %dma_wait3A_787 = tpu.memref_slice %arg24[%dma_wait3A_778] : memref<2x!tpu.dma_semaphore, #tpu.memory_space<semaphore_mem>> -> memref<1x!tpu.dma_semaphore, #tpu.memory_space<semaphore_mem>>
    %dma_wait3A_788 = tpu.memref_squeeze %dma_wait3A_787 : memref<1x!tpu.dma_semaphore, #tpu.memory_space<semaphore_mem>> -> memref<!tpu.dma_semaphore, #tpu.memory_space<semaphore_mem>>
    tpu.wait_indirect_dma semaphore(%dma_wait3A_788 : memref<!tpu.dma_semaphore, #tpu.memory_space<semaphore_mem>>) src(%dma_wait3A_786 : memref<10000xf32, #tpu.memory_space<vmem_shared>>) dst(%dma_wait3A_781 : memref<80xf32, #tpu.memory_space<vmem>>)
    %get3A_789 = arith.constant 0 : i32
    %get3A_790 = arith.index_cast %get3A_789 : i32 to index
    %get3A_791 = arith.constant 0 : index
    %get3A_792 = tpu.vector_load %arg10[%get3A_790, %get3A_791] {strides = array<i32>} : memref<2x80xf32, #tpu.memory_space<vmem>>, vector<16xf32>,
    %get3A_793 = arith.constant 0 : i32
    %get3A_794 = arith.index_cast %get3A_793 : i32 to index
    %get3A_795 = arith.constant 0 : index
    %get3A_796 = tpu.vector_load %arg11[%get3A_794, %get3A_795] {strides = array<i32>} : memref<2x80xf32, #tpu.memory_space<vmem>>, vector<16xf32>,
    %add3A_797 = arith.addf %get3A_792, %get3A_796 : vector<16xf32>
    %neg3A_798 = arith.constant 0.000000e+00 : f32
    %neg3A_799 = vector.broadcast %neg3A_798 : f32 to vector<16xf32>
    %neg3A_800 = arith.subf %neg3A_799, %add3A_797 : vector<16xf32>
    %exp3A_801 = math.exp %neg3A_800 : vector<16xf32>
    %add3A_802 = arith.constant 1.000000e+00 : f32
    %add3A_803 = vector.broadcast %add3A_802 : f32 to vector<16xf32>
    %add3A_804 = arith.addf %add3A_803, %exp3A_801 : vector<16xf32>
    %div3A_805 = arith.constant 1.000000e+00 : f32
    %div3A_806 = vector.broadcast %div3A_805 : f32 to vector<16xf32>
    %div3A_807 = arith.divf %div3A_806, %add3A_804 : vector<16xf32>
    %swap3A_808 = arith.constant 0 : index
    %swap3A_809 = tpu.vector_load %arg16[%swap3A_808] {strides = array<i32>} : memref<80xf32, #tpu.memory_space<vmem>>, vector<16xf32>,
    tpu.vector_store %arg16[%swap3A_808], %div3A_807 {strides = array<i32>} : memref<80xf32, #tpu.memory_space<vmem>>, vector<16xf32>,
    %get3A_810 = arith.constant 0 : i32
    %get3A_811 = arith.index_cast %get3A_810 : i32 to index
    %get3A_812 = arith.constant 16 : index
    %get3A_813 = tpu.vector_load %arg10[%get3A_811, %get3A_812] {strides = array<i32>} : memref<2x80xf32, #tpu.memory_space<vmem>>, vector<16xf32>,
    %get3A_814 = arith.constant 0 : i32
    %get3A_815 = arith.index_cast %get3A_814 : i32 to index
    %get3A_816 = arith.constant 16 : index
    %get3A_817 = tpu.vector_load %arg11[%get3A_815, %get3A_816] {strides = array<i32>} : memref<2x80xf32, #tpu.memory_space<vmem>>, vector<16xf32>,
    %add3A_818 = arith.addf %get3A_813, %get3A_817 : vector<16xf32>
    %neg3A_819 = arith.constant 0.000000e+00 : f32
    %neg3A_820 = vector.broadcast %neg3A_819 : f32 to vector<16xf32>
    %neg3A_821 = arith.subf %neg3A_820, %add3A_818 : vector<16xf32>
    %exp3A_822 = math.exp %neg3A_821 : vector<16xf32>
    %add3A_823 = arith.constant 1.000000e+00 : f32
    %add3A_824 = vector.broadcast %add3A_823 : f32 to vector<16xf32>
    %add3A_825 = arith.addf %add3A_824, %exp3A_822 : vector<16xf32>
    %div3A_826 = arith.constant 1.000000e+00 : f32
    %div3A_827 = vector.broadcast %div3A_826 : f32 to vector<16xf32>
    %div3A_828 = arith.divf %div3A_827, %add3A_825 : vector<16xf32>
    %swap3A_829 = arith.constant 16 : index
    %swap3A_830 = tpu.vector_load %arg16[%swap3A_829] {strides = array<i32>} : memref<80xf32, #tpu.memory_space<vmem>>, vector<16xf32>,
    tpu.vector_store %arg16[%swap3A_829], %div3A_828 {strides = array<i32>} : memref<80xf32, #tpu.memory_space<vmem>>, vector<16xf32>,
    %get3A_831 = arith.constant 0 : i32
    %get3A_832 = arith.index_cast %get3A_831 : i32 to index
    %get3A_833 = arith.constant 32 : index
    %get3A_834 = tpu.vector_load %arg10[%get3A_832, %get3A_833] {strides = array<i32>} : memref<2x80xf32, #tpu.memory_space<vmem>>, vector<16xf32>,
    %get3A_835 = arith.constant 0 : i32
    %get3A_836 = arith.index_cast %get3A_835 : i32 to index
    %get3A_837 = arith.constant 32 : index
    %get3A_838 = tpu.vector_load %arg11[%get3A_836, %get3A_837] {strides = array<i32>} : memref<2x80xf32, #tpu.memory_space<vmem>>, vector<16xf32>,
    %add3A_839 = arith.addf %get3A_834, %get3A_838 : vector<16xf32>
    %neg3A_840 = arith.constant 0.000000e+00 : f32
    %neg3A_841 = vector.broadcast %neg3A_840 : f32 to vector<16xf32>
    %neg3A_842 = arith.subf %neg3A_841, %add3A_839 : vector<16xf32>
    %exp3A_843 = math.exp %neg3A_842 : vector<16xf32>
    %add3A_844 = arith.constant 1.000000e+00 : f32
    %add3A_845 = vector.broadcast %add3A_844 : f32 to vector<16xf32>
    %add3A_846 = arith.addf %add3A_845, %exp3A_843 : vector<16xf32>
    %div3A_847 = arith.constant 1.000000e+00 : f32
    %div3A_848 = vector.broadcast %div3A_847 : f32 to vector<16xf32>
    %div3A_849 = arith.divf %div3A_848, %add3A_846 : vector<16xf32>
    %swap3A_850 = arith.constant 32 : index
    %swap3A_851 = tpu.vector_load %arg16[%swap3A_850] {strides = array<i32>} : memref<80xf32, #tpu.memory_space<vmem>>, vector<16xf32>,
    tpu.vector_store %arg16[%swap3A_850], %div3A_849 {strides = array<i32>} : memref<80xf32, #tpu.memory_space<vmem>>, vector<16xf32>,
    %get3A_852 = arith.constant 0 : i32
    %get3A_853 = arith.index_cast %get3A_852 : i32 to index
    %get3A_854 = arith.constant 48 : index
    %get3A_855 = tpu.vector_load %arg10[%get3A_853, %get3A_854] {strides = array<i32>} : memref<2x80xf32, #tpu.memory_space<vmem>>, vector<16xf32>,
    %get3A_856 = arith.constant 0 : i32
    %get3A_857 = arith.index_cast %get3A_856 : i32 to index
    %get3A_858 = arith.constant 48 : index
    %get3A_859 = tpu.vector_load %arg11[%get3A_857, %get3A_858] {strides = array<i32>} : memref<2x80xf32, #tpu.memory_space<vmem>>, vector<16xf32>,
    %add3A_860 = arith.addf %get3A_855, %get3A_859 : vector<16xf32>
    %neg3A_861 = arith.constant 0.000000e+00 : f32
    %neg3A_862 = vector.broadcast %neg3A_861 : f32 to vector<16xf32>
    %neg3A_863 = arith.subf %neg3A_862, %add3A_860 : vector<16xf32>
    %exp3A_864 = math.exp %neg3A_863 : vector<16xf32>
    %add3A_865 = arith.constant 1.000000e+00 : f32
    %add3A_866 = vector.broadcast %add3A_865 : f32 to vector<16xf32>
    %add3A_867 = arith.addf %add3A_866, %exp3A_864 : vector<16xf32>
    %div3A_868 = arith.constant 1.000000e+00 : f32
    %div3A_869 = vector.broadcast %div3A_868 : f32 to vector<16xf32>
    %div3A_870 = arith.divf %div3A_869, %add3A_867 : vector<16xf32>
    %swap3A_871 = arith.constant 48 : index
    %swap3A_872 = tpu.vector_load %arg16[%swap3A_871] {strides = array<i32>} : memref<80xf32, #tpu.memory_space<vmem>>, vector<16xf32>,
    tpu.vector_store %arg16[%swap3A_871], %div3A_870 {strides = array<i32>} : memref<80xf32, #tpu.memory_space<vmem>>, vector<16xf32>,
    %get3A_873 = arith.constant 0 : i32
    %get3A_874 = arith.index_cast %get3A_873 : i32 to index
    %get3A_875 = arith.constant 64 : index
    %get3A_876 = tpu.vector_load %arg10[%get3A_874, %get3A_875] {strides = array<i32>} : memref<2x80xf32, #tpu.memory_space<vmem>>, vector<16xf32>,
    %get3A_877 = arith.constant 0 : i32
    %get3A_878 = arith.index_cast %get3A_877 : i32 to index
    %get3A_879 = arith.constant 64 : index
    %get3A_880 = tpu.vector_load %arg11[%get3A_878, %get3A_879] {strides = array<i32>} : memref<2x80xf32, #tpu.memory_space<vmem>>, vector<16xf32>,
    %add3A_881 = arith.addf %get3A_876, %get3A_880 : vector<16xf32>
    %neg3A_882 = arith.constant 0.000000e+00 : f32
    %neg3A_883 = vector.broadcast %neg3A_882 : f32 to vector<16xf32>
    %neg3A_884 = arith.subf %neg3A_883, %add3A_881 : vector<16xf32>
    %exp3A_885 = math.exp %neg3A_884 : vector<16xf32>
    %add3A_886 = arith.constant 1.000000e+00 : f32
    %add3A_887 = vector.broadcast %add3A_886 : f32 to vector<16xf32>
    %add3A_888 = arith.addf %add3A_887, %exp3A_885 : vector<16xf32>
    %div3A_889 = arith.constant 1.000000e+00 : f32
    %div3A_890 = vector.broadcast %div3A_889 : f32 to vector<16xf32>
    %div3A_891 = arith.divf %div3A_890, %add3A_888 : vector<16xf32>
    %swap3A_892 = arith.constant 64 : index
    %swap3A_893 = tpu.vector_load %arg16[%swap3A_892] {strides = array<i32>} : memref<80xf32, #tpu.memory_space<vmem>>, vector<16xf32>,
    tpu.vector_store %arg16[%swap3A_892], %div3A_891 {strides = array<i32>} : memref<80xf32, #tpu.memory_space<vmem>>, vector<16xf32>,
    %dma_wait3A_894 = arith.constant 2 : i32
    %dma_wait3A_895 = arith.constant 0 : i32
    %dma_wait3A_896 = arith.constant 0 : i32
    %dma_wait3A_897 = tpu.memref_slice %arg9[%dma_wait3A_894, %dma_wait3A_896] : memref<5x80xi32, #tpu.memory_space<vmem>> -> memref<1x80xi32, #tpu.memory_space<vmem>>
    %dma_wait3A_898 = tpu.memref_squeeze %dma_wait3A_897 : memref<1x80xi32, #tpu.memory_space<vmem>> -> memref<80xi32, #tpu.memory_space<vmem>>
    %dma_wait3A_899 = arith.constant 0 : i32
    %dma_wait3A_900 = arith.constant 0 : i32
    %dma_wait3A_901 = tpu.memref_slice %arg2[%dma_wait3A_899, %dma_wait3A_900] : memref<10000x128xf32, #tpu.memory_space<hbm>> -> memref<10000x128xf32, #tpu.memory_space<hbm>>
    %dma_wait3A_902 = tpu.memref_slice %arg22[%dma_wait3A_895] : memref<2x!tpu.dma_semaphore, #tpu.memory_space<semaphore_mem>> -> memref<1x!tpu.dma_semaphore, #tpu.memory_space<semaphore_mem>>
    %dma_wait3A_903 = tpu.memref_squeeze %dma_wait3A_902 : memref<1x!tpu.dma_semaphore, #tpu.memory_space<semaphore_mem>> -> memref<!tpu.dma_semaphore, #tpu.memory_space<semaphore_mem>>
    tpu.wait_indirect_dma semaphore(%dma_wait3A_903 : memref<!tpu.dma_semaphore, #tpu.memory_space<semaphore_mem>>) src(%dma_wait3A_901 : memref<10000x128xf32, #tpu.memory_space<hbm>>) dst(%arg12 : memref<80x128xf32, #tpu.memory_space<vmem>>)
    %dma_wait3A_904 = arith.constant 0 : i32
    %dma_wait3A_905 = arith.constant 0 : i32
    %dma_wait3A_906 = arith.constant 0 : i32
    %dma_wait3A_907 = tpu.memref_slice %arg8[%dma_wait3A_904, %dma_wait3A_906] : memref<5x80xi32, #tpu.memory_space<vmem>> -> memref<1x80xi32, #tpu.memory_space<vmem>>
    %dma_wait3A_908 = tpu.memref_squeeze %dma_wait3A_907 : memref<1x80xi32, #tpu.memory_space<vmem>> -> memref<80xi32, #tpu.memory_space<vmem>>
    %dma_wait3A_909 = arith.constant 0 : i32
    %dma_wait3A_910 = arith.constant 0 : i32
    %dma_wait3A_911 = tpu.memref_slice %arg19[%dma_wait3A_909, %dma_wait3A_910] : memref<10000x128xf32, #tpu.memory_space<vmem_shared>> -> memref<10000x128xf32, #tpu.memory_space<vmem_shared>>
    %dma_wait3A_912 = tpu.memref_slice %arg25[%dma_wait3A_905] : memref<2x!tpu.dma_semaphore, #tpu.memory_space<semaphore_mem>> -> memref<1x!tpu.dma_semaphore, #tpu.memory_space<semaphore_mem>>
    %dma_wait3A_913 = tpu.memref_squeeze %dma_wait3A_912 : memref<1x!tpu.dma_semaphore, #tpu.memory_space<semaphore_mem>> -> memref<!tpu.dma_semaphore, #tpu.memory_space<semaphore_mem>>
    tpu.wait_indirect_dma semaphore(%dma_wait3A_913 : memref<!tpu.dma_semaphore, #tpu.memory_space<semaphore_mem>>) src(%arg14 : memref<80x128xf32, #tpu.memory_space<vmem>>) dst(%dma_wait3A_911 : memref<10000x128xf32, #tpu.memory_space<vmem_shared>>)
    %parallel_loop3A_914 = arith.constant 0 : i32
    %parallel_loop3A_915 = arith.constant 80 : i32
    %parallel_loop3A_916 = arith.constant 1 : i32
    scf.for %parallel_loop3A_1360 = %parallel_loop3A_914 to %parallel_loop3A_915 step %parallel_loop3A_916  : i32 {
      %parallel_loop3A_1361 = vector.broadcast %parallel_loop3A_1360 : i32 to vector<16xi32>
      %parallel_loop3A_1362 = tpu.vector_load_idx %arg16[%parallel_loop3A_1361] : memref<80xf32, #tpu.memory_space<vmem>>[vector<16xi32>], vector<16xf32>,
      %parallel_loop3A_1363 = arith.index_cast %parallel_loop3A_1360 : i32 to index
      %parallel_loop3A_1364 = arith.constant 0 : index
      %parallel_loop3A_1365 = tpu.vector_load %arg12[%parallel_loop3A_1363, %parallel_loop3A_1364] {strides = array<i32>} : memref<80x128xf32, #tpu.memory_space<vmem>>, vector<16xf32>,
      %parallel_loop3A_1366 = arith.mulf %parallel_loop3A_1365, %parallel_loop3A_1362 : vector<16xf32>
      %parallel_loop3A_1367 = arith.index_cast %parallel_loop3A_1360 : i32 to index
      %parallel_loop3A_1368 = arith.constant 0 : index
      %parallel_loop3A_1369 = tpu.vector_load %arg14[%parallel_loop3A_1367, %parallel_loop3A_1368] {strides = array<i32>} : memref<80x128xf32, #tpu.memory_space<vmem>>, vector<16xf32>,
      tpu.vector_store %arg14[%parallel_loop3A_1367, %parallel_loop3A_1368], %parallel_loop3A_1366 {strides = array<i32>} : memref<80x128xf32, #tpu.memory_space<vmem>>, vector<16xf32>,
      %parallel_loop3A_1370 = arith.index_cast %parallel_loop3A_1360 : i32 to index
      %parallel_loop3A_1371 = arith.constant 16 : index
      %parallel_loop3A_1372 = tpu.vector_load %arg12[%parallel_loop3A_1370, %parallel_loop3A_1371] {strides = array<i32>} : memref<80x128xf32, #tpu.memory_space<vmem>>, vector<16xf32>,
      %parallel_loop3A_1373 = arith.mulf %parallel_loop3A_1372, %parallel_loop3A_1362 : vector<16xf32>
      %parallel_loop3A_1374 = arith.index_cast %parallel_loop3A_1360 : i32 to index
      %parallel_loop3A_1375 = arith.constant 16 : index
      %parallel_loop3A_1376 = tpu.vector_load %arg14[%parallel_loop3A_1374, %parallel_loop3A_1375] {strides = array<i32>} : memref<80x128xf32, #tpu.memory_space<vmem>>, vector<16xf32>,
      tpu.vector_store %arg14[%parallel_loop3A_1374, %parallel_loop3A_1375], %parallel_loop3A_1373 {strides = array<i32>} : memref<80x128xf32, #tpu.memory_space<vmem>>, vector<16xf32>,
      %parallel_loop3A_1377 = arith.index_cast %parallel_loop3A_1360 : i32 to index
      %parallel_loop3A_1378 = arith.constant 32 : index
      %parallel_loop3A_1379 = tpu.vector_load %arg12[%parallel_loop3A_1377, %parallel_loop3A_1378] {strides = array<i32>} : memref<80x128xf32, #tpu.memory_space<vmem>>, vector<16xf32>,
      %parallel_loop3A_1380 = arith.mulf %parallel_loop3A_1379, %parallel_loop3A_1362 : vector<16xf32>
      %parallel_loop3A_1381 = arith.index_cast %parallel_loop3A_1360 : i32 to index
      %parallel_loop3A_1382 = arith.constant 32 : index
      %parallel_loop3A_1383 = tpu.vector_load %arg14[%parallel_loop3A_1381, %parallel_loop3A_1382] {strides = array<i32>} : memref<80x128xf32, #tpu.memory_space<vmem>>, vector<16xf32>,
      tpu.vector_store %arg14[%parallel_loop3A_1381, %parallel_loop3A_1382], %parallel_loop3A_1380 {strides = array<i32>} : memref<80x128xf32, #tpu.memory_space<vmem>>, vector<16xf32>,
      %parallel_loop3A_1384 = arith.index_cast %parallel_loop3A_1360 : i32 to index
      %parallel_loop3A_1385 = arith.constant 48 : index
      %parallel_loop3A_1386 = tpu.vector_load %arg12[%parallel_loop3A_1384, %parallel_loop3A_1385] {strides = array<i32>} : memref<80x128xf32, #tpu.memory_space<vmem>>, vector<16xf32>,
      %parallel_loop3A_1387 = arith.mulf %parallel_loop3A_1386, %parallel_loop3A_1362 : vector<16xf32>
      %parallel_loop3A_1388 = arith.index_cast %parallel_loop3A_1360 : i32 to index
      %parallel_loop3A_1389 = arith.constant 48 : index
      %parallel_loop3A_1390 = tpu.vector_load %arg14[%parallel_loop3A_1388, %parallel_loop3A_1389] {strides = array<i32>} : memref<80x128xf32, #tpu.memory_space<vmem>>, vector<16xf32>,
      tpu.vector_store %arg14[%parallel_loop3A_1388, %parallel_loop3A_1389], %parallel_loop3A_1387 {strides = array<i32>} : memref<80x128xf32, #tpu.memory_space<vmem>>, vector<16xf32>,
      %parallel_loop3A_1391 = arith.index_cast %parallel_loop3A_1360 : i32 to index
      %parallel_loop3A_1392 = arith.constant 64 : index
      %parallel_loop3A_1393 = tpu.vector_load %arg12[%parallel_loop3A_1391, %parallel_loop3A_1392] {strides = array<i32>} : memref<80x128xf32, #tpu.memory_space<vmem>>, vector<16xf32>,
      %parallel_loop3A_1394 = arith.mulf %parallel_loop3A_1393, %parallel_loop3A_1362 : vector<16xf32>
      %parallel_loop3A_1395 = arith.index_cast %parallel_loop3A_1360 : i32 to index
      %parallel_loop3A_1396 = arith.constant 64 : index
      %parallel_loop3A_1397 = tpu.vector_load %arg14[%parallel_loop3A_1395, %parallel_loop3A_1396] {strides = array<i32>} : memref<80x128xf32, #tpu.memory_space<vmem>>, vector<16xf32>,
      tpu.vector_store %arg14[%parallel_loop3A_1395, %parallel_loop3A_1396], %parallel_loop3A_1394 {strides = array<i32>} : memref<80x128xf32, #tpu.memory_space<vmem>>, vector<16xf32>,
      %parallel_loop3A_1398 = arith.index_cast %parallel_loop3A_1360 : i32 to index
      %parallel_loop3A_1399 = arith.constant 80 : index
      %parallel_loop3A_1400 = tpu.vector_load %arg12[%parallel_loop3A_1398, %parallel_loop3A_1399] {strides = array<i32>} : memref<80x128xf32, #tpu.memory_space<vmem>>, vector<16xf32>,
      %parallel_loop3A_1401 = arith.mulf %parallel_loop3A_1400, %parallel_loop3A_1362 : vector<16xf32>
      %parallel_loop3A_1402 = arith.index_cast %parallel_loop3A_1360 : i32 to index
      %parallel_loop3A_1403 = arith.constant 80 : index
      %parallel_loop3A_1404 = tpu.vector_load %arg14[%parallel_loop3A_1402, %parallel_loop3A_1403] {strides = array<i32>} : memref<80x128xf32, #tpu.memory_space<vmem>>, vector<16xf32>,
      tpu.vector_store %arg14[%parallel_loop3A_1402, %parallel_loop3A_1403], %parallel_loop3A_1401 {strides = array<i32>} : memref<80x128xf32, #tpu.memory_space<vmem>>, vector<16xf32>,
      %parallel_loop3A_1405 = arith.index_cast %parallel_loop3A_1360 : i32 to index
      %parallel_loop3A_1406 = arith.constant 96 : index
      %parallel_loop3A_1407 = tpu.vector_load %arg12[%parallel_loop3A_1405, %parallel_loop3A_1406] {strides = array<i32>} : memref<80x128xf32, #tpu.memory_space<vmem>>, vector<16xf32>,
      %parallel_loop3A_1408 = arith.mulf %parallel_loop3A_1407, %parallel_loop3A_1362 : vector<16xf32>
      %parallel_loop3A_1409 = arith.index_cast %parallel_loop3A_1360 : i32 to index
      %parallel_loop3A_1410 = arith.constant 96 : index
      %parallel_loop3A_1411 = tpu.vector_load %arg14[%parallel_loop3A_1409, %parallel_loop3A_1410] {strides = array<i32>} : memref<80x128xf32, #tpu.memory_space<vmem>>, vector<16xf32>,
      tpu.vector_store %arg14[%parallel_loop3A_1409, %parallel_loop3A_1410], %parallel_loop3A_1408 {strides = array<i32>} : memref<80x128xf32, #tpu.memory_space<vmem>>, vector<16xf32>,
      %parallel_loop3A_1412 = arith.index_cast %parallel_loop3A_1360 : i32 to index
      %parallel_loop3A_1413 = arith.constant 112 : index
      %parallel_loop3A_1414 = tpu.vector_load %arg12[%parallel_loop3A_1412, %parallel_loop3A_1413] {strides = array<i32>} : memref<80x128xf32, #tpu.memory_space<vmem>>, vector<16xf32>,
      %parallel_loop3A_1415 = arith.mulf %parallel_loop3A_1414, %parallel_loop3A_1362 : vector<16xf32>
      %parallel_loop3A_1416 = arith.index_cast %parallel_loop3A_1360 : i32 to index
      %parallel_loop3A_1417 = arith.constant 112 : index
      %parallel_loop3A_1418 = tpu.vector_load %arg14[%parallel_loop3A_1416, %parallel_loop3A_1417] {strides = array<i32>} : memref<80x128xf32, #tpu.memory_space<vmem>>, vector<16xf32>,
      tpu.vector_store %arg14[%parallel_loop3A_1416, %parallel_loop3A_1417], %parallel_loop3A_1415 {strides = array<i32>} : memref<80x128xf32, #tpu.memory_space<vmem>>, vector<16xf32>,
    } {sc.loop_unroll_factor = 4 : i64, sc.parallel_access}
    %dma_start3A_917 = arith.constant 2 : i32
    %dma_start3A_918 = arith.constant 0 : i32
    %dma_start3A_919 = arith.constant 0 : i32
    %dma_start3A_920 = tpu.memref_slice %arg8[%dma_start3A_917, %dma_start3A_919] : memref<5x80xi32, #tpu.memory_space<vmem>> -> memref<1x80xi32, #tpu.memory_space<vmem>>
    %dma_start3A_921 = tpu.memref_squeeze %dma_start3A_920 : memref<1x80xi32, #tpu.memory_space<vmem>> -> memref<80xi32, #tpu.memory_space<vmem>>
    %dma_start3A_922 = arith.constant 0 : i32
    %dma_start3A_923 = arith.constant 0 : i32
    %dma_start3A_924 = tpu.memref_slice %arg19[%dma_start3A_922, %dma_start3A_923] : memref<10000x128xf32, #tpu.memory_space<vmem_shared>> -> memref<10000x128xf32, #tpu.memory_space<vmem_shared>>
    %dma_start3A_925 = tpu.memref_slice %arg25[%dma_start3A_918] : memref<2x!tpu.dma_semaphore, #tpu.memory_space<semaphore_mem>> -> memref<1x!tpu.dma_semaphore, #tpu.memory_space<semaphore_mem>>
    %dma_start3A_926 = tpu.memref_squeeze %dma_start3A_925 : memref<1x!tpu.dma_semaphore, #tpu.memory_space<semaphore_mem>> -> memref<!tpu.dma_semaphore, #tpu.memory_space<semaphore_mem>>
    tpu.enqueue_indirect_dma source(%arg14 : memref<80x128xf32, #tpu.memory_space<vmem>>) target(%dma_start3A_924 : memref<10000x128xf32, #tpu.memory_space<vmem_shared>>) offsets(%dma_start3A_921 : memref<80xi32, #tpu.memory_space<vmem>>) semaphore(%dma_start3A_926 : memref<!tpu.dma_semaphore, #tpu.memory_space<semaphore_mem>>) {add = true}
    %add3A_927 = arith.constant 9920 : i32
    %add3A_928 = arith.addi %mul3A_2, %add3A_927 : i32
    %dma_wait3A_929 = arith.constant 4 : i32
    %dma_wait3A_930 = arith.constant 4 : i32
    %dma_wait3A_931 = arith.constant 0 : i32
    %dma_wait3A_932 = tpu.memref_slice %arg8[%dma_wait3A_929, %dma_wait3A_931] : memref<5x80xi32, #tpu.memory_space<vmem>> -> memref<1x80xi32, #tpu.memory_space<vmem>>
    %dma_wait3A_933 = tpu.memref_squeeze %dma_wait3A_932 : memref<1x80xi32, #tpu.memory_space<vmem>> -> memref<80xi32, #tpu.memory_space<vmem>>
    %dma_wait3A_934 = tpu.memref_slice %arg5[%add3A_928] : memref<320000xi32, #tpu.memory_space<hbm>> -> memref<80xi32, #tpu.memory_space<hbm>>
    %dma_wait3A_935 = tpu.memref_slice %arg20[%dma_wait3A_930] : memref<5x!tpu.dma_semaphore, #tpu.memory_space<semaphore_mem>> -> memref<1x!tpu.dma_semaphore, #tpu.memory_space<semaphore_mem>>
    %dma_wait3A_936 = tpu.memref_squeeze %dma_wait3A_935 : memref<1x!tpu.dma_semaphore, #tpu.memory_space<semaphore_mem>> -> memref<!tpu.dma_semaphore, #tpu.memory_space<semaphore_mem>>
    %dma_wait3A_937 = arith.constant 0 : i32
    %dma_wait3A_938 = tpu.memref_slice %arg8[%dma_wait3A_929, %dma_wait3A_937] : memref<5x80xi32, #tpu.memory_space<vmem>> -> memref<1x80xi32, #tpu.memory_space<vmem>>
    %dma_wait3A_939 = tpu.memref_squeeze %dma_wait3A_938 : memref<1x80xi32, #tpu.memory_space<vmem>> -> memref<80xi32, #tpu.memory_space<vmem>>
    %dma_wait3A_940 = tpu.memref_slice %arg5[%add3A_928] : memref<320000xi32, #tpu.memory_space<hbm>> -> memref<80xi32, #tpu.memory_space<hbm>>
    tpu.wait_dma2 semaphore(%dma_wait3A_936 : memref<!tpu.dma_semaphore, #tpu.memory_space<semaphore_mem>>) src(%dma_wait3A_940 : memref<80xi32, #tpu.memory_space<hbm>>) dst(%dma_wait3A_939 : memref<80xi32, #tpu.memory_space<vmem>>)
    %add3A_941 = arith.constant 9920 : i32
    %add3A_942 = arith.addi %mul3A_2, %add3A_941 : i32
    %dma_wait3A_943 = arith.constant 4 : i32
    %dma_wait3A_944 = arith.constant 4 : i32
    %dma_wait3A_945 = arith.constant 0 : i32
    %dma_wait3A_946 = tpu.memref_slice %arg9[%dma_wait3A_943, %dma_wait3A_945] : memref<5x80xi32, #tpu.memory_space<vmem>> -> memref<1x80xi32, #tpu.memory_space<vmem>>
    %dma_wait3A_947 = tpu.memref_squeeze %dma_wait3A_946 : memref<1x80xi32, #tpu.memory_space<vmem>> -> memref<80xi32, #tpu.memory_space<vmem>>
    %dma_wait3A_948 = tpu.memref_slice %arg6[%add3A_942] : memref<320000xi32, #tpu.memory_space<hbm>> -> memref<80xi32, #tpu.memory_space<hbm>>
    %dma_wait3A_949 = tpu.memref_slice %arg21[%dma_wait3A_944] : memref<5x!tpu.dma_semaphore, #tpu.memory_space<semaphore_mem>> -> memref<1x!tpu.dma_semaphore, #tpu.memory_space<semaphore_mem>>
    %dma_wait3A_950 = tpu.memref_squeeze %dma_wait3A_949 : memref<1x!tpu.dma_semaphore, #tpu.memory_space<semaphore_mem>> -> memref<!tpu.dma_semaphore, #tpu.memory_space<semaphore_mem>>
    %dma_wait3A_951 = arith.constant 0 : i32
    %dma_wait3A_952 = tpu.memref_slice %arg9[%dma_wait3A_943, %dma_wait3A_951] : memref<5x80xi32, #tpu.memory_space<vmem>> -> memref<1x80xi32, #tpu.memory_space<vmem>>
    %dma_wait3A_953 = tpu.memref_squeeze %dma_wait3A_952 : memref<1x80xi32, #tpu.memory_space<vmem>> -> memref<80xi32, #tpu.memory_space<vmem>>
    %dma_wait3A_954 = tpu.memref_slice %arg6[%add3A_942] : memref<320000xi32, #tpu.memory_space<hbm>> -> memref<80xi32, #tpu.memory_space<hbm>>
    tpu.wait_dma2 semaphore(%dma_wait3A_950 : memref<!tpu.dma_semaphore, #tpu.memory_space<semaphore_mem>>) src(%dma_wait3A_954 : memref<80xi32, #tpu.memory_space<hbm>>) dst(%dma_wait3A_953 : memref<80xi32, #tpu.memory_space<vmem>>)
    %dma_start3A_955 = arith.constant 4 : i32
    %dma_start3A_956 = arith.constant 0 : i32
    %dma_start3A_957 = arith.constant 0 : i32
    %dma_start3A_958 = tpu.memref_slice %arg9[%dma_start3A_955, %dma_start3A_957] : memref<5x80xi32, #tpu.memory_space<vmem>> -> memref<1x80xi32, #tpu.memory_space<vmem>>
    %dma_start3A_959 = tpu.memref_squeeze %dma_start3A_958 : memref<1x80xi32, #tpu.memory_space<vmem>> -> memref<80xi32, #tpu.memory_space<vmem>>
    %dma_start3A_960 = arith.constant 0 : i32
    %dma_start3A_961 = arith.constant 0 : i32
    %dma_start3A_962 = tpu.memref_slice %arg2[%dma_start3A_960, %dma_start3A_961] : memref<10000x128xf32, #tpu.memory_space<hbm>> -> memref<10000x128xf32, #tpu.memory_space<hbm>>
    %dma_start3A_963 = tpu.memref_slice %arg22[%dma_start3A_956] : memref<2x!tpu.dma_semaphore, #tpu.memory_space<semaphore_mem>> -> memref<1x!tpu.dma_semaphore, #tpu.memory_space<semaphore_mem>>
    %dma_start3A_964 = tpu.memref_squeeze %dma_start3A_963 : memref<1x!tpu.dma_semaphore, #tpu.memory_space<semaphore_mem>> -> memref<!tpu.dma_semaphore, #tpu.memory_space<semaphore_mem>>
    tpu.enqueue_indirect_dma source(%dma_start3A_962 : memref<10000x128xf32, #tpu.memory_space<hbm>>) target(%arg12 : memref<80x128xf32, #tpu.memory_space<vmem>>) offsets(%dma_start3A_959 : memref<80xi32, #tpu.memory_space<vmem>>) semaphore(%dma_start3A_964 : memref<!tpu.dma_semaphore, #tpu.memory_space<semaphore_mem>>)
    %dma_start3A_965 = arith.constant 4 : i32
    %dma_start3A_966 = arith.constant 0 : i32
    %dma_start3A_967 = arith.constant 0 : i32
    %dma_start3A_968 = arith.constant 0 : i32
    %dma_start3A_969 = tpu.memref_slice %arg10[%dma_start3A_966, %dma_start3A_968] : memref<2x80xf32, #tpu.memory_space<vmem>> -> memref<1x80xf32, #tpu.memory_space<vmem>>
    %dma_start3A_970 = tpu.memref_squeeze %dma_start3A_969 : memref<1x80xf32, #tpu.memory_space<vmem>> -> memref<80xf32, #tpu.memory_space<vmem>>
    %dma_start3A_971 = arith.constant 0 : i32
    %dma_start3A_972 = tpu.memref_slice %arg8[%dma_start3A_965, %dma_start3A_971] : memref<5x80xi32, #tpu.memory_space<vmem>> -> memref<1x80xi32, #tpu.memory_space<vmem>>
    %dma_start3A_973 = tpu.memref_squeeze %dma_start3A_972 : memref<1x80xi32, #tpu.memory_space<vmem>> -> memref<80xi32, #tpu.memory_space<vmem>>
    %dma_start3A_974 = arith.constant 0 : i32
    %dma_start3A_975 = tpu.memref_slice %arg17[%dma_start3A_974] : memref<10000xf32, #tpu.memory_space<vmem_shared>> -> memref<10000xf32, #tpu.memory_space<vmem_shared>>
    %dma_start3A_976 = tpu.memref_slice %arg23[%dma_start3A_967] : memref<2x!tpu.dma_semaphore, #tpu.memory_space<semaphore_mem>> -> memref<1x!tpu.dma_semaphore, #tpu.memory_space<semaphore_mem>>
    %dma_start3A_977 = tpu.memref_squeeze %dma_start3A_976 : memref<1x!tpu.dma_semaphore, #tpu.memory_space<semaphore_mem>> -> memref<!tpu.dma_semaphore, #tpu.memory_space<semaphore_mem>>
    tpu.enqueue_indirect_dma source(%dma_start3A_975 : memref<10000xf32, #tpu.memory_space<vmem_shared>>) target(%dma_start3A_970 : memref<80xf32, #tpu.memory_space<vmem>>) offsets(%dma_start3A_973 : memref<80xi32, #tpu.memory_space<vmem>>) semaphore(%dma_start3A_977 : memref<!tpu.dma_semaphore, #tpu.memory_space<semaphore_mem>>)
    %dma_start3A_978 = arith.constant 4 : i32
    %dma_start3A_979 = arith.constant 0 : i32
    %dma_start3A_980 = arith.constant 0 : i32
    %dma_start3A_981 = arith.constant 0 : i32
    %dma_start3A_982 = tpu.memref_slice %arg11[%dma_start3A_979, %dma_start3A_981] : memref<2x80xf32, #tpu.memory_space<vmem>> -> memref<1x80xf32, #tpu.memory_space<vmem>>
    %dma_start3A_983 = tpu.memref_squeeze %dma_start3A_982 : memref<1x80xf32, #tpu.memory_space<vmem>> -> memref<80xf32, #tpu.memory_space<vmem>>
    %dma_start3A_984 = arith.constant 0 : i32
    %dma_start3A_985 = tpu.memref_slice %arg9[%dma_start3A_978, %dma_start3A_984] : memref<5x80xi32, #tpu.memory_space<vmem>> -> memref<1x80xi32, #tpu.memory_space<vmem>>
    %dma_start3A_986 = tpu.memref_squeeze %dma_start3A_985 : memref<1x80xi32, #tpu.memory_space<vmem>> -> memref<80xi32, #tpu.memory_space<vmem>>
    %dma_start3A_987 = arith.constant 0 : i32
    %dma_start3A_988 = tpu.memref_slice %arg18[%dma_start3A_987] : memref<10000xf32, #tpu.memory_space<vmem_shared>> -> memref<10000xf32, #tpu.memory_space<vmem_shared>>
    %dma_start3A_989 = tpu.memref_slice %arg24[%dma_start3A_980] : memref<2x!tpu.dma_semaphore, #tpu.memory_space<semaphore_mem>> -> memref<1x!tpu.dma_semaphore, #tpu.memory_space<semaphore_mem>>
    %dma_start3A_990 = tpu.memref_squeeze %dma_start3A_989 : memref<1x!tpu.dma_semaphore, #tpu.memory_space<semaphore_mem>> -> memref<!tpu.dma_semaphore, #tpu.memory_space<semaphore_mem>>
    tpu.enqueue_indirect_dma source(%dma_start3A_988 : memref<10000xf32, #tpu.memory_space<vmem_shared>>) target(%dma_start3A_983 : memref<80xf32, #tpu.memory_space<vmem>>) offsets(%dma_start3A_986 : memref<80xi32, #tpu.memory_space<vmem>>) semaphore(%dma_start3A_990 : memref<!tpu.dma_semaphore, #tpu.memory_space<semaphore_mem>>)
    %dma_wait3A_991 = arith.constant 3 : i32
    %dma_wait3A_992 = arith.constant 1 : i32
    %dma_wait3A_993 = arith.constant 1 : i32
    %dma_wait3A_994 = arith.constant 0 : i32
    %dma_wait3A_995 = tpu.memref_slice %arg10[%dma_wait3A_992, %dma_wait3A_994] : memref<2x80xf32, #tpu.memory_space<vmem>> -> memref<1x80xf32, #tpu.memory_space<vmem>>
    %dma_wait3A_996 = tpu.memref_squeeze %dma_wait3A_995 : memref<1x80xf32, #tpu.memory_space<vmem>> -> memref<80xf32, #tpu.memory_space<vmem>>
    %dma_wait3A_997 = arith.constant 0 : i32
    %dma_wait3A_998 = tpu.memref_slice %arg8[%dma_wait3A_991, %dma_wait3A_997] : memref<5x80xi32, #tpu.memory_space<vmem>> -> memref<1x80xi32, #tpu.memory_space<vmem>>
    %dma_wait3A_999 = tpu.memref_squeeze %dma_wait3A_998 : memref<1x80xi32, #tpu.memory_space<vmem>> -> memref<80xi32, #tpu.memory_space<vmem>>
    %dma_wait3A_1000 = arith.constant 0 : i32
    %dma_wait3A_1001 = tpu.memref_slice %arg17[%dma_wait3A_1000] : memref<10000xf32, #tpu.memory_space<vmem_shared>> -> memref<10000xf32, #tpu.memory_space<vmem_shared>>
    %dma_wait3A_1002 = tpu.memref_slice %arg23[%dma_wait3A_993] : memref<2x!tpu.dma_semaphore, #tpu.memory_space<semaphore_mem>> -> memref<1x!tpu.dma_semaphore, #tpu.memory_space<semaphore_mem>>
    %dma_wait3A_1003 = tpu.memref_squeeze %dma_wait3A_1002 : memref<1x!tpu.dma_semaphore, #tpu.memory_space<semaphore_mem>> -> memref<!tpu.dma_semaphore, #tpu.memory_space<semaphore_mem>>
    tpu.wait_indirect_dma semaphore(%dma_wait3A_1003 : memref<!tpu.dma_semaphore, #tpu.memory_space<semaphore_mem>>) src(%dma_wait3A_1001 : memref<10000xf32, #tpu.memory_space<vmem_shared>>) dst(%dma_wait3A_996 : memref<80xf32, #tpu.memory_space<vmem>>)
    %dma_wait3A_1004 = arith.constant 3 : i32
    %dma_wait3A_1005 = arith.constant 1 : i32
    %dma_wait3A_1006 = arith.constant 1 : i32
    %dma_wait3A_1007 = arith.constant 0 : i32
    %dma_wait3A_1008 = tpu.memref_slice %arg11[%dma_wait3A_1005, %dma_wait3A_1007] : memref<2x80xf32, #tpu.memory_space<vmem>> -> memref<1x80xf32, #tpu.memory_space<vmem>>
    %dma_wait3A_1009 = tpu.memref_squeeze %dma_wait3A_1008 : memref<1x80xf32, #tpu.memory_space<vmem>> -> memref<80xf32, #tpu.memory_space<vmem>>
    %dma_wait3A_1010 = arith.constant 0 : i32
    %dma_wait3A_1011 = tpu.memref_slice %arg9[%dma_wait3A_1004, %dma_wait3A_1010] : memref<5x80xi32, #tpu.memory_space<vmem>> -> memref<1x80xi32, #tpu.memory_space<vmem>>
    %dma_wait3A_1012 = tpu.memref_squeeze %dma_wait3A_1011 : memref<1x80xi32, #tpu.memory_space<vmem>> -> memref<80xi32, #tpu.memory_space<vmem>>
    %dma_wait3A_1013 = arith.constant 0 : i32
    %dma_wait3A_1014 = tpu.memref_slice %arg18[%dma_wait3A_1013] : memref<10000xf32, #tpu.memory_space<vmem_shared>> -> memref<10000xf32, #tpu.memory_space<vmem_shared>>
    %dma_wait3A_1015 = tpu.memref_slice %arg24[%dma_wait3A_1006] : memref<2x!tpu.dma_semaphore, #tpu.memory_space<semaphore_mem>> -> memref<1x!tpu.dma_semaphore, #tpu.memory_space<semaphore_mem>>
    %dma_wait3A_1016 = tpu.memref_squeeze %dma_wait3A_1015 : memref<1x!tpu.dma_semaphore, #tpu.memory_space<semaphore_mem>> -> memref<!tpu.dma_semaphore, #tpu.memory_space<semaphore_mem>>
    tpu.wait_indirect_dma semaphore(%dma_wait3A_1016 : memref<!tpu.dma_semaphore, #tpu.memory_space<semaphore_mem>>) src(%dma_wait3A_1014 : memref<10000xf32, #tpu.memory_space<vmem_shared>>) dst(%dma_wait3A_1009 : memref<80xf32, #tpu.memory_space<vmem>>)
    %get3A_1017 = arith.constant 1 : i32
    %get3A_1018 = arith.index_cast %get3A_1017 : i32 to index
    %get3A_1019 = arith.constant 0 : index
    %get3A_1020 = tpu.vector_load %arg10[%get3A_1018, %get3A_1019] {strides = array<i32>} : memref<2x80xf32, #tpu.memory_space<vmem>>, vector<16xf32>,
    %get3A_1021 = arith.constant 1 : i32
    %get3A_1022 = arith.index_cast %get3A_1021 : i32 to index
    %get3A_1023 = arith.constant 0 : index
    %get3A_1024 = tpu.vector_load %arg11[%get3A_1022, %get3A_1023] {strides = array<i32>} : memref<2x80xf32, #tpu.memory_space<vmem>>, vector<16xf32>,
    %add3A_1025 = arith.addf %get3A_1020, %get3A_1024 : vector<16xf32>
    %neg3A_1026 = arith.constant 0.000000e+00 : f32
    %neg3A_1027 = vector.broadcast %neg3A_1026 : f32 to vector<16xf32>
    %neg3A_1028 = arith.subf %neg3A_1027, %add3A_1025 : vector<16xf32>
    %exp3A_1029 = math.exp %neg3A_1028 : vector<16xf32>
    %add3A_1030 = arith.constant 1.000000e+00 : f32
    %add3A_1031 = vector.broadcast %add3A_1030 : f32 to vector<16xf32>
    %add3A_1032 = arith.addf %add3A_1031, %exp3A_1029 : vector<16xf32>
    %div3A_1033 = arith.constant 1.000000e+00 : f32
    %div3A_1034 = vector.broadcast %div3A_1033 : f32 to vector<16xf32>
    %div3A_1035 = arith.divf %div3A_1034, %add3A_1032 : vector<16xf32>
    %swap3A_1036 = arith.constant 0 : index
    %swap3A_1037 = tpu.vector_load %arg16[%swap3A_1036] {strides = array<i32>} : memref<80xf32, #tpu.memory_space<vmem>>, vector<16xf32>,
    tpu.vector_store %arg16[%swap3A_1036], %div3A_1035 {strides = array<i32>} : memref<80xf32, #tpu.memory_space<vmem>>, vector<16xf32>,
    %get3A_1038 = arith.constant 1 : i32
    %get3A_1039 = arith.index_cast %get3A_1038 : i32 to index
    %get3A_1040 = arith.constant 16 : index
    %get3A_1041 = tpu.vector_load %arg10[%get3A_1039, %get3A_1040] {strides = array<i32>} : memref<2x80xf32, #tpu.memory_space<vmem>>, vector<16xf32>,
    %get3A_1042 = arith.constant 1 : i32
    %get3A_1043 = arith.index_cast %get3A_1042 : i32 to index
    %get3A_1044 = arith.constant 16 : index
    %get3A_1045 = tpu.vector_load %arg11[%get3A_1043, %get3A_1044] {strides = array<i32>} : memref<2x80xf32, #tpu.memory_space<vmem>>, vector<16xf32>,
    %add3A_1046 = arith.addf %get3A_1041, %get3A_1045 : vector<16xf32>
    %neg3A_1047 = arith.constant 0.000000e+00 : f32
    %neg3A_1048 = vector.broadcast %neg3A_1047 : f32 to vector<16xf32>
    %neg3A_1049 = arith.subf %neg3A_1048, %add3A_1046 : vector<16xf32>
    %exp3A_1050 = math.exp %neg3A_1049 : vector<16xf32>
    %add3A_1051 = arith.constant 1.000000e+00 : f32
    %add3A_1052 = vector.broadcast %add3A_1051 : f32 to vector<16xf32>
    %add3A_1053 = arith.addf %add3A_1052, %exp3A_1050 : vector<16xf32>
    %div3A_1054 = arith.constant 1.000000e+00 : f32
    %div3A_1055 = vector.broadcast %div3A_1054 : f32 to vector<16xf32>
    %div3A_1056 = arith.divf %div3A_1055, %add3A_1053 : vector<16xf32>
    %swap3A_1057 = arith.constant 16 : index
    %swap3A_1058 = tpu.vector_load %arg16[%swap3A_1057] {strides = array<i32>} : memref<80xf32, #tpu.memory_space<vmem>>, vector<16xf32>,
    tpu.vector_store %arg16[%swap3A_1057], %div3A_1056 {strides = array<i32>} : memref<80xf32, #tpu.memory_space<vmem>>, vector<16xf32>,
    %get3A_1059 = arith.constant 1 : i32
    %get3A_1060 = arith.index_cast %get3A_1059 : i32 to index
    %get3A_1061 = arith.constant 32 : index
    %get3A_1062 = tpu.vector_load %arg10[%get3A_1060, %get3A_1061] {strides = array<i32>} : memref<2x80xf32, #tpu.memory_space<vmem>>, vector<16xf32>,
    %get3A_1063 = arith.constant 1 : i32
    %get3A_1064 = arith.index_cast %get3A_1063 : i32 to index
    %get3A_1065 = arith.constant 32 : index
    %get3A_1066 = tpu.vector_load %arg11[%get3A_1064, %get3A_1065] {strides = array<i32>} : memref<2x80xf32, #tpu.memory_space<vmem>>, vector<16xf32>,
    %add3A_1067 = arith.addf %get3A_1062, %get3A_1066 : vector<16xf32>
    %neg3A_1068 = arith.constant 0.000000e+00 : f32
    %neg3A_1069 = vector.broadcast %neg3A_1068 : f32 to vector<16xf32>
    %neg3A_1070 = arith.subf %neg3A_1069, %add3A_1067 : vector<16xf32>
    %exp3A_1071 = math.exp %neg3A_1070 : vector<16xf32>
    %add3A_1072 = arith.constant 1.000000e+00 : f32
    %add3A_1073 = vector.broadcast %add3A_1072 : f32 to vector<16xf32>
    %add3A_1074 = arith.addf %add3A_1073, %exp3A_1071 : vector<16xf32>
    %div3A_1075 = arith.constant 1.000000e+00 : f32
    %div3A_1076 = vector.broadcast %div3A_1075 : f32 to vector<16xf32>
    %div3A_1077 = arith.divf %div3A_1076, %add3A_1074 : vector<16xf32>
    %swap3A_1078 = arith.constant 32 : index
    %swap3A_1079 = tpu.vector_load %arg16[%swap3A_1078] {strides = array<i32>} : memref<80xf32, #tpu.memory_space<vmem>>, vector<16xf32>,
    tpu.vector_store %arg16[%swap3A_1078], %div3A_1077 {strides = array<i32>} : memref<80xf32, #tpu.memory_space<vmem>>, vector<16xf32>,
    %get3A_1080 = arith.constant 1 : i32
    %get3A_1081 = arith.index_cast %get3A_1080 : i32 to index
    %get3A_1082 = arith.constant 48 : index
    %get3A_1083 = tpu.vector_load %arg10[%get3A_1081, %get3A_1082] {strides = array<i32>} : memref<2x80xf32, #tpu.memory_space<vmem>>, vector<16xf32>,
    %get3A_1084 = arith.constant 1 : i32
    %get3A_1085 = arith.index_cast %get3A_1084 : i32 to index
    %get3A_1086 = arith.constant 48 : index
    %get3A_1087 = tpu.vector_load %arg11[%get3A_1085, %get3A_1086] {strides = array<i32>} : memref<2x80xf32, #tpu.memory_space<vmem>>, vector<16xf32>,
    %add3A_1088 = arith.addf %get3A_1083, %get3A_1087 : vector<16xf32>
    %neg3A_1089 = arith.constant 0.000000e+00 : f32
    %neg3A_1090 = vector.broadcast %neg3A_1089 : f32 to vector<16xf32>
    %neg3A_1091 = arith.subf %neg3A_1090, %add3A_1088 : vector<16xf32>
    %exp3A_1092 = math.exp %neg3A_1091 : vector<16xf32>
    %add3A_1093 = arith.constant 1.000000e+00 : f32
    %add3A_1094 = vector.broadcast %add3A_1093 : f32 to vector<16xf32>
    %add3A_1095 = arith.addf %add3A_1094, %exp3A_1092 : vector<16xf32>
    %div3A_1096 = arith.constant 1.000000e+00 : f32
    %div3A_1097 = vector.broadcast %div3A_1096 : f32 to vector<16xf32>
    %div3A_1098 = arith.divf %div3A_1097, %add3A_1095 : vector<16xf32>
    %swap3A_1099 = arith.constant 48 : index
    %swap3A_1100 = tpu.vector_load %arg16[%swap3A_1099] {strides = array<i32>} : memref<80xf32, #tpu.memory_space<vmem>>, vector<16xf32>,
    tpu.vector_store %arg16[%swap3A_1099], %div3A_1098 {strides = array<i32>} : memref<80xf32, #tpu.memory_space<vmem>>, vector<16xf32>,
    %get3A_1101 = arith.constant 1 : i32
    %get3A_1102 = arith.index_cast %get3A_1101 : i32 to index
    %get3A_1103 = arith.constant 64 : index
    %get3A_1104 = tpu.vector_load %arg10[%get3A_1102, %get3A_1103] {strides = array<i32>} : memref<2x80xf32, #tpu.memory_space<vmem>>, vector<16xf32>,
    %get3A_1105 = arith.constant 1 : i32
    %get3A_1106 = arith.index_cast %get3A_1105 : i32 to index
    %get3A_1107 = arith.constant 64 : index
    %get3A_1108 = tpu.vector_load %arg11[%get3A_1106, %get3A_1107] {strides = array<i32>} : memref<2x80xf32, #tpu.memory_space<vmem>>, vector<16xf32>,
    %add3A_1109 = arith.addf %get3A_1104, %get3A_1108 : vector<16xf32>
    %neg3A_1110 = arith.constant 0.000000e+00 : f32
    %neg3A_1111 = vector.broadcast %neg3A_1110 : f32 to vector<16xf32>
    %neg3A_1112 = arith.subf %neg3A_1111, %add3A_1109 : vector<16xf32>
    %exp3A_1113 = math.exp %neg3A_1112 : vector<16xf32>
    %add3A_1114 = arith.constant 1.000000e+00 : f32
    %add3A_1115 = vector.broadcast %add3A_1114 : f32 to vector<16xf32>
    %add3A_1116 = arith.addf %add3A_1115, %exp3A_1113 : vector<16xf32>
    %div3A_1117 = arith.constant 1.000000e+00 : f32
    %div3A_1118 = vector.broadcast %div3A_1117 : f32 to vector<16xf32>
    %div3A_1119 = arith.divf %div3A_1118, %add3A_1116 : vector<16xf32>
    %swap3A_1120 = arith.constant 64 : index
    %swap3A_1121 = tpu.vector_load %arg16[%swap3A_1120] {strides = array<i32>} : memref<80xf32, #tpu.memory_space<vmem>>, vector<16xf32>,
    tpu.vector_store %arg16[%swap3A_1120], %div3A_1119 {strides = array<i32>} : memref<80xf32, #tpu.memory_space<vmem>>, vector<16xf32>,
    %dma_wait3A_1122 = arith.constant 3 : i32
    %dma_wait3A_1123 = arith.constant 1 : i32
    %dma_wait3A_1124 = arith.constant 0 : i32
    %dma_wait3A_1125 = tpu.memref_slice %arg9[%dma_wait3A_1122, %dma_wait3A_1124] : memref<5x80xi32, #tpu.memory_space<vmem>> -> memref<1x80xi32, #tpu.memory_space<vmem>>
    %dma_wait3A_1126 = tpu.memref_squeeze %dma_wait3A_1125 : memref<1x80xi32, #tpu.memory_space<vmem>> -> memref<80xi32, #tpu.memory_space<vmem>>
    %dma_wait3A_1127 = arith.constant 0 : i32
    %dma_wait3A_1128 = arith.constant 0 : i32
    %dma_wait3A_1129 = tpu.memref_slice %arg2[%dma_wait3A_1127, %dma_wait3A_1128] : memref<10000x128xf32, #tpu.memory_space<hbm>> -> memref<10000x128xf32, #tpu.memory_space<hbm>>
    %dma_wait3A_1130 = tpu.memref_slice %arg22[%dma_wait3A_1123] : memref<2x!tpu.dma_semaphore, #tpu.memory_space<semaphore_mem>> -> memref<1x!tpu.dma_semaphore, #tpu.memory_space<semaphore_mem>>
    %dma_wait3A_1131 = tpu.memref_squeeze %dma_wait3A_1130 : memref<1x!tpu.dma_semaphore, #tpu.memory_space<semaphore_mem>> -> memref<!tpu.dma_semaphore, #tpu.memory_space<semaphore_mem>>
    tpu.wait_indirect_dma semaphore(%dma_wait3A_1131 : memref<!tpu.dma_semaphore, #tpu.memory_space<semaphore_mem>>) src(%dma_wait3A_1129 : memref<10000x128xf32, #tpu.memory_space<hbm>>) dst(%arg13 : memref<80x128xf32, #tpu.memory_space<vmem>>)
    %dma_wait3A_1132 = arith.constant 1 : i32
    %dma_wait3A_1133 = arith.constant 1 : i32
    %dma_wait3A_1134 = arith.constant 0 : i32
    %dma_wait3A_1135 = tpu.memref_slice %arg8[%dma_wait3A_1132, %dma_wait3A_1134] : memref<5x80xi32, #tpu.memory_space<vmem>> -> memref<1x80xi32, #tpu.memory_space<vmem>>
    %dma_wait3A_1136 = tpu.memref_squeeze %dma_wait3A_1135 : memref<1x80xi32, #tpu.memory_space<vmem>> -> memref<80xi32, #tpu.memory_space<vmem>>
    %dma_wait3A_1137 = arith.constant 0 : i32
    %dma_wait3A_1138 = arith.constant 0 : i32
    %dma_wait3A_1139 = tpu.memref_slice %arg19[%dma_wait3A_1137, %dma_wait3A_1138] : memref<10000x128xf32, #tpu.memory_space<vmem_shared>> -> memref<10000x128xf32, #tpu.memory_space<vmem_shared>>
    %dma_wait3A_1140 = tpu.memref_slice %arg25[%dma_wait3A_1133] : memref<2x!tpu.dma_semaphore, #tpu.memory_space<semaphore_mem>> -> memref<1x!tpu.dma_semaphore, #tpu.memory_space<semaphore_mem>>
    %dma_wait3A_1141 = tpu.memref_squeeze %dma_wait3A_1140 : memref<1x!tpu.dma_semaphore, #tpu.memory_space<semaphore_mem>> -> memref<!tpu.dma_semaphore, #tpu.memory_space<semaphore_mem>>
    tpu.wait_indirect_dma semaphore(%dma_wait3A_1141 : memref<!tpu.dma_semaphore, #tpu.memory_space<semaphore_mem>>) src(%arg15 : memref<80x128xf32, #tpu.memory_space<vmem>>) dst(%dma_wait3A_1139 : memref<10000x128xf32, #tpu.memory_space<vmem_shared>>)
    %parallel_loop3A_1142 = arith.constant 0 : i32
    %parallel_loop3A_1143 = arith.constant 80 : i32
    %parallel_loop3A_1144 = arith.constant 1 : i32
    scf.for %parallel_loop3A_1360 = %parallel_loop3A_1142 to %parallel_loop3A_1143 step %parallel_loop3A_1144  : i32 {
      %parallel_loop3A_1361 = vector.broadcast %parallel_loop3A_1360 : i32 to vector<16xi32>
      %parallel_loop3A_1362 = tpu.vector_load_idx %arg16[%parallel_loop3A_1361] : memref<80xf32, #tpu.memory_space<vmem>>[vector<16xi32>], vector<16xf32>,
      %parallel_loop3A_1363 = arith.index_cast %parallel_loop3A_1360 : i32 to index
      %parallel_loop3A_1364 = arith.constant 0 : index
      %parallel_loop3A_1365 = tpu.vector_load %arg13[%parallel_loop3A_1363, %parallel_loop3A_1364] {strides = array<i32>} : memref<80x128xf32, #tpu.memory_space<vmem>>, vector<16xf32>,
      %parallel_loop3A_1366 = arith.mulf %parallel_loop3A_1365, %parallel_loop3A_1362 : vector<16xf32>
      %parallel_loop3A_1367 = arith.index_cast %parallel_loop3A_1360 : i32 to index
      %parallel_loop3A_1368 = arith.constant 0 : index
      %parallel_loop3A_1369 = tpu.vector_load %arg15[%parallel_loop3A_1367, %parallel_loop3A_1368] {strides = array<i32>} : memref<80x128xf32, #tpu.memory_space<vmem>>, vector<16xf32>,
      tpu.vector_store %arg15[%parallel_loop3A_1367, %parallel_loop3A_1368], %parallel_loop3A_1366 {strides = array<i32>} : memref<80x128xf32, #tpu.memory_space<vmem>>, vector<16xf32>,
      %parallel_loop3A_1370 = arith.index_cast %parallel_loop3A_1360 : i32 to index
      %parallel_loop3A_1371 = arith.constant 16 : index
      %parallel_loop3A_1372 = tpu.vector_load %arg13[%parallel_loop3A_1370, %parallel_loop3A_1371] {strides = array<i32>} : memref<80x128xf32, #tpu.memory_space<vmem>>, vector<16xf32>,
      %parallel_loop3A_1373 = arith.mulf %parallel_loop3A_1372, %parallel_loop3A_1362 : vector<16xf32>
      %parallel_loop3A_1374 = arith.index_cast %parallel_loop3A_1360 : i32 to index
      %parallel_loop3A_1375 = arith.constant 16 : index
      %parallel_loop3A_1376 = tpu.vector_load %arg15[%parallel_loop3A_1374, %parallel_loop3A_1375] {strides = array<i32>} : memref<80x128xf32, #tpu.memory_space<vmem>>, vector<16xf32>,
      tpu.vector_store %arg15[%parallel_loop3A_1374, %parallel_loop3A_1375], %parallel_loop3A_1373 {strides = array<i32>} : memref<80x128xf32, #tpu.memory_space<vmem>>, vector<16xf32>,
      %parallel_loop3A_1377 = arith.index_cast %parallel_loop3A_1360 : i32 to index
      %parallel_loop3A_1378 = arith.constant 32 : index
      %parallel_loop3A_1379 = tpu.vector_load %arg13[%parallel_loop3A_1377, %parallel_loop3A_1378] {strides = array<i32>} : memref<80x128xf32, #tpu.memory_space<vmem>>, vector<16xf32>,
      %parallel_loop3A_1380 = arith.mulf %parallel_loop3A_1379, %parallel_loop3A_1362 : vector<16xf32>
      %parallel_loop3A_1381 = arith.index_cast %parallel_loop3A_1360 : i32 to index
      %parallel_loop3A_1382 = arith.constant 32 : index
      %parallel_loop3A_1383 = tpu.vector_load %arg15[%parallel_loop3A_1381, %parallel_loop3A_1382] {strides = array<i32>} : memref<80x128xf32, #tpu.memory_space<vmem>>, vector<16xf32>,
      tpu.vector_store %arg15[%parallel_loop3A_1381, %parallel_loop3A_1382], %parallel_loop3A_1380 {strides = array<i32>} : memref<80x128xf32, #tpu.memory_space<vmem>>, vector<16xf32>,
      %parallel_loop3A_1384 = arith.index_cast %parallel_loop3A_1360 : i32 to index
      %parallel_loop3A_1385 = arith.constant 48 : index
      %parallel_loop3A_1386 = tpu.vector_load %arg13[%parallel_loop3A_1384, %parallel_loop3A_1385] {strides = array<i32>} : memref<80x128xf32, #tpu.memory_space<vmem>>, vector<16xf32>,
      %parallel_loop3A_1387 = arith.mulf %parallel_loop3A_1386, %parallel_loop3A_1362 : vector<16xf32>
      %parallel_loop3A_1388 = arith.index_cast %parallel_loop3A_1360 : i32 to index
      %parallel_loop3A_1389 = arith.constant 48 : index
      %parallel_loop3A_1390 = tpu.vector_load %arg15[%parallel_loop3A_1388, %parallel_loop3A_1389] {strides = array<i32>} : memref<80x128xf32, #tpu.memory_space<vmem>>, vector<16xf32>,
      tpu.vector_store %arg15[%parallel_loop3A_1388, %parallel_loop3A_1389], %parallel_loop3A_1387 {strides = array<i32>} : memref<80x128xf32, #tpu.memory_space<vmem>>, vector<16xf32>,
      %parallel_loop3A_1391 = arith.index_cast %parallel_loop3A_1360 : i32 to index
      %parallel_loop3A_1392 = arith.constant 64 : index
      %parallel_loop3A_1393 = tpu.vector_load %arg13[%parallel_loop3A_1391, %parallel_loop3A_1392] {strides = array<i32>} : memref<80x128xf32, #tpu.memory_space<vmem>>, vector<16xf32>,
      %parallel_loop3A_1394 = arith.mulf %parallel_loop3A_1393, %parallel_loop3A_1362 : vector<16xf32>
      %parallel_loop3A_1395 = arith.index_cast %parallel_loop3A_1360 : i32 to index
      %parallel_loop3A_1396 = arith.constant 64 : index
      %parallel_loop3A_1397 = tpu.vector_load %arg15[%parallel_loop3A_1395, %parallel_loop3A_1396] {strides = array<i32>} : memref<80x128xf32, #tpu.memory_space<vmem>>, vector<16xf32>,
      tpu.vector_store %arg15[%parallel_loop3A_1395, %parallel_loop3A_1396], %parallel_loop3A_1394 {strides = array<i32>} : memref<80x128xf32, #tpu.memory_space<vmem>>, vector<16xf32>,
      %parallel_loop3A_1398 = arith.index_cast %parallel_loop3A_1360 : i32 to index
      %parallel_loop3A_1399 = arith.constant 80 : index
      %parallel_loop3A_1400 = tpu.vector_load %arg13[%parallel_loop3A_1398, %parallel_loop3A_1399] {strides = array<i32>} : memref<80x128xf32, #tpu.memory_space<vmem>>, vector<16xf32>,
      %parallel_loop3A_1401 = arith.mulf %parallel_loop3A_1400, %parallel_loop3A_1362 : vector<16xf32>
      %parallel_loop3A_1402 = arith.index_cast %parallel_loop3A_1360 : i32 to index
      %parallel_loop3A_1403 = arith.constant 80 : index
      %parallel_loop3A_1404 = tpu.vector_load %arg15[%parallel_loop3A_1402, %parallel_loop3A_1403] {strides = array<i32>} : memref<80x128xf32, #tpu.memory_space<vmem>>, vector<16xf32>,
      tpu.vector_store %arg15[%parallel_loop3A_1402, %parallel_loop3A_1403], %parallel_loop3A_1401 {strides = array<i32>} : memref<80x128xf32, #tpu.memory_space<vmem>>, vector<16xf32>,
      %parallel_loop3A_1405 = arith.index_cast %parallel_loop3A_1360 : i32 to index
      %parallel_loop3A_1406 = arith.constant 96 : index
      %parallel_loop3A_1407 = tpu.vector_load %arg13[%parallel_loop3A_1405, %parallel_loop3A_1406] {strides = array<i32>} : memref<80x128xf32, #tpu.memory_space<vmem>>, vector<16xf32>,
      %parallel_loop3A_1408 = arith.mulf %parallel_loop3A_1407, %parallel_loop3A_1362 : vector<16xf32>
      %parallel_loop3A_1409 = arith.index_cast %parallel_loop3A_1360 : i32 to index
      %parallel_loop3A_1410 = arith.constant 96 : index
      %parallel_loop3A_1411 = tpu.vector_load %arg15[%parallel_loop3A_1409, %parallel_loop3A_1410] {strides = array<i32>} : memref<80x128xf32, #tpu.memory_space<vmem>>, vector<16xf32>,
      tpu.vector_store %arg15[%parallel_loop3A_1409, %parallel_loop3A_1410], %parallel_loop3A_1408 {strides = array<i32>} : memref<80x128xf32, #tpu.memory_space<vmem>>, vector<16xf32>,
      %parallel_loop3A_1412 = arith.index_cast %parallel_loop3A_1360 : i32 to index
      %parallel_loop3A_1413 = arith.constant 112 : index
      %parallel_loop3A_1414 = tpu.vector_load %arg13[%parallel_loop3A_1412, %parallel_loop3A_1413] {strides = array<i32>} : memref<80x128xf32, #tpu.memory_space<vmem>>, vector<16xf32>,
      %parallel_loop3A_1415 = arith.mulf %parallel_loop3A_1414, %parallel_loop3A_1362 : vector<16xf32>
      %parallel_loop3A_1416 = arith.index_cast %parallel_loop3A_1360 : i32 to index
      %parallel_loop3A_1417 = arith.constant 112 : index
      %parallel_loop3A_1418 = tpu.vector_load %arg15[%parallel_loop3A_1416, %parallel_loop3A_1417] {strides = array<i32>} : memref<80x128xf32, #tpu.memory_space<vmem>>, vector<16xf32>,
      tpu.vector_store %arg15[%parallel_loop3A_1416, %parallel_loop3A_1417], %parallel_loop3A_1415 {strides = array<i32>} : memref<80x128xf32, #tpu.memory_space<vmem>>, vector<16xf32>,
    } {sc.loop_unroll_factor = 4 : i64, sc.parallel_access}
    %dma_start3A_1145 = arith.constant 3 : i32
    %dma_start3A_1146 = arith.constant 1 : i32
    %dma_start3A_1147 = arith.constant 0 : i32
    %dma_start3A_1148 = tpu.memref_slice %arg8[%dma_start3A_1145, %dma_start3A_1147] : memref<5x80xi32, #tpu.memory_space<vmem>> -> memref<1x80xi32, #tpu.memory_space<vmem>>
    %dma_start3A_1149 = tpu.memref_squeeze %dma_start3A_1148 : memref<1x80xi32, #tpu.memory_space<vmem>> -> memref<80xi32, #tpu.memory_space<vmem>>
    %dma_start3A_1150 = arith.constant 0 : i32
    %dma_start3A_1151 = arith.constant 0 : i32
    %dma_start3A_1152 = tpu.memref_slice %arg19[%dma_start3A_1150, %dma_start3A_1151] : memref<10000x128xf32, #tpu.memory_space<vmem_shared>> -> memref<10000x128xf32, #tpu.memory_space<vmem_shared>>
    %dma_start3A_1153 = tpu.memref_slice %arg25[%dma_start3A_1146] : memref<2x!tpu.dma_semaphore, #tpu.memory_space<semaphore_mem>> -> memref<1x!tpu.dma_semaphore, #tpu.memory_space<semaphore_mem>>
    %dma_start3A_1154 = tpu.memref_squeeze %dma_start3A_1153 : memref<1x!tpu.dma_semaphore, #tpu.memory_space<semaphore_mem>> -> memref<!tpu.dma_semaphore, #tpu.memory_space<semaphore_mem>>
    tpu.enqueue_indirect_dma source(%arg15 : memref<80x128xf32, #tpu.memory_space<vmem>>) target(%dma_start3A_1152 : memref<10000x128xf32, #tpu.memory_space<vmem_shared>>) offsets(%dma_start3A_1149 : memref<80xi32, #tpu.memory_space<vmem>>) semaphore(%dma_start3A_1154 : memref<!tpu.dma_semaphore, #tpu.memory_space<semaphore_mem>>) {add = true}
    %dma_wait3A_1155 = arith.constant 4 : i32
    %dma_wait3A_1156 = arith.constant 0 : i32
    %dma_wait3A_1157 = arith.constant 0 : i32
    %dma_wait3A_1158 = arith.constant 0 : i32
    %dma_wait3A_1159 = tpu.memref_slice %arg10[%dma_wait3A_1156, %dma_wait3A_1158] : memref<2x80xf32, #tpu.memory_space<vmem>> -> memref<1x80xf32, #tpu.memory_space<vmem>>
    %dma_wait3A_1160 = tpu.memref_squeeze %dma_wait3A_1159 : memref<1x80xf32, #tpu.memory_space<vmem>> -> memref<80xf32, #tpu.memory_space<vmem>>
    %dma_wait3A_1161 = arith.constant 0 : i32
    %dma_wait3A_1162 = tpu.memref_slice %arg8[%dma_wait3A_1155, %dma_wait3A_1161] : memref<5x80xi32, #tpu.memory_space<vmem>> -> memref<1x80xi32, #tpu.memory_space<vmem>>
    %dma_wait3A_1163 = tpu.memref_squeeze %dma_wait3A_1162 : memref<1x80xi32, #tpu.memory_space<vmem>> -> memref<80xi32, #tpu.memory_space<vmem>>
    %dma_wait3A_1164 = arith.constant 0 : i32
    %dma_wait3A_1165 = tpu.memref_slice %arg17[%dma_wait3A_1164] : memref<10000xf32, #tpu.memory_space<vmem_shared>> -> memref<10000xf32, #tpu.memory_space<vmem_shared>>
    %dma_wait3A_1166 = tpu.memref_slice %arg23[%dma_wait3A_1157] : memref<2x!tpu.dma_semaphore, #tpu.memory_space<semaphore_mem>> -> memref<1x!tpu.dma_semaphore, #tpu.memory_space<semaphore_mem>>
    %dma_wait3A_1167 = tpu.memref_squeeze %dma_wait3A_1166 : memref<1x!tpu.dma_semaphore, #tpu.memory_space<semaphore_mem>> -> memref<!tpu.dma_semaphore, #tpu.memory_space<semaphore_mem>>
    tpu.wait_indirect_dma semaphore(%dma_wait3A_1167 : memref<!tpu.dma_semaphore, #tpu.memory_space<semaphore_mem>>) src(%dma_wait3A_1165 : memref<10000xf32, #tpu.memory_space<vmem_shared>>) dst(%dma_wait3A_1160 : memref<80xf32, #tpu.memory_space<vmem>>)
    %dma_wait3A_1168 = arith.constant 4 : i32
    %dma_wait3A_1169 = arith.constant 0 : i32
    %dma_wait3A_1170 = arith.constant 0 : i32
    %dma_wait3A_1171 = arith.constant 0 : i32
    %dma_wait3A_1172 = tpu.memref_slice %arg11[%dma_wait3A_1169, %dma_wait3A_1171] : memref<2x80xf32, #tpu.memory_space<vmem>> -> memref<1x80xf32, #tpu.memory_space<vmem>>
    %dma_wait3A_1173 = tpu.memref_squeeze %dma_wait3A_1172 : memref<1x80xf32, #tpu.memory_space<vmem>> -> memref<80xf32, #tpu.memory_space<vmem>>
    %dma_wait3A_1174 = arith.constant 0 : i32
    %dma_wait3A_1175 = tpu.memref_slice %arg9[%dma_wait3A_1168, %dma_wait3A_1174] : memref<5x80xi32, #tpu.memory_space<vmem>> -> memref<1x80xi32, #tpu.memory_space<vmem>>
    %dma_wait3A_1176 = tpu.memref_squeeze %dma_wait3A_1175 : memref<1x80xi32, #tpu.memory_space<vmem>> -> memref<80xi32, #tpu.memory_space<vmem>>
    %dma_wait3A_1177 = arith.constant 0 : i32
    %dma_wait3A_1178 = tpu.memref_slice %arg18[%dma_wait3A_1177] : memref<10000xf32, #tpu.memory_space<vmem_shared>> -> memref<10000xf32, #tpu.memory_space<vmem_shared>>
    %dma_wait3A_1179 = tpu.memref_slice %arg24[%dma_wait3A_1170] : memref<2x!tpu.dma_semaphore, #tpu.memory_space<semaphore_mem>> -> memref<1x!tpu.dma_semaphore, #tpu.memory_space<semaphore_mem>>
    %dma_wait3A_1180 = tpu.memref_squeeze %dma_wait3A_1179 : memref<1x!tpu.dma_semaphore, #tpu.memory_space<semaphore_mem>> -> memref<!tpu.dma_semaphore, #tpu.memory_space<semaphore_mem>>
    tpu.wait_indirect_dma semaphore(%dma_wait3A_1180 : memref<!tpu.dma_semaphore, #tpu.memory_space<semaphore_mem>>) src(%dma_wait3A_1178 : memref<10000xf32, #tpu.memory_space<vmem_shared>>) dst(%dma_wait3A_1173 : memref<80xf32, #tpu.memory_space<vmem>>)
    %get3A_1181 = arith.constant 0 : i32
    %get3A_1182 = arith.index_cast %get3A_1181 : i32 to index
    %get3A_1183 = arith.constant 0 : index
    %get3A_1184 = tpu.vector_load %arg10[%get3A_1182, %get3A_1183] {strides = array<i32>} : memref<2x80xf32, #tpu.memory_space<vmem>>, vector<16xf32>,
    %get3A_1185 = arith.constant 0 : i32
    %get3A_1186 = arith.index_cast %get3A_1185 : i32 to index
    %get3A_1187 = arith.constant 0 : index
    %get3A_1188 = tpu.vector_load %arg11[%get3A_1186, %get3A_1187] {strides = array<i32>} : memref<2x80xf32, #tpu.memory_space<vmem>>, vector<16xf32>,
    %add3A_1189 = arith.addf %get3A_1184, %get3A_1188 : vector<16xf32>
    %neg3A_1190 = arith.constant 0.000000e+00 : f32
    %neg3A_1191 = vector.broadcast %neg3A_1190 : f32 to vector<16xf32>
    %neg3A_1192 = arith.subf %neg3A_1191, %add3A_1189 : vector<16xf32>
    %exp3A_1193 = math.exp %neg3A_1192 : vector<16xf32>
    %add3A_1194 = arith.constant 1.000000e+00 : f32
    %add3A_1195 = vector.broadcast %add3A_1194 : f32 to vector<16xf32>
    %add3A_1196 = arith.addf %add3A_1195, %exp3A_1193 : vector<16xf32>
    %div3A_1197 = arith.constant 1.000000e+00 : f32
    %div3A_1198 = vector.broadcast %div3A_1197 : f32 to vector<16xf32>
    %div3A_1199 = arith.divf %div3A_1198, %add3A_1196 : vector<16xf32>
    %swap3A_1200 = arith.constant 0 : index
    %swap3A_1201 = tpu.vector_load %arg16[%swap3A_1200] {strides = array<i32>} : memref<80xf32, #tpu.memory_space<vmem>>, vector<16xf32>,
    tpu.vector_store %arg16[%swap3A_1200], %div3A_1199 {strides = array<i32>} : memref<80xf32, #tpu.memory_space<vmem>>, vector<16xf32>,
    %get3A_1202 = arith.constant 0 : i32
    %get3A_1203 = arith.index_cast %get3A_1202 : i32 to index
    %get3A_1204 = arith.constant 16 : index
    %get3A_1205 = tpu.vector_load %arg10[%get3A_1203, %get3A_1204] {strides = array<i32>} : memref<2x80xf32, #tpu.memory_space<vmem>>, vector<16xf32>,
    %get3A_1206 = arith.constant 0 : i32
    %get3A_1207 = arith.index_cast %get3A_1206 : i32 to index
    %get3A_1208 = arith.constant 16 : index
    %get3A_1209 = tpu.vector_load %arg11[%get3A_1207, %get3A_1208] {strides = array<i32>} : memref<2x80xf32, #tpu.memory_space<vmem>>, vector<16xf32>,
    %add3A_1210 = arith.addf %get3A_1205, %get3A_1209 : vector<16xf32>
    %neg3A_1211 = arith.constant 0.000000e+00 : f32
    %neg3A_1212 = vector.broadcast %neg3A_1211 : f32 to vector<16xf32>
    %neg3A_1213 = arith.subf %neg3A_1212, %add3A_1210 : vector<16xf32>
    %exp3A_1214 = math.exp %neg3A_1213 : vector<16xf32>
    %add3A_1215 = arith.constant 1.000000e+00 : f32
    %add3A_1216 = vector.broadcast %add3A_1215 : f32 to vector<16xf32>
    %add3A_1217 = arith.addf %add3A_1216, %exp3A_1214 : vector<16xf32>
    %div3A_1218 = arith.constant 1.000000e+00 : f32
    %div3A_1219 = vector.broadcast %div3A_1218 : f32 to vector<16xf32>
    %div3A_1220 = arith.divf %div3A_1219, %add3A_1217 : vector<16xf32>
    %swap3A_1221 = arith.constant 16 : index
    %swap3A_1222 = tpu.vector_load %arg16[%swap3A_1221] {strides = array<i32>} : memref<80xf32, #tpu.memory_space<vmem>>, vector<16xf32>,
    tpu.vector_store %arg16[%swap3A_1221], %div3A_1220 {strides = array<i32>} : memref<80xf32, #tpu.memory_space<vmem>>, vector<16xf32>,
    %get3A_1223 = arith.constant 0 : i32
    %get3A_1224 = arith.index_cast %get3A_1223 : i32 to index
    %get3A_1225 = arith.constant 32 : index
    %get3A_1226 = tpu.vector_load %arg10[%get3A_1224, %get3A_1225] {strides = array<i32>} : memref<2x80xf32, #tpu.memory_space<vmem>>, vector<16xf32>,
    %get3A_1227 = arith.constant 0 : i32
    %get3A_1228 = arith.index_cast %get3A_1227 : i32 to index
    %get3A_1229 = arith.constant 32 : index
    %get3A_1230 = tpu.vector_load %arg11[%get3A_1228, %get3A_1229] {strides = array<i32>} : memref<2x80xf32, #tpu.memory_space<vmem>>, vector<16xf32>,
    %add3A_1231 = arith.addf %get3A_1226, %get3A_1230 : vector<16xf32>
    %neg3A_1232 = arith.constant 0.000000e+00 : f32
    %neg3A_1233 = vector.broadcast %neg3A_1232 : f32 to vector<16xf32>
    %neg3A_1234 = arith.subf %neg3A_1233, %add3A_1231 : vector<16xf32>
    %exp3A_1235 = math.exp %neg3A_1234 : vector<16xf32>
    %add3A_1236 = arith.constant 1.000000e+00 : f32
    %add3A_1237 = vector.broadcast %add3A_1236 : f32 to vector<16xf32>
    %add3A_1238 = arith.addf %add3A_1237, %exp3A_1235 : vector<16xf32>
    %div3A_1239 = arith.constant 1.000000e+00 : f32
    %div3A_1240 = vector.broadcast %div3A_1239 : f32 to vector<16xf32>
    %div3A_1241 = arith.divf %div3A_1240, %add3A_1238 : vector<16xf32>
    %swap3A_1242 = arith.constant 32 : index
    %swap3A_1243 = tpu.vector_load %arg16[%swap3A_1242] {strides = array<i32>} : memref<80xf32, #tpu.memory_space<vmem>>, vector<16xf32>,
    tpu.vector_store %arg16[%swap3A_1242], %div3A_1241 {strides = array<i32>} : memref<80xf32, #tpu.memory_space<vmem>>, vector<16xf32>,
    %get3A_1244 = arith.constant 0 : i32
    %get3A_1245 = arith.index_cast %get3A_1244 : i32 to index
    %get3A_1246 = arith.constant 48 : index
    %get3A_1247 = tpu.vector_load %arg10[%get3A_1245, %get3A_1246] {strides = array<i32>} : memref<2x80xf32, #tpu.memory_space<vmem>>, vector<16xf32>,
    %get3A_1248 = arith.constant 0 : i32
    %get3A_1249 = arith.index_cast %get3A_1248 : i32 to index
    %get3A_1250 = arith.constant 48 : index
    %get3A_1251 = tpu.vector_load %arg11[%get3A_1249, %get3A_1250] {strides = array<i32>} : memref<2x80xf32, #tpu.memory_space<vmem>>, vector<16xf32>,
    %add3A_1252 = arith.addf %get3A_1247, %get3A_1251 : vector<16xf32>
    %neg3A_1253 = arith.constant 0.000000e+00 : f32
    %neg3A_1254 = vector.broadcast %neg3A_1253 : f32 to vector<16xf32>
    %neg3A_1255 = arith.subf %neg3A_1254, %add3A_1252 : vector<16xf32>
    %exp3A_1256 = math.exp %neg3A_1255 : vector<16xf32>
    %add3A_1257 = arith.constant 1.000000e+00 : f32
    %add3A_1258 = vector.broadcast %add3A_1257 : f32 to vector<16xf32>
    %add3A_1259 = arith.addf %add3A_1258, %exp3A_1256 : vector<16xf32>
    %div3A_1260 = arith.constant 1.000000e+00 : f32
    %div3A_1261 = vector.broadcast %div3A_1260 : f32 to vector<16xf32>
    %div3A_1262 = arith.divf %div3A_1261, %add3A_1259 : vector<16xf32>
    %swap3A_1263 = arith.constant 48 : index
    %swap3A_1264 = tpu.vector_load %arg16[%swap3A_1263] {strides = array<i32>} : memref<80xf32, #tpu.memory_space<vmem>>, vector<16xf32>,
    tpu.vector_store %arg16[%swap3A_1263], %div3A_1262 {strides = array<i32>} : memref<80xf32, #tpu.memory_space<vmem>>, vector<16xf32>,
    %get3A_1265 = arith.constant 0 : i32
    %get3A_1266 = arith.index_cast %get3A_1265 : i32 to index
    %get3A_1267 = arith.constant 64 : index
    %get3A_1268 = tpu.vector_load %arg10[%get3A_1266, %get3A_1267] {strides = array<i32>} : memref<2x80xf32, #tpu.memory_space<vmem>>, vector<16xf32>,
    %get3A_1269 = arith.constant 0 : i32
    %get3A_1270 = arith.index_cast %get3A_1269 : i32 to index
    %get3A_1271 = arith.constant 64 : index
    %get3A_1272 = tpu.vector_load %arg11[%get3A_1270, %get3A_1271] {strides = array<i32>} : memref<2x80xf32, #tpu.memory_space<vmem>>, vector<16xf32>,
    %add3A_1273 = arith.addf %get3A_1268, %get3A_1272 : vector<16xf32>
    %neg3A_1274 = arith.constant 0.000000e+00 : f32
    %neg3A_1275 = vector.broadcast %neg3A_1274 : f32 to vector<16xf32>
    %neg3A_1276 = arith.subf %neg3A_1275, %add3A_1273 : vector<16xf32>
    %exp3A_1277 = math.exp %neg3A_1276 : vector<16xf32>
    %add3A_1278 = arith.constant 1.000000e+00 : f32
    %add3A_1279 = vector.broadcast %add3A_1278 : f32 to vector<16xf32>
    %add3A_1280 = arith.addf %add3A_1279, %exp3A_1277 : vector<16xf32>
    %div3A_1281 = arith.constant 1.000000e+00 : f32
    %div3A_1282 = vector.broadcast %div3A_1281 : f32 to vector<16xf32>
    %div3A_1283 = arith.divf %div3A_1282, %add3A_1280 : vector<16xf32>
    %swap3A_1284 = arith.constant 64 : index
    %swap3A_1285 = tpu.vector_load %arg16[%swap3A_1284] {strides = array<i32>} : memref<80xf32, #tpu.memory_space<vmem>>, vector<16xf32>,
    tpu.vector_store %arg16[%swap3A_1284], %div3A_1283 {strides = array<i32>} : memref<80xf32, #tpu.memory_space<vmem>>, vector<16xf32>,
    %dma_wait3A_1286 = arith.constant 4 : i32
    %dma_wait3A_1287 = arith.constant 0 : i32
    %dma_wait3A_1288 = arith.constant 0 : i32
    %dma_wait3A_1289 = tpu.memref_slice %arg9[%dma_wait3A_1286, %dma_wait3A_1288] : memref<5x80xi32, #tpu.memory_space<vmem>> -> memref<1x80xi32, #tpu.memory_space<vmem>>
    %dma_wait3A_1290 = tpu.memref_squeeze %dma_wait3A_1289 : memref<1x80xi32, #tpu.memory_space<vmem>> -> memref<80xi32, #tpu.memory_space<vmem>>
    %dma_wait3A_1291 = arith.constant 0 : i32
    %dma_wait3A_1292 = arith.constant 0 : i32
    %dma_wait3A_1293 = tpu.memref_slice %arg2[%dma_wait3A_1291, %dma_wait3A_1292] : memref<10000x128xf32, #tpu.memory_space<hbm>> -> memref<10000x128xf32, #tpu.memory_space<hbm>>
    %dma_wait3A_1294 = tpu.memref_slice %arg22[%dma_wait3A_1287] : memref<2x!tpu.dma_semaphore, #tpu.memory_space<semaphore_mem>> -> memref<1x!tpu.dma_semaphore, #tpu.memory_space<semaphore_mem>>
    %dma_wait3A_1295 = tpu.memref_squeeze %dma_wait3A_1294 : memref<1x!tpu.dma_semaphore, #tpu.memory_space<semaphore_mem>> -> memref<!tpu.dma_semaphore, #tpu.memory_space<semaphore_mem>>
    tpu.wait_indirect_dma semaphore(%dma_wait3A_1295 : memref<!tpu.dma_semaphore, #tpu.memory_space<semaphore_mem>>) src(%dma_wait3A_1293 : memref<10000x128xf32, #tpu.memory_space<hbm>>) dst(%arg12 : memref<80x128xf32, #tpu.memory_space<vmem>>)
    %dma_wait3A_1296 = arith.constant 2 : i32
    %dma_wait3A_1297 = arith.constant 0 : i32
    %dma_wait3A_1298 = arith.constant 0 : i32
    %dma_wait3A_1299 = tpu.memref_slice %arg8[%dma_wait3A_1296, %dma_wait3A_1298] : memref<5x80xi32, #tpu.memory_space<vmem>> -> memref<1x80xi32, #tpu.memory_space<vmem>>
    %dma_wait3A_1300 = tpu.memref_squeeze %dma_wait3A_1299 : memref<1x80xi32, #tpu.memory_space<vmem>> -> memref<80xi32, #tpu.memory_space<vmem>>
    %dma_wait3A_1301 = arith.constant 0 : i32
    %dma_wait3A_1302 = arith.constant 0 : i32
    %dma_wait3A_1303 = tpu.memref_slice %arg19[%dma_wait3A_1301, %dma_wait3A_1302] : memref<10000x128xf32, #tpu.memory_space<vmem_shared>> -> memref<10000x128xf32, #tpu.memory_space<vmem_shared>>
    %dma_wait3A_1304 = tpu.memref_slice %arg25[%dma_wait3A_1297] : memref<2x!tpu.dma_semaphore, #tpu.memory_space<semaphore_mem>> -> memref<1x!tpu.dma_semaphore, #tpu.memory_space<semaphore_mem>>
    %dma_wait3A_1305 = tpu.memref_squeeze %dma_wait3A_1304 : memref<1x!tpu.dma_semaphore, #tpu.memory_space<semaphore_mem>> -> memref<!tpu.dma_semaphore, #tpu.memory_space<semaphore_mem>>
    tpu.wait_indirect_dma semaphore(%dma_wait3A_1305 : memref<!tpu.dma_semaphore, #tpu.memory_space<semaphore_mem>>) src(%arg14 : memref<80x128xf32, #tpu.memory_space<vmem>>) dst(%dma_wait3A_1303 : memref<10000x128xf32, #tpu.memory_space<vmem_shared>>)
    %parallel_loop3A_1306 = arith.constant 0 : i32
    %parallel_loop3A_1307 = arith.constant 80 : i32
    %parallel_loop3A_1308 = arith.constant 1 : i32
    scf.for %parallel_loop3A_1360 = %parallel_loop3A_1306 to %parallel_loop3A_1307 step %parallel_loop3A_1308  : i32 {
      %parallel_loop3A_1361 = vector.broadcast %parallel_loop3A_1360 : i32 to vector<16xi32>
      %parallel_loop3A_1362 = tpu.vector_load_idx %arg16[%parallel_loop3A_1361] : memref<80xf32, #tpu.memory_space<vmem>>[vector<16xi32>], vector<16xf32>,
      %parallel_loop3A_1363 = arith.index_cast %parallel_loop3A_1360 : i32 to index
      %parallel_loop3A_1364 = arith.constant 0 : index
      %parallel_loop3A_1365 = tpu.vector_load %arg12[%parallel_loop3A_1363, %parallel_loop3A_1364] {strides = array<i32>} : memref<80x128xf32, #tpu.memory_space<vmem>>, vector<16xf32>,
      %parallel_loop3A_1366 = arith.mulf %parallel_loop3A_1365, %parallel_loop3A_1362 : vector<16xf32>
      %parallel_loop3A_1367 = arith.index_cast %parallel_loop3A_1360 : i32 to index
      %parallel_loop3A_1368 = arith.constant 0 : index
      %parallel_loop3A_1369 = tpu.vector_load %arg14[%parallel_loop3A_1367, %parallel_loop3A_1368] {strides = array<i32>} : memref<80x128xf32, #tpu.memory_space<vmem>>, vector<16xf32>,
      tpu.vector_store %arg14[%parallel_loop3A_1367, %parallel_loop3A_1368], %parallel_loop3A_1366 {strides = array<i32>} : memref<80x128xf32, #tpu.memory_space<vmem>>, vector<16xf32>,
      %parallel_loop3A_1370 = arith.index_cast %parallel_loop3A_1360 : i32 to index
      %parallel_loop3A_1371 = arith.constant 16 : index
      %parallel_loop3A_1372 = tpu.vector_load %arg12[%parallel_loop3A_1370, %parallel_loop3A_1371] {strides = array<i32>} : memref<80x128xf32, #tpu.memory_space<vmem>>, vector<16xf32>,
      %parallel_loop3A_1373 = arith.mulf %parallel_loop3A_1372, %parallel_loop3A_1362 : vector<16xf32>
      %parallel_loop3A_1374 = arith.index_cast %parallel_loop3A_1360 : i32 to index
      %parallel_loop3A_1375 = arith.constant 16 : index
      %parallel_loop3A_1376 = tpu.vector_load %arg14[%parallel_loop3A_1374, %parallel_loop3A_1375] {strides = array<i32>} : memref<80x128xf32, #tpu.memory_space<vmem>>, vector<16xf32>,
      tpu.vector_store %arg14[%parallel_loop3A_1374, %parallel_loop3A_1375], %parallel_loop3A_1373 {strides = array<i32>} : memref<80x128xf32, #tpu.memory_space<vmem>>, vector<16xf32>,
      %parallel_loop3A_1377 = arith.index_cast %parallel_loop3A_1360 : i32 to index
      %parallel_loop3A_1378 = arith.constant 32 : index
      %parallel_loop3A_1379 = tpu.vector_load %arg12[%parallel_loop3A_1377, %parallel_loop3A_1378] {strides = array<i32>} : memref<80x128xf32, #tpu.memory_space<vmem>>, vector<16xf32>,
      %parallel_loop3A_1380 = arith.mulf %parallel_loop3A_1379, %parallel_loop3A_1362 : vector<16xf32>
      %parallel_loop3A_1381 = arith.index_cast %parallel_loop3A_1360 : i32 to index
      %parallel_loop3A_1382 = arith.constant 32 : index
      %parallel_loop3A_1383 = tpu.vector_load %arg14[%parallel_loop3A_1381, %parallel_loop3A_1382] {strides = array<i32>} : memref<80x128xf32, #tpu.memory_space<vmem>>, vector<16xf32>,
      tpu.vector_store %arg14[%parallel_loop3A_1381, %parallel_loop3A_1382], %parallel_loop3A_1380 {strides = array<i32>} : memref<80x128xf32, #tpu.memory_space<vmem>>, vector<16xf32>,
      %parallel_loop3A_1384 = arith.index_cast %parallel_loop3A_1360 : i32 to index
      %parallel_loop3A_1385 = arith.constant 48 : index
      %parallel_loop3A_1386 = tpu.vector_load %arg12[%parallel_loop3A_1384, %parallel_loop3A_1385] {strides = array<i32>} : memref<80x128xf32, #tpu.memory_space<vmem>>, vector<16xf32>,
      %parallel_loop3A_1387 = arith.mulf %parallel_loop3A_1386, %parallel_loop3A_1362 : vector<16xf32>
      %parallel_loop3A_1388 = arith.index_cast %parallel_loop3A_1360 : i32 to index
      %parallel_loop3A_1389 = arith.constant 48 : index
      %parallel_loop3A_1390 = tpu.vector_load %arg14[%parallel_loop3A_1388, %parallel_loop3A_1389] {strides = array<i32>} : memref<80x128xf32, #tpu.memory_space<vmem>>, vector<16xf32>,
      tpu.vector_store %arg14[%parallel_loop3A_1388, %parallel_loop3A_1389], %parallel_loop3A_1387 {strides = array<i32>} : memref<80x128xf32, #tpu.memory_space<vmem>>, vector<16xf32>,
      %parallel_loop3A_1391 = arith.index_cast %parallel_loop3A_1360 : i32 to index
      %parallel_loop3A_1392 = arith.constant 64 : index
      %parallel_loop3A_1393 = tpu.vector_load %arg12[%parallel_loop3A_1391, %parallel_loop3A_1392] {strides = array<i32>} : memref<80x128xf32, #tpu.memory_space<vmem>>, vector<16xf32>,
      %parallel_loop3A_1394 = arith.mulf %parallel_loop3A_1393, %parallel_loop3A_1362 : vector<16xf32>
      %parallel_loop3A_1395 = arith.index_cast %parallel_loop3A_1360 : i32 to index
      %parallel_loop3A_1396 = arith.constant 64 : index
      %parallel_loop3A_1397 = tpu.vector_load %arg14[%parallel_loop3A_1395, %parallel_loop3A_1396] {strides = array<i32>} : memref<80x128xf32, #tpu.memory_space<vmem>>, vector<16xf32>,
      tpu.vector_store %arg14[%parallel_loop3A_1395, %parallel_loop3A_1396], %parallel_loop3A_1394 {strides = array<i32>} : memref<80x128xf32, #tpu.memory_space<vmem>>, vector<16xf32>,
      %parallel_loop3A_1398 = arith.index_cast %parallel_loop3A_1360 : i32 to index
      %parallel_loop3A_1399 = arith.constant 80 : index
      %parallel_loop3A_1400 = tpu.vector_load %arg12[%parallel_loop3A_1398, %parallel_loop3A_1399] {strides = array<i32>} : memref<80x128xf32, #tpu.memory_space<vmem>>, vector<16xf32>,
      %parallel_loop3A_1401 = arith.mulf %parallel_loop3A_1400, %parallel_loop3A_1362 : vector<16xf32>
      %parallel_loop3A_1402 = arith.index_cast %parallel_loop3A_1360 : i32 to index
      %parallel_loop3A_1403 = arith.constant 80 : index
      %parallel_loop3A_1404 = tpu.vector_load %arg14[%parallel_loop3A_1402, %parallel_loop3A_1403] {strides = array<i32>} : memref<80x128xf32, #tpu.memory_space<vmem>>, vector<16xf32>,
      tpu.vector_store %arg14[%parallel_loop3A_1402, %parallel_loop3A_1403], %parallel_loop3A_1401 {strides = array<i32>} : memref<80x128xf32, #tpu.memory_space<vmem>>, vector<16xf32>,
      %parallel_loop3A_1405 = arith.index_cast %parallel_loop3A_1360 : i32 to index
      %parallel_loop3A_1406 = arith.constant 96 : index
      %parallel_loop3A_1407 = tpu.vector_load %arg12[%parallel_loop3A_1405, %parallel_loop3A_1406] {strides = array<i32>} : memref<80x128xf32, #tpu.memory_space<vmem>>, vector<16xf32>,
      %parallel_loop3A_1408 = arith.mulf %parallel_loop3A_1407, %parallel_loop3A_1362 : vector<16xf32>
      %parallel_loop3A_1409 = arith.index_cast %parallel_loop3A_1360 : i32 to index
      %parallel_loop3A_1410 = arith.constant 96 : index
      %parallel_loop3A_1411 = tpu.vector_load %arg14[%parallel_loop3A_1409, %parallel_loop3A_1410] {strides = array<i32>} : memref<80x128xf32, #tpu.memory_space<vmem>>, vector<16xf32>,
      tpu.vector_store %arg14[%parallel_loop3A_1409, %parallel_loop3A_1410], %parallel_loop3A_1408 {strides = array<i32>} : memref<80x128xf32, #tpu.memory_space<vmem>>, vector<16xf32>,
      %parallel_loop3A_1412 = arith.index_cast %parallel_loop3A_1360 : i32 to index
      %parallel_loop3A_1413 = arith.constant 112 : index
      %parallel_loop3A_1414 = tpu.vector_load %arg12[%parallel_loop3A_1412, %parallel_loop3A_1413] {strides = array<i32>} : memref<80x128xf32, #tpu.memory_space<vmem>>, vector<16xf32>,
      %parallel_loop3A_1415 = arith.mulf %parallel_loop3A_1414, %parallel_loop3A_1362 : vector<16xf32>
      %parallel_loop3A_1416 = arith.index_cast %parallel_loop3A_1360 : i32 to index
      %parallel_loop3A_1417 = arith.constant 112 : index
      %parallel_loop3A_1418 = tpu.vector_load %arg14[%parallel_loop3A_1416, %parallel_loop3A_1417] {strides = array<i32>} : memref<80x128xf32, #tpu.memory_space<vmem>>, vector<16xf32>,
      tpu.vector_store %arg14[%parallel_loop3A_1416, %parallel_loop3A_1417], %parallel_loop3A_1415 {strides = array<i32>} : memref<80x128xf32, #tpu.memory_space<vmem>>, vector<16xf32>,
    } {sc.loop_unroll_factor = 4 : i64, sc.parallel_access}
    %dma_start3A_1309 = arith.constant 4 : i32
    %dma_start3A_1310 = arith.constant 0 : i32
    %dma_start3A_1311 = arith.constant 0 : i32
    %dma_start3A_1312 = tpu.memref_slice %arg8[%dma_start3A_1309, %dma_start3A_1311] : memref<5x80xi32, #tpu.memory_space<vmem>> -> memref<1x80xi32, #tpu.memory_space<vmem>>
    %dma_start3A_1313 = tpu.memref_squeeze %dma_start3A_1312 : memref<1x80xi32, #tpu.memory_space<vmem>> -> memref<80xi32, #tpu.memory_space<vmem>>
    %dma_start3A_1314 = arith.constant 0 : i32
    %dma_start3A_1315 = arith.constant 0 : i32
    %dma_start3A_1316 = tpu.memref_slice %arg19[%dma_start3A_1314, %dma_start3A_1315] : memref<10000x128xf32, #tpu.memory_space<vmem_shared>> -> memref<10000x128xf32, #tpu.memory_space<vmem_shared>>
    %dma_start3A_1317 = tpu.memref_slice %arg25[%dma_start3A_1310] : memref<2x!tpu.dma_semaphore, #tpu.memory_space<semaphore_mem>> -> memref<1x!tpu.dma_semaphore, #tpu.memory_space<semaphore_mem>>
    %dma_start3A_1318 = tpu.memref_squeeze %dma_start3A_1317 : memref<1x!tpu.dma_semaphore, #tpu.memory_space<semaphore_mem>> -> memref<!tpu.dma_semaphore, #tpu.memory_space<semaphore_mem>>
    tpu.enqueue_indirect_dma source(%arg14 : memref<80x128xf32, #tpu.memory_space<vmem>>) target(%dma_start3A_1316 : memref<10000x128xf32, #tpu.memory_space<vmem_shared>>) offsets(%dma_start3A_1313 : memref<80xi32, #tpu.memory_space<vmem>>) semaphore(%dma_start3A_1318 : memref<!tpu.dma_semaphore, #tpu.memory_space<semaphore_mem>>) {add = true}
    %dma_wait3A_1319 = arith.constant 3 : i32
    %dma_wait3A_1320 = arith.constant 1 : i32
    %dma_wait3A_1321 = arith.constant 0 : i32
    %dma_wait3A_1322 = tpu.memref_slice %arg8[%dma_wait3A_1319, %dma_wait3A_1321] : memref<5x80xi32, #tpu.memory_space<vmem>> -> memref<1x80xi32, #tpu.memory_space<vmem>>
    %dma_wait3A_1323 = tpu.memref_squeeze %dma_wait3A_1322 : memref<1x80xi32, #tpu.memory_space<vmem>> -> memref<80xi32, #tpu.memory_space<vmem>>
    %dma_wait3A_1324 = arith.constant 0 : i32
    %dma_wait3A_1325 = arith.constant 0 : i32
    %dma_wait3A_1326 = tpu.memref_slice %arg19[%dma_wait3A_1324, %dma_wait3A_1325] : memref<10000x128xf32, #tpu.memory_space<vmem_shared>> -> memref<10000x128xf32, #tpu.memory_space<vmem_shared>>
    %dma_wait3A_1327 = tpu.memref_slice %arg25[%dma_wait3A_1320] : memref<2x!tpu.dma_semaphore, #tpu.memory_space<semaphore_mem>> -> memref<1x!tpu.dma_semaphore, #tpu.memory_space<semaphore_mem>>
    %dma_wait3A_1328 = tpu.memref_squeeze %dma_wait3A_1327 : memref<1x!tpu.dma_semaphore, #tpu.memory_space<semaphore_mem>> -> memref<!tpu.dma_semaphore, #tpu.memory_space<semaphore_mem>>
    tpu.wait_indirect_dma semaphore(%dma_wait3A_1328 : memref<!tpu.dma_semaphore, #tpu.memory_space<semaphore_mem>>) src(%arg15 : memref<80x128xf32, #tpu.memory_space<vmem>>) dst(%dma_wait3A_1326 : memref<10000x128xf32, #tpu.memory_space<vmem_shared>>)
    %dma_wait3A_1329 = arith.constant 4 : i32
    %dma_wait3A_1330 = arith.constant 0 : i32
    %dma_wait3A_1331 = arith.constant 0 : i32
    %dma_wait3A_1332 = tpu.memref_slice %arg8[%dma_wait3A_1329, %dma_wait3A_1331] : memref<5x80xi32, #tpu.memory_space<vmem>> -> memref<1x80xi32, #tpu.memory_space<vmem>>
    %dma_wait3A_1333 = tpu.memref_squeeze %dma_wait3A_1332 : memref<1x80xi32, #tpu.memory_space<vmem>> -> memref<80xi32, #tpu.memory_space<vmem>>
    %dma_wait3A_1334 = arith.constant 0 : i32
    %dma_wait3A_1335 = arith.constant 0 : i32
    %dma_wait3A_1336 = tpu.memref_slice %arg19[%dma_wait3A_1334, %dma_wait3A_1335] : memref<10000x128xf32, #tpu.memory_space<vmem_shared>> -> memref<10000x128xf32, #tpu.memory_space<vmem_shared>>
    %dma_wait3A_1337 = tpu.memref_slice %arg25[%dma_wait3A_1330] : memref<2x!tpu.dma_semaphore, #tpu.memory_space<semaphore_mem>> -> memref<1x!tpu.dma_semaphore, #tpu.memory_space<semaphore_mem>>
    %dma_wait3A_1338 = tpu.memref_squeeze %dma_wait3A_1337 : memref<1x!tpu.dma_semaphore, #tpu.memory_space<semaphore_mem>> -> memref<!tpu.dma_semaphore, #tpu.memory_space<semaphore_mem>>
    tpu.wait_indirect_dma semaphore(%dma_wait3A_1338 : memref<!tpu.dma_semaphore, #tpu.memory_space<semaphore_mem>>) src(%arg14 : memref<80x128xf32, #tpu.memory_space<vmem>>) dst(%dma_wait3A_1336 : memref<10000x128xf32, #tpu.memory_space<vmem_shared>>)
    %barrier3A_1339 = arith.constant 0 : index
    tpu.barrier barrier_id(%barrier3A_1339)
    %while3A_1340 = arith.constant 0 : i32
    %while3A_1341 = arith.constant 0 : i32
    %while3A_1342 = arith.subi %select_n3A_28, %while3A_1341 : i32
    %while3A_1343 = arith.addi %while3A_1341, %while3A_1342 : i32
    %while3A_1344 = arith.constant 1 : i32
    %while3A_1345 = arith.divsi %while3A_1342, %while3A_1344 : i32
    %while3A_1346 = arith.muli %while3A_1345, %while3A_1344 : i32
    %while3A_1347 = arith.addi %while3A_1341, %while3A_1346 : i32
    %while3A_1348 = arith.constant 1 : i32
    scf.for %while3A_1360 = %while3A_1341 to %while3A_1347 step %while3A_1348  : i32 {
      %mul3A_1361 = arith.constant 80 : i32
      %mul3A_1362 = arith.muli %while3A_1360, %mul3A_1361 : i32
      %sub3A_1363 = arith.constant 80 : i32
      %sub3A_1364 = arith.subi %select_n3A, %sub3A_1363 : i32
      %min3A = arith.minsi %mul3A_1362, %sub3A_1364 : i32
      %add3A_1365 = arith.addi %mul3A_4, %min3A : i32
      %dma_start3A_1366 = arith.constant 0 : i32
      %dma_start3A_1367 = tpu.memref_slice %arg22[%dma_start3A_1366] : memref<2x!tpu.dma_semaphore, #tpu.memory_space<semaphore_mem>> -> memref<1x!tpu.dma_semaphore, #tpu.memory_space<semaphore_mem>>
      %dma_start3A_1368 = tpu.memref_squeeze %dma_start3A_1367 : memref<1x!tpu.dma_semaphore, #tpu.memory_space<semaphore_mem>> -> memref<!tpu.dma_semaphore, #tpu.memory_space<semaphore_mem>>
      %dma_start3A_1369 = arith.constant 0 : i32
      %dma_start3A_1370 = arith.constant 0 : i32
      %dma_start3A_1371 = tpu.memref_slice %arg7[%arg0, %dma_start3A_1369, %dma_start3A_1370] : memref<2x10000x128xf32, #tpu.memory_space<hbm>> -> memref<1x10000x128xf32, #tpu.memory_space<hbm>>
      %dma_start3A_1372 = tpu.memref_squeeze %dma_start3A_1371 : memref<1x10000x128xf32, #tpu.memory_space<hbm>> -> memref<10000x128xf32, #tpu.memory_space<hbm>>
      %dma_start3A_1373 = arith.constant 0 : i32
      %dma_start3A_1374 = tpu.memref_slice %dma_start3A_1372[%add3A_1365, %dma_start3A_1373] : memref<10000x128xf32, #tpu.memory_space<hbm>> -> memref<80x128xf32, #tpu.memory_space<hbm>>
      %dma_start3A_1375 = arith.constant 0 : i32
      %dma_start3A_1376 = tpu.memref_slice %arg19[%add3A_1365, %dma_start3A_1375] : memref<10000x128xf32, #tpu.memory_space<vmem_shared>> -> memref<80x128xf32, #tpu.memory_space<vmem_shared>>
      tpu.enqueue_dma source(%dma_start3A_1376 : memref<80x128xf32, #tpu.memory_space<vmem_shared>>) target(%dma_start3A_1374 : memref<80x128xf32, #tpu.memory_space<hbm>>) target_semaphore(%dma_start3A_1368 : memref<!tpu.dma_semaphore, #tpu.memory_space<semaphore_mem>>)
    }
    %while3A_1349 = arith.constant 1 : i32
    scf.for %while3A_1360 = %while3A_1347 to %while3A_1343 step %while3A_1349  : i32 {
      %mul3A_1361 = arith.constant 80 : i32
      %mul3A_1362 = arith.muli %while3A_1360, %mul3A_1361 : i32
      %sub3A_1363 = arith.constant 80 : i32
      %sub3A_1364 = arith.subi %select_n3A, %sub3A_1363 : i32
      %min3A = arith.minsi %mul3A_1362, %sub3A_1364 : i32
      %add3A_1365 = arith.addi %mul3A_4, %min3A : i32
      %dma_start3A_1366 = arith.constant 0 : i32
      %dma_start3A_1367 = tpu.memref_slice %arg22[%dma_start3A_1366] : memref<2x!tpu.dma_semaphore, #tpu.memory_space<semaphore_mem>> -> memref<1x!tpu.dma_semaphore, #tpu.memory_space<semaphore_mem>>
      %dma_start3A_1368 = tpu.memref_squeeze %dma_start3A_1367 : memref<1x!tpu.dma_semaphore, #tpu.memory_space<semaphore_mem>> -> memref<!tpu.dma_semaphore, #tpu.memory_space<semaphore_mem>>
      %dma_start3A_1369 = arith.constant 0 : i32
      %dma_start3A_1370 = arith.constant 0 : i32
      %dma_start3A_1371 = tpu.memref_slice %arg7[%arg0, %dma_start3A_1369, %dma_start3A_1370] : memref<2x10000x128xf32, #tpu.memory_space<hbm>> -> memref<1x10000x128xf32, #tpu.memory_space<hbm>>
      %dma_start3A_1372 = tpu.memref_squeeze %dma_start3A_1371 : memref<1x10000x128xf32, #tpu.memory_space<hbm>> -> memref<10000x128xf32, #tpu.memory_space<hbm>>
      %dma_start3A_1373 = arith.constant 0 : i32
      %dma_start3A_1374 = tpu.memref_slice %dma_start3A_1372[%add3A_1365, %dma_start3A_1373] : memref<10000x128xf32, #tpu.memory_space<hbm>> -> memref<80x128xf32, #tpu.memory_space<hbm>>
      %dma_start3A_1375 = arith.constant 0 : i32
      %dma_start3A_1376 = tpu.memref_slice %arg19[%add3A_1365, %dma_start3A_1375] : memref<10000x128xf32, #tpu.memory_space<vmem_shared>> -> memref<80x128xf32, #tpu.memory_space<vmem_shared>>
      tpu.enqueue_dma source(%dma_start3A_1376 : memref<80x128xf32, #tpu.memory_space<vmem_shared>>) target(%dma_start3A_1374 : memref<80x128xf32, #tpu.memory_space<hbm>>) target_semaphore(%dma_start3A_1368 : memref<!tpu.dma_semaphore, #tpu.memory_space<semaphore_mem>>)
    }
    %while3A_1350 = arith.constant 0 : i32
    %while3A_1351 = arith.constant 0 : i32
    %while3A_1352 = arith.subi %select_n3A_28, %while3A_1351 : i32
    %while3A_1353 = arith.addi %while3A_1351, %while3A_1352 : i32
    %while3A_1354 = arith.constant 1 : i32
    %while3A_1355 = arith.divsi %while3A_1352, %while3A_1354 : i32
    %while3A_1356 = arith.muli %while3A_1355, %while3A_1354 : i32
    %while3A_1357 = arith.addi %while3A_1351, %while3A_1356 : i32
    %while3A_1358 = arith.constant 1 : i32
    scf.for %while3A_1360 = %while3A_1351 to %while3A_1357 step %while3A_1358  : i32 {
      %mul3A_1361 = arith.constant 80 : i32
      %mul3A_1362 = arith.muli %while3A_1360, %mul3A_1361 : i32
      %sub3A_1363 = arith.constant 80 : i32
      %sub3A_1364 = arith.subi %select_n3A, %sub3A_1363 : i32
      %min3A = arith.minsi %mul3A_1362, %sub3A_1364 : i32
      %add3A_1365 = arith.addi %mul3A_4, %min3A : i32
      %dma_wait3A_1366 = arith.constant 0 : i32
      %dma_wait3A_1367 = tpu.memref_slice %arg22[%dma_wait3A_1366] : memref<2x!tpu.dma_semaphore, #tpu.memory_space<semaphore_mem>> -> memref<1x!tpu.dma_semaphore, #tpu.memory_space<semaphore_mem>>
      %dma_wait3A_1368 = tpu.memref_squeeze %dma_wait3A_1367 : memref<1x!tpu.dma_semaphore, #tpu.memory_space<semaphore_mem>> -> memref<!tpu.dma_semaphore, #tpu.memory_space<semaphore_mem>>
      %dma_wait3A_1369 = arith.constant 0 : i32
      %dma_wait3A_1370 = arith.constant 0 : i32
      %dma_wait3A_1371 = tpu.memref_slice %arg7[%arg0, %dma_wait3A_1369, %dma_wait3A_1370] : memref<2x10000x128xf32, #tpu.memory_space<hbm>> -> memref<1x10000x128xf32, #tpu.memory_space<hbm>>
      %dma_wait3A_1372 = tpu.memref_squeeze %dma_wait3A_1371 : memref<1x10000x128xf32, #tpu.memory_space<hbm>> -> memref<10000x128xf32, #tpu.memory_space<hbm>>
      %dma_wait3A_1373 = arith.constant 0 : i32
      %dma_wait3A_1374 = tpu.memref_slice %dma_wait3A_1372[%add3A_1365, %dma_wait3A_1373] : memref<10000x128xf32, #tpu.memory_space<hbm>> -> memref<80x128xf32, #tpu.memory_space<hbm>>
      %dma_wait3A_1375 = arith.constant 0 : i32
      %dma_wait3A_1376 = tpu.memref_slice %arg19[%add3A_1365, %dma_wait3A_1375] : memref<10000x128xf32, #tpu.memory_space<vmem_shared>> -> memref<80x128xf32, #tpu.memory_space<vmem_shared>>
      tpu.wait_dma2 semaphore(%dma_wait3A_1368 : memref<!tpu.dma_semaphore, #tpu.memory_space<semaphore_mem>>) src(%dma_wait3A_1376 : memref<80x128xf32, #tpu.memory_space<vmem_shared>>) dst(%dma_wait3A_1374 : memref<80x128xf32, #tpu.memory_space<hbm>>)
    }
    %while3A_1359 = arith.constant 1 : i32
    scf.for %while3A_1360 = %while3A_1357 to %while3A_1353 step %while3A_1359  : i32 {
      %mul3A_1361 = arith.constant 80 : i32
      %mul3A_1362 = arith.muli %while3A_1360, %mul3A_1361 : i32
      %sub3A_1363 = arith.constant 80 : i32
      %sub3A_1364 = arith.subi %select_n3A, %sub3A_1363 : i32
      %min3A = arith.minsi %mul3A_1362, %sub3A_1364 : i32
      %add3A_1365 = arith.addi %mul3A_4, %min3A : i32
      %dma_wait3A_1366 = arith.constant 0 : i32
      %dma_wait3A_1367 = tpu.memref_slice %arg22[%dma_wait3A_1366] : memref<2x!tpu.dma_semaphore, #tpu.memory_space<semaphore_mem>> -> memref<1x!tpu.dma_semaphore, #tpu.memory_space<semaphore_mem>>
      %dma_wait3A_1368 = tpu.memref_squeeze %dma_wait3A_1367 : memref<1x!tpu.dma_semaphore, #tpu.memory_space<semaphore_mem>> -> memref<!tpu.dma_semaphore, #tpu.memory_space<semaphore_mem>>
      %dma_wait3A_1369 = arith.constant 0 : i32
      %dma_wait3A_1370 = arith.constant 0 : i32
      %dma_wait3A_1371 = tpu.memref_slice %arg7[%arg0, %dma_wait3A_1369, %dma_wait3A_1370] : memref<2x10000x128xf32, #tpu.memory_space<hbm>> -> memref<1x10000x128xf32, #tpu.memory_space<hbm>>
      %dma_wait3A_1372 = tpu.memref_squeeze %dma_wait3A_1371 : memref<1x10000x128xf32, #tpu.memory_space<hbm>> -> memref<10000x128xf32, #tpu.memory_space<hbm>>
      %dma_wait3A_1373 = arith.constant 0 : i32
      %dma_wait3A_1374 = tpu.memref_slice %dma_wait3A_1372[%add3A_1365, %dma_wait3A_1373] : memref<10000x128xf32, #tpu.memory_space<hbm>> -> memref<80x128xf32, #tpu.memory_space<hbm>>
      %dma_wait3A_1375 = arith.constant 0 : i32
      %dma_wait3A_1376 = tpu.memref_slice %arg19[%add3A_1365, %dma_wait3A_1375] : memref<10000x128xf32, #tpu.memory_space<vmem_shared>> -> memref<80x128xf32, #tpu.memory_space<vmem_shared>>
      tpu.wait_dma2 semaphore(%dma_wait3A_1368 : memref<!tpu.dma_semaphore, #tpu.memory_space<semaphore_mem>>) src(%dma_wait3A_1376 : memref<80x128xf32, #tpu.memory_space<vmem_shared>>) dst(%dma_wait3A_1374 : memref<80x128xf32, #tpu.memory_space<hbm>>)
    }
    return
  }
}

module attributes {stable_mosaic.version = 14 : i64} {
  func.func @_dense_body(%arg0: i32, %arg1: memref<1000x128xf32, #tpu.memory_space<vmem>>, %arg2: memref<128x128xf32, #tpu.memory_space<vmem>>, %arg3: memref<1x128xf32, #tpu.memory_space<vmem>>, %arg4: memref<128x128xf32, #tpu.memory_space<vmem>>, %arg5: memref<1x128xf32, #tpu.memory_space<vmem>>, %arg6: memref<128x1xf32, #tpu.memory_space<vmem>>, %arg7: memref<1x1xf32, #tpu.memory_space<vmem>>, %arg8: memref<128x1xf32, #tpu.memory_space<vmem>>, %arg9: memref<1x1xf32, #tpu.memory_space<vmem>>, %arg10: memref<1000x128xf32, #tpu.memory_space<vmem>>, %arg11: memref<1000x128xf32, #tpu.memory_space<vmem>>, %arg12: memref<1000x1xf32, #tpu.memory_space<vmem>>, %arg13: memref<1000x1xf32, #tpu.memory_space<vmem>>) attributes {dimension_semantics = [#tpu.dimension_semantics<arbitrary>], iteration_bounds = array<i64: 10>, scalar_prefetch = 0 : i64, scratch_operands = 0 : i64, tpu.core_type = #tpu.core_type<tc>, window_params = [{transform_indices = @transform_0, window_bounds = array<i64: 1000, 128>}, {pipeline_mode = #tpu.pipeline_mode<synchronous>, transform_indices = @transform_1, window_bounds = array<i64: 128, 128>}, {pipeline_mode = #tpu.pipeline_mode<synchronous>, transform_indices = @transform_2, window_bounds = array<i64: 1, 128>}, {pipeline_mode = #tpu.pipeline_mode<synchronous>, transform_indices = @transform_3, window_bounds = array<i64: 128, 128>}, {pipeline_mode = #tpu.pipeline_mode<synchronous>, transform_indices = @transform_4, window_bounds = array<i64: 1, 128>}, {pipeline_mode = #tpu.pipeline_mode<synchronous>, transform_indices = @transform_5, window_bounds = array<i64: 128, 1>}, {pipeline_mode = #tpu.pipeline_mode<synchronous>, transform_indices = @transform_6, window_bounds = array<i64: 1, 1>}, {pipeline_mode = #tpu.pipeline_mode<synchronous>, transform_indices = @transform_7, window_bounds = array<i64: 128, 1>}, {pipeline_mode = #tpu.pipeline_mode<synchronous>, transform_indices = @transform_8, window_bounds = array<i64: 1, 1>}, {transform_indices = @transform_9, window_bounds = array<i64: 1000, 128>}, {transform_indices = @transform_10, window_bounds = array<i64: 1000, 128>}, {transform_indices = @transform_11, window_bounds = array<i64: 1000, 1>}, {transform_indices = @transform_12, window_bounds = array<i64: 1000, 1>}]} {
    %get3A = arith.constant 0 : index
    %get3A_0 = arith.constant 0 : index
    %get3A_1 = vector.load %arg1[%get3A, %get3A_0] : memref<1000x128xf32, #tpu.memory_space<vmem>>, vector<1000x128xf32>
    %get3A_2 = arith.constant 0 : index
    %get3A_3 = arith.constant 0 : index
    %get3A_4 = vector.load %arg2[%get3A_2, %get3A_3] : memref<128x128xf32, #tpu.memory_space<vmem>>, vector<128x128xf32>
    %dot_general3A = arith.constant dense<0.000000e+00> : vector<1000x128xf32>
    %dot_general3A_5 = tpu.matmul %get3A_1, %get3A_4, %dot_general3A {dimension_numbers = #tpu.dot_dimension_numbers<[1], [0], [0], [1], [0, 0, 1, 1], [], []>, transpose_lhs_hint = false} : vector<1000x128xf32>, vector<128x128xf32>, vector<1000x128xf32> -> vector<1000x128xf32>
    %get3A_6 = arith.constant 0 : index
    %get3A_7 = arith.constant 0 : index
    %get3A_8 = vector.load %arg3[%get3A_6, %get3A_7] : memref<1x128xf32, #tpu.memory_space<vmem>>, vector<1x128xf32>
    %add3A = vector.broadcast %get3A_8 : vector<1x128xf32> to vector<1000x128xf32>
    %add3A_9 = arith.addf %dot_general3A_5, %add3A : vector<1000x128xf32>
    %max3A = arith.constant 0.000000e+00 : f32
    %max3A_10 = vector.broadcast %max3A : f32 to vector<1000x128xf32>
    %max3A_11 = arith.maximumf %add3A_9, %max3A_10 : vector<1000x128xf32>
    %get3A_12 = arith.constant 0 : index
    %get3A_13 = arith.constant 0 : index
    %get3A_14 = vector.load %arg4[%get3A_12, %get3A_13] : memref<128x128xf32, #tpu.memory_space<vmem>>, vector<128x128xf32>
    %dot_general3A_15 = arith.constant dense<0.000000e+00> : vector<1000x128xf32>
    %dot_general3A_16 = tpu.matmul %get3A_1, %get3A_14, %dot_general3A_15 {dimension_numbers = #tpu.dot_dimension_numbers<[1], [0], [0], [1], [0, 0, 1, 1], [], []>, transpose_lhs_hint = false} : vector<1000x128xf32>, vector<128x128xf32>, vector<1000x128xf32> -> vector<1000x128xf32>
    %get3A_17 = arith.constant 0 : index
    %get3A_18 = arith.constant 0 : index
    %get3A_19 = vector.load %arg5[%get3A_17, %get3A_18] : memref<1x128xf32, #tpu.memory_space<vmem>>, vector<1x128xf32>
    %add3A_20 = vector.broadcast %get3A_19 : vector<1x128xf32> to vector<1000x128xf32>
    %add3A_21 = arith.addf %dot_general3A_16, %add3A_20 : vector<1000x128xf32>
    %max3A_22 = arith.constant 0.000000e+00 : f32
    %max3A_23 = vector.broadcast %max3A_22 : f32 to vector<1000x128xf32>
    %max3A_24 = arith.maximumf %add3A_21, %max3A_23 : vector<1000x128xf32>
    %get3A_25 = arith.constant 0 : index
    %get3A_26 = arith.constant 0 : index
    %get3A_27 = vector.load %arg6[%get3A_25, %get3A_26] : memref<128x1xf32, #tpu.memory_space<vmem>>, vector<128x1xf32>
    %dot_general3A_28 = arith.constant dense<0.000000e+00> : vector<1000x1xf32>
    %dot_general3A_29 = tpu.matmul %max3A_11, %get3A_27, %dot_general3A_28 {dimension_numbers = #tpu.dot_dimension_numbers<[1], [0], [0], [1], [0, 0, 1, 1], [], []>, transpose_lhs_hint = false} : vector<1000x128xf32>, vector<128x1xf32>, vector<1000x1xf32> -> vector<1000x1xf32>
    %get3A_30 = arith.constant 0 : index
    %get3A_31 = arith.constant 0 : index
    %get3A_32 = vector.load %arg7[%get3A_30, %get3A_31] : memref<1x1xf32, #tpu.memory_space<vmem>>, vector<1x1xf32>
    %get3A_33 = vector.extract %get3A_32[0, 0] : f32 from vector<1x1xf32>
    %add3A_34 = vector.broadcast %get3A_33 : f32 to vector<1000x1xf32>
    %add3A_35 = arith.addf %dot_general3A_29, %add3A_34 : vector<1000x1xf32>
    %get3A_36 = arith.constant 0 : index
    %get3A_37 = arith.constant 0 : index
    %get3A_38 = vector.load %arg8[%get3A_36, %get3A_37] : memref<128x1xf32, #tpu.memory_space<vmem>>, vector<128x1xf32>
    %dot_general3A_39 = arith.constant dense<0.000000e+00> : vector<1000x1xf32>
    %dot_general3A_40 = tpu.matmul %max3A_24, %get3A_38, %dot_general3A_39 {dimension_numbers = #tpu.dot_dimension_numbers<[1], [0], [0], [1], [0, 0, 1, 1], [], []>, transpose_lhs_hint = false} : vector<1000x128xf32>, vector<128x1xf32>, vector<1000x1xf32> -> vector<1000x1xf32>
    %get3A_41 = arith.constant 0 : index
    %get3A_42 = arith.constant 0 : index
    %get3A_43 = vector.load %arg9[%get3A_41, %get3A_42] : memref<1x1xf32, #tpu.memory_space<vmem>>, vector<1x1xf32>
    %get3A_44 = vector.extract %get3A_43[0, 0] : f32 from vector<1x1xf32>
    %add3A_45 = vector.broadcast %get3A_44 : f32 to vector<1000x1xf32>
    %add3A_46 = arith.addf %dot_general3A_40, %add3A_45 : vector<1000x1xf32>
    %add3A_47 = arith.addf %add3A_35, %add3A_46 : vector<1000x1xf32>
    %logistic3A = arith.negf %add3A_47 : vector<1000x1xf32>
    %logistic3A_48 = math.exp %logistic3A : vector<1000x1xf32>
    %logistic3A_49 = arith.constant 1.000000e+00 : f32
    %logistic3A_50 = vector.broadcast %logistic3A_49 : f32 to vector<1000x1xf32>
    %logistic3A_51 = arith.addf %logistic3A_50, %logistic3A_48 : vector<1000x1xf32>
    %logistic3A_52 = arith.divf %logistic3A_50, %logistic3A_51 : vector<1000x1xf32>
    %swap3A = arith.constant 0 : index
    %swap3A_53 = arith.constant 0 : index
    %swap3A_54 = vector.load %arg10[%swap3A, %swap3A_53] : memref<1000x128xf32, #tpu.memory_space<vmem>>, vector<1000x128xf32>
    tpu.vector_store %arg10[%swap3A, %swap3A_53], %max3A_24 {strides = array<i32>} : memref<1000x128xf32, #tpu.memory_space<vmem>>, vector<1000x128xf32>,
    %mul3A = vector.broadcast %logistic3A_52 : vector<1000x1xf32> to vector<1000x128xf32>
    %mul3A_55 = arith.mulf %mul3A, %max3A_24 : vector<1000x128xf32>
    %add3A_56 = arith.addf %max3A_11, %mul3A_55 : vector<1000x128xf32>
    %swap3A_57 = arith.constant 0 : index
    %swap3A_58 = arith.constant 0 : index
    %swap3A_59 = vector.load %arg11[%swap3A_57, %swap3A_58] : memref<1000x128xf32, #tpu.memory_space<vmem>>, vector<1000x128xf32>
    tpu.vector_store %arg11[%swap3A_57, %swap3A_58], %add3A_56 {strides = array<i32>} : memref<1000x128xf32, #tpu.memory_space<vmem>>, vector<1000x128xf32>,
    %swap3A_60 = arith.constant 0 : index
    %swap3A_61 = arith.constant 0 : index
    %swap3A_62 = vector.load %arg12[%swap3A_60, %swap3A_61] : memref<1000x1xf32, #tpu.memory_space<vmem>>, vector<1000x1xf32>
    tpu.vector_store %arg12[%swap3A_60, %swap3A_61], %add3A_35 {strides = array<i32>} : memref<1000x1xf32, #tpu.memory_space<vmem>>, vector<1000x1xf32>,
    %swap3A_63 = arith.constant 0 : index
    %swap3A_64 = arith.constant 0 : index
    %swap3A_65 = vector.load %arg13[%swap3A_63, %swap3A_64] : memref<1000x1xf32, #tpu.memory_space<vmem>>, vector<1000x1xf32>
    tpu.vector_store %arg13[%swap3A_63, %swap3A_64], %add3A_46 {strides = array<i32>} : memref<1000x1xf32, #tpu.memory_space<vmem>>, vector<1000x1xf32>,
    return
  }
  func.func @transform_0(%arg0: i32) -> (i32, i32) {
    %c0_i32 = arith.constant 0 : i32
    %c0_i32_0 = arith.constant 0 : i32
    return %arg0, %c0_i32 : i32, i32
  }
  func.func @transform_1(%arg0: i32) -> (i32, i32) {
    %c0_i32 = arith.constant 0 : i32
    %c0_i32_0 = arith.constant 0 : i32
    %c0_i32_1 = arith.constant 0 : i32
    return %c0_i32, %c0_i32_0 : i32, i32
  }
  func.func @transform_2(%arg0: i32) -> (i32, i32) {
    %c0_i32 = arith.constant 0 : i32
    %c0_i32_0 = arith.constant 0 : i32
    %c0_i32_1 = arith.constant 0 : i32
    return %c0_i32, %c0_i32_0 : i32, i32
  }
  func.func @transform_3(%arg0: i32) -> (i32, i32) {
    %c0_i32 = arith.constant 0 : i32
    %c0_i32_0 = arith.constant 0 : i32
    %c0_i32_1 = arith.constant 0 : i32
    return %c0_i32, %c0_i32_0 : i32, i32
  }
  func.func @transform_4(%arg0: i32) -> (i32, i32) {
    %c0_i32 = arith.constant 0 : i32
    %c0_i32_0 = arith.constant 0 : i32
    %c0_i32_1 = arith.constant 0 : i32
    return %c0_i32, %c0_i32_0 : i32, i32
  }
  func.func @transform_5(%arg0: i32) -> (i32, i32) {
    %c0_i32 = arith.constant 0 : i32
    %c0_i32_0 = arith.constant 0 : i32
    %c0_i32_1 = arith.constant 0 : i32
    return %c0_i32, %c0_i32_0 : i32, i32
  }
  func.func @transform_6(%arg0: i32) -> (i32, i32) {
    %c0_i32 = arith.constant 0 : i32
    %c0_i32_0 = arith.constant 0 : i32
    %c0_i32_1 = arith.constant 0 : i32
    return %c0_i32, %c0_i32_0 : i32, i32
  }
  func.func @transform_7(%arg0: i32) -> (i32, i32) {
    %c0_i32 = arith.constant 0 : i32
    %c0_i32_0 = arith.constant 0 : i32
    %c0_i32_1 = arith.constant 0 : i32
    return %c0_i32, %c0_i32_0 : i32, i32
  }
  func.func @transform_8(%arg0: i32) -> (i32, i32) {
    %c0_i32 = arith.constant 0 : i32
    %c0_i32_0 = arith.constant 0 : i32
    %c0_i32_1 = arith.constant 0 : i32
    return %c0_i32, %c0_i32_0 : i32, i32
  }
  func.func @transform_9(%arg0: i32) -> (i32, i32) {
    %c0_i32 = arith.constant 0 : i32
    %c0_i32_0 = arith.constant 0 : i32
    return %arg0, %c0_i32 : i32, i32
  }
  func.func @transform_10(%arg0: i32) -> (i32, i32) {
    %c0_i32 = arith.constant 0 : i32
    %c0_i32_0 = arith.constant 0 : i32
    return %arg0, %c0_i32 : i32, i32
  }
  func.func @transform_11(%arg0: i32) -> (i32, i32) {
    %c0_i32 = arith.constant 0 : i32
    %c0_i32_0 = arith.constant 0 : i32
    return %arg0, %c0_i32 : i32, i32
  }
  func.func @transform_12(%arg0: i32) -> (i32, i32) {
    %c0_i32 = arith.constant 0 : i32
    %c0_i32_0 = arith.constant 0 : i32
    return %arg0, %c0_i32 : i32, i32
  }
}

module attributes {stable_mosaic.version = 14 : i64} {
  func.func @_combine_body(%arg0: i32, %arg1: memref<1000x128xf32, #tpu.memory_space<vmem>>, %arg2: memref<1000x128xf32, #tpu.memory_space<vmem>>, %arg3: memref<1000x128xf32, #tpu.memory_space<vmem>>, %arg4: memref<1000x128xf32, #tpu.memory_space<vmem>>) attributes {dimension_semantics = [#tpu.dimension_semantics<arbitrary>], iteration_bounds = array<i64: 10>, scalar_prefetch = 0 : i64, scratch_operands = 0 : i64, tpu.core_type = #tpu.core_type<tc>, window_params = [{transform_indices = @transform_0, window_bounds = array<i64: 1000, 128>}, {transform_indices = @transform_1, window_bounds = array<i64: 1000, 128>}, {transform_indices = @transform_2, window_bounds = array<i64: 1000, 128>}, {transform_indices = @transform_3, window_bounds = array<i64: 1000, 128>}]} {
    %get3A = arith.constant 0 : index
    %get3A_0 = arith.constant 0 : index
    %get3A_1 = vector.load %arg1[%get3A, %get3A_0] : memref<1000x128xf32, #tpu.memory_space<vmem>>, vector<1000x128xf32>
    %get3A_2 = arith.constant 0 : index
    %get3A_3 = arith.constant 0 : index
    %get3A_4 = vector.load %arg2[%get3A_2, %get3A_3] : memref<1000x128xf32, #tpu.memory_space<vmem>>, vector<1000x128xf32>
    %add3A = arith.addf %get3A_1, %get3A_4 : vector<1000x128xf32>
    %get3A_5 = arith.constant 0 : index
    %get3A_6 = arith.constant 0 : index
    %get3A_7 = vector.load %arg3[%get3A_5, %get3A_6] : memref<1000x128xf32, #tpu.memory_space<vmem>>, vector<1000x128xf32>
    %add3A_8 = arith.addf %add3A, %get3A_7 : vector<1000x128xf32>
    %swap3A = arith.constant 0 : index
    %swap3A_9 = arith.constant 0 : index
    %swap3A_10 = vector.load %arg4[%swap3A, %swap3A_9] : memref<1000x128xf32, #tpu.memory_space<vmem>>, vector<1000x128xf32>
    tpu.vector_store %arg4[%swap3A, %swap3A_9], %add3A_8 {strides = array<i32>} : memref<1000x128xf32, #tpu.memory_space<vmem>>, vector<1000x128xf32>,
    return
  }
  func.func @transform_0(%arg0: i32) -> (i32, i32) {
    %c0_i32 = arith.constant 0 : i32
    %c0_i32_0 = arith.constant 0 : i32
    return %arg0, %c0_i32 : i32, i32
  }
  func.func @transform_1(%arg0: i32) -> (i32, i32) {
    %c0_i32 = arith.constant 0 : i32
    %c0_i32_0 = arith.constant 0 : i32
    return %arg0, %c0_i32 : i32, i32
  }
  func.func @transform_2(%arg0: i32) -> (i32, i32) {
    %c0_i32 = arith.constant 0 : i32
    %c0_i32_0 = arith.constant 0 : i32
    return %arg0, %c0_i32 : i32, i32
  }
  func.func @transform_3(%arg0: i32) -> (i32, i32) {
    %c0_i32 = arith.constant 0 : i32
    %c0_i32_0 = arith.constant 0 : i32
    return %arg0, %c0_i32 : i32, i32
  }
}

</mosaic_0001>

<sc_bundles>
// kernel: kernel.5.cloned.1.call-start
scs
__scs_entry_jumppad:
0x0: {  	(pc) =	sbr.rel $0x88, $3  }
0x1: {  	(tag) =	ssettag $0x0;
	lr =	simm.s32 $0x1  }
0x2: {  	[smem:$0x3F97] =	sst lr;
	_ =	strace $0xD0000000  }
0x3: {  	_ = 	snop  }
0x4: {  	_ = 	snop  }
0x5: {  	_ = 	snop  }
0x6: {  	_ = 	snop  }
0x7: {  	_ = 	snop  }
__scs_overlays_trampoline_lowered:
0x8: {  	[smem:$0x3FA6] =	sst s0  }
0x9: {  	[smem:$0x3FA7] =	sst s1  }
0xa: {  	[smem:$0x3FA8] =	sst s2  }
0xb: {  	[smem:$0x3FA9] =	sst s3  }
0xc: {  	[smem:$0x3FAA] =	sst s4  }
0xd: {  	[smem:$0x3FAB] =	sst s5  }
0xe: {  	[smem:$0x3FAC] =	sst s6  }
0xf: {  	[smem:$0x3FAD] =	sst s7  }
0x10: {  	[smem:$0x3FAE] =	sst s8  }
0x11: {  	[smem:$0x3FAF] =	sst s9;
	s0 =	simm.s32 @!p0 $0x0  }
0x12: {  	s1 =	sld [smem:$0x3F95];
	s0 =	simm.s32 @p0 $0x1  }
0x13: {  	[smem:$0x3FB0] =	sst s0;
	s0 =	simm.s32 @!p1 $0x0  }
0x14: {  	s2 =	sld [smem:$0x3F94];
	s0 =	simm.s32 @p1 $0x1  }
0x15: {  	[smem:$0x3FB1] =	sst s0;
	s0 =	simm.s32 @!p2 $0x0  }
0x16: {  	s3 =	sld [smem:$0x3FDB];
	s0 =	simm.s32 @p2 $0x1  }
0x17: {  	s4 =	simm.s32 $0x1BF5;
	[smem:$0x3FB3] =	sst s0  }
0x18: {  	s0 =	sld [smem:$0x3F96];
	_ =	swait.ge [sflag:s4], $0x0  }
0x19: {  	s7 =	sld [smem:$0x3F97]  }
0x1a: {  	s8 =	sadd.s32 $0xFFFFE003, lr  }
0x1b: {  	s9 =	sadd.s32 $0xFFFFFEF7, lr;
	s5 =	simm.s32 $0xFFFFFFFF;
	p2 =	slt.u32 s8, $0xFFFFF086  }
0x1c: {  	p1 =	slt.u32 s9, $0xF7A;
	s5 =	simm.s32 @!p2 $0x0  }
0x1d: {  	s5 =	simm.s32 @p1 $0x1;
	p0 =	seq.s32 s7, s2  }
0x1e: {  	s7 =	smul.u32 @!p0 $0xF7A, s2;
	p2 =	seq.s32 @!p0 s5, $0x0  }
0x1f: {  	s9 =	smul.u32 $0xF7A, s1;
	s8 =	simm.s32 @!p0 $0x1BF5;
	p2 =	por !p2, p0  }
0x20: {  	[sflag:s8] =	ssyncset.s32 @!p0 $0xFFFFF086;
	s6 =	sadd.s32 @!p0 s3, s7;
	s7 =	simm.s32 @!p0 $0x108  }
0x21: {  	s3 =	sadd.s32 s3, s9;
	s6 =	sadd.s32 @!p0 $0x88, s6;
	s7 =	simm.s32 @p2 $0x1082  }
0x22: {  	[simem:s7], [sflag:s8] =	dma.local @!p0 [hbm:s6], $0xF7A  }
0x23: {  	s9 =	sor.u32 $0xD0000000, s2;
	s6 =	simm.s32 $0x108;
	_ =	swait.ge @!p0 [sflag:s8], $0x0  }
0x24: {  	s3 =	sadd.s32 $0x88, s3;
	s6 =	simm.s32 @!p1 $0x1082;
	[sflag:s4] =	ssyncset.s32 $0xFFFFF086  }
0x25: {  	[simem:s6], [sflag:s4] =	dma.local [hbm:s3], $0xF7A  }
0x26: {  	[smem:$0x3F97] =	sst s1;
	(tag) =	ssettag s2;
	_ =	strace s9  }
0x27: {  	s1 =	sld [smem:$0x3FA7]  }
0x28: {  	s2 =	sld [smem:$0x3FA8]  }
0x29: {  	s4 =	sld [smem:$0x3FAA]  }
0x2a: {  	p0 =	seq.s32 s5, $0x0;
	s5 =	sld [smem:$0x3FAB]  }
0x2b: {  	s6 =	sld [smem:$0x3FAC]  }
0x2c: {  	s7 =	sld [smem:$0x3FAD]  }
0x2d: {  	s3 =	simm.s32 $0x108;
	s8 =	sld [smem:$0x3FAE]  }
0x2e: {  	s3 =	simm.s32 @!p0 $0x1082;
	s9 =	sld [smem:$0x3FAF]  }
0x2f: {  	lr =	sadd.s32 s0, s3;
	s0 =	sld [smem:$0x3FA6]  }
0x30: {  	s3 =	sld [smem:$0x3FA9]  }
0x31: {  	[smem:$0x3FB2] =	sst s10  }
0x32: {  	s10 =	sld [smem:$0x3FB0];
	_ =	sdelay $0x3  }
0x33: {  	p0 =	seq.s32 s10, $0x1;
	s10 =	sld [smem:$0x3FB2];
	_ =	sdelay $0x3  }
0x34: {  	[smem:$0x3FB2] =	sst s10  }
0x35: {  	s10 =	sld [smem:$0x3FB1];
	_ =	sdelay $0x3  }
0x36: {  	p1 =	seq.s32 s10, $0x1;
	s10 =	sld [smem:$0x3FB2];
	_ =	sdelay $0x3  }
0x37: {  	[smem:$0x3FB2] =	sst s10  }
0x38: {  	s10 =	sld [smem:$0x3FB3]  }
0x39: {  	_ = 	snop;
	(pc) =	sbr.ind lr, $3  }
0x3a: {  	_ = 	snop  }
0x3b: {  	_ = 	snop  }
0x3c: {  	p2 =	seq.s32 s10, $0x1;
	s10 =	sld [smem:$0x3FB2]  }
0x3d: {  	_ =	shalt  }
0x3e: {  	_ =	shalt  }
0x3f: {  	_ =	shalt  }
0x40: {  	_ =	shalt  }
0x41: {  	_ =	shalt  }
0x42: {  	_ =	shalt  }
0x43: {  	_ =	shalt  }
0x44: {  	_ =	shalt  }
0x45: {  	_ =	shalt  }
0x46: {  	_ =	shalt  }
0x47: {  	_ =	shalt  }
0x48: {  	_ =	shalt  }
0x49: {  	_ =	shalt  }
0x4a: {  	_ =	shalt  }
0x4b: {  	_ =	shalt  }
0x4c: {  	_ =	shalt  }
0x4d: {  	_ =	shalt  }
0x4e: {  	_ =	shalt  }
0x4f: {  	_ =	shalt  }
0x50: {  	_ =	shalt  }
0x51: {  	_ =	shalt  }
0x52: {  	_ =	shalt  }
0x53: {  	_ =	shalt  }
0x54: {  	_ =	shalt  }
0x55: {  	_ =	shalt  }
0x56: {  	_ =	shalt  }
0x57: {  	_ =	shalt  }
0x58: {  	_ =	shalt  }
0x59: {  	_ =	shalt  }
0x5a: {  	_ =	shalt  }
0x5b: {  	_ =	shalt  }
0x5c: {  	_ =	shalt  }
0x5d: {  	_ =	shalt  }
0x5e: {  	_ =	shalt  }
0x5f: {  	_ =	shalt  }
0x60: {  	_ =	shalt  }
0x61: {  	_ =	shalt  }
0x62: {  	_ =	shalt  }
0x63: {  	_ =	shalt  }
0x64: {  	_ =	shalt  }
0x65: {  	_ =	shalt  }
0x66: {  	_ =	shalt  }
0x67: {  	_ =	shalt  }
0x68: {  	_ =	shalt  }
0x69: {  	_ =	shalt  }
0x6a: {  	_ =	shalt  }
0x6b: {  	_ =	shalt  }
0x6c: {  	_ =	shalt  }
0x6d: {  	_ =	shalt  }
0x6e: {  	_ =	shalt  }
0x6f: {  	_ =	shalt  }
0x70: {  	_ =	shalt  }
0x71: {  	_ =	shalt  }
0x72: {  	_ =	shalt  }
0x73: {  	_ =	shalt  }
0x74: {  	_ =	shalt  }
0x75: {  	_ =	shalt  }
0x76: {  	_ =	shalt  }
0x77: {  	_ =	shalt  }
0x78: {  	_ =	shalt  }
0x79: {  	_ =	shalt  }
0x7a: {  	_ =	shalt  }
0x7b: {  	_ =	shalt  }
0x7c: {  	_ =	shalt  }
0x7d: {  	_ =	shalt  }
0x7e: {  	_ =	shalt  }
0x7f: {  	_ =	shalt  }
0x80: {  	_ =	shalt  }
0x81: {  	_ =	shalt  }
0x82: {  	_ =	shalt  }
0x83: {  	_ =	shalt  }
0x84: {  	_ =	shalt  }
0x85: {  	_ =	shalt  }
0x86: {  	_ =	shalt  }
0x87: {  	_ =	shalt  }
.Lfunc_end0:
.L_simem_size_0:
called_computation_lowered:
.L_overlay_start_0:
0x88: {  	s2 =	sld [smem:$0x3FD9]  }
0x89: {  	s3 =	sld [smem:$0x3FFE];
	_ =	sdelay $0x1  }
0x8a: {  	s1 =	srdreg.scid  }
0x8b: {  	s0 =	sand.u32 $0x1, s1  }
0x8c: {  	s17 =	sshll.u32 s0, $0xA;
	s2 =	sadd.s32 s3, s2  }
0x8d: {  	s2 =	sadd.s32 s2, s17  }
0x8e: {  	[smem:$0x3FBE] =	sst s2  }
0x8f: {  	_ = 	snop  }
0x90: {  	s2 =	sld [smem:$0x3FD0];
	(tm) =	ssettm $0x1  }
0x91: {  	s18 =	sld [smem:$0x3FFB];
	_ =	sdelay $0x3  }
0x92: {  	_ =	strace s18  }
0x93: {  	s3 =	sld [smem:$0x3FFC];
	_ =	sdelay $0x3  }
0x94: {  	_ =	strace s3  }
0x95: {  	s3 =	sld [smem:$0x3FFD];
	_ =	sdelay $0x3  }
0x96: {  	_ =	strace s3  }
0x97: {  	_ =	strace $0x8FFFFFFF  }
0x98: {  	s19 =	sld [smem:$0x3FDB];
	_ =	sdelay $0x1  }
0x99: {  	s4 =	simm.s32 $_scs_section_size  }
0x9a: {  	s5 =	simm.s32 $_size__tile_overlayer_lowered;
	s6 =	simm.s32 $_tile_overlayer_lowered  }
0x9b: {  	s22 =	simm.s32 $0x1BFF;
	s21 =	sshll.u32 s6, $0x1;
	s3 =	sadd.s32 s4, s19  }
0x9c: {  	s7 =	simm.s32 $0x0;
	s20 =	sshll.u32 s5, $0x1;
	s5 =	sadd.s32 s21, s3  }
0x9d: {  	[timem:s7], [sflag:s22] =	dma.local [hbm:s5], s20  }
0x9e: {  	_ =	swait.ge [sflag:s22], s20  }
0x9f: {  	s4 =	ssub.s32 $0x0, s20;
	[sflag:s22] =	ssyncset.done $0x0  }
0xa0: {  	[sflag:s22] =	ssyncadd.s32 s4;
	_ =	sdelay $0x1  }
0xa1: {  	s23 =	simm.s32 $0x1B8B  }
0xa2: {  	_ =	swait.ge [sflag:s23], $0x1  }
0xa3: {  	[sflag:s23] =	ssyncset.done $0x0  }
0xa4: {  	s25 =	simm.s32 $0x1B8E;
	s24 =	sld [smem:$0x3FFE];
	[sflag:s23] =	ssyncadd.s32 $0xFFFFFFFF  }
0xa5: {  	s26 =	simm.s32 $execute0_lowered;
	[smem:$0x3FD2] =	sst s25  }
0xa6: {  	s5 =	sshll.u32 s26, $0x1;
	_ =	strace $0x80000046;
	[dreg:$0x1] =	wrdreg $0xFFFFFFFF  }
0xa7: {  	s28 =	simm.s32 $_size_execute0_lowered;
	s3 =	sadd.s32 s3, s5;
	[dreg:$0x0] =	wrdreg $0x0  }
0xa8: {  	s5 =	sshll.u32 s28, $0x1;
	[dreg:$0x2] =	wrdreg s3  }
0xa9: {  	[dreg:$0x3] =	wrdreg s5  }
0xaa: {  	[dreg:$0x4] =	wrdreg $0xC0  }
0xab: {  	_ =	task [dreg:s7], $0x5FFFF  }
0xac: {  	[dreg:$0x1] =	wrdreg $0xFFFFFFFF  }
0xad: {  	[dreg:$0x0] =	wrdreg $0x60  }
0xae: {  	[dreg:$0x2] =	wrdreg s2  }
0xaf: {  	[dreg:$0x3] =	wrdreg s24  }
0xb0: {  	[dreg:$0x4] =	wrdreg $0xAF700  }
0xb1: {  	[dreg:$0x5] =	wrdreg $0xAA800  }
0xb2: {  	[dreg:$0x6] =	wrdreg $0xACF80  }
0xb3: {  	[dreg:$0x7] =	wrdreg $0x9  }
0xb4: {  	_ =	task.clear_ibuf [dreg:s7], $0x8FFFF;
	_ =	strace $0x90000046  }
0xb5: {  	s29 =	simm.s32 $0x9;
	_ =	strace $0x80000048  }
0xb6: {  	_ =	swait.ge [sflag:s29], $0x1  }
0xb7: {  	[sflag:s29] =	ssyncadd.s32 $0xFFFFFFFF  }
0xb8: {  	_ =	strace $0x90000048  }
0xb9: {  	_ =	sfence  }
0xba: {  	s30 =	sld [smem:$0x0];
	_ =	sdelay $0x2  }
0xbb: {  	s31 =	sshll.u32 s1, $0xD;
	s1 =	sshrl.u32 s1, $0x2  }
0xbc: {  	s3 =	sand.u32 $0x4000, s31;
	s1 =	sadd.s32 s1, s30  }
0xbd: {  	s0 =	sor.u32 s3, s0;
	s1 =	sshll.u32 s1, $0x11  }
0xbe: {  	s0 =	sor.u32 s1, s0  }
0xbf: {  	s0 =	sadd.s32 $0x8F2B, s0  }
0xc0: {  	[sflag:s0] =	ssyncadd.remote.s32 $0x1  }
0xc1: {  	_ =	sfence.sel $0xFFFF  }
0xc2: {  	[dreg:$0x0] =	wrdreg $0xFFFFFFFF;
	(pc) =	sbr.abs _section_cstart, $3  }
0xc3: {  	[dreg:$0x1] =	wrdreg $0xFFFFFFFF  }
0xc4: {  	_ =	task.clear_ibuf [dreg:s7], $0x2FFFF;
	_ =	strace $0x9FFFFFFF  }
0xc5: {  	(tm) =	ssettm $0x7FFFFFFF  }
tec
execute0_lowered:
.L_overlay_start_1:
0x0: {  	(tag) =	ssettag $0x1  }
0x1: {  	s20 =	rddreg [dreg:$0x0]  }
0x2: {  	s0 =	rddreg [dreg:$0x1]  }
0x3: {  	s2 =	rddreg [dreg:$0x2];
	s12 =	simm.s32 $0x0  }
0x4: {  	s14 =	srdreg.scid;
	s9 =	stileid.u32;
	s3 =	simm.s32 $0x208  }
0x5: {  	s29 =	simm.s32 $0xA00;
	s30 =	simm.s32 $0xB;
	[smem:$0x7FF] =	sst s12  }
0x6: {  	s1 =	sadd.s32 $0x13E00, s0;
	s13 =	sadd.s32 $0x14400, s0;
	s8 =	sadd.s32 $0xA000, s0  }
0x7: {  	p0 =	seq.s32 s9, $0xF;
	_ =	strace $0x80000047;
	[dreg:$0x7] =	wrdreg s1  }
0x8: {  	s10 =	sadd.s32 $0x200, s0;
	p1 =	seq.s32 s9, $0x1;
	[dreg:$0x8] =	wrdreg s13  }
0x9: {  	s1 =	sand.u32 $0x1, s14;
	s3 =	simm.s32 @!p0 $0x278;
	p0 =	sne.s32 s9, $0x0  }
0xa: {  	s14 =	simm.s32 $0x11;
	s4 =	smul.u32 $0x27100, s1;
	s5 =	sshll.u32 s1, $0x4  }
0xb: {  	s1 =	ssub.s32 $0x2, s1;
	s6 =	smul.u32 $0x334, s3;
	s5 =	sor.u32 s9, s5  }
0xc: {  	s13 =	sadd.s32 $0xFFFFFFB0, s3;
	s7 =	sshrl.u32 s1, $0x1;
	s11 =	smul.u32 $0x2710, s5  }
0xd: {  	s0 =	sadd.s32 s4, s0;
	s1 =	ssub.s32 s1, s7;
	s15 =	sadd.s32 $0xE6A0, s6  }
0xe: {  	s6 =	simm.s32 $0xD;
	s7 =	simm.s32 $0xF;
	s31 =	smax.u32 s1, $0x1  }
0xf: {  	s5 =	sshrl.u32 s15, $0x10;
	s16 =	sshrl.u32 s11, $0x3;
	[dreg:$0x14] =	wrdreg s31  }
0x10: {  	s15 =	simm.s32 $0x12;
	[dreg:$0x9] =	wrdreg s5;
	s17 =	sadd.s32 s8, s16  }
0x11: {  	s18 =	sadd.s32 s10, s16;
	s19 =	sadd.s32 $0xA, s16;
	[dreg:$0xa] =	wrdreg s17  }
0x12: {  	s28 =	smul.u32 $0x50, s5;
	[dreg:$0xb] =	wrdreg s18;
	s21 =	sadd.s32 s8, s19  }
0x13: {  	s22 =	sadd.s32 $0x14, s16;
	s4 =	sadd.s32 s10, s19;
	[dreg:$0xc] =	wrdreg s21  }
0x14: {  	s24 =	sadd.s32 $0x1E, s16;
	s23 =	sadd.s32 s8, s22;
	[dreg:$0xd] =	wrdreg s4  }
0x15: {  	s3 =	sadd.s32 $0x4D8, s16;
	s25 =	sadd.s32 s8, s24;
	[dreg:$0xe] =	wrdreg s23  }
0x16: {  	s26 =	sadd.s32 s8, s3;
	s3 =	sadd.s32 s10, s3;
	[dreg:$0x10] =	wrdreg s25  }
0x17: {  	s17 =	simm.s32 $0x80;
	s19 =	simm.s32 $0x100;
	[dreg:$0x12] =	wrdreg s26  }
0x18: {  	s18 =	simm.s32 $0x50;
	s4 =	sadd.s32 s10, s22;
	[dreg:$0x13] =	wrdreg s3  }
0x19: {  	s26 =	smul.u32 $0x278, s9;
	s21 =	simm.s32 $0x500;
	s22 =	simm.s32 $0x180  }
0x1a: {  	s23 =	simm.s32 $0x580;
	[dreg:$0xf] =	wrdreg s4;
	s4 =	sadd.s32 s10, s24  }
0x1b: {  	v0 =	vimm.f32 $0.0e+00;
	s9 =	simm.s32 $0xAA00;
	s24 =	sadd.s32 $0x14A00, s0;
	[dreg:$0x11] =	wrdreg s4  }
.LBB2_1:
0x1c: {  	s0 =	simm.s32 $0x0;
	s1 =	simm.s32 $0x200  }
.LBB2_2:
0x1d: {  	p2 =	sne.s32 s1, $0x9E00;
	[tilespmem:s0+$0xA70] =	vst v0  }
0x1e: {  	[tilespmem:s0+$0xA00] =	vst v0  }
0x1f: {  	[tilespmem:s0+$0xA10] =	vst v0  }
.Ltmp0:
0x20: {  	[tilespmem:s0+$0xA20] =	vst v0;
	(pc) =	sbr.rel @p2 .LBB2_2-.Ltmp0, $4  }
0x21: {  	[tilespmem:s0+$0xA30] =	vst v0  }
0x22: {  	[tilespmem:s0+$0xA40] =	vst v0  }
0x23: {  	[tilespmem:s0+$0xA50] =	vst v0  }
0x24: {  	[tilespmem:s0+$0xA60] =	vst v0;
	s0 =	sshra.s32 s1, $0x2;
	s1 =	sadd.s32 $0x200, s1  }
0x25: {  	[tilespmem:s0+$0xA70] =	vst v0  }
0x26: {  	[tilespmem:s0+$0xA00] =	vst v0  }
0x27: {  	[tilespmem:s0+$0xA10] =	vst v0;
	p4 =	sne.s32 s28, $0x50  }
.Ltmp1:
0x28: {  	[tilespmem:s0+$0xA20] =	vst v0;
	(pc) =	sbr.rel @!p4 .LBB2_4-.Ltmp1, $4  }
0x29: {  	[tilespmem:s0+$0xA30] =	vst v0  }
0x2a: {  	[tilespmem:s0+$0xA40] =	vst v0  }
0x2b: {  	[tilespmem:s0+$0xA50] =	vst v0;
	s1 =	simm.s32 $0x0  }
0x2c: {  	[tilespmem:s0+$0xA60] =	vst v0;
	p3 =	sgt.s32 s13, $0x0;
	s0 =	simm.s32 $0x50;
	p2 =	por $0x0, $0x0  }
0x2d: {  	s3 =	smov.u32 s13;
	p4 =	sne.s32 s28, $0xA0  }
.Ltmp2:
0x2e: {  	s3 =	smov.u32 @p3 s1;
	(pc) =	sbr.rel @!p4 .LBB2_6-.Ltmp2, $4  }
0x2f: {  	s1 =	sadd.s32 s26, s3  }
0x30: {  	s1 =	sshll.u32 s1, $0x7  }
0x31: {  	p2 =	por $0x1, $0x1;
	s31 =	sand.u32 $0x3FFFFF80, s1  }
0x32: {  	p3 =	sgt.s32 s13, $0x50;
	s1 =	simm.s32 $0xA0;
	s3 =	sadd.s32 s31, s2  }
.LBB2_7:
0x33: {  	[spmem:s3] =	stream.linear.scatter [tilespmem:s29], [sflag:$0xB], $0x2800, $0x38;
	[tilespmem:$0x1E7F0] =	vst v63  }
0x34: {  	s3 =	smov.u32 s13  }
0x35: {  	s3 =	smov.u32 @p3 s0  }
0x36: {  	p3 =	slt.s32 s1, s13;
	s0 =	smov.u32 s1;
	s1 =	sadd.s32 $0x50, s1  }
0x37: {  	p4 =	sne.s32 s28, s1  }
.Ltmp3:
0x38: {  	(pc) =	sbr.rel @p4 .LBB2_7-.Ltmp3, $4  }
0x39: {  	s3 =	sadd.s32 s26, s3  }
0x3a: {  	s3 =	sshll.u32 s3, $0x7  }
0x3b: {  	s3 =	sand.u32 $0x3FFFFF80, s3  }
0x3c: {  	s3 =	sadd.s32 s3, s2  }
0x3d: {  	s1 =	smov.u32 s0  }
.LBB2_9:
0x3e: {  	[spmem:s3] =	stream.linear.scatter @p2 [tilespmem:s29], [sflag:$0xB], $0x2800, $0x38;
	[tilespmem:$0x1E7F0] =	vst v63  }
0x3f: {  	s0 =	smov.u32 s13  }
0x40: {  	s0 =	smov.u32 @p3 s1  }
0x41: {  	s0 =	sadd.s32 s26, s0  }
0x42: {  	p2 =	sne.s32 s5, $0x1;
	s0 =	sshll.u32 s0, $0x7  }
.Ltmp4:
0x43: {  	s0 =	sand.u32 $0x3FFFFF80, s0;
	(pc) =	sbr.rel @!p2 .LBB2_11-.Ltmp4, $4  }
0x44: {  	s0 =	sadd.s32 s0, s2  }
0x45: {  	[spmem:s0] =	stream.linear.scatter [tilespmem:s29], [sflag:$0xB], $0x2800, $0x38;
	[tilespmem:$0x1E7F0] =	vst v63  }
0x46: {  	_ =	swait.ge [sflag:s30], $0x2800  }
0x47: {  	s0 =	sadd.s32 $0xFFFFFFFF, s5;
	[sflag:s30] =	ssyncset.done $0x0  }
.LBB2_10:
0x48: {  	p3 =	sne.s32 s0, $0x1;
	s0 =	sadd.s32 $0xFFFFFFFF, s0;
	[sflag:s30] =	ssyncadd.s32 $0xFFFFD800  }
.Ltmp5:
0x49: {  	(pc) =	sbr.rel @p3 .LBB2_10-.Ltmp5, $3  }
0x4a: {  	_ =	sdelay $0x1  }
0x4b: {  	_ =	swait.ge [sflag:s30], $0x2800  }
0x4c: {  	[sflag:s30] =	ssyncset.done $0x0  }
.LBB2_11:
.Ltmp6:
0x4d: {  	(pc) =	sbr.rel @p1 .LBB2_14-.Ltmp6, $2  }
0x4e: {  	_ =	sdelay $0x2  }
0x4f: {  	[sflag:s30] =	ssyncadd.s32 $0xFFFFD800  }
.Ltmp7:
0x50: {  	(pc) =	sbr.rel @p0 .LBB2_16-.Ltmp7, $1  }
0x51: {  	_ =	sdelay $0x3  }
.Ltmp8:
0x52: {  	(pc) =	sbr.rel .LBB2_15-.Ltmp8, $4  }
0x53: {  	_ = 	snop  }
0x54: {  	s0 =	rddreg [dreg:$0x3]  }
0x55: {  	s1 =	rddreg [dreg:$0x7];
	s3 =	simm.s32 $0x1C13;
	s0 =	sshrl.u32 s0, $0x3  }
0x56: {  	[spmem:s0], [sflag:s3] =	dma.local [hbm:s1], $0x4F0  }
.LBB2_14:
0x57: {  	s0 =	rddreg [dreg:$0x4]  }
0x58: {  	s1 =	rddreg [dreg:$0x8];
	s3 =	simm.s32 $0x1C53;
	s0 =	sshrl.u32 s0, $0x3  }
0x59: {  	[spmem:s0], [sflag:s3] =	dma.local [hbm:s1], $0x4F0  }
.LBB2_15:
0x5a: {  	s0 =	simm.s32 $0x13  }
0x5b: {  	_ =	swait.ge [sflag:s0], $0x4F0  }
0x5c: {  	[sflag:s0] =	ssyncset.done $0x0  }
0x5d: {  	[sflag:s0] =	ssyncadd.s32 $0xFFFFFB10  }
.LBB2_16:
0x5e: {  	[dreg:$0x6] =	wrdreg s12  }
0x5f: {  	[bflag:$0x0] =	sbarrier.arrive $0xFFFF  }
0x60: {  	s0 =	simm.s32 $0x0;
	s1 =	rddreg [dreg:$0xa]  }
0x61: {  	[tilespmem:s0], [sflag:$0x1] =	stream.linear.gather [hbm4b:s1+s0], $0x50, $0x38;
	[tilespmem:$0x1E7F0] =	vst v63  }
0x62: {  	s4 =	simm.s32 $0x400;
	s16 =	rddreg [dreg:$0xb]  }
0x63: {  	[tilespmem:s4], [sflag:$0x6] =	stream.linear.gather [hbm4b:s16+s0], $0x50, $0x38;
	[tilespmem:$0x1E7F0] =	vst v63  }
0x64: {  	s25 =	rddreg [dreg:$0xc]  }
0x65: {  	[tilespmem:s17], [sflag:$0x2] =	stream.linear.gather [hbm4b:s25+s0], $0x50, $0x38;
	[tilespmem:$0x1E7F0] =	vst v63  }
0x66: {  	s5 =	simm.s32 $0x480;
	s31 =	rddreg [dreg:$0xd]  }
0x67: {  	[tilespmem:s5], [sflag:$0x7] =	stream.linear.gather [hbm4b:s31+s0], $0x50, $0x38;
	[tilespmem:$0x1E7F0] =	vst v63  }
0x68: {  	s3 =	rddreg [dreg:$0xe]  }
0x69: {  	[tilespmem:s19], [sflag:$0x3] =	stream.linear.gather [hbm4b:s3+s0], $0x50, $0x38;
	[tilespmem:$0x1E7F0] =	vst v63  }
0x6a: {  	s12 =	rddreg [dreg:$0xf]  }
0x6b: {  	[tilespmem:s21], [sflag:$0x8] =	stream.linear.gather [hbm4b:s12+s0], $0x50, $0x38;
	[tilespmem:$0x1E7F0] =	vst v63  }
0x6c: {  	s16 =	rddreg [dreg:$0x10]  }
0x6d: {  	[tilespmem:s22], [sflag:$0x4] =	stream.linear.gather [hbm4b:s16+s0], $0x50, $0x38;
	[tilespmem:$0x1E7F0] =	vst v63  }
0x6e: {  	s22 =	rddreg [dreg:$0x11]  }
0x6f: {  	[tilespmem:s23], [sflag:$0x9] =	stream.linear.gather [hbm4b:s22+s0], $0x50, $0x38;
	[tilespmem:$0x1E7F0] =	vst v63  }
0x70: {  	s23 =	simm.s32 $0x1  }
0x71: {  	_ =	swait.ge [sflag:s23], $0x50  }
0x72: {  	[sflag:s23] =	ssyncset.done $0x0  }
0x73: {  	s25 =	simm.s32 $0x6;
	[sflag:s23] =	ssyncadd.s32 $0xFFFFFFB0  }
0x74: {  	_ =	swait.ge [sflag:s25], $0x50  }
0x75: {  	[sflag:s25] =	ssyncset.done $0x0  }
0x76: {  	[sflag:s25] =	ssyncadd.s32 $0xFFFFFFB0  }
0x77: {  	[tilespmem:s29], [sflag:$0xB] =	stream.indirect.gather [hbm4b:s20+s18], $0x80, s4, s18, $0xb8;
	[tilespmem:$0x1E7F0] =	vst v63  }
0x78: {  	s3 =	simm.s32 $0x800;
	s1 =	rddreg [dreg:$0x3]  }
0x79: {  	[tilespmem:s3], [sflag:$0xD] =	stream.indirect.gather [spmem:s1], $0x1, s0, s18, $0xb8;
	[tilespmem:$0x1E7F0] =	vst v63  }
0x7a: {  	s31 =	simm.s32 $0x900;
	s16 =	simm.s32 $0x2;
	s3 =	rddreg [dreg:$0x4]  }
0x7b: {  	[tilespmem:s31], [sflag:$0xF] =	stream.indirect.gather [spmem:s3], $0x1, s4, s18, $0xb8;
	[tilespmem:$0x1E7F0] =	vst v63  }
0x7c: {  	_ =	swait.ge [sflag:s16], $0x50  }
0x7d: {  	[sflag:s16] =	ssyncset.done $0x0  }
0x7e: {  	s22 =	simm.s32 $0x7;
	[sflag:s16] =	ssyncadd.s32 $0xFFFFFFB0  }
0x7f: {  	_ =	swait.ge [sflag:s22], $0x50  }
0x80: {  	[sflag:s22] =	ssyncset.done $0x0  }
0x81: {  	s23 =	simm.s32 $0x3200;
	[sflag:s22] =	ssyncadd.s32 $0xFFFFFFB0  }
0x82: {  	[tilespmem:s23], [sflag:$0xC] =	stream.indirect.gather [hbm4b:s20+s18], $0x80, s5, s18, $0xb8;
	[tilespmem:$0x1E7F0] =	vst v63  }
0x83: {  	s25 =	simm.s32 $0x880  }
0x84: {  	[tilespmem:s25], [sflag:$0xE] =	stream.indirect.gather [spmem:s1], $0x1, s17, s18, $0xb8;
	[tilespmem:$0x1E7F0] =	vst v63  }
0x85: {  	s31 =	simm.s32 $0x980  }
0x86: {  	[tilespmem:s31], [sflag:$0x10] =	stream.indirect.gather [spmem:s3], $0x1, s5, s18, $0xb8;
	[tilespmem:$0x1E7F0] =	vst v63  }
0x87: {  	_ =	swait.ge [sflag:s6], $0x50  }
0x88: {  	[sflag:s6] =	ssyncset.done $0x0  }
0x89: {  	[sflag:s6] =	ssyncadd.s32 $0xFFFFFFB0  }
0x8a: {  	_ =	swait.ge [sflag:s7], $0x50  }
0x8b: {  	[sflag:s7] =	ssyncset.done $0x0  }
0x8c: {  	[sflag:s7] =	ssyncadd.s32 $0xFFFFFFB0  }
0x8d: {  	v1 =	vld [tilespmem:$0x800]  }
0x8e: {  	v2 =	vld [tilespmem:$0x900];
	_ =	sdelay $0x4  }
0x8f: {  	v1 =	vadd.f32 v2, v1;
	_ =	sdelay $0x1  }
0x90: {  	v1 =	vsub.f32 $0.0e+00, v1;
	_ =	sdelay $0x1  }
0x91: {  	v1 =	vmul.f32 $1.442695020e+00, v1;
	_ =	sdelay $0x1  }
0x92: {  	(erf) = vpow2.f32 v1  }
0x93: {  	v2 =	vld [tilespmem:$0x910]  }
0x94: {  	v1 =	vld [tilespmem:$0x810];
	_ =	sdelay $0x4  }
0x95: {  	v1 =	vadd.f32 v2, v1;
	_ =	sdelay $0x1  }
0x96: {  	v1 =	vsub.f32 $0.0e+00, v1;
	v2 =	vpop (erf)  }
0x97: {  	v2 =	vadd.f32 $1.000000000e+00, v2  }
0x98: {  	v1 =	vmul.f32 $1.442695020e+00, v1  }
0x99: {  	(erf) = vrcp.f32 v2  }
0x9a: {  	(erf) = vpow2.f32 v1  }
0x9b: {  	v2 =	vld [tilespmem:$0x920]  }
0x9c: {  	v1 =	vld [tilespmem:$0x820];
	_ =	sdelay $0x4  }
0x9d: {  	v1 =	vadd.f32 v2, v1  }
0x9e: {  	v2 =	vpop (erf)  }
0x9f: {  	v1 =	vsub.f32 $0.0e+00, v1;
	v3 =	vpop (erf)  }
0xa0: {  	v3 =	vadd.f32 $1.000000000e+00, v3  }
0xa1: {  	v1 =	vmul.f32 $1.442695020e+00, v1  }
0xa2: {  	(erf) = vrcp.f32 v3  }
0xa3: {  	(erf) = vpow2.f32 v1  }
0xa4: {  	v3 =	vld [tilespmem:$0x930]  }
0xa5: {  	v1 =	vld [tilespmem:$0x830];
	_ =	sdelay $0x4  }
0xa6: {  	v1 =	vadd.f32 v3, v1  }
0xa7: {  	v3 =	vpop (erf)  }
0xa8: {  	v1 =	vsub.f32 $0.0e+00, v1;
	v4 =	vpop (erf)  }
0xa9: {  	v4 =	vadd.f32 $1.000000000e+00, v4  }
0xaa: {  	v1 =	vmul.f32 $1.442695020e+00, v1  }
0xab: {  	(erf) = vrcp.f32 v4  }
0xac: {  	(erf) = vpow2.f32 v1  }
0xad: {  	v4 =	vld [tilespmem:$0x940]  }
0xae: {  	v1 =	vld [tilespmem:$0x840];
	_ =	sdelay $0x4  }
0xaf: {  	v1 =	vadd.f32 v4, v1  }
0xb0: {  	v4 =	vpop (erf)  }
0xb1: {  	v1 =	vsub.f32 $0.0e+00, v1;
	v5 =	vpop (erf)  }
0xb2: {  	v5 =	vadd.f32 $1.000000000e+00, v5  }
0xb3: {  	v1 =	vmul.f32 $1.442695020e+00, v1  }
0xb4: {  	(erf) = vrcp.f32 v5  }
0xb5: {  	(erf) = vpow2.f32 v1;
	_ =	sdelay $0x7  }
0xb6: {  	v1 =	vpop (erf)  }
0xb7: {  	v5 =	vpop (erf)  }
0xb8: {  	v5 =	vadd.f32 $1.000000000e+00, v5;
	_ =	sdelay $0x1  }
0xb9: {  	(erf) = vrcp.f32 v5;
	_ =	sdelay $0x5  }
0xba: {  	s1 =	simm.s32 $0x1;
	[tilespmem:$0xAA00] =	vst v2;
	v2 =	vmov s0  }
0xbb: {  	v2 =	vand.u32 $0xFFFFFFFC, v2;
	[tilespmem:$0xAA10] =	vst v3;
	v3 =	vmov s1  }
0xbc: {  	s3 =	simm.s32 $0x2;
	v2 =	vbroadcast v2, $0x0;
	v3 =	vand.u32 $0xFFFFFFFD, v3;
	[tilespmem:$0xAA20] =	vst v4  }
0xbd: {  	v3 =	vbroadcast v3, $0x0;
	v4 =	vmov s3;
	[tilespmem:$0xAA30] =	vst v1;
	v1 =	vpop (erf)  }
0xbe: {  	v4 =	vand.u32 $0xFFFFFFFE, v4;
	[tilespmem:$0xAA40] =	vst v1  }
0xbf: {  	v1 =	vbroadcast v4, $0x0;
	_ =	swait.ge [sflag:s30], $0x2800  }
0xc0: {  	[sflag:s30] =	ssyncset.done $0x0  }
0xc1: {  	[sflag:s30] =	ssyncadd.s32 $0xFFFFD800  }
0xc2: {  	v6 =	vld.idx.msk [tilespmem:v2+s9+$0x0], $0xffff  }
0xc3: {  	s4 =	simm.s32 $0x3;
	s1 =	simm.s32 $0xB00;
	v7 =	vld.idx.msk [tilespmem:v3+s9+$0x0], $0xffff  }
0xc4: {  	v2 =	vmov s4;
	v4 =	vld [tilespmem:s1+$0xFFFFFF80]  }
0xc5: {  	v8 =	vld.idx.msk [tilespmem:v1+s9+$0x0], $0xffff  }
0xc6: {  	v1 =	vld [tilespmem:s1+$0x0]  }
0xc7: {  	v3 =	vld [tilespmem:s1+$0xFFFFFF00];
	_ =	sdelay $0x1  }
0xc8: {  	v5 =	vld.idx.msk [tilespmem:v2+s9+$0x0], $0xffff  }
0xc9: {  	v2 =	vld [tilespmem:s1+$0x80];
	v4 =	vmul.f32 v4, v7  }
0xca: {  	s0 =	simm.s32 $0x5B00;
	v1 =	vmul.f32 v1, v8  }
0xcb: {  	v3 =	vmul.f32 v3, v6;
	[tilespmem:s0+$0xFFFFFF80] =	vst v4  }
0xcc: {  	v4 =	vld [tilespmem:s1+$0xFFFFFF90];
	[tilespmem:s0+$0x0] =	vst v1  }
0xcd: {  	[tilespmem:s0+$0xFFFFFF00] =	vst v3;
	v1 =	vld [tilespmem:s1+$0x10]  }
0xce: {  	v3 =	vld [tilespmem:s1+$0xFFFFFF10];
	v2 =	vmul.f32 v2, v5;
	_ =	sdelay $0x1  }
0xcf: {  	[tilespmem:s0+$0x80] =	vst v2  }
0xd0: {  	v2 =	vld [tilespmem:s1+$0x90];
	v4 =	vmul.f32 v4, v7  }
0xd1: {  	v1 =	vmul.f32 v1, v8  }
0xd2: {  	v3 =	vmul.f32 v3, v6;
	[tilespmem:s0+$0xFFFFFF90] =	vst v4  }
0xd3: {  	v4 =	vld [tilespmem:s1+$0xFFFFFFA0];
	[tilespmem:s0+$0x10] =	vst v1  }
0xd4: {  	[tilespmem:s0+$0xFFFFFF10] =	vst v3;
	v1 =	vld [tilespmem:s1+$0x20]  }
0xd5: {  	v3 =	vld [tilespmem:s1+$0xFFFFFF20];
	v2 =	vmul.f32 v2, v5;
	_ =	sdelay $0x1  }
0xd6: {  	s12 =	simm.s32 $0x5;
	[tilespmem:s0+$0x90] =	vst v2  }
0xd7: {  	v10 =	vmov s12;
	v2 =	vld [tilespmem:s1+$0xA0];
	v4 =	vmul.f32 v4, v7  }
0xd8: {  	v10 =	vand.u32 $0xFFFFFFFD, v10;
	s5 =	simm.s32 $0x4;
	v1 =	vmul.f32 v1, v8  }
0xd9: {  	v10 =	vbroadcast v10, $0x0;
	v9 =	vmov s5;
	v3 =	vmul.f32 v3, v6;
	[tilespmem:s0+$0xFFFFFFA0] =	vst v4  }
0xda: {  	v9 =	vand.u32 $0xFFFFFFFC, v9;
	v12 =	vld [tilespmem:s1+$0xFFFFFFB0];
	[tilespmem:s0+$0x20] =	vst v1  }
0xdb: {  	v9 =	vbroadcast v9, $0x0;
	[tilespmem:s0+$0xFFFFFF20] =	vst v3;
	v3 =	vld [tilespmem:s1+$0x30]  }
0xdc: {  	v11 =	vld [tilespmem:s1+$0xFFFFFF30];
	v2 =	vmul.f32 v2, v5  }
0xdd: {  	s12 =	simm.s32 $0xD00;
	s22 =	simm.s32 $0x6  }
0xde: {  	v15 =	vld [tilespmem:s12+$0xFFFFFF80];
	[tilespmem:s0+$0xA0] =	vst v2;
	v2 =	vmov s22  }
0xdf: {  	v4 =	vld.idx.msk [tilespmem:v10+s9+$0x0], $0xffff;
	v2 =	vand.u32 $0xFFFFFFFE, v2;
	v10 =	vmul.f32 v12, v7  }
0xe0: {  	v13 =	vld [tilespmem:s1+$0xB0];
	v14 =	vbroadcast v2, $0x0;
	v3 =	vmul.f32 v3, v8  }
0xe1: {  	v2 =	vld.idx.msk [tilespmem:v9+s9+$0x0], $0xffff;
	v9 =	vmul.f32 v11, v6;
	[tilespmem:s0+$0xFFFFFFB0] =	vst v10  }
0xe2: {  	v10 =	vld [tilespmem:s1+$0xFFFFFFC0];
	[tilespmem:s0+$0x30] =	vst v3  }
0xe3: {  	s16 =	simm.s32 $0x7;
	[tilespmem:s0+$0xFFFFFF30] =	vst v9;
	v9 =	vld [tilespmem:s1+$0x40]  }
0xe4: {  	v1 =	vmov s16;
	v12 =	vld [tilespmem:s12+$0x0]  }
0xe5: {  	v11 =	vld [tilespmem:s1+$0xFFFFFF40]  }
0xe6: {  	v13 =	vmul.f32 v13, v5;
	v3 =	vld.idx.msk [tilespmem:v14+s9+$0x0], $0xffff  }
0xe7: {  	v14 =	vld [tilespmem:s12+$0xFFFFFF00];
	v10 =	vmul.f32 v10, v7  }
0xe8: {  	v16 =	vld [tilespmem:s12+$0x80];
	[tilespmem:s0+$0xB0] =	vst v13;
	v9 =	vmul.f32 v9, v8  }
0xe9: {  	v1 =	vld.idx.msk [tilespmem:v1+s9+$0x0], $0xffff;
	[tilespmem:s0+$0xFFFFFFC0] =	vst v10  }
0xea: {  	v10 =	vld [tilespmem:s1+$0xC0];
	[tilespmem:s0+$0x40] =	vst v9;
	v9 =	vmul.f32 v11, v6  }
0xeb: {  	v12 =	vmul.f32 v12, v3;
	v11 =	vld [tilespmem:s1+$0x50]  }
0xec: {  	s5 =	simm.s32 $0x5D00;
	v13 =	vld [tilespmem:s1+$0xFFFFFFD0];
	[tilespmem:s0+$0xFFFFFF40] =	vst v9;
	v9 =	vmul.f32 v14, v2  }
0xed: {  	v14 =	vmul.f32 v15, v4;
	[tilespmem:s5+$0x0] =	vst v12;
	v12 =	vld [tilespmem:s1+$0xFFFFFF50]  }
0xee: {  	v15 =	vmul.f32 v16, v1;
	[tilespmem:s5+$0xFFFFFF00] =	vst v9;
	v9 =	vld [tilespmem:s12+$0x10]  }
0xef: {  	v10 =	vmul.f32 v10, v5;
	[tilespmem:s5+$0xFFFFFF80] =	vst v14;
	v16 =	vld [tilespmem:s12+$0xFFFFFF10]  }
0xf0: {  	[tilespmem:s5+$0x80] =	vst v15;
	v14 =	vld [tilespmem:s12+$0xFFFFFF90];
	v11 =	vmul.f32 v11, v8  }
0xf1: {  	v13 =	vmul.f32 v13, v7;
	v15 =	vld [tilespmem:s12+$0x90];
	[tilespmem:s0+$0xC0] =	vst v10  }
0xf2: {  	v10 =	vld [tilespmem:s1+$0xD0];
	[tilespmem:s0+$0x50] =	vst v11;
	v11 =	vmul.f32 v12, v6  }
0xf3: {  	[tilespmem:s0+$0xFFFFFFD0] =	vst v13;
	v12 =	vld [tilespmem:s1+$0x60];
	v9 =	vmul.f32 v9, v3  }
0xf4: {  	v13 =	vmul.f32 v16, v2;
	[tilespmem:s0+$0xFFFFFF50] =	vst v11;
	v11 =	vld [tilespmem:s1+$0xFFFFFFE0]  }
0xf5: {  	v14 =	vmul.f32 v14, v4;
	[tilespmem:s5+$0x10] =	vst v9;
	v9 =	vld [tilespmem:s1+$0xFFFFFF60]  }
0xf6: {  	v15 =	vmul.f32 v15, v1;
	[tilespmem:s5+$0xFFFFFF10] =	vst v13;
	v13 =	vld [tilespmem:s12+$0x20]  }
0xf7: {  	v10 =	vmul.f32 v10, v5;
	[tilespmem:s5+$0xFFFFFF90] =	vst v14;
	v16 =	vld [tilespmem:s12+$0xFFFFFF20]  }
0xf8: {  	[tilespmem:s5+$0x90] =	vst v15;
	v12 =	vmul.f32 v12, v8  }
0xf9: {  	v17 =	vld [tilespmem:s12+$0xFFFFFFA0];
	[tilespmem:s0+$0xD0] =	vst v10;
	v11 =	vmul.f32 v11, v7  }
0xfa: {  	v18 =	vld [tilespmem:s12+$0xA0];
	[tilespmem:s0+$0x60] =	vst v12;
	v9 =	vmul.f32 v9, v6  }
0xfb: {  	v19 =	vld [tilespmem:s1+$0x70];
	v10 =	vmul.f32 v13, v3;
	[tilespmem:s0+$0xFFFFFFE0] =	vst v11  }
0xfc: {  	s23 =	simm.s32 $0x8;
	s25 =	simm.s32 $0x9;
	v20 =	vld [tilespmem:s1+$0xE0];
	v11 =	vmul.f32 v16, v2;
	[tilespmem:s0+$0xFFFFFF60] =	vst v9  }
0xfd: {  	s31 =	simm.s32 $0xB;
	v12 =	vmov s25;
	v14 =	vld [tilespmem:s1+$0xFFFFFFF0];
	v9 =	vmov s23;
	[tilespmem:s5+$0x20] =	vst v10  }
0xfe: {  	v13 =	vmul.f32 v17, v4;
	v15 =	vld [tilespmem:s1+$0xFFFFFF70];
	v9 =	vand.u32 $0xFFFFFFFC, v9;
	[tilespmem:s5+$0xFFFFFF20] =	vst v11;
	v11 =	vmov s31  }
0xff: {  	v17 =	vmul.f32 v18, v1;
	v10 =	vand.u32 $0xFFFFFFFD, v12;
	v16 =	vld [tilespmem:s12+$0x30];
	v9 =	vbroadcast v9, $0x0  }
0x100: {  	v10 =	vbroadcast v10, $0x0;
	[tilespmem:s5+$0xFFFFFFA0] =	vst v13;
	v12 =	vld [tilespmem:s12+$0xFFFFFF30];
	v18 =	vmul.f32 v19, v8  }
0x101: {  	s3 =	simm.s32 $0xC;
	s4 =	simm.s32 $0xA;
	[tilespmem:s5+$0xA0] =	vst v17;
	v17 =	vmul.f32 v20, v5;
	v13 =	vld [tilespmem:s12+$0xFFFFFFB0]  }
.LBB2_17:
0x102: {  	p3 =	slt.u32 s3, $0x4C;
	v8 =	vmov s4;
	v19 =	vld [tilespmem:s12+$0xB0];
	v14 =	vmul.f32 v14, v7;
	[tilespmem:s0+$0x70] =	vst v18;
	v7 =	vmov v4  }
0x103: {  	v4 =	vand.u32 $0xFFFFFFFE, v8;
	v8 =	vld.idx.msk [tilespmem:v11+s9+$0x0], $0xffff;
	v11 =	vmul.f32 v15, v6;
	[tilespmem:s0+$0xE0] =	vst v17;
	v6 =	vmov v2  }
0x104: {  	v15 =	vbroadcast v4, $0x0;
	v16 =	vmul.f32 v16, v3;
	[tilespmem:s0+$0xFFFFFFF0] =	vst v14;
	v14 =	vld [tilespmem:s1+$0xF0];
	s1 =	smov.u32 s12  }
0x105: {  	v2 =	vld.idx.msk [tilespmem:v9+s9+$0x0], $0xffff;
	v9 =	vmul.f32 v12, v6;
	[tilespmem:s0+$0xFFFFFF70] =	vst v11  }
0x106: {  	v4 =	vld.idx.msk [tilespmem:v10+s9+$0x0], $0xffff;
	v10 =	vmul.f32 v13, v7;
	[tilespmem:s5+$0x30] =	vst v16  }
0x107: {  	[tilespmem:s5+$0xFFFFFF30] =	vst v9;
	v9 =	vld [tilespmem:s12+$0x40];
	v11 =	vmul.f32 v19, v1  }
0x108: {  	v12 =	vld [tilespmem:s12+$0xFFFFFF40];
	[tilespmem:s5+$0xFFFFFFB0] =	vst v10  }
0x109: {  	v10 =	vld [tilespmem:s12+$0xFFFFFFC0];
	[tilespmem:s5+$0xB0] =	vst v11;
	v11 =	vmul.f32 v14, v5;
	v5 =	vmov v1;
	v1 =	vmov v8  }
0x10a: {  	s12 =	sadd.s32 $0x200, s12;
	v8 =	vld.idx.msk [tilespmem:v15+s9+$0x0], $0xffff  }
0x10b: {  	v13 =	vld [tilespmem:s12+$0x0];
	[tilespmem:s0+$0xF0] =	vst v11;
	s0 =	smov.u32 s5  }
0x10c: {  	v11 =	vld [tilespmem:s12+$0xFFFFFF00];
	v9 =	vmul.f32 v9, v3  }
0x10d: {  	v14 =	vld [tilespmem:s12+$0xFFFFFF80];
	v12 =	vmul.f32 v12, v6  }
0x10e: {  	v15 =	vld [tilespmem:s12+$0x80];
	v10 =	vmul.f32 v10, v7;
	[tilespmem:s5+$0x40] =	vst v9  }
0x10f: {  	[tilespmem:s5+$0xFFFFFF40] =	vst v12;
	v9 =	vld [tilespmem:s1+$0x50]  }
0x110: {  	v12 =	vmul.f32 v13, v8;
	[tilespmem:s5+$0xFFFFFFC0] =	vst v10;
	v10 =	vld [tilespmem:s1+$0xC0]  }
0x111: {  	s5 =	sadd.s32 $0x200, s5;
	v11 =	vmul.f32 v11, v2;
	v13 =	vld [tilespmem:s1+$0xFFFFFFD0]  }
0x112: {  	v14 =	vmul.f32 v14, v4;
	[tilespmem:s5+$0x0] =	vst v12;
	v12 =	vld [tilespmem:s1+$0xFFFFFF50]  }
0x113: {  	[tilespmem:s5+$0xFFFFFF00] =	vst v11;
	v11 =	vld [tilespmem:s12+$0x10];
	v15 =	vmul.f32 v15, v1  }
0x114: {  	v16 =	vld [tilespmem:s12+$0xFFFFFF10];
	[tilespmem:s5+$0xFFFFFF80] =	vst v14;
	v9 =	vmul.f32 v9, v3  }
0x115: {  	v14 =	vld [tilespmem:s12+$0xFFFFFF90];
	[tilespmem:s5+$0x80] =	vst v15;
	v10 =	vmul.f32 v10, v5  }
0x116: {  	v15 =	vld [tilespmem:s12+$0x90];
	v13 =	vmul.f32 v13, v7;
	[tilespmem:s0+$0x50] =	vst v9  }
0x117: {  	v9 =	vmul.f32 v12, v6;
	v12 =	vld [tilespmem:s1+$0x60];
	[tilespmem:s0+$0xC0] =	vst v10  }
0x118: {  	v10 =	vmul.f32 v11, v8;
	[tilespmem:s0+$0xFFFFFFD0] =	vst v13;
	v11 =	vld [tilespmem:s1+$0xD0]  }
0x119: {  	v13 =	vmul.f32 v16, v2;
	[tilespmem:s0+$0xFFFFFF50] =	vst v9;
	v9 =	vld [tilespmem:s1+$0xFFFFFFE0]  }
0x11a: {  	v14 =	vmul.f32 v14, v4;
	[tilespmem:s5+$0x10] =	vst v10;
	v10 =	vld [tilespmem:s1+$0xFFFFFF60]  }
0x11b: {  	[tilespmem:s5+$0xFFFFFF10] =	vst v13;
	v13 =	vld [tilespmem:s12+$0x20];
	v15 =	vmul.f32 v15, v1  }
0x11c: {  	v16 =	vld [tilespmem:s12+$0xFFFFFF20];
	[tilespmem:s5+$0xFFFFFF90] =	vst v14;
	v12 =	vmul.f32 v12, v3  }
0x11d: {  	v17 =	vld [tilespmem:s12+$0xFFFFFFA0];
	[tilespmem:s5+$0x90] =	vst v15;
	v11 =	vmul.f32 v11, v5  }
0x11e: {  	v18 =	vld [tilespmem:s12+$0xA0];
	v9 =	vmul.f32 v9, v7;
	[tilespmem:s0+$0x60] =	vst v12  }
0x11f: {  	v10 =	vmul.f32 v10, v6;
	v19 =	vld [tilespmem:s1+$0x70];
	[tilespmem:s0+$0xD0] =	vst v11  }
0x120: {  	s4 =	sadd.s32 $0x3, s3;
	v12 =	vmul.f32 v13, v8;
	[tilespmem:s0+$0xFFFFFFE0] =	vst v9;
	v20 =	vld [tilespmem:s1+$0xE0]  }
.Ltmp9:
0x121: {  	s16 =	sadd.s32 $0x1, s3;
	v11 =	vmov s4;
	v9 =	vmov s3;
	v13 =	vmul.f32 v16, v2;
	[tilespmem:s0+$0xFFFFFF60] =	vst v10;
	v14 =	vld [tilespmem:s1+$0xFFFFFFF0];
	(pc) =	sbr.rel @p3 .LBB2_17-.Ltmp9, $4  }
0x122: {  	v9 =	vand.u32 $0xFFFFFFFC, v9;
	v10 =	vmov s16;
	v17 =	vmul.f32 v17, v4;
	[tilespmem:s5+$0x20] =	vst v12;
	v15 =	vld [tilespmem:s1+$0xFFFFFF70]  }
0x123: {  	v9 =	vbroadcast v9, $0x0;
	v10 =	vand.u32 $0xFFFFFFFD, v10;
	[tilespmem:s5+$0xFFFFFF20] =	vst v13;
	v16 =	vld [tilespmem:s12+$0x30];
	v21 =	vmul.f32 v18, v1  }
0x124: {  	v10 =	vbroadcast v10, $0x0;
	v12 =	vld [tilespmem:s12+$0xFFFFFF30];
	[tilespmem:s5+$0xFFFFFFA0] =	vst v17;
	v18 =	vmul.f32 v19, v3;
	v3 =	vmov v8  }
0x125: {  	s4 =	sadd.s32 $0x2, s3;
	s3 =	sadd.s32 $0x4, s3;
	v13 =	vld [tilespmem:s12+$0xFFFFFFB0];
	[tilespmem:s5+$0xA0] =	vst v21;
	v17 =	vmul.f32 v20, v5  }
0x126: {  	v8 =	vmov s4  }
0x127: {  	v8 =	vand.u32 $0xFFFFFFFE, v8  }
0x128: {  	v19 =	vbroadcast v8, $0x0;
	_ =	sdelay $0x2  }
0x129: {  	v9 =	vld.idx.msk [tilespmem:v9+s9+$0x0], $0xffff  }
0x12a: {  	v10 =	vld.idx.msk [tilespmem:v10+s9+$0x0], $0xffff  }
0x12b: {  	v8 =	vld.idx.msk [tilespmem:v11+s9+$0x0], $0xffff  }
0x12c: {  	s31 =	sadd.s32 $0x200, s12;
	v11 =	vld.idx.msk [tilespmem:v19+s9+$0x0], $0xffff  }
0x12d: {  	v19 =	vld [tilespmem:s31+$0x0]  }
0x12e: {  	v20 =	vld [tilespmem:s31+$0xFFFFFF80]  }
0x12f: {  	v21 =	vld [tilespmem:s31+$0xFFFFFF00]  }
0x130: {  	v22 =	vld [tilespmem:s31+$0x80];
	_ =	sdelay $0x1  }
0x131: {  	v19 =	vmul.f32 v19, v11  }
0x132: {  	s3 =	sadd.s32 $0x200, s5;
	v20 =	vmul.f32 v20, v10  }
0x133: {  	v21 =	vmul.f32 v21, v9;
	[tilespmem:s3+$0x0] =	vst v19  }
0x134: {  	v22 =	vmul.f32 v22, v8;
	[tilespmem:s3+$0xFFFFFF80] =	vst v20;
	v19 =	vld [tilespmem:s31+$0x10]  }
0x135: {  	[tilespmem:s3+$0xFFFFFF00] =	vst v21;
	v20 =	vld [tilespmem:s31+$0xFFFFFF90]  }
0x136: {  	v21 =	vld [tilespmem:s31+$0xFFFFFF10];
	[tilespmem:s3+$0x80] =	vst v22  }
0x137: {  	v22 =	vld [tilespmem:s31+$0x90];
	_ =	sdelay $0x1  }
0x138: {  	v19 =	vmul.f32 v19, v11  }
0x139: {  	[tilespmem:s0+$0x70] =	vst v18;
	v18 =	vmul.f32 v20, v10  }
0x13a: {  	[tilespmem:s3+$0x10] =	vst v19;
	v19 =	vmul.f32 v21, v9  }
0x13b: {  	v20 =	vmul.f32 v22, v8;
	[tilespmem:s3+$0xFFFFFF90] =	vst v18;
	v18 =	vld [tilespmem:s31+$0x20]  }
0x13c: {  	[tilespmem:s3+$0xFFFFFF10] =	vst v19;
	v19 =	vld [tilespmem:s31+$0xFFFFFFA0]  }
0x13d: {  	v7 =	vmul.f32 v14, v7;
	[tilespmem:s3+$0x90] =	vst v20;
	v14 =	vld [tilespmem:s31+$0xFFFFFF20]  }
0x13e: {  	v6 =	vmul.f32 v15, v6;
	[tilespmem:s0+$0xE0] =	vst v17;
	v15 =	vld [tilespmem:s31+$0xA0]  }
0x13f: {  	v16 =	vmul.f32 v16, v3;
	[tilespmem:s0+$0xFFFFFFF0] =	vst v7  }
0x140: {  	[tilespmem:s0+$0xFFFFFF70] =	vst v6;
	v6 =	vmul.f32 v18, v11  }
0x141: {  	v7 =	vld [tilespmem:s12+$0xB0];
	[tilespmem:s5+$0x30] =	vst v16;
	v16 =	vmul.f32 v19, v10  }
0x142: {  	v17 =	vld [tilespmem:s1+$0xF0];
	v14 =	vmul.f32 v14, v9;
	[tilespmem:s3+$0x20] =	vst v6  }
0x143: {  	v15 =	vmul.f32 v15, v8;
	v6 =	vld [tilespmem:s31+$0x30];
	[tilespmem:s3+$0xFFFFFFA0] =	vst v16  }
0x144: {  	v12 =	vmul.f32 v12, v2;
	[tilespmem:s3+$0xFFFFFF20] =	vst v14;
	v14 =	vld [tilespmem:s31+$0xFFFFFFB0]  }
0x145: {  	v13 =	vmul.f32 v13, v4;
	[tilespmem:s3+$0xA0] =	vst v15;
	v16 =	vld [tilespmem:s31+$0xFFFFFF30]  }
0x146: {  	[tilespmem:s5+$0xFFFFFF30] =	vst v12;
	v7 =	vmul.f32 v7, v1;
	v12 =	vld [tilespmem:s31+$0xB0]  }
0x147: {  	[tilespmem:s5+$0xFFFFFFB0] =	vst v13;
	v5 =	vmul.f32 v17, v5;
	v15 =	vld [tilespmem:s12+$0x40]  }
0x148: {  	v13 =	vld [tilespmem:s12+$0xFFFFFFC0];
	[tilespmem:s5+$0xB0] =	vst v7;
	v6 =	vmul.f32 v6, v11  }
0x149: {  	v7 =	vld [tilespmem:s12+$0xFFFFFF40];
	[tilespmem:s0+$0xF0] =	vst v5;
	v5 =	vmul.f32 v14, v10  }
0x14a: {  	v14 =	vld [tilespmem:s12+$0xC0];
	v16 =	vmul.f32 v16, v9;
	[tilespmem:s3+$0x30] =	vst v6  }
0x14b: {  	v12 =	vmul.f32 v12, v8;
	v6 =	vld [tilespmem:s31+$0x40];
	[tilespmem:s3+$0xFFFFFFB0] =	vst v5  }
0x14c: {  	v5 =	vmul.f32 v15, v3;
	[tilespmem:s3+$0xFFFFFF30] =	vst v16;
	v15 =	vld [tilespmem:s31+$0xFFFFFFC0]  }
0x14d: {  	v13 =	vmul.f32 v13, v4;
	[tilespmem:s3+$0xB0] =	vst v12;
	v16 =	vld [tilespmem:s31+$0xFFFFFF40]  }
0x14e: {  	v7 =	vmul.f32 v7, v2;
	[tilespmem:s5+$0x40] =	vst v5;
	v5 =	vld [tilespmem:s31+$0xC0]  }
0x14f: {  	[tilespmem:s5+$0xFFFFFFC0] =	vst v13;
	v12 =	vld [tilespmem:s12+$0x50];
	v13 =	vmul.f32 v14, v1  }
0x150: {  	[tilespmem:s5+$0xFFFFFF40] =	vst v7;
	v7 =	vld [tilespmem:s12+$0xFFFFFFD0];
	v6 =	vmul.f32 v6, v11  }
0x151: {  	v14 =	vld [tilespmem:s12+$0xFFFFFF50];
	[tilespmem:s5+$0xC0] =	vst v13;
	v13 =	vmul.f32 v15, v10  }
0x152: {  	v15 =	vld [tilespmem:s12+$0xD0];
	v16 =	vmul.f32 v16, v9;
	[tilespmem:s3+$0x40] =	vst v6  }
0x153: {  	v5 =	vmul.f32 v5, v8;
	v6 =	vld [tilespmem:s31+$0x50];
	[tilespmem:s3+$0xFFFFFFC0] =	vst v13  }
0x154: {  	v12 =	vmul.f32 v12, v3;
	[tilespmem:s3+$0xFFFFFF40] =	vst v16;
	v13 =	vld [tilespmem:s31+$0xFFFFFFD0]  }
0x155: {  	v7 =	vmul.f32 v7, v4;
	[tilespmem:s3+$0xC0] =	vst v5;
	v16 =	vld [tilespmem:s31+$0xFFFFFF50]  }
0x156: {  	v5 =	vmul.f32 v14, v2;
	[tilespmem:s5+$0x50] =	vst v12;
	v12 =	vld [tilespmem:s31+$0xD0]  }
0x157: {  	[tilespmem:s5+$0xFFFFFFD0] =	vst v7;
	v14 =	vld [tilespmem:s12+$0x60];
	v7 =	vmul.f32 v15, v1  }
0x158: {  	[tilespmem:s5+$0xFFFFFF50] =	vst v5;
	v5 =	vld [tilespmem:s12+$0xFFFFFFE0];
	v6 =	vmul.f32 v6, v11  }
0x159: {  	v15 =	vld [tilespmem:s12+$0xFFFFFF60];
	[tilespmem:s5+$0xD0] =	vst v7;
	v7 =	vmul.f32 v13, v10  }
0x15a: {  	v13 =	vld [tilespmem:s12+$0xE0];
	[tilespmem:s3+$0x50] =	vst v6;
	v6 =	vmul.f32 v16, v9  }
0x15b: {  	v16 =	vld [tilespmem:s31+$0x60];
	[tilespmem:s3+$0xFFFFFFD0] =	vst v7;
	v7 =	vmul.f32 v12, v8  }
0x15c: {  	v12 =	vmul.f32 v14, v3;
	[tilespmem:s3+$0xFFFFFF50] =	vst v6;
	v6 =	vld [tilespmem:s31+$0xFFFFFFE0]  }
0x15d: {  	v5 =	vmul.f32 v5, v4;
	v14 =	vld [tilespmem:s31+$0xFFFFFF60];
	[tilespmem:s3+$0xD0] =	vst v7  }
0x15e: {  	[tilespmem:s5+$0x60] =	vst v12;
	v7 =	vmul.f32 v15, v2;
	v12 =	vld [tilespmem:s31+$0xE0]  }
0x15f: {  	[tilespmem:s5+$0xFFFFFFE0] =	vst v5;
	v15 =	vld [tilespmem:s12+$0x70];
	v5 =	vmul.f32 v13, v1  }
0x160: {  	[tilespmem:s5+$0xFFFFFF60] =	vst v7;
	v7 =	vld [tilespmem:s12+$0xFFFFFFF0];
	v13 =	vmul.f32 v16, v11  }
0x161: {  	v16 =	vld [tilespmem:s12+$0xFFFFFF70];
	[tilespmem:s5+$0xE0] =	vst v5;
	v5 =	vmul.f32 v6, v10  }
0x162: {  	v6 =	vld [tilespmem:s12+$0xF0];
	[tilespmem:s3+$0x60] =	vst v13;
	v13 =	vmul.f32 v14, v9  }
0x163: {  	v14 =	vld [tilespmem:s31+$0x70];
	[tilespmem:s3+$0xFFFFFFE0] =	vst v5;
	v5 =	vmul.f32 v12, v8  }
0x164: {  	v3 =	vmul.f32 v15, v3;
	[tilespmem:s3+$0xFFFFFF60] =	vst v13;
	v12 =	vld [tilespmem:s31+$0xFFFFFFF0]  }
0x165: {  	v4 =	vmul.f32 v7, v4;
	v7 =	vld [tilespmem:s31+$0xFFFFFF70];
	[tilespmem:s3+$0xE0] =	vst v5  }
0x166: {  	[tilespmem:s5+$0x70] =	vst v3;
	v2 =	vmul.f32 v16, v2;
	v3 =	vld [tilespmem:s31+$0xF0]  }
0x167: {  	[tilespmem:s5+$0xFFFFFFF0] =	vst v4;
	v1 =	vmul.f32 v6, v1  }
0x168: {  	[tilespmem:s5+$0xFFFFFF70] =	vst v2;
	v2 =	vmul.f32 v14, v11  }
0x169: {  	[tilespmem:s5+$0xF0] =	vst v1;
	v1 =	vmul.f32 v12, v10  }
0x16a: {  	[tilespmem:s3+$0x70] =	vst v2;
	v2 =	vmul.f32 v7, v9  }
0x16b: {  	[tilespmem:s3+$0xFFFFFFF0] =	vst v1;
	v1 =	vmul.f32 v3, v8  }
0x16c: {  	[tilespmem:s3+$0xFFFFFF70] =	vst v2  }
0x16d: {  	s4 =	simm.s32 $0x5A00;
	s0 =	simm.s32 $0x0;
	s5 =	simm.s32 $0x3;
	[tilespmem:s3+$0xF0] =	vst v1  }
0x16e: {  	[spmem:s2] =	stream.indirect.scatter.add.f32 [tilespmem:s4], [sflag:$0x11], $0x80, s0, s18, $0xb8;
	[tilespmem:$0x1E7F0] =	vst v63  }
0x16f: {  	_ =	swait.ge [sflag:s5], $0x50  }
0x170: {  	[sflag:s5] =	ssyncset.done $0x0  }
0x171: {  	s12 =	simm.s32 $0x8;
	[sflag:s5] =	ssyncadd.s32 $0xFFFFFFB0  }
0x172: {  	_ =	swait.ge [sflag:s12], $0x50  }
0x173: {  	[sflag:s12] =	ssyncset.done $0x0  }
0x174: {  	[sflag:s12] =	ssyncadd.s32 $0xFFFFFFB0  }
0x175: {  	[tilespmem:s29], [sflag:$0xB] =	stream.indirect.gather [hbm4b:s20+s18], $0x80, s21, s18, $0xb8;
	[tilespmem:$0x1E7F0] =	vst v63  }
0x176: {  	s16 =	simm.s32 $0x800;
	s1 =	rddreg [dreg:$0x3]  }
0x177: {  	[tilespmem:s16], [sflag:$0xD] =	stream.indirect.gather [spmem:s1], $0x1, s19, s18, $0xb8;
	[tilespmem:$0x1E7F0] =	vst v63  }
0x178: {  	s23 =	simm.s32 $0x900;
	s25 =	simm.s32 $0xE;
	s22 =	rddreg [dreg:$0x4]  }
0x179: {  	[tilespmem:s23], [sflag:$0xF] =	stream.indirect.gather [spmem:s22], $0x1, s21, s18, $0xb8;
	[tilespmem:$0x1E7F0] =	vst v63  }
0x17a: {  	_ =	swait.ge [sflag:s25], $0x50  }
0x17b: {  	[sflag:s25] =	ssyncset.done $0x0  }
0x17c: {  	s31 =	simm.s32 $0x10;
	[sflag:s25] =	ssyncadd.s32 $0xFFFFFFB0  }
0x17d: {  	_ =	swait.ge [sflag:s31], $0x50  }
0x17e: {  	[sflag:s31] =	ssyncset.done $0x0  }
0x17f: {  	[sflag:s31] =	ssyncadd.s32 $0xFFFFFFB0  }
0x180: {  	v1 =	vld [tilespmem:$0x880]  }
0x181: {  	v2 =	vld [tilespmem:$0x980];
	_ =	sdelay $0x4  }
0x182: {  	v1 =	vadd.f32 v2, v1;
	_ =	sdelay $0x1  }
0x183: {  	v1 =	vsub.f32 $0.0e+00, v1;
	_ =	sdelay $0x1  }
0x184: {  	v1 =	vmul.f32 $1.442695020e+00, v1;
	_ =	sdelay $0x1  }
0x185: {  	(erf) = vpow2.f32 v1  }
0x186: {  	v2 =	vld [tilespmem:$0x990]  }
0x187: {  	v1 =	vld [tilespmem:$0x890];
	_ =	sdelay $0x4  }
0x188: {  	v1 =	vadd.f32 v2, v1;
	_ =	sdelay $0x1  }
0x189: {  	v1 =	vsub.f32 $0.0e+00, v1;
	v2 =	vpop (erf)  }
0x18a: {  	v2 =	vadd.f32 $1.000000000e+00, v2  }
0x18b: {  	v1 =	vmul.f32 $1.442695020e+00, v1  }
0x18c: {  	(erf) = vrcp.f32 v2  }
0x18d: {  	(erf) = vpow2.f32 v1  }
0x18e: {  	v2 =	vld [tilespmem:$0x9A0]  }
0x18f: {  	v1 =	vld [tilespmem:$0x8A0];
	_ =	sdelay $0x4  }
0x190: {  	v1 =	vadd.f32 v2, v1  }
0x191: {  	v2 =	vpop (erf)  }
0x192: {  	v1 =	vsub.f32 $0.0e+00, v1;
	v3 =	vpop (erf)  }
0x193: {  	v3 =	vadd.f32 $1.000000000e+00, v3  }
0x194: {  	v1 =	vmul.f32 $1.442695020e+00, v1  }
0x195: {  	(erf) = vrcp.f32 v3  }
0x196: {  	(erf) = vpow2.f32 v1  }
0x197: {  	v3 =	vld [tilespmem:$0x9B0]  }
0x198: {  	v1 =	vld [tilespmem:$0x8B0];
	_ =	sdelay $0x4  }
0x199: {  	v1 =	vadd.f32 v3, v1  }
0x19a: {  	v3 =	vpop (erf)  }
0x19b: {  	v1 =	vsub.f32 $0.0e+00, v1;
	v4 =	vpop (erf)  }
0x19c: {  	v4 =	vadd.f32 $1.000000000e+00, v4  }
0x19d: {  	v1 =	vmul.f32 $1.442695020e+00, v1  }
0x19e: {  	(erf) = vrcp.f32 v4  }
0x19f: {  	(erf) = vpow2.f32 v1  }
0x1a0: {  	v4 =	vld [tilespmem:$0x9C0]  }
0x1a1: {  	v1 =	vld [tilespmem:$0x8C0];
	_ =	sdelay $0x4  }
0x1a2: {  	v1 =	vadd.f32 v4, v1  }
0x1a3: {  	v4 =	vpop (erf)  }
0x1a4: {  	v1 =	vsub.f32 $0.0e+00, v1;
	v5 =	vpop (erf)  }
0x1a5: {  	v5 =	vadd.f32 $1.000000000e+00, v5  }
0x1a6: {  	v1 =	vmul.f32 $1.442695020e+00, v1  }
0x1a7: {  	(erf) = vrcp.f32 v5  }
0x1a8: {  	(erf) = vpow2.f32 v1;
	_ =	sdelay $0x7  }
0x1a9: {  	v1 =	vpop (erf)  }
0x1aa: {  	v5 =	vpop (erf)  }
0x1ab: {  	v5 =	vadd.f32 $1.000000000e+00, v5;
	_ =	sdelay $0x1  }
0x1ac: {  	(erf) = vrcp.f32 v5;
	_ =	sdelay $0x5  }
0x1ad: {  	s3 =	simm.s32 $0x1;
	[tilespmem:$0xAA00] =	vst v2;
	v2 =	vmov s0  }
0x1ae: {  	v2 =	vand.u32 $0xFFFFFFFC, v2;
	[tilespmem:$0xAA10] =	vst v3;
	v3 =	vmov s3  }
0x1af: {  	s4 =	simm.s32 $0x2;
	v2 =	vbroadcast v2, $0x0;
	v3 =	vand.u32 $0xFFFFFFFD, v3;
	[tilespmem:$0xAA20] =	vst v4  }
0x1b0: {  	v3 =	vbroadcast v3, $0x0;
	v4 =	vmov s4;
	[tilespmem:$0xAA30] =	vst v1;
	v1 =	vpop (erf)  }
0x1b1: {  	s5 =	simm.s32 $0xC;
	v4 =	vand.u32 $0xFFFFFFFE, v4;
	[tilespmem:$0xAA40] =	vst v1  }
0x1b2: {  	v1 =	vbroadcast v4, $0x0;
	_ =	swait.ge [sflag:s5], $0x2800  }
0x1b3: {  	[sflag:s5] =	ssyncset.done $0x0  }
0x1b4: {  	[sflag:s5] =	ssyncadd.s32 $0xFFFFD800  }
0x1b5: {  	v6 =	vld.idx.msk [tilespmem:v2+s9+$0x0], $0xffff  }
0x1b6: {  	s12 =	simm.s32 $0x3;
	s1 =	simm.s32 $0x3300;
	v7 =	vld.idx.msk [tilespmem:v3+s9+$0x0], $0xffff  }
0x1b7: {  	v2 =	vmov s12;
	v4 =	vld [tilespmem:s1+$0xFFFFFF80]  }
0x1b8: {  	v8 =	vld.idx.msk [tilespmem:v1+s9+$0x0], $0xffff  }
0x1b9: {  	v1 =	vld [tilespmem:s1+$0x0]  }
0x1ba: {  	v3 =	vld [tilespmem:s1+$0xFFFFFF00];
	_ =	sdelay $0x1  }
0x1bb: {  	v5 =	vld.idx.msk [tilespmem:v2+s9+$0x0], $0xffff  }
0x1bc: {  	v2 =	vld [tilespmem:s1+$0x80];
	v4 =	vmul.f32 v4, v7  }
0x1bd: {  	s0 =	simm.s32 $0x8300;
	v1 =	vmul.f32 v1, v8  }
0x1be: {  	v3 =	vmul.f32 v3, v6;
	[tilespmem:s0+$0xFFFFFF80] =	vst v4  }
0x1bf: {  	v4 =	vld [tilespmem:s1+$0xFFFFFF90];
	[tilespmem:s0+$0x0] =	vst v1  }
0x1c0: {  	[tilespmem:s0+$0xFFFFFF00] =	vst v3;
	v1 =	vld [tilespmem:s1+$0x10]  }
0x1c1: {  	v3 =	vld [tilespmem:s1+$0xFFFFFF10];
	v2 =	vmul.f32 v2, v5;
	_ =	sdelay $0x1  }
0x1c2: {  	[tilespmem:s0+$0x80] =	vst v2  }
0x1c3: {  	v2 =	vld [tilespmem:s1+$0x90];
	v4 =	vmul.f32 v4, v7  }
0x1c4: {  	v1 =	vmul.f32 v1, v8  }
0x1c5: {  	v3 =	vmul.f32 v3, v6;
	[tilespmem:s0+$0xFFFFFF90] =	vst v4  }
0x1c6: {  	v4 =	vld [tilespmem:s1+$0xFFFFFFA0];
	[tilespmem:s0+$0x10] =	vst v1  }
0x1c7: {  	[tilespmem:s0+$0xFFFFFF10] =	vst v3;
	v1 =	vld [tilespmem:s1+$0x20]  }
0x1c8: {  	v3 =	vld [tilespmem:s1+$0xFFFFFF20];
	v2 =	vmul.f32 v2, v5;
	_ =	sdelay $0x1  }
0x1c9: {  	s19 =	simm.s32 $0x5;
	[tilespmem:s0+$0x90] =	vst v2  }
0x1ca: {  	v10 =	vmov s19;
	v2 =	vld [tilespmem:s1+$0xA0];
	v4 =	vmul.f32 v4, v7  }
0x1cb: {  	s16 =	simm.s32 $0x4;
	v10 =	vand.u32 $0xFFFFFFFD, v10;
	v1 =	vmul.f32 v1, v8  }
0x1cc: {  	v9 =	vmov s16;
	v10 =	vbroadcast v10, $0x0;
	v3 =	vmul.f32 v3, v6;
	[tilespmem:s0+$0xFFFFFFA0] =	vst v4  }
0x1cd: {  	v9 =	vand.u32 $0xFFFFFFFC, v9;
	v12 =	vld [tilespmem:s1+$0xFFFFFFB0];
	[tilespmem:s0+$0x20] =	vst v1  }
0x1ce: {  	v9 =	vbroadcast v9, $0x0;
	[tilespmem:s0+$0xFFFFFF20] =	vst v3;
	v3 =	vld [tilespmem:s1+$0x30]  }
0x1cf: {  	v11 =	vld [tilespmem:s1+$0xFFFFFF30];
	v2 =	vmul.f32 v2, v5  }
0x1d0: {  	s22 =	simm.s32 $0x6;
	s12 =	simm.s32 $0x3500  }
0x1d1: {  	v15 =	vld [tilespmem:s12+$0xFFFFFF80];
	[tilespmem:s0+$0xA0] =	vst v2;
	v2 =	vmov s22  }
0x1d2: {  	v4 =	vld.idx.msk [tilespmem:v10+s9+$0x0], $0xffff;
	v2 =	vand.u32 $0xFFFFFFFE, v2;
	v10 =	vmul.f32 v12, v7  }
0x1d3: {  	v13 =	vld [tilespmem:s1+$0xB0];
	v14 =	vbroadcast v2, $0x0;
	v3 =	vmul.f32 v3, v8  }
0x1d4: {  	v2 =	vld.idx.msk [tilespmem:v9+s9+$0x0], $0xffff;
	v9 =	vmul.f32 v11, v6;
	[tilespmem:s0+$0xFFFFFFB0] =	vst v10  }
0x1d5: {  	v10 =	vld [tilespmem:s1+$0xFFFFFFC0];
	[tilespmem:s0+$0x30] =	vst v3  }
0x1d6: {  	s21 =	simm.s32 $0x7;
	[tilespmem:s0+$0xFFFFFF30] =	vst v9;
	v9 =	vld [tilespmem:s1+$0x40]  }
0x1d7: {  	v1 =	vmov s21;
	v12 =	vld [tilespmem:s12+$0x0]  }
0x1d8: {  	v11 =	vld [tilespmem:s1+$0xFFFFFF40]  }
0x1d9: {  	v13 =	vmul.f32 v13, v5;
	v3 =	vld.idx.msk [tilespmem:v14+s9+$0x0], $0xffff  }
0x1da: {  	v14 =	vld [tilespmem:s12+$0xFFFFFF00];
	v10 =	vmul.f32 v10, v7  }
0x1db: {  	v16 =	vld [tilespmem:s12+$0x80];
	[tilespmem:s0+$0xB0] =	vst v13;
	v9 =	vmul.f32 v9, v8  }
0x1dc: {  	v1 =	vld.idx.msk [tilespmem:v1+s9+$0x0], $0xffff;
	[tilespmem:s0+$0xFFFFFFC0] =	vst v10  }
0x1dd: {  	v10 =	vld [tilespmem:s1+$0xC0];
	[tilespmem:s0+$0x40] =	vst v9;
	v9 =	vmul.f32 v11, v6  }
0x1de: {  	v12 =	vmul.f32 v12, v3;
	v11 =	vld [tilespmem:s1+$0x50]  }
0x1df: {  	s5 =	simm.s32 $0x8500;
	v13 =	vld [tilespmem:s1+$0xFFFFFFD0];
	[tilespmem:s0+$0xFFFFFF40] =	vst v9;
	v9 =	vmul.f32 v14, v2  }
0x1e0: {  	v14 =	vmul.f32 v15, v4;
	[tilespmem:s5+$0x0] =	vst v12;
	v12 =	vld [tilespmem:s1+$0xFFFFFF50]  }
0x1e1: {  	v15 =	vmul.f32 v16, v1;
	[tilespmem:s5+$0xFFFFFF00] =	vst v9;
	v9 =	vld [tilespmem:s12+$0x10]  }
0x1e2: {  	v10 =	vmul.f32 v10, v5;
	[tilespmem:s5+$0xFFFFFF80] =	vst v14;
	v16 =	vld [tilespmem:s12+$0xFFFFFF10]  }
0x1e3: {  	[tilespmem:s5+$0x80] =	vst v15;
	v14 =	vld [tilespmem:s12+$0xFFFFFF90];
	v11 =	vmul.f32 v11, v8  }
0x1e4: {  	v13 =	vmul.f32 v13, v7;
	v15 =	vld [tilespmem:s12+$0x90];
	[tilespmem:s0+$0xC0] =	vst v10  }
0x1e5: {  	v10 =	vld [tilespmem:s1+$0xD0];
	[tilespmem:s0+$0x50] =	vst v11;
	v11 =	vmul.f32 v12, v6  }
0x1e6: {  	[tilespmem:s0+$0xFFFFFFD0] =	vst v13;
	v12 =	vld [tilespmem:s1+$0x60];
	v9 =	vmul.f32 v9, v3  }
0x1e7: {  	v13 =	vmul.f32 v16, v2;
	[tilespmem:s0+$0xFFFFFF50] =	vst v11;
	v11 =	vld [tilespmem:s1+$0xFFFFFFE0]  }
0x1e8: {  	v14 =	vmul.f32 v14, v4;
	[tilespmem:s5+$0x10] =	vst v9;
	v9 =	vld [tilespmem:s1+$0xFFFFFF60]  }
0x1e9: {  	v15 =	vmul.f32 v15, v1;
	[tilespmem:s5+$0xFFFFFF10] =	vst v13;
	v13 =	vld [tilespmem:s12+$0x20]  }
0x1ea: {  	v10 =	vmul.f32 v10, v5;
	[tilespmem:s5+$0xFFFFFF90] =	vst v14;
	v16 =	vld [tilespmem:s12+$0xFFFFFF20]  }
0x1eb: {  	[tilespmem:s5+$0x90] =	vst v15;
	v12 =	vmul.f32 v12, v8  }
0x1ec: {  	v17 =	vld [tilespmem:s12+$0xFFFFFFA0];
	[tilespmem:s0+$0xD0] =	vst v10;
	v11 =	vmul.f32 v11, v7  }
0x1ed: {  	v18 =	vld [tilespmem:s12+$0xA0];
	[tilespmem:s0+$0x60] =	vst v12;
	v9 =	vmul.f32 v9, v6  }
0x1ee: {  	v19 =	vld [tilespmem:s1+$0x70];
	v10 =	vmul.f32 v13, v3;
	[tilespmem:s0+$0xFFFFFFE0] =	vst v11  }
0x1ef: {  	s23 =	simm.s32 $0x8;
	s25 =	simm.s32 $0x9;
	v20 =	vld [tilespmem:s1+$0xE0];
	v11 =	vmul.f32 v16, v2;
	[tilespmem:s0+$0xFFFFFF60] =	vst v9  }
0x1f0: {  	s31 =	simm.s32 $0xB;
	v12 =	vmov s25;
	v14 =	vld [tilespmem:s1+$0xFFFFFFF0];
	v9 =	vmov s23;
	[tilespmem:s5+$0x20] =	vst v10  }
0x1f1: {  	v13 =	vmul.f32 v17, v4;
	v15 =	vld [tilespmem:s1+$0xFFFFFF70];
	v9 =	vand.u32 $0xFFFFFFFC, v9;
	[tilespmem:s5+$0xFFFFFF20] =	vst v11;
	v11 =	vmov s31  }
0x1f2: {  	v17 =	vmul.f32 v18, v1;
	v10 =	vand.u32 $0xFFFFFFFD, v12;
	v16 =	vld [tilespmem:s12+$0x30];
	v9 =	vbroadcast v9, $0x0  }
0x1f3: {  	v10 =	vbroadcast v10, $0x0;
	[tilespmem:s5+$0xFFFFFFA0] =	vst v13;
	v12 =	vld [tilespmem:s12+$0xFFFFFF30];
	v18 =	vmul.f32 v19, v8  }
0x1f4: {  	s3 =	simm.s32 $0xC;
	s4 =	simm.s32 $0xA;
	[tilespmem:s5+$0xA0] =	vst v17;
	v17 =	vmul.f32 v20, v5;
	v13 =	vld [tilespmem:s12+$0xFFFFFFB0]  }
.LBB2_19:
0x1f5: {  	p3 =	slt.u32 s3, $0x4C;
	v8 =	vmov s4;
	v19 =	vld [tilespmem:s12+$0xB0];
	v14 =	vmul.f32 v14, v7;
	[tilespmem:s0+$0x70] =	vst v18;
	v7 =	vmov v4  }
0x1f6: {  	v4 =	vand.u32 $0xFFFFFFFE, v8;
	v8 =	vld.idx.msk [tilespmem:v11+s9+$0x0], $0xffff;
	v11 =	vmul.f32 v15, v6;
	[tilespmem:s0+$0xE0] =	vst v17;
	v6 =	vmov v2  }
0x1f7: {  	v15 =	vbroadcast v4, $0x0;
	v16 =	vmul.f32 v16, v3;
	[tilespmem:s0+$0xFFFFFFF0] =	vst v14;
	v14 =	vld [tilespmem:s1+$0xF0];
	s1 =	smov.u32 s12  }
0x1f8: {  	v2 =	vld.idx.msk [tilespmem:v9+s9+$0x0], $0xffff;
	v9 =	vmul.f32 v12, v6;
	[tilespmem:s0+$0xFFFFFF70] =	vst v11  }
0x1f9: {  	v4 =	vld.idx.msk [tilespmem:v10+s9+$0x0], $0xffff;
	v10 =	vmul.f32 v13, v7;
	[tilespmem:s5+$0x30] =	vst v16  }
0x1fa: {  	[tilespmem:s5+$0xFFFFFF30] =	vst v9;
	v9 =	vld [tilespmem:s12+$0x40];
	v11 =	vmul.f32 v19, v1  }
0x1fb: {  	v12 =	vld [tilespmem:s12+$0xFFFFFF40];
	[tilespmem:s5+$0xFFFFFFB0] =	vst v10  }
0x1fc: {  	v10 =	vld [tilespmem:s12+$0xFFFFFFC0];
	[tilespmem:s5+$0xB0] =	vst v11;
	v11 =	vmul.f32 v14, v5;
	v5 =	vmov v1;
	v1 =	vmov v8  }
0x1fd: {  	s12 =	sadd.s32 $0x200, s12;
	v8 =	vld.idx.msk [tilespmem:v15+s9+$0x0], $0xffff  }
0x1fe: {  	v13 =	vld [tilespmem:s12+$0x0];
	[tilespmem:s0+$0xF0] =	vst v11;
	s0 =	smov.u32 s5  }
0x1ff: {  	v11 =	vld [tilespmem:s12+$0xFFFFFF00];
	v9 =	vmul.f32 v9, v3  }
0x200: {  	v14 =	vld [tilespmem:s12+$0xFFFFFF80];
	v12 =	vmul.f32 v12, v6  }
0x201: {  	v15 =	vld [tilespmem:s12+$0x80];
	v10 =	vmul.f32 v10, v7;
	[tilespmem:s5+$0x40] =	vst v9  }
0x202: {  	[tilespmem:s5+$0xFFFFFF40] =	vst v12;
	v9 =	vld [tilespmem:s1+$0x50]  }
0x203: {  	v12 =	vmul.f32 v13, v8;
	[tilespmem:s5+$0xFFFFFFC0] =	vst v10;
	v10 =	vld [tilespmem:s1+$0xC0]  }
0x204: {  	s5 =	sadd.s32 $0x200, s5;
	v11 =	vmul.f32 v11, v2;
	v13 =	vld [tilespmem:s1+$0xFFFFFFD0]  }
0x205: {  	v14 =	vmul.f32 v14, v4;
	[tilespmem:s5+$0x0] =	vst v12;
	v12 =	vld [tilespmem:s1+$0xFFFFFF50]  }
0x206: {  	[tilespmem:s5+$0xFFFFFF00] =	vst v11;
	v11 =	vld [tilespmem:s12+$0x10];
	v15 =	vmul.f32 v15, v1  }
0x207: {  	v16 =	vld [tilespmem:s12+$0xFFFFFF10];
	[tilespmem:s5+$0xFFFFFF80] =	vst v14;
	v9 =	vmul.f32 v9, v3  }
0x208: {  	v14 =	vld [tilespmem:s12+$0xFFFFFF90];
	[tilespmem:s5+$0x80] =	vst v15;
	v10 =	vmul.f32 v10, v5  }
0x209: {  	v15 =	vld [tilespmem:s12+$0x90];
	v13 =	vmul.f32 v13, v7;
	[tilespmem:s0+$0x50] =	vst v9  }
0x20a: {  	v9 =	vmul.f32 v12, v6;
	v12 =	vld [tilespmem:s1+$0x60];
	[tilespmem:s0+$0xC0] =	vst v10  }
0x20b: {  	v10 =	vmul.f32 v11, v8;
	[tilespmem:s0+$0xFFFFFFD0] =	vst v13;
	v11 =	vld [tilespmem:s1+$0xD0]  }
0x20c: {  	v13 =	vmul.f32 v16, v2;
	[tilespmem:s0+$0xFFFFFF50] =	vst v9;
	v9 =	vld [tilespmem:s1+$0xFFFFFFE0]  }
0x20d: {  	v14 =	vmul.f32 v14, v4;
	[tilespmem:s5+$0x10] =	vst v10;
	v10 =	vld [tilespmem:s1+$0xFFFFFF60]  }
0x20e: {  	[tilespmem:s5+$0xFFFFFF10] =	vst v13;
	v13 =	vld [tilespmem:s12+$0x20];
	v15 =	vmul.f32 v15, v1  }
0x20f: {  	v16 =	vld [tilespmem:s12+$0xFFFFFF20];
	[tilespmem:s5+$0xFFFFFF90] =	vst v14;
	v12 =	vmul.f32 v12, v3  }
0x210: {  	v17 =	vld [tilespmem:s12+$0xFFFFFFA0];
	[tilespmem:s5+$0x90] =	vst v15;
	v11 =	vmul.f32 v11, v5  }
0x211: {  	v18 =	vld [tilespmem:s12+$0xA0];
	v9 =	vmul.f32 v9, v7;
	[tilespmem:s0+$0x60] =	vst v12  }
0x212: {  	v10 =	vmul.f32 v10, v6;
	v19 =	vld [tilespmem:s1+$0x70];
	[tilespmem:s0+$0xD0] =	vst v11  }
0x213: {  	s4 =	sadd.s32 $0x3, s3;
	v12 =	vmul.f32 v13, v8;
	[tilespmem:s0+$0xFFFFFFE0] =	vst v9;
	v20 =	vld [tilespmem:s1+$0xE0]  }
.Ltmp10:
0x214: {  	s16 =	sadd.s32 $0x1, s3;
	v11 =	vmov s4;
	v9 =	vmov s3;
	v13 =	vmul.f32 v16, v2;
	[tilespmem:s0+$0xFFFFFF60] =	vst v10;
	v14 =	vld [tilespmem:s1+$0xFFFFFFF0];
	(pc) =	sbr.rel @p3 .LBB2_19-.Ltmp10, $4  }
0x215: {  	v9 =	vand.u32 $0xFFFFFFFC, v9;
	v10 =	vmov s16;
	v17 =	vmul.f32 v17, v4;
	[tilespmem:s5+$0x20] =	vst v12;
	v15 =	vld [tilespmem:s1+$0xFFFFFF70]  }
0x216: {  	v9 =	vbroadcast v9, $0x0;
	v10 =	vand.u32 $0xFFFFFFFD, v10;
	[tilespmem:s5+$0xFFFFFF20] =	vst v13;
	v16 =	vld [tilespmem:s12+$0x30];
	v21 =	vmul.f32 v18, v1  }
0x217: {  	v10 =	vbroadcast v10, $0x0;
	v12 =	vld [tilespmem:s12+$0xFFFFFF30];
	[tilespmem:s5+$0xFFFFFFA0] =	vst v17;
	v18 =	vmul.f32 v19, v3;
	v3 =	vmov v8  }
0x218: {  	s4 =	sadd.s32 $0x2, s3;
	s3 =	sadd.s32 $0x4, s3;
	v13 =	vld [tilespmem:s12+$0xFFFFFFB0];
	[tilespmem:s5+$0xA0] =	vst v21;
	v17 =	vmul.f32 v20, v5  }
0x219: {  	_ = 	snop  }
0x21a: {  	v8 =	vmov s4  }
0x21b: {  	v8 =	vand.u32 $0xFFFFFFFE, v8  }
0x21c: {  	v19 =	vbroadcast v8, $0x0  }
0x21d: {  	v9 =	vld.idx.msk [tilespmem:v9+s9+$0x0], $0xffff  }
0x21e: {  	v10 =	vld.idx.msk [tilespmem:v10+s9+$0x0], $0xffff;
	s25 =	sadd.s32 $0x200, s12  }
0x21f: {  	v52 =	vld [tilespmem:s25+$0x0]  }
0x220: {  	v20 =	vld [tilespmem:s25+$0xFFFFFF80]  }
0x221: {  	v8 =	vld.idx.msk [tilespmem:v11+s9+$0x0], $0xffff  }
0x222: {  	v11 =	vld.idx.msk [tilespmem:v19+s9+$0x0], $0xffff  }
0x223: {  	v22 =	vld [tilespmem:s25+$0x80]  }
0x224: {  	v21 =	vld [tilespmem:s25+$0xFFFFFF00];
	_ =	sdelay $0x1  }
0x225: {  	v20 =	vmul.f32 v20, v10  }
0x226: {  	s3 =	sadd.s32 $0x200, s5;
	v19 =	vmul.f32 v52, v11  }
0x227: {  	v22 =	vmul.f32 v22, v8;
	[tilespmem:s3+$0xFFFFFF80] =	vst v20  }
0x228: {  	v21 =	vmul.f32 v21, v9;
	v20 =	vld [tilespmem:s25+$0xFFFFFF90];
	[tilespmem:s3+$0x0] =	vst v19  }
0x229: {  	[tilespmem:s3+$0x80] =	vst v22;
	v19 =	vld [tilespmem:s25+$0x10]  }
0x22a: {  	[tilespmem:s3+$0xFFFFFF00] =	vst v21;
	v22 =	vld [tilespmem:s25+$0x90]  }
0x22b: {  	v21 =	vld [tilespmem:s25+$0xFFFFFF10];
	_ =	sdelay $0x1  }
0x22c: {  	v53 =	vmul.f32 v20, v10  }
0x22d: {  	[tilespmem:s0+$0xE0] =	vst v17;
	v19 =	vmul.f32 v19, v11  }
0x22e: {  	v56 =	vmul.f32 v22, v8;
	[tilespmem:s3+$0xFFFFFF90] =	vst v53  }
0x22f: {  	v54 =	vmul.f32 v21, v9;
	v57 =	vld [tilespmem:s25+$0xFFFFFFA0];
	[tilespmem:s3+$0x10] =	vst v19  }
0x230: {  	v7 =	vmul.f32 v14, v7;
	[tilespmem:s3+$0x90] =	vst v56;
	v55 =	vld [tilespmem:s25+$0x20]  }
0x231: {  	v6 =	vmul.f32 v15, v6;
	[tilespmem:s3+$0xFFFFFF10] =	vst v54;
	v59 =	vld [tilespmem:s25+$0xA0]  }
0x232: {  	v16 =	vmul.f32 v16, v3;
	[tilespmem:s0+$0xFFFFFFF0] =	vst v7;
	v58 =	vld [tilespmem:s25+$0xFFFFFF20]  }
0x233: {  	[tilespmem:s0+$0xFFFFFF70] =	vst v6;
	v12 =	vmul.f32 v12, v2  }
0x234: {  	v61 =	vld [tilespmem:s12+$0xB0];
	[tilespmem:s5+$0x30] =	vst v16;
	v62 =	vmul.f32 v57, v10  }
0x235: {  	v17 =	vld [tilespmem:s1+$0xF0];
	[tilespmem:s5+$0xFFFFFF30] =	vst v12;
	v60 =	vmul.f32 v55, v11  }
0x236: {  	v22 =	vld [tilespmem:s12+$0x40];
	v15 =	vmul.f32 v59, v8;
	[tilespmem:s3+$0xFFFFFFA0] =	vst v62  }
0x237: {  	v14 =	vmul.f32 v58, v9;
	v63 =	vld [tilespmem:s25+$0xFFFFFFB0];
	[tilespmem:s3+$0x20] =	vst v60  }
0x238: {  	v13 =	vmul.f32 v13, v4;
	[tilespmem:s3+$0xA0] =	vst v15;
	v6 =	vld [tilespmem:s25+$0x30]  }
0x239: {  	v7 =	vmul.f32 v61, v1;
	[tilespmem:s3+$0xFFFFFF20] =	vst v14;
	v21 =	vld [tilespmem:s25+$0xB0]  }
0x23a: {  	[tilespmem:s5+$0xFFFFFFB0] =	vst v13;
	v5 =	vmul.f32 v17, v5;
	v20 =	vld [tilespmem:s25+$0xFFFFFF30]  }
0x23b: {  	v23 =	vld [tilespmem:s12+$0xFFFFFF40];
	[tilespmem:s5+$0xB0] =	vst v7;
	v26 =	vmul.f32 v22, v3  }
0x23c: {  	v25 =	vld [tilespmem:s12+$0xC0];
	[tilespmem:s0+$0xF0] =	vst v5;
	v24 =	vmul.f32 v63, v10  }
0x23d: {  	v13 =	vld [tilespmem:s12+$0xFFFFFFC0];
	[tilespmem:s5+$0x40] =	vst v26;
	v6 =	vmul.f32 v6, v11  }
0x23e: {  	v29 =	vld [tilespmem:s12+$0x50];
	v12 =	vmul.f32 v21, v8;
	[tilespmem:s3+$0xFFFFFFB0] =	vst v24  }
0x23f: {  	v16 =	vmul.f32 v20, v9;
	v27 =	vld [tilespmem:s25+$0xFFFFFFC0];
	[tilespmem:s3+$0x30] =	vst v6  }
0x240: {  	v7 =	vmul.f32 v23, v2;
	[tilespmem:s3+$0xB0] =	vst v12;
	v6 =	vld [tilespmem:s25+$0x40]  }
0x241: {  	v30 =	vmul.f32 v25, v1;
	[tilespmem:s3+$0xFFFFFF30] =	vst v16;
	v28 =	vld [tilespmem:s25+$0xC0]  }
0x242: {  	v13 =	vmul.f32 v13, v4;
	[tilespmem:s5+$0xFFFFFF40] =	vst v7;
	v16 =	vld [tilespmem:s25+$0xFFFFFF40]  }
0x243: {  	v32 =	vld [tilespmem:s12+$0xFFFFFF50];
	[tilespmem:s5+$0xC0] =	vst v30;
	v12 =	vmul.f32 v29, v3  }
0x244: {  	[tilespmem:s5+$0xFFFFFFC0] =	vst v13;
	v34 =	vld [tilespmem:s12+$0xD0];
	v33 =	vmul.f32 v27, v10  }
0x245: {  	v31 =	vld [tilespmem:s12+$0xFFFFFFD0];
	[tilespmem:s5+$0x50] =	vst v12;
	v6 =	vmul.f32 v6, v11  }
0x246: {  	v37 =	vld [tilespmem:s12+$0x60];
	v5 =	vmul.f32 v28, v8;
	[tilespmem:s3+$0xFFFFFFC0] =	vst v33  }
0x247: {  	v16 =	vmul.f32 v16, v9;
	v13 =	vld [tilespmem:s25+$0xFFFFFFD0];
	[tilespmem:s3+$0x40] =	vst v6  }
0x248: {  	v35 =	vmul.f32 v32, v2;
	[tilespmem:s3+$0xC0] =	vst v5;
	v6 =	vld [tilespmem:s25+$0x50]  }
0x249: {  	v38 =	vmul.f32 v34, v1;
	[tilespmem:s3+$0xFFFFFF40] =	vst v16;
	v36 =	vld [tilespmem:s25+$0xD0]  }
0x24a: {  	v7 =	vmul.f32 v31, v4;
	[tilespmem:s5+$0xFFFFFF50] =	vst v35;
	v16 =	vld [tilespmem:s25+$0xFFFFFF50]  }
0x24b: {  	v40 =	vld [tilespmem:s12+$0xFFFFFF60];
	[tilespmem:s5+$0xD0] =	vst v38;
	v46 =	vmul.f32 v37, v3  }
0x24c: {  	[tilespmem:s5+$0xFFFFFFD0] =	vst v7;
	v42 =	vld [tilespmem:s12+$0xE0];
	v41 =	vmul.f32 v13, v10  }
0x24d: {  	v39 =	vld [tilespmem:s12+$0xFFFFFFE0];
	[tilespmem:s5+$0x60] =	vst v46;
	v6 =	vmul.f32 v6, v11  }
0x24e: {  	v51 =	vld [tilespmem:s12+$0x70];
	v45 =	vmul.f32 v36, v8;
	[tilespmem:s3+$0xFFFFFFD0] =	vst v41  }
0x24f: {  	v43 =	vmul.f32 v16, v9;
	v47 =	vld [tilespmem:s25+$0xFFFFFFE0];
	[tilespmem:s3+$0x50] =	vst v6  }
0x250: {  	v49 =	vmul.f32 v40, v2;
	[tilespmem:s3+$0xD0] =	vst v45;
	v44 =	vld [tilespmem:s25+$0x60]  }
0x251: {  	v52 =	vmul.f32 v42, v1;
	[tilespmem:s3+$0xFFFFFF50] =	vst v43;
	v50 =	vld [tilespmem:s25+$0xE0]  }
0x252: {  	[tilespmem:s5+$0xFFFFFF60] =	vst v49;
	v5 =	vmul.f32 v39, v4;
	v48 =	vld [tilespmem:s25+$0xFFFFFF60]  }
0x253: {  	[tilespmem:s5+$0xE0] =	vst v52;
	v3 =	vmul.f32 v51, v3  }
0x254: {  	v55 =	vld [tilespmem:s12+$0xFFFFFF70];
	[tilespmem:s5+$0xFFFFFFE0] =	vst v5;
	v56 =	vmul.f32 v47, v10  }
0x255: {  	v57 =	vld [tilespmem:s12+$0xF0];
	[tilespmem:s5+$0x70] =	vst v3;
	v54 =	vmul.f32 v44, v11  }
0x256: {  	v53 =	vld [tilespmem:s12+$0xFFFFFFF0];
	v60 =	vmul.f32 v50, v8;
	[tilespmem:s3+$0xFFFFFFE0] =	vst v56  }
0x257: {  	v58 =	vmul.f32 v48, v9;
	v61 =	vld [tilespmem:s25+$0xFFFFFFF0];
	[tilespmem:s3+$0x60] =	vst v54  }
0x258: {  	[tilespmem:s3+$0xE0] =	vst v60;
	v59 =	vld [tilespmem:s25+$0x70]  }
0x259: {  	v2 =	vmul.f32 v55, v2;
	[tilespmem:s3+$0xFFFFFF60] =	vst v58;
	v3 =	vld [tilespmem:s25+$0xF0]  }
0x25a: {  	[tilespmem:s0+$0x70] =	vst v18;
	v1 =	vmul.f32 v57, v1;
	v63 =	vld [tilespmem:s25+$0xFFFFFF70]  }
0x25b: {  	[tilespmem:s5+$0xFFFFFF70] =	vst v2;
	v62 =	vmul.f32 v53, v4  }
0x25c: {  	[tilespmem:s5+$0xF0] =	vst v1;
	v1 =	vmul.f32 v61, v10  }
0x25d: {  	[tilespmem:s5+$0xFFFFFFF0] =	vst v62;
	v2 =	vmul.f32 v59, v11  }
0x25e: {  	[tilespmem:s3+$0xFFFFFFF0] =	vst v1;
	v1 =	vmul.f32 v3, v8  }
0x25f: {  	[tilespmem:s3+$0x70] =	vst v2;
	v2 =	vmul.f32 v63, v9  }
0x260: {  	[tilespmem:s3+$0xF0] =	vst v1  }
0x261: {  	s31 =	simm.s32 $0x8200;
	s12 =	simm.s32 $0x1;
	[tilespmem:s3+$0xFFFFFF70] =	vst v2  }
0x262: {  	[spmem:s2] =	stream.indirect.scatter.add.f32 [tilespmem:s31], [sflag:$0x12], $0x80, s17, s18, $0xb8;
	[tilespmem:$0x1E7F0] =	vst v63  }
.LBB2_21:
0x263: {  	s19 =	sshll.u32 s12, $0x1  }
0x264: {  	s0 =	sadd.s32 $0x2, s19  }
0x265: {  	s1 =	smul.u32 $0xCD, s0;
	_ =	sdelay $0x1  }
0x266: {  	s1 =	sshrl.u32 s1, $0xA  }
0x267: {  	s3 =	sshllo.u32 s12, $0x1;
	s1 =	sand.u32 $0x3F, s1  }
0x268: {  	s5 =	sand.u32 $0xFF, s3;
	s1 =	smul.u32 $0x5, s1  }
0x269: {  	s5 =	smul.u32 $0xCD, s5  }
0x26a: {  	s1 =	ssub.s32 s0, s1;
	s0 =	smul.u32 $0x50, s0  }
0x26b: {  	s1 =	sand.u32 $0xFF, s1  }
0x26c: {  	s21 =	sshrl.u32 s5, $0xA;
	s25 =	sadd.s32 $0x1, s1;
	s0 =	sadd.s32 s11, s0  }
0x26d: {  	s23 =	sshll.u32 s1, $0x7;
	s22 =	sadd.s32 $0x6, s1;
	s1 =	smul.u32 $0x5, s21  }
0x26e: {  	s4 =	sshrl.u32 s0, $0x3  }
0x26f: {  	s0 =	simm.s32 $0x0;
	s16 =	sadd.s32 s8, s4;
	s1 =	ssub.s32 s3, s1  }
0x270: {  	[tilespmem:s23], [sflag:s25] =	stream.linear.gather [hbm4b:s16+s0], $0x50, $0x38;
	[tilespmem:$0x1E7F0] =	vst v63  }
0x271: {  	s1 =	sand.u32 $0xFF, s1  }
0x272: {  	s31 =	sor.u32 $0x400, s23;
	s4 =	sadd.s32 s10, s4;
	s5 =	sadd.s32 $0x1, s1  }
0x273: {  	[tilespmem:s31], [sflag:s22] =	stream.linear.gather [hbm4b:s4+s0], $0x50, $0x38;
	[tilespmem:$0x1E7F0] =	vst v63  }
0x274: {  	_ =	swait.ge [sflag:s5], $0x50  }
0x275: {  	[sflag:s5] =	ssyncset.done $0x0  }
0x276: {  	s16 =	sadd.s32 $0x6, s1;
	[sflag:s5] =	ssyncadd.s32 $0xFFFFFFB0  }
0x277: {  	_ =	swait.ge [sflag:s16], $0x50  }
0x278: {  	s5 =	sshll.u32 s1, $0x7;
	[sflag:s16] =	ssyncset.done $0x0  }
0x279: {  	s17 =	simm.s32 $0x3200;
	s1 =	sor.u32 $0x400, s5;
	[sflag:s16] =	ssyncadd.s32 $0xFFFFFFB0  }
0x27a: {  	[tilespmem:s17], [sflag:$0xC] =	stream.indirect.gather [hbm4b:s20+s18], $0x80, s1, s18, $0xb8;
	[tilespmem:$0x1E7F0] =	vst v63  }
0x27b: {  	s16 =	simm.s32 $0x880;
	s4 =	rddreg [dreg:$0x3]  }
0x27c: {  	[tilespmem:s16], [sflag:$0xE] =	stream.indirect.gather [spmem:s4], $0x1, s5, s18, $0xb8;
	[tilespmem:$0x1E7F0] =	vst v63  }
0x27d: {  	s21 =	smov.u32 s20;
	s17 =	rddreg [dreg:$0x4];
	s20 =	simm.s32 $0x980  }
0x27e: {  	[tilespmem:s20], [sflag:$0x10] =	stream.indirect.gather [spmem:s17], $0x1, s1, s18, $0xb8;
	[tilespmem:$0x1E7F0] =	vst v63  }
0x27f: {  	_ =	swait.ge [sflag:s6], $0x50  }
0x280: {  	[sflag:s6] =	ssyncset.done $0x0  }
0x281: {  	[sflag:s6] =	ssyncadd.s32 $0xFFFFFFB0  }
0x282: {  	_ =	swait.ge [sflag:s7], $0x50  }
0x283: {  	[sflag:s7] =	ssyncset.done $0x0  }
0x284: {  	[sflag:s7] =	ssyncadd.s32 $0xFFFFFFB0  }
0x285: {  	v1 =	vld [tilespmem:$0x800]  }
0x286: {  	v2 =	vld [tilespmem:$0x900];
	_ =	sdelay $0x4  }
0x287: {  	v1 =	vadd.f32 v2, v1;
	_ =	sdelay $0x1  }
0x288: {  	v1 =	vsub.f32 $0.0e+00, v1;
	_ =	sdelay $0x1  }
0x289: {  	v1 =	vmul.f32 $1.442695020e+00, v1;
	_ =	sdelay $0x1  }
0x28a: {  	(erf) = vpow2.f32 v1  }
0x28b: {  	v2 =	vld [tilespmem:$0x910]  }
0x28c: {  	v1 =	vld [tilespmem:$0x810];
	_ =	sdelay $0x4  }
0x28d: {  	v1 =	vadd.f32 v2, v1;
	_ =	sdelay $0x1  }
0x28e: {  	v1 =	vsub.f32 $0.0e+00, v1;
	v2 =	vpop (erf)  }
0x28f: {  	v2 =	vadd.f32 $1.000000000e+00, v2  }
0x290: {  	v1 =	vmul.f32 $1.442695020e+00, v1  }
0x291: {  	(erf) = vrcp.f32 v2  }
0x292: {  	(erf) = vpow2.f32 v1  }
0x293: {  	v2 =	vld [tilespmem:$0x920]  }
0x294: {  	v1 =	vld [tilespmem:$0x820];
	_ =	sdelay $0x4  }
0x295: {  	v1 =	vadd.f32 v2, v1  }
0x296: {  	v2 =	vpop (erf)  }
0x297: {  	v1 =	vsub.f32 $0.0e+00, v1;
	v3 =	vpop (erf)  }
0x298: {  	v3 =	vadd.f32 $1.000000000e+00, v3  }
0x299: {  	v1 =	vmul.f32 $1.442695020e+00, v1  }
0x29a: {  	(erf) = vrcp.f32 v3  }
0x29b: {  	(erf) = vpow2.f32 v1  }
0x29c: {  	v3 =	vld [tilespmem:$0x930]  }
0x29d: {  	v1 =	vld [tilespmem:$0x830];
	_ =	sdelay $0x4  }
0x29e: {  	v1 =	vadd.f32 v3, v1  }
0x29f: {  	v3 =	vpop (erf)  }
0x2a0: {  	v1 =	vsub.f32 $0.0e+00, v1;
	v4 =	vpop (erf)  }
0x2a1: {  	v4 =	vadd.f32 $1.000000000e+00, v4  }
0x2a2: {  	v1 =	vmul.f32 $1.442695020e+00, v1  }
0x2a3: {  	(erf) = vrcp.f32 v4  }
0x2a4: {  	(erf) = vpow2.f32 v1  }
0x2a5: {  	v4 =	vld [tilespmem:$0x940]  }
0x2a6: {  	v1 =	vld [tilespmem:$0x840];
	_ =	sdelay $0x4  }
0x2a7: {  	v1 =	vadd.f32 v4, v1  }
0x2a8: {  	v4 =	vpop (erf)  }
0x2a9: {  	v1 =	vsub.f32 $0.0e+00, v1;
	v5 =	vpop (erf)  }
0x2aa: {  	v5 =	vadd.f32 $1.000000000e+00, v5  }
0x2ab: {  	v1 =	vmul.f32 $1.442695020e+00, v1  }
0x2ac: {  	(erf) = vrcp.f32 v5  }
0x2ad: {  	(erf) = vpow2.f32 v1;
	_ =	sdelay $0x7  }
0x2ae: {  	v1 =	vpop (erf)  }
0x2af: {  	v5 =	vpop (erf)  }
0x2b0: {  	v5 =	vadd.f32 $1.000000000e+00, v5;
	_ =	sdelay $0x1  }
0x2b1: {  	(erf) = vrcp.f32 v5;
	_ =	sdelay $0x5  }
0x2b2: {  	[tilespmem:$0xAA00] =	vst v2  }
0x2b3: {  	[tilespmem:$0xAA10] =	vst v3  }
0x2b4: {  	[tilespmem:$0xAA20] =	vst v4  }
0x2b5: {  	s3 =	simm.s32 $0x2;
	v2 =	vmov s0;
	[tilespmem:$0xAA30] =	vst v1;
	v1 =	vpop (erf)  }
0x2b6: {  	v3 =	vmov s3;
	[tilespmem:$0xAA40] =	vst v1;
	v1 =	vand.u32 $0xFFFFFFFC, v2  }
0x2b7: {  	s1 =	simm.s32 $0x1;
	v3 =	vand.u32 $0xFFFFFFFE, v3;
	_ =	swait.ge [sflag:s30], $0x2800;
	v1 =	vbroadcast v1, $0x0  }
0x2b8: {  	v3 =	vbroadcast v3, $0x0;
	v2 =	vmov s1;
	[sflag:s30] =	ssyncset.done $0x0  }
0x2b9: {  	v2 =	vand.u32 $0xFFFFFFFD, v2;
	[sflag:s30] =	ssyncadd.s32 $0xFFFFD800  }
0x2ba: {  	v2 =	vbroadcast v2, $0x0;
	_ =	swait.ge [sflag:s14], $0x2800  }
0x2bb: {  	[sflag:s14] =	ssyncset.done $0x0  }
0x2bc: {  	[sflag:s14] =	ssyncadd.s32 $0xFFFFD800  }
0x2bd: {  	v6 =	vld.idx.msk [tilespmem:v1+s9+$0x0], $0xffff  }
0x2be: {  	s4 =	simm.s32 $0x3;
	s3 =	simm.s32 $0xB00;
	v8 =	vld.idx.msk [tilespmem:v3+s9+$0x0], $0xffff  }
0x2bf: {  	v1 =	vmov s4;
	v3 =	vld [tilespmem:s3+$0xFFFFFF00]  }
0x2c0: {  	v7 =	vld.idx.msk [tilespmem:v2+s9+$0x0], $0xffff  }
0x2c1: {  	v2 =	vld [tilespmem:s3+$0x0];
	_ =	sdelay $0x1  }
0x2c2: {  	v4 =	vld [tilespmem:s3+$0xFFFFFF80]  }
0x2c3: {  	v5 =	vld.idx.msk [tilespmem:v1+s9+$0x0], $0xffff  }
0x2c4: {  	v1 =	vld [tilespmem:s3+$0x80];
	v3 =	vmul.f32 v3, v6  }
0x2c5: {  	s1 =	simm.s32 $0x5B00;
	v2 =	vmul.f32 v2, v8  }
0x2c6: {  	[tilespmem:s1+$0xFFFFFF00] =	vst v3  }
0x2c7: {  	v4 =	vmul.f32 v4, v7;
	[tilespmem:s1+$0x0] =	vst v2;
	v3 =	vld [tilespmem:s3+$0xFFFFFF10]  }
0x2c8: {  	v2 =	vld [tilespmem:s3+$0x10]  }
0x2c9: {  	[tilespmem:s1+$0xFFFFFF80] =	vst v4;
	v1 =	vmul.f32 v1, v5  }
0x2ca: {  	v4 =	vld [tilespmem:s3+$0xFFFFFF90]  }
0x2cb: {  	[tilespmem:s1+$0x80] =	vst v1  }
0x2cc: {  	v1 =	vld [tilespmem:s3+$0x90];
	v3 =	vmul.f32 v3, v6  }
0x2cd: {  	v2 =	vmul.f32 v2, v8  }
0x2ce: {  	[tilespmem:s1+$0xFFFFFF10] =	vst v3  }
0x2cf: {  	v4 =	vmul.f32 v4, v7;
	[tilespmem:s1+$0x10] =	vst v2;
	v3 =	vld [tilespmem:s3+$0xFFFFFF20]  }
0x2d0: {  	v2 =	vld [tilespmem:s3+$0x20]  }
0x2d1: {  	[tilespmem:s1+$0xFFFFFF90] =	vst v4;
	v1 =	vmul.f32 v1, v5  }
0x2d2: {  	v4 =	vld [tilespmem:s3+$0xFFFFFFA0]  }
0x2d3: {  	[tilespmem:s1+$0x90] =	vst v1  }
0x2d4: {  	s16 =	simm.s32 $0x4;
	v1 =	vld [tilespmem:s3+$0xA0];
	v3 =	vmul.f32 v3, v6  }
0x2d5: {  	v9 =	vmov s16;
	s17 =	simm.s32 $0x5;
	v2 =	vmul.f32 v2, v8  }
0x2d6: {  	s20 =	simm.s32 $0x7;
	v9 =	vand.u32 $0xFFFFFFFC, v9;
	v10 =	vmov s17;
	[tilespmem:s1+$0xFFFFFF20] =	vst v3  }
0x2d7: {  	v9 =	vbroadcast v9, $0x0;
	v4 =	vmul.f32 v4, v7;
	[tilespmem:s1+$0x20] =	vst v2;
	v2 =	vmov s20  }
0x2d8: {  	v10 =	vand.u32 $0xFFFFFFFD, v10;
	v11 =	vld [tilespmem:s3+$0xFFFFFF30]  }
0x2d9: {  	v10 =	vbroadcast v10, $0x0;
	[tilespmem:s1+$0xFFFFFFA0] =	vst v4;
	v3 =	vld [tilespmem:s3+$0x30];
	v1 =	vmul.f32 v1, v5  }
0x2da: {  	s4 =	simm.s32 $0x6;
	v12 =	vld [tilespmem:s3+$0xFFFFFFB0]  }
0x2db: {  	[tilespmem:s1+$0xA0] =	vst v1;
	v1 =	vmov s4  }
0x2dc: {  	v4 =	vand.u32 $0xFFFFFFFE, v1;
	v1 =	vld.idx.msk [tilespmem:v2+s9+$0x0], $0xffff  }
0x2dd: {  	v2 =	vld.idx.msk [tilespmem:v9+s9+$0x0], $0xffff;
	v9 =	vmul.f32 v11, v6  }
0x2de: {  	v3 =	vmul.f32 v3, v8  }
0x2df: {  	v14 =	vbroadcast v4, $0x0;
	v4 =	vld.idx.msk [tilespmem:v10+s9+$0x0], $0xffff;
	v10 =	vmul.f32 v12, v7;
	[tilespmem:s1+$0xFFFFFF30] =	vst v9  }
0x2e0: {  	v13 =	vld [tilespmem:s3+$0xB0];
	[tilespmem:s1+$0x30] =	vst v3  }
0x2e1: {  	[tilespmem:s1+$0xFFFFFFB0] =	vst v10;
	v9 =	vld [tilespmem:s3+$0x40]  }
0x2e2: {  	s0 =	simm.s32 $0xD00;
	v10 =	vld [tilespmem:s3+$0xFFFFFFC0]  }
0x2e3: {  	v12 =	vld [tilespmem:s0+$0x0]  }
0x2e4: {  	v11 =	vld [tilespmem:s3+$0xFFFFFF40]  }
0x2e5: {  	v13 =	vmul.f32 v13, v5;
	v3 =	vld.idx.msk [tilespmem:v14+s9+$0x0], $0xffff  }
0x2e6: {  	v14 =	vld [tilespmem:s0+$0xFFFFFF00];
	v9 =	vmul.f32 v9, v8  }
0x2e7: {  	v15 =	vld [tilespmem:s0+$0xFFFFFF80];
	[tilespmem:s1+$0xB0] =	vst v13;
	v10 =	vmul.f32 v10, v7  }
0x2e8: {  	v16 =	vld [tilespmem:s0+$0x80];
	[tilespmem:s1+$0x40] =	vst v9  }
0x2e9: {  	v9 =	vmul.f32 v11, v6;
	[tilespmem:s1+$0xFFFFFFC0] =	vst v10;
	v10 =	vld [tilespmem:s3+$0xC0]  }
0x2ea: {  	v11 =	vld [tilespmem:s3+$0x50];
	v12 =	vmul.f32 v12, v3  }
0x2eb: {  	s20 =	simm.s32 $0x5D00;
	v13 =	vld [tilespmem:s3+$0xFFFFFFD0];
	[tilespmem:s1+$0xFFFFFF40] =	vst v9;
	v9 =	vmul.f32 v14, v2  }
0x2ec: {  	v14 =	vmul.f32 v15, v4;
	[tilespmem:s20+$0x0] =	vst v12;
	v12 =	vld [tilespmem:s3+$0xFFFFFF50]  }
0x2ed: {  	v15 =	vmul.f32 v16, v1;
	[tilespmem:s20+$0xFFFFFF00] =	vst v9;
	v9 =	vld [tilespmem:s0+$0x10]  }
0x2ee: {  	[tilespmem:s20+$0xFFFFFF80] =	vst v14;
	v16 =	vld [tilespmem:s0+$0xFFFFFF10];
	v10 =	vmul.f32 v10, v5  }
0x2ef: {  	[tilespmem:s20+$0x80] =	vst v15;
	v14 =	vld [tilespmem:s0+$0xFFFFFF90];
	v11 =	vmul.f32 v11, v8  }
0x2f0: {  	v15 =	vld [tilespmem:s0+$0x90];
	v13 =	vmul.f32 v13, v7;
	[tilespmem:s1+$0xC0] =	vst v10  }
0x2f1: {  	[tilespmem:s1+$0x50] =	vst v11;
	v11 =	vmul.f32 v12, v6;
	v10 =	vld [tilespmem:s3+$0xD0]  }
0x2f2: {  	[tilespmem:s1+$0xFFFFFFD0] =	vst v13;
	v12 =	vld [tilespmem:s3+$0x60];
	v9 =	vmul.f32 v9, v3  }
0x2f3: {  	v13 =	vmul.f32 v16, v2;
	[tilespmem:s1+$0xFFFFFF50] =	vst v11;
	v11 =	vld [tilespmem:s3+$0xFFFFFFE0]  }
0x2f4: {  	v14 =	vmul.f32 v14, v4;
	[tilespmem:s20+$0x10] =	vst v9;
	v9 =	vld [tilespmem:s3+$0xFFFFFF60]  }
0x2f5: {  	v15 =	vmul.f32 v15, v1;
	[tilespmem:s20+$0xFFFFFF10] =	vst v13;
	v13 =	vld [tilespmem:s0+$0x20]  }
0x2f6: {  	[tilespmem:s20+$0xFFFFFF90] =	vst v14;
	v16 =	vld [tilespmem:s0+$0xFFFFFF20];
	v10 =	vmul.f32 v10, v5  }
0x2f7: {  	[tilespmem:s20+$0x90] =	vst v15;
	v12 =	vmul.f32 v12, v8  }
0x2f8: {  	v17 =	vld [tilespmem:s0+$0xFFFFFFA0];
	v11 =	vmul.f32 v11, v7;
	[tilespmem:s1+$0xD0] =	vst v10  }
0x2f9: {  	v18 =	vld [tilespmem:s0+$0xA0];
	[tilespmem:s1+$0x60] =	vst v12;
	v9 =	vmul.f32 v9, v6  }
0x2fa: {  	v19 =	vld [tilespmem:s3+$0x70];
	v10 =	vmul.f32 v13, v3;
	[tilespmem:s1+$0xFFFFFFE0] =	vst v11  }
0x2fb: {  	s16 =	simm.s32 $0x8;
	s17 =	simm.s32 $0x9;
	v20 =	vld [tilespmem:s3+$0xE0];
	v11 =	vmul.f32 v16, v2;
	[tilespmem:s1+$0xFFFFFF60] =	vst v9  }
0x2fc: {  	v12 =	vmov s17;
	s17 =	simm.s32 $0xB;
	v14 =	vld [tilespmem:s3+$0xFFFFFFF0];
	v9 =	vmov s16;
	[tilespmem:s20+$0x20] =	vst v10  }
0x2fd: {  	v13 =	vmul.f32 v17, v4;
	v15 =	vld [tilespmem:s3+$0xFFFFFF70];
	v9 =	vand.u32 $0xFFFFFFFC, v9;
	[tilespmem:s20+$0xFFFFFF20] =	vst v11;
	v11 =	vmov s17  }
0x2fe: {  	v17 =	vmul.f32 v18, v1;
	v10 =	vand.u32 $0xFFFFFFFD, v12;
	v16 =	vld [tilespmem:s0+$0x30];
	v9 =	vbroadcast v9, $0x0  }
0x2ff: {  	v10 =	vbroadcast v10, $0x0;
	[tilespmem:s20+$0xFFFFFFA0] =	vst v13;
	v12 =	vld [tilespmem:s0+$0xFFFFFF30];
	v18 =	vmul.f32 v19, v8  }
0x300: {  	s4 =	simm.s32 $0xC;
	s16 =	simm.s32 $0xA;
	[tilespmem:s20+$0xA0] =	vst v17;
	v13 =	vld [tilespmem:s0+$0xFFFFFFB0];
	v17 =	vmul.f32 v20, v5  }
.LBB2_22:
0x301: {  	p3 =	slt.u32 s4, $0x4C;
	v8 =	vmov s16;
	v19 =	vld [tilespmem:s0+$0xB0];
	v14 =	vmul.f32 v14, v7;
	[tilespmem:s1+$0x70] =	vst v18;
	v7 =	vmov v4  }
0x302: {  	v4 =	vand.u32 $0xFFFFFFFE, v8;
	v8 =	vld.idx.msk [tilespmem:v11+s9+$0x0], $0xffff;
	v11 =	vmul.f32 v15, v6;
	[tilespmem:s1+$0xE0] =	vst v17;
	v6 =	vmov v2  }
0x303: {  	v15 =	vbroadcast v4, $0x0;
	v16 =	vmul.f32 v16, v3;
	[tilespmem:s1+$0xFFFFFFF0] =	vst v14;
	v14 =	vld [tilespmem:s3+$0xF0];
	s3 =	smov.u32 s0  }
0x304: {  	v2 =	vld.idx.msk [tilespmem:v9+s9+$0x0], $0xffff;
	v9 =	vmul.f32 v12, v6;
	[tilespmem:s1+$0xFFFFFF70] =	vst v11  }
0x305: {  	v4 =	vld.idx.msk [tilespmem:v10+s9+$0x0], $0xffff;
	v10 =	vmul.f32 v13, v7;
	[tilespmem:s20+$0x30] =	vst v16  }
0x306: {  	[tilespmem:s20+$0xFFFFFF30] =	vst v9;
	v9 =	vld [tilespmem:s0+$0x40];
	v11 =	vmul.f32 v19, v1  }
0x307: {  	v12 =	vld [tilespmem:s0+$0xFFFFFF40];
	[tilespmem:s20+$0xFFFFFFB0] =	vst v10  }
0x308: {  	v10 =	vld [tilespmem:s0+$0xFFFFFFC0];
	[tilespmem:s20+$0xB0] =	vst v11;
	v11 =	vmul.f32 v14, v5;
	v5 =	vmov v1;
	v1 =	vmov v8  }
0x309: {  	s0 =	sadd.s32 $0x200, s0;
	v8 =	vld.idx.msk [tilespmem:v15+s9+$0x0], $0xffff  }
0x30a: {  	v13 =	vld [tilespmem:s0+$0x0];
	[tilespmem:s1+$0xF0] =	vst v11;
	s1 =	smov.u32 s20  }
0x30b: {  	v11 =	vld [tilespmem:s0+$0xFFFFFF00];
	v9 =	vmul.f32 v9, v3  }
0x30c: {  	v14 =	vld [tilespmem:s0+$0xFFFFFF80];
	v12 =	vmul.f32 v12, v6  }
0x30d: {  	v15 =	vld [tilespmem:s0+$0x80];
	v10 =	vmul.f32 v10, v7;
	[tilespmem:s20+$0x40] =	vst v9  }
0x30e: {  	[tilespmem:s20+$0xFFFFFF40] =	vst v12;
	v9 =	vld [tilespmem:s3+$0x50]  }
0x30f: {  	v12 =	vmul.f32 v13, v8;
	[tilespmem:s20+$0xFFFFFFC0] =	vst v10;
	v10 =	vld [tilespmem:s3+$0xC0]  }
0x310: {  	s20 =	sadd.s32 $0x200, s20;
	v11 =	vmul.f32 v11, v2;
	v13 =	vld [tilespmem:s3+$0xFFFFFFD0]  }
0x311: {  	v14 =	vmul.f32 v14, v4;
	[tilespmem:s20+$0x0] =	vst v12;
	v12 =	vld [tilespmem:s3+$0xFFFFFF50]  }
0x312: {  	[tilespmem:s20+$0xFFFFFF00] =	vst v11;
	v11 =	vld [tilespmem:s0+$0x10];
	v15 =	vmul.f32 v15, v1  }
0x313: {  	v16 =	vld [tilespmem:s0+$0xFFFFFF10];
	[tilespmem:s20+$0xFFFFFF80] =	vst v14;
	v9 =	vmul.f32 v9, v3  }
0x314: {  	v14 =	vld [tilespmem:s0+$0xFFFFFF90];
	[tilespmem:s20+$0x80] =	vst v15;
	v10 =	vmul.f32 v10, v5  }
0x315: {  	v15 =	vld [tilespmem:s0+$0x90];
	v13 =	vmul.f32 v13, v7;
	[tilespmem:s1+$0x50] =	vst v9  }
0x316: {  	v9 =	vmul.f32 v12, v6;
	v12 =	vld [tilespmem:s3+$0x60];
	[tilespmem:s1+$0xC0] =	vst v10  }
0x317: {  	v10 =	vmul.f32 v11, v8;
	[tilespmem:s1+$0xFFFFFFD0] =	vst v13;
	v11 =	vld [tilespmem:s3+$0xD0]  }
0x318: {  	v13 =	vmul.f32 v16, v2;
	[tilespmem:s1+$0xFFFFFF50] =	vst v9;
	v9 =	vld [tilespmem:s3+$0xFFFFFFE0]  }
0x319: {  	v14 =	vmul.f32 v14, v4;
	[tilespmem:s20+$0x10] =	vst v10;
	v10 =	vld [tilespmem:s3+$0xFFFFFF60]  }
0x31a: {  	[tilespmem:s20+$0xFFFFFF10] =	vst v13;
	v13 =	vld [tilespmem:s0+$0x20];
	v15 =	vmul.f32 v15, v1  }
0x31b: {  	v16 =	vld [tilespmem:s0+$0xFFFFFF20];
	[tilespmem:s20+$0xFFFFFF90] =	vst v14;
	v12 =	vmul.f32 v12, v3  }
0x31c: {  	v17 =	vld [tilespmem:s0+$0xFFFFFFA0];
	[tilespmem:s20+$0x90] =	vst v15;
	v11 =	vmul.f32 v11, v5  }
0x31d: {  	v18 =	vld [tilespmem:s0+$0xA0];
	v9 =	vmul.f32 v9, v7;
	[tilespmem:s1+$0x60] =	vst v12  }
0x31e: {  	v10 =	vmul.f32 v10, v6;
	v19 =	vld [tilespmem:s3+$0x70];
	[tilespmem:s1+$0xD0] =	vst v11  }
0x31f: {  	s16 =	sadd.s32 $0x3, s4;
	v12 =	vmul.f32 v13, v8;
	[tilespmem:s1+$0xFFFFFFE0] =	vst v9;
	v20 =	vld [tilespmem:s3+$0xE0]  }
.Ltmp11:
0x320: {  	s17 =	sadd.s32 $0x1, s4;
	v11 =	vmov s16;
	v9 =	vmov s4;
	v13 =	vmul.f32 v16, v2;
	[tilespmem:s1+$0xFFFFFF60] =	vst v10;
	v14 =	vld [tilespmem:s3+$0xFFFFFFF0];
	(pc) =	sbr.rel @p3 .LBB2_22-.Ltmp11, $4  }
0x321: {  	v9 =	vand.u32 $0xFFFFFFFC, v9;
	v10 =	vmov s17;
	v17 =	vmul.f32 v17, v4;
	[tilespmem:s20+$0x20] =	vst v12;
	v15 =	vld [tilespmem:s3+$0xFFFFFF70]  }
0x322: {  	v9 =	vbroadcast v9, $0x0;
	v10 =	vand.u32 $0xFFFFFFFD, v10;
	[tilespmem:s20+$0xFFFFFF20] =	vst v13;
	v16 =	vld [tilespmem:s0+$0x30];
	v21 =	vmul.f32 v18, v1  }
0x323: {  	v10 =	vbroadcast v10, $0x0;
	v12 =	vld [tilespmem:s0+$0xFFFFFF30];
	[tilespmem:s20+$0xFFFFFFA0] =	vst v17;
	v18 =	vmul.f32 v19, v3;
	v3 =	vmov v8  }
0x324: {  	s16 =	sadd.s32 $0x2, s4;
	s4 =	sadd.s32 $0x4, s4;
	v13 =	vld [tilespmem:s0+$0xFFFFFFB0];
	[tilespmem:s20+$0xA0] =	vst v21;
	v17 =	vmul.f32 v20, v5  }
0x325: {  	v8 =	vmov s16  }
0x326: {  	v8 =	vand.u32 $0xFFFFFFFE, v8  }
0x327: {  	v19 =	vbroadcast v8, $0x0;
	_ =	sdelay $0x2  }
0x328: {  	v9 =	vld.idx.msk [tilespmem:v9+s9+$0x0], $0xffff  }
0x329: {  	v10 =	vld.idx.msk [tilespmem:v10+s9+$0x0], $0xffff  }
0x32a: {  	v8 =	vld.idx.msk [tilespmem:v11+s9+$0x0], $0xffff  }
0x32b: {  	s17 =	sadd.s32 $0x200, s0;
	v11 =	vld.idx.msk [tilespmem:v19+s9+$0x0], $0xffff  }
0x32c: {  	v19 =	vld [tilespmem:s17+$0x0]  }
0x32d: {  	v20 =	vld [tilespmem:s17+$0xFFFFFF80]  }
0x32e: {  	v21 =	vld [tilespmem:s17+$0xFFFFFF00]  }
0x32f: {  	v22 =	vld [tilespmem:s17+$0x80];
	_ =	sdelay $0x1  }
0x330: {  	v19 =	vmul.f32 v19, v11  }
0x331: {  	s4 =	sadd.s32 $0x200, s20;
	v20 =	vmul.f32 v20, v10  }
0x332: {  	v21 =	vmul.f32 v21, v9;
	[tilespmem:s4+$0x0] =	vst v19  }
0x333: {  	v22 =	vmul.f32 v22, v8;
	[tilespmem:s4+$0xFFFFFF80] =	vst v20;
	v19 =	vld [tilespmem:s17+$0x10]  }
0x334: {  	[tilespmem:s4+$0xFFFFFF00] =	vst v21;
	v20 =	vld [tilespmem:s17+$0xFFFFFF90]  }
0x335: {  	v21 =	vld [tilespmem:s17+$0xFFFFFF10];
	[tilespmem:s4+$0x80] =	vst v22  }
0x336: {  	v22 =	vld [tilespmem:s17+$0x90];
	_ =	sdelay $0x1  }
0x337: {  	v19 =	vmul.f32 v19, v11  }
0x338: {  	[tilespmem:s1+$0x70] =	vst v18;
	v18 =	vmul.f32 v20, v10  }
0x339: {  	[tilespmem:s4+$0x10] =	vst v19;
	v19 =	vmul.f32 v21, v9  }
0x33a: {  	v20 =	vmul.f32 v22, v8;
	[tilespmem:s4+$0xFFFFFF90] =	vst v18;
	v18 =	vld [tilespmem:s17+$0x20]  }
0x33b: {  	[tilespmem:s4+$0xFFFFFF10] =	vst v19;
	v19 =	vld [tilespmem:s17+$0xFFFFFFA0]  }
0x33c: {  	v7 =	vmul.f32 v14, v7;
	[tilespmem:s4+$0x90] =	vst v20;
	v14 =	vld [tilespmem:s17+$0xFFFFFF20]  }
0x33d: {  	v6 =	vmul.f32 v15, v6;
	[tilespmem:s1+$0xE0] =	vst v17;
	v15 =	vld [tilespmem:s17+$0xA0]  }
0x33e: {  	v16 =	vmul.f32 v16, v3;
	[tilespmem:s1+$0xFFFFFFF0] =	vst v7  }
0x33f: {  	[tilespmem:s1+$0xFFFFFF70] =	vst v6;
	v6 =	vmul.f32 v18, v11  }
0x340: {  	v7 =	vld [tilespmem:s0+$0xB0];
	[tilespmem:s20+$0x30] =	vst v16;
	v16 =	vmul.f32 v19, v10  }
0x341: {  	v17 =	vld [tilespmem:s3+$0xF0];
	v14 =	vmul.f32 v14, v9;
	[tilespmem:s4+$0x20] =	vst v6  }
0x342: {  	v15 =	vmul.f32 v15, v8;
	v6 =	vld [tilespmem:s17+$0x30];
	[tilespmem:s4+$0xFFFFFFA0] =	vst v16  }
0x343: {  	v12 =	vmul.f32 v12, v2;
	[tilespmem:s4+$0xFFFFFF20] =	vst v14;
	v14 =	vld [tilespmem:s17+$0xFFFFFFB0]  }
0x344: {  	v13 =	vmul.f32 v13, v4;
	[tilespmem:s4+$0xA0] =	vst v15;
	v16 =	vld [tilespmem:s17+$0xFFFFFF30]  }
0x345: {  	[tilespmem:s20+$0xFFFFFF30] =	vst v12;
	v7 =	vmul.f32 v7, v1;
	v12 =	vld [tilespmem:s17+$0xB0]  }
0x346: {  	[tilespmem:s20+$0xFFFFFFB0] =	vst v13;
	v5 =	vmul.f32 v17, v5;
	v15 =	vld [tilespmem:s0+$0x40]  }
0x347: {  	v13 =	vld [tilespmem:s0+$0xFFFFFFC0];
	[tilespmem:s20+$0xB0] =	vst v7;
	v6 =	vmul.f32 v6, v11  }
0x348: {  	v7 =	vld [tilespmem:s0+$0xFFFFFF40];
	[tilespmem:s1+$0xF0] =	vst v5;
	v5 =	vmul.f32 v14, v10  }
0x349: {  	v14 =	vld [tilespmem:s0+$0xC0];
	v16 =	vmul.f32 v16, v9;
	[tilespmem:s4+$0x30] =	vst v6  }
0x34a: {  	v12 =	vmul.f32 v12, v8;
	v6 =	vld [tilespmem:s17+$0x40];
	[tilespmem:s4+$0xFFFFFFB0] =	vst v5  }
0x34b: {  	v5 =	vmul.f32 v15, v3;
	[tilespmem:s4+$0xFFFFFF30] =	vst v16;
	v15 =	vld [tilespmem:s17+$0xFFFFFFC0]  }
0x34c: {  	v13 =	vmul.f32 v13, v4;
	[tilespmem:s4+$0xB0] =	vst v12;
	v16 =	vld [tilespmem:s17+$0xFFFFFF40]  }
0x34d: {  	v7 =	vmul.f32 v7, v2;
	[tilespmem:s20+$0x40] =	vst v5;
	v5 =	vld [tilespmem:s17+$0xC0]  }
0x34e: {  	[tilespmem:s20+$0xFFFFFFC0] =	vst v13;
	v12 =	vld [tilespmem:s0+$0x50];
	v13 =	vmul.f32 v14, v1  }
0x34f: {  	[tilespmem:s20+$0xFFFFFF40] =	vst v7;
	v7 =	vld [tilespmem:s0+$0xFFFFFFD0];
	v6 =	vmul.f32 v6, v11  }
0x350: {  	v14 =	vld [tilespmem:s0+$0xFFFFFF50];
	[tilespmem:s20+$0xC0] =	vst v13;
	v13 =	vmul.f32 v15, v10  }
0x351: {  	v15 =	vld [tilespmem:s0+$0xD0];
	v16 =	vmul.f32 v16, v9;
	[tilespmem:s4+$0x40] =	vst v6  }
0x352: {  	v5 =	vmul.f32 v5, v8;
	v6 =	vld [tilespmem:s17+$0x50];
	[tilespmem:s4+$0xFFFFFFC0] =	vst v13  }
0x353: {  	v12 =	vmul.f32 v12, v3;
	[tilespmem:s4+$0xFFFFFF40] =	vst v16;
	v13 =	vld [tilespmem:s17+$0xFFFFFFD0]  }
0x354: {  	v7 =	vmul.f32 v7, v4;
	[tilespmem:s4+$0xC0] =	vst v5;
	v16 =	vld [tilespmem:s17+$0xFFFFFF50]  }
0x355: {  	v5 =	vmul.f32 v14, v2;
	[tilespmem:s20+$0x50] =	vst v12;
	v12 =	vld [tilespmem:s17+$0xD0]  }
0x356: {  	[tilespmem:s20+$0xFFFFFFD0] =	vst v7;
	v14 =	vld [tilespmem:s0+$0x60];
	v7 =	vmul.f32 v15, v1  }
0x357: {  	[tilespmem:s20+$0xFFFFFF50] =	vst v5;
	v5 =	vld [tilespmem:s0+$0xFFFFFFE0];
	v6 =	vmul.f32 v6, v11  }
0x358: {  	v15 =	vld [tilespmem:s0+$0xFFFFFF60];
	[tilespmem:s20+$0xD0] =	vst v7;
	v7 =	vmul.f32 v13, v10  }
0x359: {  	v13 =	vld [tilespmem:s0+$0xE0];
	[tilespmem:s4+$0x50] =	vst v6;
	v6 =	vmul.f32 v16, v9  }
0x35a: {  	v16 =	vld [tilespmem:s17+$0x60];
	[tilespmem:s4+$0xFFFFFFD0] =	vst v7;
	v7 =	vmul.f32 v12, v8  }
0x35b: {  	v12 =	vmul.f32 v14, v3;
	[tilespmem:s4+$0xFFFFFF50] =	vst v6;
	v6 =	vld [tilespmem:s17+$0xFFFFFFE0]  }
0x35c: {  	v5 =	vmul.f32 v5, v4;
	v14 =	vld [tilespmem:s17+$0xFFFFFF60];
	[tilespmem:s4+$0xD0] =	vst v7  }
0x35d: {  	[tilespmem:s20+$0x60] =	vst v12;
	v7 =	vmul.f32 v15, v2;
	v12 =	vld [tilespmem:s17+$0xE0]  }
0x35e: {  	[tilespmem:s20+$0xFFFFFFE0] =	vst v5;
	v15 =	vld [tilespmem:s0+$0x70];
	v5 =	vmul.f32 v13, v1  }
0x35f: {  	[tilespmem:s20+$0xFFFFFF60] =	vst v7;
	v7 =	vld [tilespmem:s0+$0xFFFFFFF0];
	v13 =	vmul.f32 v16, v11  }
0x360: {  	v16 =	vld [tilespmem:s0+$0xFFFFFF70];
	[tilespmem:s20+$0xE0] =	vst v5;
	v5 =	vmul.f32 v6, v10  }
0x361: {  	v6 =	vld [tilespmem:s0+$0xF0];
	[tilespmem:s4+$0x60] =	vst v13;
	v13 =	vmul.f32 v14, v9  }
0x362: {  	v14 =	vld [tilespmem:s17+$0x70];
	[tilespmem:s4+$0xFFFFFFE0] =	vst v5;
	v5 =	vmul.f32 v12, v8  }
0x363: {  	s3 =	smul.u32 $0xCD, s19;
	v3 =	vmul.f32 v15, v3;
	[tilespmem:s4+$0xFFFFFF60] =	vst v13;
	v12 =	vld [tilespmem:s17+$0xFFFFFFF0]  }
0x364: {  	v4 =	vmul.f32 v7, v4;
	v7 =	vld [tilespmem:s17+$0xFFFFFF70];
	[tilespmem:s4+$0xE0] =	vst v5  }
0x365: {  	s1 =	sadd.s32 $0x3, s19;
	s0 =	sshrl.u32 s3, $0xA;
	[tilespmem:s20+$0x70] =	vst v3;
	v2 =	vmul.f32 v16, v2;
	v3 =	vld [tilespmem:s17+$0xF0]  }
0x366: {  	s0 =	sand.u32 $0x3F, s0;
	[tilespmem:s20+$0xFFFFFFF0] =	vst v4;
	v1 =	vmul.f32 v6, v1;
	s17 =	smulhi.u32 $0x66666667, s1  }
0x367: {  	s0 =	smul.u32 $0x5, s0;
	[tilespmem:s20+$0xFFFFFF70] =	vst v2;
	v2 =	vmul.f32 v14, v11  }
0x368: {  	[tilespmem:s20+$0xF0] =	vst v1;
	s3 =	sshrl.u32 s17, $0x1;
	s20 =	smul.u32 $0x50, s1;
	v1 =	vmul.f32 v12, v10  }
0x369: {  	s0 =	ssub.s32 s19, s0;
	s3 =	smul.u32 $0x5, s3;
	[tilespmem:s4+$0x70] =	vst v2;
	v2 =	vmul.f32 v7, v9  }
0x36a: {  	s0 =	sand.u32 $0xFF, s0;
	[tilespmem:s4+$0xFFFFFFF0] =	vst v1;
	v1 =	vmul.f32 v3, v8  }
0x36b: {  	s0 =	sshll.u32 s0, $0x7;
	s19 =	sadd.s32 s11, s20;
	s1 =	ssub.s32 s1, s3;
	[tilespmem:s4+$0xFFFFFF70] =	vst v2  }
0x36c: {  	s17 =	simm.s32 $0x5A00;
	s3 =	sshll.u32 s1, $0x7;
	[tilespmem:s4+$0xF0] =	vst v1;
	s4 =	sshrl.u32 s19, $0x3  }
0x36d: {  	[spmem:s2] =	stream.indirect.scatter.add.f32 [tilespmem:s17], [sflag:$0x11], $0x80, s0, s18, $0xb8;
	[tilespmem:$0x1E7F0] =	vst v63  }
0x36e: {  	s20 =	sadd.s32 $0x1, s1;
	s17 =	sadd.s32 s8, s4;
	s0 =	simm.s32 $0x0  }
0x36f: {  	[tilespmem:s3], [sflag:s20] =	stream.linear.gather [hbm4b:s17+s0], $0x50, $0x38;
	[tilespmem:$0x1E7F0] =	vst v63  }
0x370: {  	s1 =	sadd.s32 $0x6, s1;
	s4 =	sadd.s32 s10, s4;
	s3 =	sor.u32 $0x400, s3  }
0x371: {  	[tilespmem:s3], [sflag:s1] =	stream.linear.gather [hbm4b:s4+s0], $0x50, $0x38;
	[tilespmem:$0x1E7F0] =	vst v63  }
0x372: {  	_ =	swait.ge [sflag:s25], $0x50  }
0x373: {  	[sflag:s25] =	ssyncset.done $0x0  }
0x374: {  	[sflag:s25] =	ssyncadd.s32 $0xFFFFFFB0  }
0x375: {  	_ =	swait.ge [sflag:s22], $0x50  }
0x376: {  	[sflag:s22] =	ssyncset.done $0x0  }
0x377: {  	[sflag:s22] =	ssyncadd.s32 $0xFFFFFFB0  }
0x378: {  	[tilespmem:s29], [sflag:$0xB] =	stream.indirect.gather [hbm4b:s21+s18], $0x80, s31, s18, $0xb8;
	[tilespmem:$0x1E7F0] =	vst v63  }
0x379: {  	s20 =	smov.u32 s21;
	s19 =	rddreg [dreg:$0x3];
	s21 =	simm.s32 $0x800  }
0x37a: {  	[tilespmem:s21], [sflag:$0xD] =	stream.indirect.gather [spmem:s19], $0x1, s23, s18, $0xb8;
	[tilespmem:$0x1E7F0] =	vst v63  }
0x37b: {  	s25 =	simm.s32 $0xE;
	s22 =	rddreg [dreg:$0x4];
	s23 =	simm.s32 $0x900  }
0x37c: {  	[tilespmem:s23], [sflag:$0xF] =	stream.indirect.gather [spmem:s22], $0x1, s31, s18, $0xb8;
	[tilespmem:$0x1E7F0] =	vst v63  }
0x37d: {  	_ =	swait.ge [sflag:s25], $0x50  }
0x37e: {  	[sflag:s25] =	ssyncset.done $0x0  }
0x37f: {  	s31 =	simm.s32 $0x10;
	[sflag:s25] =	ssyncadd.s32 $0xFFFFFFB0  }
0x380: {  	_ =	swait.ge [sflag:s31], $0x50  }
0x381: {  	[sflag:s31] =	ssyncset.done $0x0  }
0x382: {  	[sflag:s31] =	ssyncadd.s32 $0xFFFFFFB0  }
0x383: {  	v1 =	vld [tilespmem:$0x880]  }
0x384: {  	v2 =	vld [tilespmem:$0x980];
	_ =	sdelay $0x4  }
0x385: {  	v1 =	vadd.f32 v2, v1;
	_ =	sdelay $0x1  }
0x386: {  	v1 =	vsub.f32 $0.0e+00, v1;
	_ =	sdelay $0x1  }
0x387: {  	v1 =	vmul.f32 $1.442695020e+00, v1;
	_ =	sdelay $0x1  }
0x388: {  	(erf) = vpow2.f32 v1  }
0x389: {  	v2 =	vld [tilespmem:$0x990]  }
0x38a: {  	v1 =	vld [tilespmem:$0x890];
	_ =	sdelay $0x4  }
0x38b: {  	v1 =	vadd.f32 v2, v1;
	_ =	sdelay $0x1  }
0x38c: {  	v1 =	vsub.f32 $0.0e+00, v1;
	v2 =	vpop (erf)  }
0x38d: {  	v2 =	vadd.f32 $1.000000000e+00, v2  }
0x38e: {  	v1 =	vmul.f32 $1.442695020e+00, v1  }
0x38f: {  	(erf) = vrcp.f32 v2  }
0x390: {  	(erf) = vpow2.f32 v1  }
0x391: {  	v2 =	vld [tilespmem:$0x9A0]  }
0x392: {  	v1 =	vld [tilespmem:$0x8A0];
	_ =	sdelay $0x4  }
0x393: {  	v1 =	vadd.f32 v2, v1  }
0x394: {  	v2 =	vpop (erf)  }
0x395: {  	v1 =	vsub.f32 $0.0e+00, v1;
	v3 =	vpop (erf)  }
0x396: {  	v3 =	vadd.f32 $1.000000000e+00, v3  }
0x397: {  	v1 =	vmul.f32 $1.442695020e+00, v1  }
0x398: {  	(erf) = vrcp.f32 v3  }
0x399: {  	(erf) = vpow2.f32 v1  }
0x39a: {  	v3 =	vld [tilespmem:$0x9B0]  }
0x39b: {  	v1 =	vld [tilespmem:$0x8B0];
	_ =	sdelay $0x4  }
0x39c: {  	v1 =	vadd.f32 v3, v1  }
0x39d: {  	v3 =	vpop (erf)  }
0x39e: {  	v1 =	vsub.f32 $0.0e+00, v1;
	v4 =	vpop (erf)  }
0x39f: {  	v4 =	vadd.f32 $1.000000000e+00, v4  }
0x3a0: {  	v1 =	vmul.f32 $1.442695020e+00, v1  }
0x3a1: {  	(erf) = vrcp.f32 v4  }
0x3a2: {  	(erf) = vpow2.f32 v1  }
0x3a3: {  	v4 =	vld [tilespmem:$0x9C0]  }
0x3a4: {  	v1 =	vld [tilespmem:$0x8C0];
	_ =	sdelay $0x4  }
0x3a5: {  	v1 =	vadd.f32 v4, v1  }
0x3a6: {  	v4 =	vpop (erf)  }
0x3a7: {  	v1 =	vsub.f32 $0.0e+00, v1;
	v5 =	vpop (erf)  }
0x3a8: {  	v5 =	vadd.f32 $1.000000000e+00, v5  }
0x3a9: {  	v1 =	vmul.f32 $1.442695020e+00, v1  }
0x3aa: {  	(erf) = vrcp.f32 v5  }
0x3ab: {  	(erf) = vpow2.f32 v1;
	_ =	sdelay $0x7  }
0x3ac: {  	v1 =	vpop (erf)  }
0x3ad: {  	v5 =	vpop (erf)  }
0x3ae: {  	v5 =	vadd.f32 $1.000000000e+00, v5;
	_ =	sdelay $0x1  }
0x3af: {  	(erf) = vrcp.f32 v5;
	_ =	sdelay $0x5  }
0x3b0: {  	[tilespmem:$0xAA00] =	vst v2  }
0x3b1: {  	[tilespmem:$0xAA10] =	vst v3  }
0x3b2: {  	[tilespmem:$0xAA20] =	vst v4  }
0x3b3: {  	s3 =	simm.s32 $0x2;
	v2 =	vmov s0;
	[tilespmem:$0xAA30] =	vst v1;
	v1 =	vpop (erf)  }
0x3b4: {  	s4 =	simm.s32 $0xC;
	v3 =	vmov s3;
	[tilespmem:$0xAA40] =	vst v1;
	v1 =	vand.u32 $0xFFFFFFFC, v2  }
0x3b5: {  	s1 =	simm.s32 $0x1;
	v3 =	vand.u32 $0xFFFFFFFE, v3;
	_ =	swait.ge [sflag:s4], $0x2800;
	v1 =	vbroadcast v1, $0x0  }
0x3b6: {  	v3 =	vbroadcast v3, $0x0;
	v2 =	vmov s1;
	[sflag:s4] =	ssyncset.done $0x0  }
0x3b7: {  	v2 =	vand.u32 $0xFFFFFFFD, v2;
	[sflag:s4] =	ssyncadd.s32 $0xFFFFD800  }
0x3b8: {  	v2 =	vbroadcast v2, $0x0;
	_ =	swait.ge [sflag:s15], $0x2800  }
0x3b9: {  	[sflag:s15] =	ssyncset.done $0x0  }
0x3ba: {  	[sflag:s15] =	ssyncadd.s32 $0xFFFFD800  }
0x3bb: {  	v6 =	vld.idx.msk [tilespmem:v1+s9+$0x0], $0xffff  }
0x3bc: {  	s16 =	simm.s32 $0x3;
	s3 =	simm.s32 $0x3300;
	v8 =	vld.idx.msk [tilespmem:v3+s9+$0x0], $0xffff  }
0x3bd: {  	v1 =	vmov s16;
	v3 =	vld [tilespmem:s3+$0xFFFFFF00]  }
0x3be: {  	v7 =	vld.idx.msk [tilespmem:v2+s9+$0x0], $0xffff  }
0x3bf: {  	v2 =	vld [tilespmem:s3+$0x0];
	_ =	sdelay $0x1  }
0x3c0: {  	v4 =	vld [tilespmem:s3+$0xFFFFFF80]  }
0x3c1: {  	v5 =	vld.idx.msk [tilespmem:v1+s9+$0x0], $0xffff  }
0x3c2: {  	v1 =	vld [tilespmem:s3+$0x80];
	v3 =	vmul.f32 v3, v6  }
0x3c3: {  	s1 =	simm.s32 $0x8300;
	v2 =	vmul.f32 v2, v8  }
0x3c4: {  	[tilespmem:s1+$0xFFFFFF00] =	vst v3  }
0x3c5: {  	v4 =	vmul.f32 v4, v7;
	[tilespmem:s1+$0x0] =	vst v2;
	v3 =	vld [tilespmem:s3+$0xFFFFFF10]  }
0x3c6: {  	v2 =	vld [tilespmem:s3+$0x10]  }
0x3c7: {  	[tilespmem:s1+$0xFFFFFF80] =	vst v4;
	v1 =	vmul.f32 v1, v5  }
0x3c8: {  	v4 =	vld [tilespmem:s3+$0xFFFFFF90]  }
0x3c9: {  	[tilespmem:s1+$0x80] =	vst v1  }
0x3ca: {  	v1 =	vld [tilespmem:s3+$0x90];
	v3 =	vmul.f32 v3, v6  }
0x3cb: {  	v2 =	vmul.f32 v2, v8  }
0x3cc: {  	[tilespmem:s1+$0xFFFFFF10] =	vst v3  }
0x3cd: {  	v4 =	vmul.f32 v4, v7;
	[tilespmem:s1+$0x10] =	vst v2;
	v3 =	vld [tilespmem:s3+$0xFFFFFF20]  }
0x3ce: {  	v2 =	vld [tilespmem:s3+$0x20]  }
0x3cf: {  	[tilespmem:s1+$0xFFFFFF90] =	vst v4;
	v1 =	vmul.f32 v1, v5  }
0x3d0: {  	v4 =	vld [tilespmem:s3+$0xFFFFFFA0]  }
0x3d1: {  	s17 =	simm.s32 $0x4;
	[tilespmem:s1+$0x90] =	vst v1  }
0x3d2: {  	v9 =	vmov s17;
	v1 =	vld [tilespmem:s3+$0xA0];
	v3 =	vmul.f32 v3, v6  }
0x3d3: {  	v9 =	vand.u32 $0xFFFFFFFC, v9;
	v2 =	vmul.f32 v2, v8  }
0x3d4: {  	v9 =	vbroadcast v9, $0x0;
	s19 =	simm.s32 $0x5;
	s21 =	simm.s32 $0x7;
	[tilespmem:s1+$0xFFFFFF20] =	vst v3  }
0x3d5: {  	v10 =	vmov s19;
	v4 =	vmul.f32 v4, v7;
	[tilespmem:s1+$0x20] =	vst v2;
	v2 =	vmov s21  }
0x3d6: {  	v10 =	vand.u32 $0xFFFFFFFD, v10;
	v11 =	vld [tilespmem:s3+$0xFFFFFF30]  }
0x3d7: {  	v10 =	vbroadcast v10, $0x0;
	[tilespmem:s1+$0xFFFFFFA0] =	vst v4;
	v3 =	vld [tilespmem:s3+$0x30];
	v1 =	vmul.f32 v1, v5  }
0x3d8: {  	s22 =	simm.s32 $0x6;
	v12 =	vld [tilespmem:s3+$0xFFFFFFB0]  }
0x3d9: {  	[tilespmem:s1+$0xA0] =	vst v1;
	v1 =	vmov s22  }
0x3da: {  	v4 =	vand.u32 $0xFFFFFFFE, v1;
	v1 =	vld.idx.msk [tilespmem:v2+s9+$0x0], $0xffff  }
0x3db: {  	v2 =	vld.idx.msk [tilespmem:v9+s9+$0x0], $0xffff;
	v9 =	vmul.f32 v11, v6  }
0x3dc: {  	v3 =	vmul.f32 v3, v8  }
0x3dd: {  	v14 =	vbroadcast v4, $0x0;
	v4 =	vld.idx.msk [tilespmem:v10+s9+$0x0], $0xffff;
	v10 =	vmul.f32 v12, v7;
	[tilespmem:s1+$0xFFFFFF30] =	vst v9  }
0x3de: {  	v13 =	vld [tilespmem:s3+$0xB0];
	[tilespmem:s1+$0x30] =	vst v3  }
0x3df: {  	[tilespmem:s1+$0xFFFFFFB0] =	vst v10;
	v9 =	vld [tilespmem:s3+$0x40]  }
0x3e0: {  	s0 =	simm.s32 $0x3500;
	v10 =	vld [tilespmem:s3+$0xFFFFFFC0]  }
0x3e1: {  	v12 =	vld [tilespmem:s0+$0x0]  }
0x3e2: {  	v11 =	vld [tilespmem:s3+$0xFFFFFF40]  }
0x3e3: {  	v13 =	vmul.f32 v13, v5;
	v3 =	vld.idx.msk [tilespmem:v14+s9+$0x0], $0xffff  }
0x3e4: {  	v14 =	vld [tilespmem:s0+$0xFFFFFF00];
	v9 =	vmul.f32 v9, v8  }
0x3e5: {  	v15 =	vld [tilespmem:s0+$0xFFFFFF80];
	[tilespmem:s1+$0xB0] =	vst v13;
	v10 =	vmul.f32 v10, v7  }
0x3e6: {  	v16 =	vld [tilespmem:s0+$0x80];
	[tilespmem:s1+$0x40] =	vst v9  }
0x3e7: {  	v9 =	vmul.f32 v11, v6;
	[tilespmem:s1+$0xFFFFFFC0] =	vst v10;
	v10 =	vld [tilespmem:s3+$0xC0]  }
0x3e8: {  	v11 =	vld [tilespmem:s3+$0x50];
	v12 =	vmul.f32 v12, v3  }
0x3e9: {  	s19 =	simm.s32 $0x8500;
	v13 =	vld [tilespmem:s3+$0xFFFFFFD0];
	[tilespmem:s1+$0xFFFFFF40] =	vst v9;
	v9 =	vmul.f32 v14, v2  }
0x3ea: {  	v14 =	vmul.f32 v15, v4;
	[tilespmem:s19+$0x0] =	vst v12;
	v12 =	vld [tilespmem:s3+$0xFFFFFF50]  }
0x3eb: {  	v15 =	vmul.f32 v16, v1;
	[tilespmem:s19+$0xFFFFFF00] =	vst v9;
	v9 =	vld [tilespmem:s0+$0x10]  }
0x3ec: {  	[tilespmem:s19+$0xFFFFFF80] =	vst v14;
	v16 =	vld [tilespmem:s0+$0xFFFFFF10];
	v10 =	vmul.f32 v10, v5  }
0x3ed: {  	[tilespmem:s19+$0x80] =	vst v15;
	v14 =	vld [tilespmem:s0+$0xFFFFFF90];
	v11 =	vmul.f32 v11, v8  }
0x3ee: {  	v15 =	vld [tilespmem:s0+$0x90];
	v13 =	vmul.f32 v13, v7;
	[tilespmem:s1+$0xC0] =	vst v10  }
0x3ef: {  	[tilespmem:s1+$0x50] =	vst v11;
	v11 =	vmul.f32 v12, v6;
	v10 =	vld [tilespmem:s3+$0xD0]  }
0x3f0: {  	[tilespmem:s1+$0xFFFFFFD0] =	vst v13;
	v12 =	vld [tilespmem:s3+$0x60];
	v9 =	vmul.f32 v9, v3  }
0x3f1: {  	v13 =	vmul.f32 v16, v2;
	[tilespmem:s1+$0xFFFFFF50] =	vst v11;
	v11 =	vld [tilespmem:s3+$0xFFFFFFE0]  }
0x3f2: {  	v14 =	vmul.f32 v14, v4;
	[tilespmem:s19+$0x10] =	vst v9;
	v9 =	vld [tilespmem:s3+$0xFFFFFF60]  }
0x3f3: {  	v15 =	vmul.f32 v15, v1;
	[tilespmem:s19+$0xFFFFFF10] =	vst v13;
	v13 =	vld [tilespmem:s0+$0x20]  }
0x3f4: {  	[tilespmem:s19+$0xFFFFFF90] =	vst v14;
	v16 =	vld [tilespmem:s0+$0xFFFFFF20];
	v10 =	vmul.f32 v10, v5  }
0x3f5: {  	[tilespmem:s19+$0x90] =	vst v15;
	v12 =	vmul.f32 v12, v8  }
0x3f6: {  	v17 =	vld [tilespmem:s0+$0xFFFFFFA0];
	v11 =	vmul.f32 v11, v7;
	[tilespmem:s1+$0xD0] =	vst v10  }
0x3f7: {  	v18 =	vld [tilespmem:s0+$0xA0];
	[tilespmem:s1+$0x60] =	vst v12;
	v9 =	vmul.f32 v9, v6  }
0x3f8: {  	v19 =	vld [tilespmem:s3+$0x70];
	v10 =	vmul.f32 v13, v3;
	[tilespmem:s1+$0xFFFFFFE0] =	vst v11  }
0x3f9: {  	s23 =	simm.s32 $0x8;
	s25 =	simm.s32 $0x9;
	v20 =	vld [tilespmem:s3+$0xE0];
	v11 =	vmul.f32 v16, v2;
	[tilespmem:s1+$0xFFFFFF60] =	vst v9  }
0x3fa: {  	s31 =	simm.s32 $0xB;
	v12 =	vmov s25;
	v14 =	vld [tilespmem:s3+$0xFFFFFFF0];
	v9 =	vmov s23;
	[tilespmem:s19+$0x20] =	vst v10  }
0x3fb: {  	v13 =	vmul.f32 v17, v4;
	v15 =	vld [tilespmem:s3+$0xFFFFFF70];
	v9 =	vand.u32 $0xFFFFFFFC, v9;
	[tilespmem:s19+$0xFFFFFF20] =	vst v11;
	v11 =	vmov s31  }
0x3fc: {  	v17 =	vmul.f32 v18, v1;
	v10 =	vand.u32 $0xFFFFFFFD, v12;
	v16 =	vld [tilespmem:s0+$0x30];
	v9 =	vbroadcast v9, $0x0  }
0x3fd: {  	v10 =	vbroadcast v10, $0x0;
	[tilespmem:s19+$0xFFFFFFA0] =	vst v13;
	v12 =	vld [tilespmem:s0+$0xFFFFFF30];
	v18 =	vmul.f32 v19, v8  }
0x3fe: {  	s4 =	simm.s32 $0xC;
	s16 =	simm.s32 $0xA;
	[tilespmem:s19+$0xA0] =	vst v17;
	v13 =	vld [tilespmem:s0+$0xFFFFFFB0];
	v17 =	vmul.f32 v20, v5  }
.LBB2_24:
0x3ff: {  	p3 =	slt.u32 s4, $0x4C;
	v8 =	vmov s16;
	v19 =	vld [tilespmem:s0+$0xB0];
	v14 =	vmul.f32 v14, v7;
	[tilespmem:s1+$0x70] =	vst v18;
	v7 =	vmov v4  }
0x400: {  	v4 =	vand.u32 $0xFFFFFFFE, v8;
	v8 =	vld.idx.msk [tilespmem:v11+s9+$0x0], $0xffff;
	v11 =	vmul.f32 v15, v6;
	[tilespmem:s1+$0xE0] =	vst v17;
	v6 =	vmov v2  }
0x401: {  	v15 =	vbroadcast v4, $0x0;
	v16 =	vmul.f32 v16, v3;
	[tilespmem:s1+$0xFFFFFFF0] =	vst v14;
	v14 =	vld [tilespmem:s3+$0xF0];
	s3 =	smov.u32 s0  }
0x402: {  	v2 =	vld.idx.msk [tilespmem:v9+s9+$0x0], $0xffff;
	v9 =	vmul.f32 v12, v6;
	[tilespmem:s1+$0xFFFFFF70] =	vst v11  }
0x403: {  	v4 =	vld.idx.msk [tilespmem:v10+s9+$0x0], $0xffff;
	v10 =	vmul.f32 v13, v7;
	[tilespmem:s19+$0x30] =	vst v16  }
0x404: {  	[tilespmem:s19+$0xFFFFFF30] =	vst v9;
	v9 =	vld [tilespmem:s0+$0x40];
	v11 =	vmul.f32 v19, v1  }
0x405: {  	v12 =	vld [tilespmem:s0+$0xFFFFFF40];
	[tilespmem:s19+$0xFFFFFFB0] =	vst v10  }
0x406: {  	v10 =	vld [tilespmem:s0+$0xFFFFFFC0];
	[tilespmem:s19+$0xB0] =	vst v11;
	v11 =	vmul.f32 v14, v5;
	v5 =	vmov v1;
	v1 =	vmov v8  }
0x407: {  	s0 =	sadd.s32 $0x200, s0;
	v8 =	vld.idx.msk [tilespmem:v15+s9+$0x0], $0xffff  }
0x408: {  	v13 =	vld [tilespmem:s0+$0x0];
	[tilespmem:s1+$0xF0] =	vst v11;
	s1 =	smov.u32 s19  }
0x409: {  	v11 =	vld [tilespmem:s0+$0xFFFFFF00];
	v9 =	vmul.f32 v9, v3  }
0x40a: {  	v14 =	vld [tilespmem:s0+$0xFFFFFF80];
	v12 =	vmul.f32 v12, v6  }
0x40b: {  	v15 =	vld [tilespmem:s0+$0x80];
	v10 =	vmul.f32 v10, v7;
	[tilespmem:s19+$0x40] =	vst v9  }
0x40c: {  	[tilespmem:s19+$0xFFFFFF40] =	vst v12;
	v9 =	vld [tilespmem:s3+$0x50]  }
0x40d: {  	v12 =	vmul.f32 v13, v8;
	[tilespmem:s19+$0xFFFFFFC0] =	vst v10;
	v10 =	vld [tilespmem:s3+$0xC0]  }
0x40e: {  	s19 =	sadd.s32 $0x200, s19;
	v11 =	vmul.f32 v11, v2;
	v13 =	vld [tilespmem:s3+$0xFFFFFFD0]  }
0x40f: {  	v14 =	vmul.f32 v14, v4;
	[tilespmem:s19+$0x0] =	vst v12;
	v12 =	vld [tilespmem:s3+$0xFFFFFF50]  }
0x410: {  	[tilespmem:s19+$0xFFFFFF00] =	vst v11;
	v11 =	vld [tilespmem:s0+$0x10];
	v15 =	vmul.f32 v15, v1  }
0x411: {  	v16 =	vld [tilespmem:s0+$0xFFFFFF10];
	[tilespmem:s19+$0xFFFFFF80] =	vst v14;
	v9 =	vmul.f32 v9, v3  }
0x412: {  	v14 =	vld [tilespmem:s0+$0xFFFFFF90];
	[tilespmem:s19+$0x80] =	vst v15;
	v10 =	vmul.f32 v10, v5  }
0x413: {  	v15 =	vld [tilespmem:s0+$0x90];
	v13 =	vmul.f32 v13, v7;
	[tilespmem:s1+$0x50] =	vst v9  }
0x414: {  	v9 =	vmul.f32 v12, v6;
	v12 =	vld [tilespmem:s3+$0x60];
	[tilespmem:s1+$0xC0] =	vst v10  }
0x415: {  	v10 =	vmul.f32 v11, v8;
	[tilespmem:s1+$0xFFFFFFD0] =	vst v13;
	v11 =	vld [tilespmem:s3+$0xD0]  }
0x416: {  	v13 =	vmul.f32 v16, v2;
	[tilespmem:s1+$0xFFFFFF50] =	vst v9;
	v9 =	vld [tilespmem:s3+$0xFFFFFFE0]  }
0x417: {  	v14 =	vmul.f32 v14, v4;
	[tilespmem:s19+$0x10] =	vst v10;
	v10 =	vld [tilespmem:s3+$0xFFFFFF60]  }
0x418: {  	[tilespmem:s19+$0xFFFFFF10] =	vst v13;
	v13 =	vld [tilespmem:s0+$0x20];
	v15 =	vmul.f32 v15, v1  }
0x419: {  	v16 =	vld [tilespmem:s0+$0xFFFFFF20];
	[tilespmem:s19+$0xFFFFFF90] =	vst v14;
	v12 =	vmul.f32 v12, v3  }
0x41a: {  	v17 =	vld [tilespmem:s0+$0xFFFFFFA0];
	[tilespmem:s19+$0x90] =	vst v15;
	v11 =	vmul.f32 v11, v5  }
0x41b: {  	v18 =	vld [tilespmem:s0+$0xA0];
	v9 =	vmul.f32 v9, v7;
	[tilespmem:s1+$0x60] =	vst v12  }
0x41c: {  	v10 =	vmul.f32 v10, v6;
	v19 =	vld [tilespmem:s3+$0x70];
	[tilespmem:s1+$0xD0] =	vst v11  }
0x41d: {  	s16 =	sadd.s32 $0x3, s4;
	v12 =	vmul.f32 v13, v8;
	[tilespmem:s1+$0xFFFFFFE0] =	vst v9;
	v20 =	vld [tilespmem:s3+$0xE0]  }
.Ltmp12:
0x41e: {  	s17 =	sadd.s32 $0x1, s4;
	v11 =	vmov s16;
	v9 =	vmov s4;
	v13 =	vmul.f32 v16, v2;
	[tilespmem:s1+$0xFFFFFF60] =	vst v10;
	v14 =	vld [tilespmem:s3+$0xFFFFFFF0];
	(pc) =	sbr.rel @p3 .LBB2_24-.Ltmp12, $4  }
0x41f: {  	v9 =	vand.u32 $0xFFFFFFFC, v9;
	v10 =	vmov s17;
	v17 =	vmul.f32 v17, v4;
	[tilespmem:s19+$0x20] =	vst v12;
	v15 =	vld [tilespmem:s3+$0xFFFFFF70]  }
0x420: {  	v9 =	vbroadcast v9, $0x0;
	v10 =	vand.u32 $0xFFFFFFFD, v10;
	[tilespmem:s19+$0xFFFFFF20] =	vst v13;
	v16 =	vld [tilespmem:s0+$0x30];
	v21 =	vmul.f32 v18, v1  }
0x421: {  	v10 =	vbroadcast v10, $0x0;
	v12 =	vld [tilespmem:s0+$0xFFFFFF30];
	[tilespmem:s19+$0xFFFFFFA0] =	vst v17;
	v18 =	vmul.f32 v19, v3;
	v3 =	vmov v8  }
0x422: {  	s16 =	sadd.s32 $0x2, s4;
	s4 =	sadd.s32 $0x4, s4;
	v13 =	vld [tilespmem:s0+$0xFFFFFFB0];
	[tilespmem:s19+$0xA0] =	vst v21;
	v17 =	vmul.f32 v20, v5  }
0x423: {  	_ = 	snop  }
0x424: {  	v8 =	vmov s16  }
0x425: {  	v8 =	vand.u32 $0xFFFFFFFE, v8  }
0x426: {  	v19 =	vbroadcast v8, $0x0  }
0x427: {  	v9 =	vld.idx.msk [tilespmem:v9+s9+$0x0], $0xffff  }
0x428: {  	v10 =	vld.idx.msk [tilespmem:v10+s9+$0x0], $0xffff;
	s25 =	sadd.s32 $0x200, s0  }
0x429: {  	v52 =	vld [tilespmem:s25+$0x0]  }
0x42a: {  	v20 =	vld [tilespmem:s25+$0xFFFFFF80]  }
0x42b: {  	v8 =	vld.idx.msk [tilespmem:v11+s9+$0x0], $0xffff  }
0x42c: {  	v11 =	vld.idx.msk [tilespmem:v19+s9+$0x0], $0xffff  }
0x42d: {  	v22 =	vld [tilespmem:s25+$0x80]  }
0x42e: {  	v21 =	vld [tilespmem:s25+$0xFFFFFF00];
	_ =	sdelay $0x1  }
0x42f: {  	v20 =	vmul.f32 v20, v10  }
0x430: {  	s4 =	sadd.s32 $0x200, s19;
	v19 =	vmul.f32 v52, v11  }
0x431: {  	v22 =	vmul.f32 v22, v8;
	[tilespmem:s4+$0xFFFFFF80] =	vst v20  }
0x432: {  	v21 =	vmul.f32 v21, v9;
	v20 =	vld [tilespmem:s25+$0xFFFFFF90];
	[tilespmem:s4+$0x0] =	vst v19  }
0x433: {  	[tilespmem:s4+$0x80] =	vst v22;
	v19 =	vld [tilespmem:s25+$0x10]  }
0x434: {  	[tilespmem:s4+$0xFFFFFF00] =	vst v21;
	v22 =	vld [tilespmem:s25+$0x90]  }
0x435: {  	v21 =	vld [tilespmem:s25+$0xFFFFFF10];
	_ =	sdelay $0x1  }
0x436: {  	v53 =	vmul.f32 v20, v10  }
0x437: {  	[tilespmem:s1+$0xE0] =	vst v17;
	v19 =	vmul.f32 v19, v11  }
0x438: {  	v56 =	vmul.f32 v22, v8;
	[tilespmem:s4+$0xFFFFFF90] =	vst v53  }
0x439: {  	v54 =	vmul.f32 v21, v9;
	v57 =	vld [tilespmem:s25+$0xFFFFFFA0];
	[tilespmem:s4+$0x10] =	vst v19  }
0x43a: {  	v7 =	vmul.f32 v14, v7;
	[tilespmem:s4+$0x90] =	vst v56;
	v55 =	vld [tilespmem:s25+$0x20]  }
0x43b: {  	v6 =	vmul.f32 v15, v6;
	[tilespmem:s4+$0xFFFFFF10] =	vst v54;
	v59 =	vld [tilespmem:s25+$0xA0]  }
0x43c: {  	v16 =	vmul.f32 v16, v3;
	[tilespmem:s1+$0xFFFFFFF0] =	vst v7;
	v58 =	vld [tilespmem:s25+$0xFFFFFF20]  }
0x43d: {  	[tilespmem:s1+$0xFFFFFF70] =	vst v6;
	v12 =	vmul.f32 v12, v2  }
0x43e: {  	v61 =	vld [tilespmem:s0+$0xB0];
	[tilespmem:s19+$0x30] =	vst v16;
	v62 =	vmul.f32 v57, v10  }
0x43f: {  	v17 =	vld [tilespmem:s3+$0xF0];
	[tilespmem:s19+$0xFFFFFF30] =	vst v12;
	v60 =	vmul.f32 v55, v11  }
0x440: {  	v22 =	vld [tilespmem:s0+$0x40];
	v15 =	vmul.f32 v59, v8;
	[tilespmem:s4+$0xFFFFFFA0] =	vst v62  }
0x441: {  	v14 =	vmul.f32 v58, v9;
	v63 =	vld [tilespmem:s25+$0xFFFFFFB0];
	[tilespmem:s4+$0x20] =	vst v60  }
0x442: {  	v13 =	vmul.f32 v13, v4;
	[tilespmem:s4+$0xA0] =	vst v15;
	v6 =	vld [tilespmem:s25+$0x30]  }
0x443: {  	v7 =	vmul.f32 v61, v1;
	[tilespmem:s4+$0xFFFFFF20] =	vst v14;
	v21 =	vld [tilespmem:s25+$0xB0]  }
0x444: {  	[tilespmem:s19+$0xFFFFFFB0] =	vst v13;
	v5 =	vmul.f32 v17, v5;
	v20 =	vld [tilespmem:s25+$0xFFFFFF30]  }
0x445: {  	v23 =	vld [tilespmem:s0+$0xFFFFFF40];
	[tilespmem:s19+$0xB0] =	vst v7;
	v26 =	vmul.f32 v22, v3  }
0x446: {  	v25 =	vld [tilespmem:s0+$0xC0];
	[tilespmem:s1+$0xF0] =	vst v5;
	v24 =	vmul.f32 v63, v10  }
0x447: {  	v13 =	vld [tilespmem:s0+$0xFFFFFFC0];
	[tilespmem:s19+$0x40] =	vst v26;
	v6 =	vmul.f32 v6, v11  }
0x448: {  	v29 =	vld [tilespmem:s0+$0x50];
	v12 =	vmul.f32 v21, v8;
	[tilespmem:s4+$0xFFFFFFB0] =	vst v24  }
0x449: {  	v16 =	vmul.f32 v20, v9;
	v27 =	vld [tilespmem:s25+$0xFFFFFFC0];
	[tilespmem:s4+$0x30] =	vst v6  }
0x44a: {  	v7 =	vmul.f32 v23, v2;
	[tilespmem:s4+$0xB0] =	vst v12;
	v6 =	vld [tilespmem:s25+$0x40]  }
0x44b: {  	v30 =	vmul.f32 v25, v1;
	[tilespmem:s4+$0xFFFFFF30] =	vst v16;
	v28 =	vld [tilespmem:s25+$0xC0]  }
0x44c: {  	v13 =	vmul.f32 v13, v4;
	[tilespmem:s19+$0xFFFFFF40] =	vst v7;
	v16 =	vld [tilespmem:s25+$0xFFFFFF40]  }
0x44d: {  	v32 =	vld [tilespmem:s0+$0xFFFFFF50];
	[tilespmem:s19+$0xC0] =	vst v30;
	v12 =	vmul.f32 v29, v3  }
0x44e: {  	[tilespmem:s19+$0xFFFFFFC0] =	vst v13;
	v34 =	vld [tilespmem:s0+$0xD0];
	v33 =	vmul.f32 v27, v10  }
0x44f: {  	v31 =	vld [tilespmem:s0+$0xFFFFFFD0];
	[tilespmem:s19+$0x50] =	vst v12;
	v6 =	vmul.f32 v6, v11  }
0x450: {  	v37 =	vld [tilespmem:s0+$0x60];
	v5 =	vmul.f32 v28, v8;
	[tilespmem:s4+$0xFFFFFFC0] =	vst v33  }
0x451: {  	v16 =	vmul.f32 v16, v9;
	v13 =	vld [tilespmem:s25+$0xFFFFFFD0];
	[tilespmem:s4+$0x40] =	vst v6  }
0x452: {  	v35 =	vmul.f32 v32, v2;
	[tilespmem:s4+$0xC0] =	vst v5;
	v6 =	vld [tilespmem:s25+$0x50]  }
0x453: {  	v38 =	vmul.f32 v34, v1;
	[tilespmem:s4+$0xFFFFFF40] =	vst v16;
	v36 =	vld [tilespmem:s25+$0xD0]  }
0x454: {  	v7 =	vmul.f32 v31, v4;
	[tilespmem:s19+$0xFFFFFF50] =	vst v35;
	v16 =	vld [tilespmem:s25+$0xFFFFFF50]  }
0x455: {  	v40 =	vld [tilespmem:s0+$0xFFFFFF60];
	[tilespmem:s19+$0xD0] =	vst v38;
	v46 =	vmul.f32 v37, v3  }
0x456: {  	[tilespmem:s19+$0xFFFFFFD0] =	vst v7;
	v42 =	vld [tilespmem:s0+$0xE0];
	v41 =	vmul.f32 v13, v10  }
0x457: {  	v39 =	vld [tilespmem:s0+$0xFFFFFFE0];
	[tilespmem:s19+$0x60] =	vst v46;
	v6 =	vmul.f32 v6, v11  }
0x458: {  	v51 =	vld [tilespmem:s0+$0x70];
	v45 =	vmul.f32 v36, v8;
	[tilespmem:s4+$0xFFFFFFD0] =	vst v41  }
0x459: {  	v43 =	vmul.f32 v16, v9;
	v47 =	vld [tilespmem:s25+$0xFFFFFFE0];
	[tilespmem:s4+$0x50] =	vst v6  }
0x45a: {  	v49 =	vmul.f32 v40, v2;
	[tilespmem:s4+$0xD0] =	vst v45;
	v44 =	vld [tilespmem:s25+$0x60]  }
0x45b: {  	v52 =	vmul.f32 v42, v1;
	[tilespmem:s4+$0xFFFFFF50] =	vst v43;
	v50 =	vld [tilespmem:s25+$0xE0]  }
0x45c: {  	[tilespmem:s19+$0xFFFFFF60] =	vst v49;
	v5 =	vmul.f32 v39, v4;
	v48 =	vld [tilespmem:s25+$0xFFFFFF60]  }
0x45d: {  	[tilespmem:s19+$0xE0] =	vst v52;
	v3 =	vmul.f32 v51, v3  }
0x45e: {  	v55 =	vld [tilespmem:s0+$0xFFFFFF70];
	[tilespmem:s19+$0xFFFFFFE0] =	vst v5;
	v56 =	vmul.f32 v47, v10  }
0x45f: {  	v57 =	vld [tilespmem:s0+$0xF0];
	[tilespmem:s19+$0x70] =	vst v3;
	v54 =	vmul.f32 v44, v11  }
0x460: {  	v53 =	vld [tilespmem:s0+$0xFFFFFFF0];
	v60 =	vmul.f32 v50, v8;
	[tilespmem:s4+$0xFFFFFFE0] =	vst v56  }
0x461: {  	v58 =	vmul.f32 v48, v9;
	v61 =	vld [tilespmem:s25+$0xFFFFFFF0];
	[tilespmem:s4+$0x60] =	vst v54  }
0x462: {  	[tilespmem:s4+$0xE0] =	vst v60;
	v59 =	vld [tilespmem:s25+$0x70]  }
0x463: {  	v2 =	vmul.f32 v55, v2;
	[tilespmem:s4+$0xFFFFFF60] =	vst v58;
	v3 =	vld [tilespmem:s25+$0xF0]  }
0x464: {  	[tilespmem:s1+$0x70] =	vst v18;
	v1 =	vmul.f32 v57, v1;
	v63 =	vld [tilespmem:s25+$0xFFFFFF70]  }
0x465: {  	[tilespmem:s19+$0xFFFFFF70] =	vst v2;
	v62 =	vmul.f32 v53, v4  }
0x466: {  	s12 =	sadd.s32 $0x1, s12;
	[tilespmem:s19+$0xF0] =	vst v1;
	v1 =	vmul.f32 v61, v10  }
0x467: {  	p3 =	sne.s32 s12, $0x3D;
	[tilespmem:s19+$0xFFFFFFF0] =	vst v62;
	v2 =	vmul.f32 v59, v11  }
.Ltmp13:
0x468: {  	[tilespmem:s4+$0xFFFFFFF0] =	vst v1;
	v1 =	vmul.f32 v3, v8;
	(pc) =	sbr.rel @p3 .LBB2_21-.Ltmp13, $4  }
0x469: {  	[tilespmem:s4+$0x70] =	vst v2;
	v2 =	vmul.f32 v63, v9  }
0x46a: {  	[tilespmem:s4+$0xF0] =	vst v1  }
0x46b: {  	s31 =	simm.s32 $0x8200;
	[tilespmem:s4+$0xFFFFFF70] =	vst v2  }
0x46c: {  	[spmem:s2] =	stream.indirect.scatter.add.f32 [tilespmem:s31], [sflag:$0x12], $0x80, s5, s18, $0xb8;
	[tilespmem:$0x1E7F0] =	vst v63  }
0x46d: {  	s0 =	simm.s32 $0x0;
	s1 =	rddreg [dreg:$0x12];
	s21 =	simm.s32 $0x200  }
0x46e: {  	[tilespmem:s21], [sflag:$0x5] =	stream.linear.gather [hbm4b:s1+s0], $0x50, $0x38;
	[tilespmem:$0x1E7F0] =	vst v63  }
0x46f: {  	s4 =	rddreg [dreg:$0x13];
	s17 =	simm.s32 $0x600;
	s5 =	simm.s32 $0x4  }
0x470: {  	[tilespmem:s17], [sflag:$0xA] =	stream.linear.gather [hbm4b:s4+s0], $0x50, $0x38;
	[tilespmem:$0x1E7F0] =	vst v63  }
0x471: {  	_ =	swait.ge [sflag:s5], $0x50  }
0x472: {  	[sflag:s5] =	ssyncset.done $0x0  }
0x473: {  	s12 =	simm.s32 $0x9;
	[sflag:s5] =	ssyncadd.s32 $0xFFFFFFB0  }
0x474: {  	_ =	swait.ge [sflag:s12], $0x50  }
0x475: {  	[sflag:s12] =	ssyncset.done $0x0  }
0x476: {  	s23 =	simm.s32 $0x580;
	s16 =	simm.s32 $0x3200;
	[sflag:s12] =	ssyncadd.s32 $0xFFFFFFB0  }
0x477: {  	[tilespmem:s16], [sflag:$0xC] =	stream.indirect.gather [hbm4b:s20+s18], $0x80, s23, s18, $0xb8;
	[tilespmem:$0x1E7F0] =	vst v63  }
0x478: {  	s22 =	simm.s32 $0x180;
	s3 =	simm.s32 $0x880;
	s19 =	rddreg [dreg:$0x3]  }
0x479: {  	[tilespmem:s3], [sflag:$0xE] =	stream.indirect.gather [spmem:s19], $0x1, s22, s18, $0xb8;
	[tilespmem:$0x1E7F0] =	vst v63  }
0x47a: {  	s31 =	simm.s32 $0x980;
	s25 =	rddreg [dreg:$0x4]  }
0x47b: {  	[tilespmem:s31], [sflag:$0x10] =	stream.indirect.gather [spmem:s25], $0x1, s23, s18, $0xb8;
	[tilespmem:$0x1E7F0] =	vst v63  }
0x47c: {  	_ =	swait.ge [sflag:s6], $0x50  }
0x47d: {  	[sflag:s6] =	ssyncset.done $0x0  }
0x47e: {  	[sflag:s6] =	ssyncadd.s32 $0xFFFFFFB0  }
0x47f: {  	_ =	swait.ge [sflag:s7], $0x50  }
0x480: {  	[sflag:s7] =	ssyncset.done $0x0  }
0x481: {  	[sflag:s7] =	ssyncadd.s32 $0xFFFFFFB0  }
0x482: {  	v1 =	vld [tilespmem:$0x800]  }
0x483: {  	v2 =	vld [tilespmem:$0x900];
	_ =	sdelay $0x4  }
0x484: {  	v1 =	vadd.f32 v2, v1;
	_ =	sdelay $0x1  }
0x485: {  	v1 =	vsub.f32 $0.0e+00, v1;
	_ =	sdelay $0x1  }
0x486: {  	v1 =	vmul.f32 $1.442695020e+00, v1;
	_ =	sdelay $0x1  }
0x487: {  	(erf) = vpow2.f32 v1  }
0x488: {  	v2 =	vld [tilespmem:$0x910]  }
0x489: {  	v1 =	vld [tilespmem:$0x810];
	_ =	sdelay $0x4  }
0x48a: {  	v1 =	vadd.f32 v2, v1;
	_ =	sdelay $0x1  }
0x48b: {  	v1 =	vsub.f32 $0.0e+00, v1;
	v2 =	vpop (erf)  }
0x48c: {  	v2 =	vadd.f32 $1.000000000e+00, v2  }
0x48d: {  	v1 =	vmul.f32 $1.442695020e+00, v1  }
0x48e: {  	(erf) = vrcp.f32 v2  }
0x48f: {  	(erf) = vpow2.f32 v1  }
0x490: {  	v2 =	vld [tilespmem:$0x920]  }
0x491: {  	v1 =	vld [tilespmem:$0x820];
	_ =	sdelay $0x4  }
0x492: {  	v1 =	vadd.f32 v2, v1  }
0x493: {  	v2 =	vpop (erf)  }
0x494: {  	v1 =	vsub.f32 $0.0e+00, v1;
	v3 =	vpop (erf)  }
0x495: {  	v3 =	vadd.f32 $1.000000000e+00, v3  }
0x496: {  	v1 =	vmul.f32 $1.442695020e+00, v1  }
0x497: {  	(erf) = vrcp.f32 v3  }
0x498: {  	(erf) = vpow2.f32 v1  }
0x499: {  	v3 =	vld [tilespmem:$0x930]  }
0x49a: {  	v1 =	vld [tilespmem:$0x830];
	_ =	sdelay $0x4  }
0x49b: {  	v1 =	vadd.f32 v3, v1  }
0x49c: {  	v3 =	vpop (erf)  }
0x49d: {  	v1 =	vsub.f32 $0.0e+00, v1;
	v4 =	vpop (erf)  }
0x49e: {  	v4 =	vadd.f32 $1.000000000e+00, v4  }
0x49f: {  	v1 =	vmul.f32 $1.442695020e+00, v1  }
0x4a0: {  	(erf) = vrcp.f32 v4  }
0x4a1: {  	(erf) = vpow2.f32 v1  }
0x4a2: {  	v4 =	vld [tilespmem:$0x940]  }
0x4a3: {  	v1 =	vld [tilespmem:$0x840];
	_ =	sdelay $0x4  }
0x4a4: {  	v1 =	vadd.f32 v4, v1  }
0x4a5: {  	v4 =	vpop (erf)  }
0x4a6: {  	v1 =	vsub.f32 $0.0e+00, v1;
	v5 =	vpop (erf)  }
0x4a7: {  	v5 =	vadd.f32 $1.000000000e+00, v5  }
0x4a8: {  	v1 =	vmul.f32 $1.442695020e+00, v1  }
0x4a9: {  	(erf) = vrcp.f32 v5  }
0x4aa: {  	(erf) = vpow2.f32 v1;
	_ =	sdelay $0x7  }
0x4ab: {  	v1 =	vpop (erf)  }
0x4ac: {  	v5 =	vpop (erf)  }
0x4ad: {  	v5 =	vadd.f32 $1.000000000e+00, v5;
	_ =	sdelay $0x1  }
0x4ae: {  	(erf) = vrcp.f32 v5;
	_ =	sdelay $0x5  }
0x4af: {  	[tilespmem:$0xAA00] =	vst v2  }
0x4b0: {  	[tilespmem:$0xAA10] =	vst v3  }
0x4b1: {  	[tilespmem:$0xAA20] =	vst v4  }
0x4b2: {  	s4 =	simm.s32 $0x2;
	v2 =	vmov s0;
	[tilespmem:$0xAA30] =	vst v1;
	v1 =	vpop (erf)  }
0x4b3: {  	v3 =	vmov s4;
	[tilespmem:$0xAA40] =	vst v1;
	v1 =	vand.u32 $0xFFFFFFFC, v2  }
0x4b4: {  	s3 =	simm.s32 $0x1;
	v3 =	vand.u32 $0xFFFFFFFE, v3;
	_ =	swait.ge [sflag:s30], $0x2800;
	v1 =	vbroadcast v1, $0x0  }
0x4b5: {  	v3 =	vbroadcast v3, $0x0;
	v2 =	vmov s3;
	[sflag:s30] =	ssyncset.done $0x0  }
0x4b6: {  	v2 =	vand.u32 $0xFFFFFFFD, v2;
	[sflag:s30] =	ssyncadd.s32 $0xFFFFD800  }
0x4b7: {  	v2 =	vbroadcast v2, $0x0;
	_ =	swait.ge [sflag:s14], $0x2800  }
0x4b8: {  	[sflag:s14] =	ssyncset.done $0x0  }
0x4b9: {  	[sflag:s14] =	ssyncadd.s32 $0xFFFFD800  }
0x4ba: {  	v6 =	vld.idx.msk [tilespmem:v1+s9+$0x0], $0xffff  }
0x4bb: {  	s5 =	simm.s32 $0x3;
	s3 =	simm.s32 $0xB00;
	v8 =	vld.idx.msk [tilespmem:v3+s9+$0x0], $0xffff  }
0x4bc: {  	v1 =	vmov s5;
	v3 =	vld [tilespmem:s3+$0xFFFFFF00]  }
0x4bd: {  	v7 =	vld.idx.msk [tilespmem:v2+s9+$0x0], $0xffff  }
0x4be: {  	v2 =	vld [tilespmem:s3+$0x0];
	_ =	sdelay $0x1  }
0x4bf: {  	v4 =	vld [tilespmem:s3+$0xFFFFFF80]  }
0x4c0: {  	v5 =	vld.idx.msk [tilespmem:v1+s9+$0x0], $0xffff  }
0x4c1: {  	v1 =	vld [tilespmem:s3+$0x80];
	v3 =	vmul.f32 v3, v6  }
0x4c2: {  	s1 =	simm.s32 $0x5B00;
	v2 =	vmul.f32 v2, v8  }
0x4c3: {  	[tilespmem:s1+$0xFFFFFF00] =	vst v3  }
0x4c4: {  	v4 =	vmul.f32 v4, v7;
	[tilespmem:s1+$0x0] =	vst v2;
	v3 =	vld [tilespmem:s3+$0xFFFFFF10]  }
0x4c5: {  	v2 =	vld [tilespmem:s3+$0x10]  }
0x4c6: {  	[tilespmem:s1+$0xFFFFFF80] =	vst v4;
	v1 =	vmul.f32 v1, v5  }
0x4c7: {  	v4 =	vld [tilespmem:s3+$0xFFFFFF90]  }
0x4c8: {  	[tilespmem:s1+$0x80] =	vst v1  }
0x4c9: {  	v1 =	vld [tilespmem:s3+$0x90];
	v3 =	vmul.f32 v3, v6  }
0x4ca: {  	v2 =	vmul.f32 v2, v8  }
0x4cb: {  	[tilespmem:s1+$0xFFFFFF10] =	vst v3  }
0x4cc: {  	v4 =	vmul.f32 v4, v7;
	[tilespmem:s1+$0x10] =	vst v2;
	v3 =	vld [tilespmem:s3+$0xFFFFFF20]  }
0x4cd: {  	v2 =	vld [tilespmem:s3+$0x20]  }
0x4ce: {  	[tilespmem:s1+$0xFFFFFF90] =	vst v4;
	v1 =	vmul.f32 v1, v5  }
0x4cf: {  	v4 =	vld [tilespmem:s3+$0xFFFFFFA0]  }
0x4d0: {  	[tilespmem:s1+$0x90] =	vst v1  }
0x4d1: {  	s12 =	simm.s32 $0x4;
	v1 =	vld [tilespmem:s3+$0xA0];
	v3 =	vmul.f32 v3, v6  }
0x4d2: {  	v9 =	vmov s12;
	s16 =	simm.s32 $0x5;
	v2 =	vmul.f32 v2, v8  }
0x4d3: {  	v9 =	vand.u32 $0xFFFFFFFC, v9;
	v10 =	vmov s16;
	s4 =	simm.s32 $0x7;
	[tilespmem:s1+$0xFFFFFF20] =	vst v3  }
0x4d4: {  	v9 =	vbroadcast v9, $0x0;
	v4 =	vmul.f32 v4, v7;
	[tilespmem:s1+$0x20] =	vst v2;
	v2 =	vmov s4  }
0x4d5: {  	v10 =	vand.u32 $0xFFFFFFFD, v10;
	v11 =	vld [tilespmem:s3+$0xFFFFFF30]  }
0x4d6: {  	v10 =	vbroadcast v10, $0x0;
	[tilespmem:s1+$0xFFFFFFA0] =	vst v4;
	v3 =	vld [tilespmem:s3+$0x30];
	v1 =	vmul.f32 v1, v5  }
0x4d7: {  	s19 =	simm.s32 $0x6;
	v12 =	vld [tilespmem:s3+$0xFFFFFFB0]  }
0x4d8: {  	[tilespmem:s1+$0xA0] =	vst v1;
	v1 =	vmov s19  }
0x4d9: {  	v4 =	vand.u32 $0xFFFFFFFE, v1;
	v1 =	vld.idx.msk [tilespmem:v2+s9+$0x0], $0xffff  }
0x4da: {  	v2 =	vld.idx.msk [tilespmem:v9+s9+$0x0], $0xffff;
	v9 =	vmul.f32 v11, v6  }
0x4db: {  	v3 =	vmul.f32 v3, v8  }
0x4dc: {  	v14 =	vbroadcast v4, $0x0;
	v4 =	vld.idx.msk [tilespmem:v10+s9+$0x0], $0xffff;
	v10 =	vmul.f32 v12, v7;
	[tilespmem:s1+$0xFFFFFF30] =	vst v9  }
0x4dd: {  	v13 =	vld [tilespmem:s3+$0xB0];
	[tilespmem:s1+$0x30] =	vst v3  }
0x4de: {  	[tilespmem:s1+$0xFFFFFFB0] =	vst v10;
	v9 =	vld [tilespmem:s3+$0x40]  }
0x4df: {  	s0 =	simm.s32 $0xD00;
	v10 =	vld [tilespmem:s3+$0xFFFFFFC0]  }
0x4e0: {  	v12 =	vld [tilespmem:s0+$0x0]  }
0x4e1: {  	v11 =	vld [tilespmem:s3+$0xFFFFFF40]  }
0x4e2: {  	v13 =	vmul.f32 v13, v5;
	v3 =	vld.idx.msk [tilespmem:v14+s9+$0x0], $0xffff  }
0x4e3: {  	v14 =	vld [tilespmem:s0+$0xFFFFFF00];
	v9 =	vmul.f32 v9, v8  }
0x4e4: {  	v15 =	vld [tilespmem:s0+$0xFFFFFF80];
	[tilespmem:s1+$0xB0] =	vst v13;
	v10 =	vmul.f32 v10, v7  }
0x4e5: {  	v16 =	vld [tilespmem:s0+$0x80];
	[tilespmem:s1+$0x40] =	vst v9  }
0x4e6: {  	v9 =	vmul.f32 v11, v6;
	[tilespmem:s1+$0xFFFFFFC0] =	vst v10;
	v10 =	vld [tilespmem:s3+$0xC0]  }
0x4e7: {  	v11 =	vld [tilespmem:s3+$0x50];
	v12 =	vmul.f32 v12, v3  }
0x4e8: {  	s5 =	simm.s32 $0x5D00;
	v13 =	vld [tilespmem:s3+$0xFFFFFFD0];
	[tilespmem:s1+$0xFFFFFF40] =	vst v9;
	v9 =	vmul.f32 v14, v2  }
0x4e9: {  	v14 =	vmul.f32 v15, v4;
	[tilespmem:s5+$0x0] =	vst v12;
	v12 =	vld [tilespmem:s3+$0xFFFFFF50]  }
0x4ea: {  	v15 =	vmul.f32 v16, v1;
	[tilespmem:s5+$0xFFFFFF00] =	vst v9;
	v9 =	vld [tilespmem:s0+$0x10]  }
0x4eb: {  	[tilespmem:s5+$0xFFFFFF80] =	vst v14;
	v16 =	vld [tilespmem:s0+$0xFFFFFF10];
	v10 =	vmul.f32 v10, v5  }
0x4ec: {  	[tilespmem:s5+$0x80] =	vst v15;
	v14 =	vld [tilespmem:s0+$0xFFFFFF90];
	v11 =	vmul.f32 v11, v8  }
0x4ed: {  	v15 =	vld [tilespmem:s0+$0x90];
	v13 =	vmul.f32 v13, v7;
	[tilespmem:s1+$0xC0] =	vst v10  }
0x4ee: {  	[tilespmem:s1+$0x50] =	vst v11;
	v11 =	vmul.f32 v12, v6;
	v10 =	vld [tilespmem:s3+$0xD0]  }
0x4ef: {  	[tilespmem:s1+$0xFFFFFFD0] =	vst v13;
	v12 =	vld [tilespmem:s3+$0x60];
	v9 =	vmul.f32 v9, v3  }
0x4f0: {  	v13 =	vmul.f32 v16, v2;
	[tilespmem:s1+$0xFFFFFF50] =	vst v11;
	v11 =	vld [tilespmem:s3+$0xFFFFFFE0]  }
0x4f1: {  	v14 =	vmul.f32 v14, v4;
	[tilespmem:s5+$0x10] =	vst v9;
	v9 =	vld [tilespmem:s3+$0xFFFFFF60]  }
0x4f2: {  	v15 =	vmul.f32 v15, v1;
	[tilespmem:s5+$0xFFFFFF10] =	vst v13;
	v13 =	vld [tilespmem:s0+$0x20]  }
0x4f3: {  	[tilespmem:s5+$0xFFFFFF90] =	vst v14;
	v16 =	vld [tilespmem:s0+$0xFFFFFF20];
	v10 =	vmul.f32 v10, v5  }
0x4f4: {  	[tilespmem:s5+$0x90] =	vst v15;
	v12 =	vmul.f32 v12, v8  }
0x4f5: {  	v17 =	vld [tilespmem:s0+$0xFFFFFFA0];
	v11 =	vmul.f32 v11, v7;
	[tilespmem:s1+$0xD0] =	vst v10  }
0x4f6: {  	v18 =	vld [tilespmem:s0+$0xA0];
	[tilespmem:s1+$0x60] =	vst v12;
	v9 =	vmul.f32 v9, v6  }
0x4f7: {  	v19 =	vld [tilespmem:s3+$0x70];
	v10 =	vmul.f32 v13, v3;
	[tilespmem:s1+$0xFFFFFFE0] =	vst v11  }
0x4f8: {  	s12 =	simm.s32 $0x9;
	s25 =	simm.s32 $0x8;
	v20 =	vld [tilespmem:s3+$0xE0];
	v11 =	vmul.f32 v16, v2;
	[tilespmem:s1+$0xFFFFFF60] =	vst v9  }
0x4f9: {  	s31 =	simm.s32 $0xB;
	v12 =	vmov s12;
	v14 =	vld [tilespmem:s3+$0xFFFFFFF0];
	v9 =	vmov s25;
	[tilespmem:s5+$0x20] =	vst v10  }
0x4fa: {  	v13 =	vmul.f32 v17, v4;
	v15 =	vld [tilespmem:s3+$0xFFFFFF70];
	v9 =	vand.u32 $0xFFFFFFFC, v9;
	[tilespmem:s5+$0xFFFFFF20] =	vst v11;
	v11 =	vmov s31  }
0x4fb: {  	v17 =	vmul.f32 v18, v1;
	v10 =	vand.u32 $0xFFFFFFFD, v12;
	v16 =	vld [tilespmem:s0+$0x30];
	v9 =	vbroadcast v9, $0x0  }
0x4fc: {  	v10 =	vbroadcast v10, $0x0;
	[tilespmem:s5+$0xFFFFFFA0] =	vst v13;
	v12 =	vld [tilespmem:s0+$0xFFFFFF30];
	v18 =	vmul.f32 v19, v8  }
0x4fd: {  	s4 =	simm.s32 $0xC;
	s12 =	simm.s32 $0xA;
	[tilespmem:s5+$0xA0] =	vst v17;
	v13 =	vld [tilespmem:s0+$0xFFFFFFB0];
	v17 =	vmul.f32 v20, v5  }
.LBB2_27:
0x4fe: {  	p3 =	slt.u32 s4, $0x4C;
	v8 =	vmov s12;
	v19 =	vld [tilespmem:s0+$0xB0];
	v14 =	vmul.f32 v14, v7;
	[tilespmem:s1+$0x70] =	vst v18;
	v7 =	vmov v4  }
0x4ff: {  	v4 =	vand.u32 $0xFFFFFFFE, v8;
	v8 =	vld.idx.msk [tilespmem:v11+s9+$0x0], $0xffff;
	v11 =	vmul.f32 v15, v6;
	[tilespmem:s1+$0xE0] =	vst v17;
	v6 =	vmov v2  }
0x500: {  	v15 =	vbroadcast v4, $0x0;
	v16 =	vmul.f32 v16, v3;
	[tilespmem:s1+$0xFFFFFFF0] =	vst v14;
	v14 =	vld [tilespmem:s3+$0xF0];
	s3 =	smov.u32 s0  }
0x501: {  	v2 =	vld.idx.msk [tilespmem:v9+s9+$0x0], $0xffff;
	v9 =	vmul.f32 v12, v6;
	[tilespmem:s1+$0xFFFFFF70] =	vst v11  }
0x502: {  	v4 =	vld.idx.msk [tilespmem:v10+s9+$0x0], $0xffff;
	v10 =	vmul.f32 v13, v7;
	[tilespmem:s5+$0x30] =	vst v16  }
0x503: {  	[tilespmem:s5+$0xFFFFFF30] =	vst v9;
	v9 =	vld [tilespmem:s0+$0x40];
	v11 =	vmul.f32 v19, v1  }
0x504: {  	v12 =	vld [tilespmem:s0+$0xFFFFFF40];
	[tilespmem:s5+$0xFFFFFFB0] =	vst v10  }
0x505: {  	v10 =	vld [tilespmem:s0+$0xFFFFFFC0];
	[tilespmem:s5+$0xB0] =	vst v11;
	v11 =	vmul.f32 v14, v5;
	v5 =	vmov v1;
	v1 =	vmov v8  }
0x506: {  	s0 =	sadd.s32 $0x200, s0;
	v8 =	vld.idx.msk [tilespmem:v15+s9+$0x0], $0xffff  }
0x507: {  	v13 =	vld [tilespmem:s0+$0x0];
	[tilespmem:s1+$0xF0] =	vst v11;
	s1 =	smov.u32 s5  }
0x508: {  	v11 =	vld [tilespmem:s0+$0xFFFFFF00];
	v9 =	vmul.f32 v9, v3  }
0x509: {  	v14 =	vld [tilespmem:s0+$0xFFFFFF80];
	v12 =	vmul.f32 v12, v6  }
0x50a: {  	v15 =	vld [tilespmem:s0+$0x80];
	v10 =	vmul.f32 v10, v7;
	[tilespmem:s5+$0x40] =	vst v9  }
0x50b: {  	[tilespmem:s5+$0xFFFFFF40] =	vst v12;
	v9 =	vld [tilespmem:s3+$0x50]  }
0x50c: {  	v12 =	vmul.f32 v13, v8;
	[tilespmem:s5+$0xFFFFFFC0] =	vst v10;
	v10 =	vld [tilespmem:s3+$0xC0]  }
0x50d: {  	s5 =	sadd.s32 $0x200, s5;
	v11 =	vmul.f32 v11, v2;
	v13 =	vld [tilespmem:s3+$0xFFFFFFD0]  }
0x50e: {  	v14 =	vmul.f32 v14, v4;
	[tilespmem:s5+$0x0] =	vst v12;
	v12 =	vld [tilespmem:s3+$0xFFFFFF50]  }
0x50f: {  	[tilespmem:s5+$0xFFFFFF00] =	vst v11;
	v11 =	vld [tilespmem:s0+$0x10];
	v15 =	vmul.f32 v15, v1  }
0x510: {  	v16 =	vld [tilespmem:s0+$0xFFFFFF10];
	[tilespmem:s5+$0xFFFFFF80] =	vst v14;
	v9 =	vmul.f32 v9, v3  }
0x511: {  	v14 =	vld [tilespmem:s0+$0xFFFFFF90];
	[tilespmem:s5+$0x80] =	vst v15;
	v10 =	vmul.f32 v10, v5  }
0x512: {  	v15 =	vld [tilespmem:s0+$0x90];
	v13 =	vmul.f32 v13, v7;
	[tilespmem:s1+$0x50] =	vst v9  }
0x513: {  	v9 =	vmul.f32 v12, v6;
	v12 =	vld [tilespmem:s3+$0x60];
	[tilespmem:s1+$0xC0] =	vst v10  }
0x514: {  	v10 =	vmul.f32 v11, v8;
	[tilespmem:s1+$0xFFFFFFD0] =	vst v13;
	v11 =	vld [tilespmem:s3+$0xD0]  }
0x515: {  	v13 =	vmul.f32 v16, v2;
	[tilespmem:s1+$0xFFFFFF50] =	vst v9;
	v9 =	vld [tilespmem:s3+$0xFFFFFFE0]  }
0x516: {  	v14 =	vmul.f32 v14, v4;
	[tilespmem:s5+$0x10] =	vst v10;
	v10 =	vld [tilespmem:s3+$0xFFFFFF60]  }
0x517: {  	[tilespmem:s5+$0xFFFFFF10] =	vst v13;
	v13 =	vld [tilespmem:s0+$0x20];
	v15 =	vmul.f32 v15, v1  }
0x518: {  	v16 =	vld [tilespmem:s0+$0xFFFFFF20];
	[tilespmem:s5+$0xFFFFFF90] =	vst v14;
	v12 =	vmul.f32 v12, v3  }
0x519: {  	v17 =	vld [tilespmem:s0+$0xFFFFFFA0];
	[tilespmem:s5+$0x90] =	vst v15;
	v11 =	vmul.f32 v11, v5  }
0x51a: {  	v18 =	vld [tilespmem:s0+$0xA0];
	v9 =	vmul.f32 v9, v7;
	[tilespmem:s1+$0x60] =	vst v12  }
0x51b: {  	v10 =	vmul.f32 v10, v6;
	v19 =	vld [tilespmem:s3+$0x70];
	[tilespmem:s1+$0xD0] =	vst v11  }
0x51c: {  	s12 =	sadd.s32 $0x3, s4;
	v12 =	vmul.f32 v13, v8;
	[tilespmem:s1+$0xFFFFFFE0] =	vst v9;
	v20 =	vld [tilespmem:s3+$0xE0]  }
.Ltmp14:
0x51d: {  	s16 =	sadd.s32 $0x1, s4;
	v11 =	vmov s12;
	v9 =	vmov s4;
	v13 =	vmul.f32 v16, v2;
	[tilespmem:s1+$0xFFFFFF60] =	vst v10;
	v14 =	vld [tilespmem:s3+$0xFFFFFFF0];
	(pc) =	sbr.rel @p3 .LBB2_27-.Ltmp14, $4  }
0x51e: {  	v9 =	vand.u32 $0xFFFFFFFC, v9;
	v10 =	vmov s16;
	v17 =	vmul.f32 v17, v4;
	[tilespmem:s5+$0x20] =	vst v12;
	v15 =	vld [tilespmem:s3+$0xFFFFFF70]  }
0x51f: {  	v9 =	vbroadcast v9, $0x0;
	v10 =	vand.u32 $0xFFFFFFFD, v10;
	[tilespmem:s5+$0xFFFFFF20] =	vst v13;
	v16 =	vld [tilespmem:s0+$0x30];
	v21 =	vmul.f32 v18, v1  }
0x520: {  	v10 =	vbroadcast v10, $0x0;
	v12 =	vld [tilespmem:s0+$0xFFFFFF30];
	[tilespmem:s5+$0xFFFFFFA0] =	vst v17;
	v18 =	vmul.f32 v19, v3;
	v3 =	vmov v8  }
0x521: {  	s12 =	sadd.s32 $0x2, s4;
	s4 =	sadd.s32 $0x4, s4;
	v13 =	vld [tilespmem:s0+$0xFFFFFFB0];
	[tilespmem:s5+$0xA0] =	vst v21;
	v17 =	vmul.f32 v20, v5  }
0x522: {  	v8 =	vmov s12  }
0x523: {  	v8 =	vand.u32 $0xFFFFFFFE, v8  }
0x524: {  	v19 =	vbroadcast v8, $0x0;
	_ =	sdelay $0x2  }
0x525: {  	v9 =	vld.idx.msk [tilespmem:v9+s9+$0x0], $0xffff  }
0x526: {  	v10 =	vld.idx.msk [tilespmem:v10+s9+$0x0], $0xffff  }
0x527: {  	v8 =	vld.idx.msk [tilespmem:v11+s9+$0x0], $0xffff  }
0x528: {  	s31 =	sadd.s32 $0x200, s0;
	v11 =	vld.idx.msk [tilespmem:v19+s9+$0x0], $0xffff  }
0x529: {  	v19 =	vld [tilespmem:s31+$0x0]  }
0x52a: {  	v20 =	vld [tilespmem:s31+$0xFFFFFF80]  }
0x52b: {  	v21 =	vld [tilespmem:s31+$0xFFFFFF00]  }
0x52c: {  	v22 =	vld [tilespmem:s31+$0x80];
	_ =	sdelay $0x1  }
0x52d: {  	v19 =	vmul.f32 v19, v11  }
0x52e: {  	s4 =	sadd.s32 $0x200, s5;
	v20 =	vmul.f32 v20, v10  }
0x52f: {  	v21 =	vmul.f32 v21, v9;
	[tilespmem:s4+$0x0] =	vst v19  }
0x530: {  	v22 =	vmul.f32 v22, v8;
	[tilespmem:s4+$0xFFFFFF80] =	vst v20;
	v19 =	vld [tilespmem:s31+$0x10]  }
0x531: {  	[tilespmem:s4+$0xFFFFFF00] =	vst v21;
	v20 =	vld [tilespmem:s31+$0xFFFFFF90]  }
0x532: {  	v21 =	vld [tilespmem:s31+$0xFFFFFF10];
	[tilespmem:s4+$0x80] =	vst v22  }
0x533: {  	v22 =	vld [tilespmem:s31+$0x90];
	_ =	sdelay $0x1  }
0x534: {  	v19 =	vmul.f32 v19, v11  }
0x535: {  	[tilespmem:s1+$0x70] =	vst v18;
	v18 =	vmul.f32 v20, v10  }
0x536: {  	[tilespmem:s4+$0x10] =	vst v19;
	v19 =	vmul.f32 v21, v9  }
0x537: {  	v20 =	vmul.f32 v22, v8;
	[tilespmem:s4+$0xFFFFFF90] =	vst v18;
	v18 =	vld [tilespmem:s31+$0x20]  }
0x538: {  	[tilespmem:s4+$0xFFFFFF10] =	vst v19;
	v19 =	vld [tilespmem:s31+$0xFFFFFFA0]  }
0x539: {  	v7 =	vmul.f32 v14, v7;
	[tilespmem:s4+$0x90] =	vst v20;
	v14 =	vld [tilespmem:s31+$0xFFFFFF20]  }
0x53a: {  	v6 =	vmul.f32 v15, v6;
	[tilespmem:s1+$0xE0] =	vst v17;
	v15 =	vld [tilespmem:s31+$0xA0]  }
0x53b: {  	v16 =	vmul.f32 v16, v3;
	[tilespmem:s1+$0xFFFFFFF0] =	vst v7  }
0x53c: {  	[tilespmem:s1+$0xFFFFFF70] =	vst v6;
	v6 =	vmul.f32 v18, v11  }
0x53d: {  	v7 =	vld [tilespmem:s0+$0xB0];
	[tilespmem:s5+$0x30] =	vst v16;
	v16 =	vmul.f32 v19, v10  }
0x53e: {  	v17 =	vld [tilespmem:s3+$0xF0];
	v14 =	vmul.f32 v14, v9;
	[tilespmem:s4+$0x20] =	vst v6  }
0x53f: {  	v15 =	vmul.f32 v15, v8;
	v6 =	vld [tilespmem:s31+$0x30];
	[tilespmem:s4+$0xFFFFFFA0] =	vst v16  }
0x540: {  	v12 =	vmul.f32 v12, v2;
	[tilespmem:s4+$0xFFFFFF20] =	vst v14;
	v14 =	vld [tilespmem:s31+$0xFFFFFFB0]  }
0x541: {  	v13 =	vmul.f32 v13, v4;
	[tilespmem:s4+$0xA0] =	vst v15;
	v16 =	vld [tilespmem:s31+$0xFFFFFF30]  }
0x542: {  	[tilespmem:s5+$0xFFFFFF30] =	vst v12;
	v7 =	vmul.f32 v7, v1;
	v12 =	vld [tilespmem:s31+$0xB0]  }
0x543: {  	[tilespmem:s5+$0xFFFFFFB0] =	vst v13;
	v5 =	vmul.f32 v17, v5;
	v15 =	vld [tilespmem:s0+$0x40]  }
0x544: {  	v13 =	vld [tilespmem:s0+$0xFFFFFFC0];
	[tilespmem:s5+$0xB0] =	vst v7;
	v6 =	vmul.f32 v6, v11  }
0x545: {  	v7 =	vld [tilespmem:s0+$0xFFFFFF40];
	[tilespmem:s1+$0xF0] =	vst v5;
	v5 =	vmul.f32 v14, v10  }
0x546: {  	v14 =	vld [tilespmem:s0+$0xC0];
	v16 =	vmul.f32 v16, v9;
	[tilespmem:s4+$0x30] =	vst v6  }
0x547: {  	v12 =	vmul.f32 v12, v8;
	v6 =	vld [tilespmem:s31+$0x40];
	[tilespmem:s4+$0xFFFFFFB0] =	vst v5  }
0x548: {  	v5 =	vmul.f32 v15, v3;
	[tilespmem:s4+$0xFFFFFF30] =	vst v16;
	v15 =	vld [tilespmem:s31+$0xFFFFFFC0]  }
0x549: {  	v13 =	vmul.f32 v13, v4;
	[tilespmem:s4+$0xB0] =	vst v12;
	v16 =	vld [tilespmem:s31+$0xFFFFFF40]  }
0x54a: {  	v7 =	vmul.f32 v7, v2;
	[tilespmem:s5+$0x40] =	vst v5;
	v5 =	vld [tilespmem:s31+$0xC0]  }
0x54b: {  	[tilespmem:s5+$0xFFFFFFC0] =	vst v13;
	v12 =	vld [tilespmem:s0+$0x50];
	v13 =	vmul.f32 v14, v1  }
0x54c: {  	[tilespmem:s5+$0xFFFFFF40] =	vst v7;
	v7 =	vld [tilespmem:s0+$0xFFFFFFD0];
	v6 =	vmul.f32 v6, v11  }
0x54d: {  	v14 =	vld [tilespmem:s0+$0xFFFFFF50];
	[tilespmem:s5+$0xC0] =	vst v13;
	v13 =	vmul.f32 v15, v10  }
0x54e: {  	v15 =	vld [tilespmem:s0+$0xD0];
	v16 =	vmul.f32 v16, v9;
	[tilespmem:s4+$0x40] =	vst v6  }
0x54f: {  	v5 =	vmul.f32 v5, v8;
	v6 =	vld [tilespmem:s31+$0x50];
	[tilespmem:s4+$0xFFFFFFC0] =	vst v13  }
0x550: {  	v12 =	vmul.f32 v12, v3;
	[tilespmem:s4+$0xFFFFFF40] =	vst v16;
	v13 =	vld [tilespmem:s31+$0xFFFFFFD0]  }
0x551: {  	v7 =	vmul.f32 v7, v4;
	[tilespmem:s4+$0xC0] =	vst v5;
	v16 =	vld [tilespmem:s31+$0xFFFFFF50]  }
0x552: {  	v5 =	vmul.f32 v14, v2;
	[tilespmem:s5+$0x50] =	vst v12;
	v12 =	vld [tilespmem:s31+$0xD0]  }
0x553: {  	[tilespmem:s5+$0xFFFFFFD0] =	vst v7;
	v14 =	vld [tilespmem:s0+$0x60];
	v7 =	vmul.f32 v15, v1  }
0x554: {  	[tilespmem:s5+$0xFFFFFF50] =	vst v5;
	v5 =	vld [tilespmem:s0+$0xFFFFFFE0];
	v6 =	vmul.f32 v6, v11  }
0x555: {  	v15 =	vld [tilespmem:s0+$0xFFFFFF60];
	[tilespmem:s5+$0xD0] =	vst v7;
	v7 =	vmul.f32 v13, v10  }
0x556: {  	v13 =	vld [tilespmem:s0+$0xE0];
	[tilespmem:s4+$0x50] =	vst v6;
	v6 =	vmul.f32 v16, v9  }
0x557: {  	v16 =	vld [tilespmem:s31+$0x60];
	[tilespmem:s4+$0xFFFFFFD0] =	vst v7;
	v7 =	vmul.f32 v12, v8  }
0x558: {  	v12 =	vmul.f32 v14, v3;
	[tilespmem:s4+$0xFFFFFF50] =	vst v6;
	v6 =	vld [tilespmem:s31+$0xFFFFFFE0]  }
0x559: {  	v5 =	vmul.f32 v5, v4;
	v14 =	vld [tilespmem:s31+$0xFFFFFF60];
	[tilespmem:s4+$0xD0] =	vst v7  }
0x55a: {  	[tilespmem:s5+$0x60] =	vst v12;
	v7 =	vmul.f32 v15, v2;
	v12 =	vld [tilespmem:s31+$0xE0]  }
0x55b: {  	[tilespmem:s5+$0xFFFFFFE0] =	vst v5;
	v15 =	vld [tilespmem:s0+$0x70];
	v5 =	vmul.f32 v13, v1  }
0x55c: {  	[tilespmem:s5+$0xFFFFFF60] =	vst v7;
	v7 =	vld [tilespmem:s0+$0xFFFFFFF0];
	v13 =	vmul.f32 v16, v11  }
0x55d: {  	v16 =	vld [tilespmem:s0+$0xFFFFFF70];
	[tilespmem:s5+$0xE0] =	vst v5;
	v5 =	vmul.f32 v6, v10  }
0x55e: {  	v6 =	vld [tilespmem:s0+$0xF0];
	[tilespmem:s4+$0x60] =	vst v13;
	v13 =	vmul.f32 v14, v9  }
0x55f: {  	v14 =	vld [tilespmem:s31+$0x70];
	[tilespmem:s4+$0xFFFFFFE0] =	vst v5;
	v5 =	vmul.f32 v12, v8  }
0x560: {  	v3 =	vmul.f32 v15, v3;
	[tilespmem:s4+$0xFFFFFF60] =	vst v13;
	v12 =	vld [tilespmem:s31+$0xFFFFFFF0]  }
0x561: {  	v4 =	vmul.f32 v7, v4;
	v7 =	vld [tilespmem:s31+$0xFFFFFF70];
	[tilespmem:s4+$0xE0] =	vst v5  }
0x562: {  	[tilespmem:s5+$0x70] =	vst v3;
	v2 =	vmul.f32 v16, v2;
	v3 =	vld [tilespmem:s31+$0xF0]  }
0x563: {  	[tilespmem:s5+$0xFFFFFFF0] =	vst v4;
	v1 =	vmul.f32 v6, v1  }
0x564: {  	[tilespmem:s5+$0xFFFFFF70] =	vst v2;
	v2 =	vmul.f32 v14, v11  }
0x565: {  	[tilespmem:s5+$0xF0] =	vst v1;
	v1 =	vmul.f32 v12, v10  }
0x566: {  	[tilespmem:s4+$0x70] =	vst v2;
	v2 =	vmul.f32 v7, v9  }
0x567: {  	[tilespmem:s4+$0xFFFFFFF0] =	vst v1;
	v1 =	vmul.f32 v3, v8  }
0x568: {  	[tilespmem:s4+$0xFFFFFF70] =	vst v2  }
0x569: {  	s19 =	simm.s32 $0x100;
	s12 =	simm.s32 $0x5A00;
	s16 =	simm.s32 $0x5;
	[tilespmem:s4+$0xF0] =	vst v1  }
0x56a: {  	[spmem:s2] =	stream.indirect.scatter.add.f32 [tilespmem:s12], [sflag:$0x11], $0x80, s19, s18, $0xb8;
	[tilespmem:$0x1E7F0] =	vst v63  }
0x56b: {  	_ =	swait.ge [sflag:s16], $0x50  }
0x56c: {  	[sflag:s16] =	ssyncset.done $0x0  }
0x56d: {  	s25 =	simm.s32 $0xA;
	[sflag:s16] =	ssyncadd.s32 $0xFFFFFFB0  }
0x56e: {  	_ =	swait.ge [sflag:s25], $0x50  }
0x56f: {  	[sflag:s25] =	ssyncset.done $0x0  }
0x570: {  	[sflag:s25] =	ssyncadd.s32 $0xFFFFFFB0  }
0x571: {  	[tilespmem:s29], [sflag:$0xB] =	stream.indirect.gather [hbm4b:s20+s18], $0x80, s17, s18, $0xb8;
	[tilespmem:$0x1E7F0] =	vst v63  }
0x572: {  	s31 =	simm.s32 $0x800;
	s0 =	rddreg [dreg:$0x3]  }
0x573: {  	[tilespmem:s31], [sflag:$0xD] =	stream.indirect.gather [spmem:s0], $0x1, s21, s18, $0xb8;
	[tilespmem:$0x1E7F0] =	vst v63  }
0x574: {  	s5 =	simm.s32 $0xE;
	s4 =	simm.s32 $0x900;
	s3 =	rddreg [dreg:$0x4]  }
0x575: {  	[tilespmem:s4], [sflag:$0xF] =	stream.indirect.gather [spmem:s3], $0x1, s17, s18, $0xb8;
	[tilespmem:$0x1E7F0] =	vst v63  }
0x576: {  	_ =	swait.ge [sflag:s5], $0x50  }
0x577: {  	[sflag:s5] =	ssyncset.done $0x0  }
0x578: {  	s12 =	simm.s32 $0x10;
	[sflag:s5] =	ssyncadd.s32 $0xFFFFFFB0  }
0x579: {  	_ =	swait.ge [sflag:s12], $0x50  }
0x57a: {  	[sflag:s12] =	ssyncset.done $0x0  }
0x57b: {  	[sflag:s12] =	ssyncadd.s32 $0xFFFFFFB0  }
0x57c: {  	v1 =	vld [tilespmem:$0x880]  }
0x57d: {  	v2 =	vld [tilespmem:$0x980];
	_ =	sdelay $0x4  }
0x57e: {  	v1 =	vadd.f32 v2, v1;
	_ =	sdelay $0x1  }
0x57f: {  	v1 =	vsub.f32 $0.0e+00, v1;
	_ =	sdelay $0x1  }
0x580: {  	v1 =	vmul.f32 $1.442695020e+00, v1;
	_ =	sdelay $0x1  }
0x581: {  	(erf) = vpow2.f32 v1  }
0x582: {  	v2 =	vld [tilespmem:$0x990]  }
0x583: {  	v1 =	vld [tilespmem:$0x890];
	_ =	sdelay $0x4  }
0x584: {  	v1 =	vadd.f32 v2, v1;
	_ =	sdelay $0x1  }
0x585: {  	v1 =	vsub.f32 $0.0e+00, v1;
	v2 =	vpop (erf)  }
0x586: {  	v2 =	vadd.f32 $1.000000000e+00, v2  }
0x587: {  	v1 =	vmul.f32 $1.442695020e+00, v1  }
0x588: {  	(erf) = vrcp.f32 v2  }
0x589: {  	(erf) = vpow2.f32 v1  }
0x58a: {  	v2 =	vld [tilespmem:$0x9A0]  }
0x58b: {  	v1 =	vld [tilespmem:$0x8A0];
	_ =	sdelay $0x4  }
0x58c: {  	v1 =	vadd.f32 v2, v1  }
0x58d: {  	v2 =	vpop (erf)  }
0x58e: {  	v1 =	vsub.f32 $0.0e+00, v1;
	v3 =	vpop (erf)  }
0x58f: {  	v3 =	vadd.f32 $1.000000000e+00, v3  }
0x590: {  	v1 =	vmul.f32 $1.442695020e+00, v1  }
0x591: {  	(erf) = vrcp.f32 v3  }
0x592: {  	(erf) = vpow2.f32 v1  }
0x593: {  	v3 =	vld [tilespmem:$0x9B0]  }
0x594: {  	v1 =	vld [tilespmem:$0x8B0];
	_ =	sdelay $0x4  }
0x595: {  	v1 =	vadd.f32 v3, v1  }
0x596: {  	v3 =	vpop (erf)  }
0x597: {  	v1 =	vsub.f32 $0.0e+00, v1;
	v4 =	vpop (erf)  }
0x598: {  	v4 =	vadd.f32 $1.000000000e+00, v4  }
0x599: {  	v1 =	vmul.f32 $1.442695020e+00, v1  }
0x59a: {  	(erf) = vrcp.f32 v4  }
0x59b: {  	(erf) = vpow2.f32 v1  }
0x59c: {  	v4 =	vld [tilespmem:$0x9C0]  }
0x59d: {  	v1 =	vld [tilespmem:$0x8C0];
	_ =	sdelay $0x4  }
0x59e: {  	v1 =	vadd.f32 v4, v1  }
0x59f: {  	v4 =	vpop (erf)  }
0x5a0: {  	v1 =	vsub.f32 $0.0e+00, v1;
	v5 =	vpop (erf)  }
0x5a1: {  	v5 =	vadd.f32 $1.000000000e+00, v5  }
0x5a2: {  	v1 =	vmul.f32 $1.442695020e+00, v1  }
0x5a3: {  	(erf) = vrcp.f32 v5  }
0x5a4: {  	(erf) = vpow2.f32 v1;
	_ =	sdelay $0x7  }
0x5a5: {  	v1 =	vpop (erf)  }
0x5a6: {  	v5 =	vpop (erf)  }
0x5a7: {  	v5 =	vadd.f32 $1.000000000e+00, v5;
	_ =	sdelay $0x1  }
0x5a8: {  	(erf) = vrcp.f32 v5;
	_ =	sdelay $0x5  }
0x5a9: {  	[tilespmem:$0xAA00] =	vst v2  }
0x5aa: {  	[tilespmem:$0xAA10] =	vst v3  }
0x5ab: {  	s16 =	simm.s32 $0x0;
	[tilespmem:$0xAA20] =	vst v4  }
0x5ac: {  	s25 =	simm.s32 $0x2;
	v2 =	vmov s16;
	[tilespmem:$0xAA30] =	vst v1;
	v1 =	vpop (erf)  }
0x5ad: {  	s31 =	simm.s32 $0xC;
	s17 =	simm.s32 $0x1;
	v3 =	vmov s25;
	[tilespmem:$0xAA40] =	vst v1;
	v1 =	vand.u32 $0xFFFFFFFC, v2  }
0x5ae: {  	v3 =	vand.u32 $0xFFFFFFFE, v3;
	v2 =	vmov s17;
	_ =	swait.ge [sflag:s31], $0x2800;
	v1 =	vbroadcast v1, $0x0  }
0x5af: {  	v3 =	vbroadcast v3, $0x0;
	v2 =	vand.u32 $0xFFFFFFFD, v2;
	[sflag:s31] =	ssyncset.done $0x0  }
0x5b0: {  	v2 =	vbroadcast v2, $0x0;
	[sflag:s31] =	ssyncadd.s32 $0xFFFFD800  }
0x5b1: {  	_ =	swait.ge [sflag:s15], $0x2800  }
0x5b2: {  	[sflag:s15] =	ssyncset.done $0x0  }
0x5b3: {  	[sflag:s15] =	ssyncadd.s32 $0xFFFFD800  }
0x5b4: {  	v6 =	vld.idx.msk [tilespmem:v1+s9+$0x0], $0xffff  }
0x5b5: {  	s3 =	simm.s32 $0x3;
	v8 =	vld.idx.msk [tilespmem:v3+s9+$0x0], $0xffff  }
0x5b6: {  	v1 =	vmov s3;
	s3 =	simm.s32 $0x3300;
	v7 =	vld.idx.msk [tilespmem:v2+s9+$0x0], $0xffff  }
0x5b7: {  	v2 =	vld [tilespmem:s3+$0x0]  }
0x5b8: {  	v3 =	vld [tilespmem:s3+$0xFFFFFF00]  }
0x5b9: {  	v4 =	vld [tilespmem:s3+$0xFFFFFF80];
	_ =	sdelay $0x1  }
0x5ba: {  	v5 =	vld.idx.msk [tilespmem:v1+s9+$0x0], $0xffff  }
0x5bb: {  	v1 =	vld [tilespmem:s3+$0x80];
	v2 =	vmul.f32 v2, v8  }
0x5bc: {  	s1 =	simm.s32 $0x8300;
	v3 =	vmul.f32 v3, v6  }
0x5bd: {  	v4 =	vmul.f32 v4, v7;
	[tilespmem:s1+$0x0] =	vst v2  }
0x5be: {  	[tilespmem:s1+$0xFFFFFF00] =	vst v3;
	v2 =	vld [tilespmem:s3+$0x10]  }
0x5bf: {  	[tilespmem:s1+$0xFFFFFF80] =	vst v4;
	v3 =	vld [tilespmem:s3+$0xFFFFFF10]  }
0x5c0: {  	v4 =	vld [tilespmem:s3+$0xFFFFFF90];
	v1 =	vmul.f32 v1, v5;
	_ =	sdelay $0x1  }
0x5c1: {  	[tilespmem:s1+$0x80] =	vst v1  }
0x5c2: {  	v1 =	vld [tilespmem:s3+$0x90];
	v2 =	vmul.f32 v2, v8  }
0x5c3: {  	v3 =	vmul.f32 v3, v6  }
0x5c4: {  	v4 =	vmul.f32 v4, v7;
	[tilespmem:s1+$0x10] =	vst v2  }
0x5c5: {  	[tilespmem:s1+$0xFFFFFF10] =	vst v3;
	v2 =	vld [tilespmem:s3+$0x20]  }
0x5c6: {  	[tilespmem:s1+$0xFFFFFF90] =	vst v4;
	v3 =	vld [tilespmem:s3+$0xFFFFFF20]  }
0x5c7: {  	v4 =	vld [tilespmem:s3+$0xFFFFFFA0];
	v1 =	vmul.f32 v1, v5;
	_ =	sdelay $0x1  }
0x5c8: {  	[tilespmem:s1+$0x90] =	vst v1  }
0x5c9: {  	s4 =	simm.s32 $0x4;
	v1 =	vld [tilespmem:s3+$0xA0];
	v2 =	vmul.f32 v2, v8  }
0x5ca: {  	v9 =	vmov s4;
	s5 =	simm.s32 $0x5;
	v3 =	vmul.f32 v3, v6  }
0x5cb: {  	v9 =	vand.u32 $0xFFFFFFFC, v9;
	v10 =	vmov s5;
	s12 =	simm.s32 $0x7;
	v4 =	vmul.f32 v4, v7;
	[tilespmem:s1+$0x20] =	vst v2  }
0x5cc: {  	v9 =	vbroadcast v9, $0x0;
	v10 =	vand.u32 $0xFFFFFFFD, v10;
	v2 =	vmov s12;
	[tilespmem:s1+$0xFFFFFF20] =	vst v3;
	v3 =	vld [tilespmem:s3+$0x30]  }
0x5cd: {  	v10 =	vbroadcast v10, $0x0;
	[tilespmem:s1+$0xFFFFFFA0] =	vst v4;
	v11 =	vld [tilespmem:s3+$0xFFFFFF30]  }
0x5ce: {  	v12 =	vld [tilespmem:s3+$0xFFFFFFB0];
	v1 =	vmul.f32 v1, v5  }
0x5cf: {  	s16 =	simm.s32 $0x6  }
0x5d0: {  	[tilespmem:s1+$0xA0] =	vst v1;
	v1 =	vmov s16  }
0x5d1: {  	v4 =	vand.u32 $0xFFFFFFFE, v1;
	v1 =	vld.idx.msk [tilespmem:v2+s9+$0x0], $0xffff;
	v3 =	vmul.f32 v3, v8  }
0x5d2: {  	v2 =	vld.idx.msk [tilespmem:v9+s9+$0x0], $0xffff;
	v9 =	vmul.f32 v11, v6  }
0x5d3: {  	v14 =	vbroadcast v4, $0x0;
	v4 =	vld.idx.msk [tilespmem:v10+s9+$0x0], $0xffff;
	v10 =	vmul.f32 v12, v7;
	[tilespmem:s1+$0x30] =	vst v3  }
0x5d4: {  	v13 =	vld [tilespmem:s3+$0xB0];
	[tilespmem:s1+$0xFFFFFF30] =	vst v9  }
0x5d5: {  	[tilespmem:s1+$0xFFFFFFB0] =	vst v10;
	v9 =	vld [tilespmem:s3+$0x40]  }
0x5d6: {  	s0 =	simm.s32 $0x3500;
	v10 =	vld [tilespmem:s3+$0xFFFFFFC0]  }
0x5d7: {  	v12 =	vld [tilespmem:s0+$0x0]  }
0x5d8: {  	v11 =	vld [tilespmem:s3+$0xFFFFFF40]  }
0x5d9: {  	v13 =	vmul.f32 v13, v5;
	v3 =	vld.idx.msk [tilespmem:v14+s9+$0x0], $0xffff  }
0x5da: {  	v14 =	vld [tilespmem:s0+$0xFFFFFF00];
	v9 =	vmul.f32 v9, v8  }
0x5db: {  	v15 =	vld [tilespmem:s0+$0xFFFFFF80];
	[tilespmem:s1+$0xB0] =	vst v13;
	v10 =	vmul.f32 v10, v7  }
0x5dc: {  	v16 =	vld [tilespmem:s0+$0x80];
	[tilespmem:s1+$0x40] =	vst v9  }
0x5dd: {  	v9 =	vmul.f32 v11, v6;
	[tilespmem:s1+$0xFFFFFFC0] =	vst v10;
	v10 =	vld [tilespmem:s3+$0xC0]  }
0x5de: {  	v11 =	vld [tilespmem:s3+$0x50];
	v12 =	vmul.f32 v12, v3  }
0x5df: {  	s5 =	simm.s32 $0x8500;
	v13 =	vld [tilespmem:s3+$0xFFFFFFD0];
	[tilespmem:s1+$0xFFFFFF40] =	vst v9;
	v9 =	vmul.f32 v14, v2  }
0x5e0: {  	v14 =	vmul.f32 v15, v4;
	[tilespmem:s5+$0x0] =	vst v12;
	v12 =	vld [tilespmem:s3+$0xFFFFFF50]  }
0x5e1: {  	v15 =	vmul.f32 v16, v1;
	[tilespmem:s5+$0xFFFFFF00] =	vst v9;
	v9 =	vld [tilespmem:s0+$0x10]  }
0x5e2: {  	[tilespmem:s5+$0xFFFFFF80] =	vst v14;
	v16 =	vld [tilespmem:s0+$0xFFFFFF10];
	v10 =	vmul.f32 v10, v5  }
0x5e3: {  	[tilespmem:s5+$0x80] =	vst v15;
	v14 =	vld [tilespmem:s0+$0xFFFFFF90];
	v11 =	vmul.f32 v11, v8  }
0x5e4: {  	v15 =	vld [tilespmem:s0+$0x90];
	v13 =	vmul.f32 v13, v7;
	[tilespmem:s1+$0xC0] =	vst v10  }
0x5e5: {  	[tilespmem:s1+$0x50] =	vst v11;
	v11 =	vmul.f32 v12, v6;
	v10 =	vld [tilespmem:s3+$0xD0]  }
0x5e6: {  	[tilespmem:s1+$0xFFFFFFD0] =	vst v13;
	v12 =	vld [tilespmem:s3+$0x60];
	v9 =	vmul.f32 v9, v3  }
0x5e7: {  	v13 =	vmul.f32 v16, v2;
	[tilespmem:s1+$0xFFFFFF50] =	vst v11;
	v11 =	vld [tilespmem:s3+$0xFFFFFFE0]  }
0x5e8: {  	v14 =	vmul.f32 v14, v4;
	[tilespmem:s5+$0x10] =	vst v9;
	v9 =	vld [tilespmem:s3+$0xFFFFFF60]  }
0x5e9: {  	v15 =	vmul.f32 v15, v1;
	[tilespmem:s5+$0xFFFFFF10] =	vst v13;
	v13 =	vld [tilespmem:s0+$0x20]  }
0x5ea: {  	[tilespmem:s5+$0xFFFFFF90] =	vst v14;
	v16 =	vld [tilespmem:s0+$0xFFFFFF20];
	v10 =	vmul.f32 v10, v5  }
0x5eb: {  	[tilespmem:s5+$0x90] =	vst v15;
	v12 =	vmul.f32 v12, v8  }
0x5ec: {  	v17 =	vld [tilespmem:s0+$0xFFFFFFA0];
	v11 =	vmul.f32 v11, v7;
	[tilespmem:s1+$0xD0] =	vst v10  }
0x5ed: {  	v18 =	vld [tilespmem:s0+$0xA0];
	[tilespmem:s1+$0x60] =	vst v12;
	v9 =	vmul.f32 v9, v6  }
0x5ee: {  	v19 =	vld [tilespmem:s3+$0x70];
	v10 =	vmul.f32 v13, v3;
	[tilespmem:s1+$0xFFFFFFE0] =	vst v11  }
0x5ef: {  	s25 =	simm.s32 $0x9;
	s17 =	simm.s32 $0x8;
	v20 =	vld [tilespmem:s3+$0xE0];
	v11 =	vmul.f32 v16, v2;
	[tilespmem:s1+$0xFFFFFF60] =	vst v9  }
0x5f0: {  	s31 =	simm.s32 $0xB;
	v12 =	vmov s25;
	v14 =	vld [tilespmem:s3+$0xFFFFFFF0];
	v9 =	vmov s17;
	[tilespmem:s5+$0x20] =	vst v10  }
0x5f1: {  	v13 =	vmul.f32 v17, v4;
	v15 =	vld [tilespmem:s3+$0xFFFFFF70];
	v9 =	vand.u32 $0xFFFFFFFC, v9;
	[tilespmem:s5+$0xFFFFFF20] =	vst v11;
	v11 =	vmov s31  }
0x5f2: {  	v17 =	vmul.f32 v18, v1;
	v10 =	vand.u32 $0xFFFFFFFD, v12;
	v16 =	vld [tilespmem:s0+$0x30];
	v9 =	vbroadcast v9, $0x0  }
0x5f3: {  	v10 =	vbroadcast v10, $0x0;
	[tilespmem:s5+$0xFFFFFFA0] =	vst v13;
	v12 =	vld [tilespmem:s0+$0xFFFFFF30];
	v18 =	vmul.f32 v19, v8  }
0x5f4: {  	s4 =	simm.s32 $0xC;
	s12 =	simm.s32 $0xA;
	s17 =	simm.s32 $0x80;
	[tilespmem:s5+$0xA0] =	vst v17;
	v13 =	vld [tilespmem:s0+$0xFFFFFFB0];
	v17 =	vmul.f32 v20, v5  }
.LBB2_29:
0x5f5: {  	p3 =	slt.u32 s4, $0x4C;
	v8 =	vmov s12;
	v19 =	vld [tilespmem:s0+$0xB0];
	v14 =	vmul.f32 v14, v7;
	[tilespmem:s1+$0x70] =	vst v18;
	v7 =	vmov v4  }
0x5f6: {  	v4 =	vand.u32 $0xFFFFFFFE, v8;
	v8 =	vld.idx.msk [tilespmem:v11+s9+$0x0], $0xffff;
	v11 =	vmul.f32 v15, v6;
	[tilespmem:s1+$0xE0] =	vst v17;
	v6 =	vmov v2  }
0x5f7: {  	v15 =	vbroadcast v4, $0x0;
	v16 =	vmul.f32 v16, v3;
	[tilespmem:s1+$0xFFFFFFF0] =	vst v14;
	v14 =	vld [tilespmem:s3+$0xF0];
	s3 =	smov.u32 s0  }
0x5f8: {  	v2 =	vld.idx.msk [tilespmem:v9+s9+$0x0], $0xffff;
	v9 =	vmul.f32 v12, v6;
	[tilespmem:s1+$0xFFFFFF70] =	vst v11  }
0x5f9: {  	v4 =	vld.idx.msk [tilespmem:v10+s9+$0x0], $0xffff;
	v10 =	vmul.f32 v13, v7;
	[tilespmem:s5+$0x30] =	vst v16  }
0x5fa: {  	[tilespmem:s5+$0xFFFFFF30] =	vst v9;
	v9 =	vld [tilespmem:s0+$0x40];
	v11 =	vmul.f32 v19, v1  }
0x5fb: {  	v12 =	vld [tilespmem:s0+$0xFFFFFF40];
	[tilespmem:s5+$0xFFFFFFB0] =	vst v10  }
0x5fc: {  	v10 =	vld [tilespmem:s0+$0xFFFFFFC0];
	[tilespmem:s5+$0xB0] =	vst v11;
	v11 =	vmul.f32 v14, v5;
	v5 =	vmov v1;
	v1 =	vmov v8  }
0x5fd: {  	s0 =	sadd.s32 $0x200, s0;
	v8 =	vld.idx.msk [tilespmem:v15+s9+$0x0], $0xffff  }
0x5fe: {  	v13 =	vld [tilespmem:s0+$0x0];
	[tilespmem:s1+$0xF0] =	vst v11;
	s1 =	smov.u32 s5  }
0x5ff: {  	v11 =	vld [tilespmem:s0+$0xFFFFFF00];
	v9 =	vmul.f32 v9, v3  }
0x600: {  	v14 =	vld [tilespmem:s0+$0xFFFFFF80];
	v12 =	vmul.f32 v12, v6  }
0x601: {  	v15 =	vld [tilespmem:s0+$0x80];
	v10 =	vmul.f32 v10, v7;
	[tilespmem:s5+$0x40] =	vst v9  }
0x602: {  	[tilespmem:s5+$0xFFFFFF40] =	vst v12;
	v9 =	vld [tilespmem:s3+$0x50]  }
0x603: {  	v12 =	vmul.f32 v13, v8;
	[tilespmem:s5+$0xFFFFFFC0] =	vst v10;
	v10 =	vld [tilespmem:s3+$0xC0]  }
0x604: {  	s5 =	sadd.s32 $0x200, s5;
	v11 =	vmul.f32 v11, v2;
	v13 =	vld [tilespmem:s3+$0xFFFFFFD0]  }
0x605: {  	v14 =	vmul.f32 v14, v4;
	[tilespmem:s5+$0x0] =	vst v12;
	v12 =	vld [tilespmem:s3+$0xFFFFFF50]  }
0x606: {  	[tilespmem:s5+$0xFFFFFF00] =	vst v11;
	v11 =	vld [tilespmem:s0+$0x10];
	v15 =	vmul.f32 v15, v1  }
0x607: {  	v16 =	vld [tilespmem:s0+$0xFFFFFF10];
	[tilespmem:s5+$0xFFFFFF80] =	vst v14;
	v9 =	vmul.f32 v9, v3  }
0x608: {  	v14 =	vld [tilespmem:s0+$0xFFFFFF90];
	[tilespmem:s5+$0x80] =	vst v15;
	v10 =	vmul.f32 v10, v5  }
0x609: {  	v15 =	vld [tilespmem:s0+$0x90];
	v13 =	vmul.f32 v13, v7;
	[tilespmem:s1+$0x50] =	vst v9  }
0x60a: {  	v9 =	vmul.f32 v12, v6;
	v12 =	vld [tilespmem:s3+$0x60];
	[tilespmem:s1+$0xC0] =	vst v10  }
0x60b: {  	v10 =	vmul.f32 v11, v8;
	[tilespmem:s1+$0xFFFFFFD0] =	vst v13;
	v11 =	vld [tilespmem:s3+$0xD0]  }
0x60c: {  	v13 =	vmul.f32 v16, v2;
	[tilespmem:s1+$0xFFFFFF50] =	vst v9;
	v9 =	vld [tilespmem:s3+$0xFFFFFFE0]  }
0x60d: {  	v14 =	vmul.f32 v14, v4;
	[tilespmem:s5+$0x10] =	vst v10;
	v10 =	vld [tilespmem:s3+$0xFFFFFF60]  }
0x60e: {  	[tilespmem:s5+$0xFFFFFF10] =	vst v13;
	v13 =	vld [tilespmem:s0+$0x20];
	v15 =	vmul.f32 v15, v1  }
0x60f: {  	v16 =	vld [tilespmem:s0+$0xFFFFFF20];
	[tilespmem:s5+$0xFFFFFF90] =	vst v14;
	v12 =	vmul.f32 v12, v3  }
0x610: {  	v17 =	vld [tilespmem:s0+$0xFFFFFFA0];
	[tilespmem:s5+$0x90] =	vst v15;
	v11 =	vmul.f32 v11, v5  }
0x611: {  	v18 =	vld [tilespmem:s0+$0xA0];
	v9 =	vmul.f32 v9, v7;
	[tilespmem:s1+$0x60] =	vst v12  }
0x612: {  	v10 =	vmul.f32 v10, v6;
	v19 =	vld [tilespmem:s3+$0x70];
	[tilespmem:s1+$0xD0] =	vst v11  }
0x613: {  	s12 =	sadd.s32 $0x3, s4;
	v12 =	vmul.f32 v13, v8;
	[tilespmem:s1+$0xFFFFFFE0] =	vst v9;
	v20 =	vld [tilespmem:s3+$0xE0]  }
.Ltmp15:
0x614: {  	s16 =	sadd.s32 $0x1, s4;
	v11 =	vmov s12;
	v9 =	vmov s4;
	v13 =	vmul.f32 v16, v2;
	[tilespmem:s1+$0xFFFFFF60] =	vst v10;
	v14 =	vld [tilespmem:s3+$0xFFFFFFF0];
	(pc) =	sbr.rel @p3 .LBB2_29-.Ltmp15, $4  }
0x615: {  	v9 =	vand.u32 $0xFFFFFFFC, v9;
	v10 =	vmov s16;
	v17 =	vmul.f32 v17, v4;
	[tilespmem:s5+$0x20] =	vst v12;
	v15 =	vld [tilespmem:s3+$0xFFFFFF70]  }
0x616: {  	v9 =	vbroadcast v9, $0x0;
	v10 =	vand.u32 $0xFFFFFFFD, v10;
	[tilespmem:s5+$0xFFFFFF20] =	vst v13;
	v16 =	vld [tilespmem:s0+$0x30];
	v21 =	vmul.f32 v18, v1  }
0x617: {  	v10 =	vbroadcast v10, $0x0;
	v12 =	vld [tilespmem:s0+$0xFFFFFF30];
	[tilespmem:s5+$0xFFFFFFA0] =	vst v17;
	v18 =	vmul.f32 v19, v3;
	v3 =	vmov v8  }
0x618: {  	s12 =	sadd.s32 $0x2, s4;
	s4 =	sadd.s32 $0x4, s4;
	v13 =	vld [tilespmem:s0+$0xFFFFFFB0];
	[tilespmem:s5+$0xA0] =	vst v21;
	v17 =	vmul.f32 v20, v5  }
0x619: {  	v8 =	vmov s12  }
0x61a: {  	v8 =	vand.u32 $0xFFFFFFFE, v8  }
0x61b: {  	v19 =	vbroadcast v8, $0x0;
	_ =	sdelay $0x2  }
0x61c: {  	v9 =	vld.idx.msk [tilespmem:v9+s9+$0x0], $0xffff  }
0x61d: {  	v10 =	vld.idx.msk [tilespmem:v10+s9+$0x0], $0xffff  }
0x61e: {  	v8 =	vld.idx.msk [tilespmem:v11+s9+$0x0], $0xffff  }
0x61f: {  	s31 =	sadd.s32 $0x200, s0;
	v11 =	vld.idx.msk [tilespmem:v19+s9+$0x0], $0xffff  }
0x620: {  	v19 =	vld [tilespmem:s31+$0x0]  }
0x621: {  	v20 =	vld [tilespmem:s31+$0xFFFFFF80]  }
0x622: {  	v21 =	vld [tilespmem:s31+$0xFFFFFF00]  }
0x623: {  	v22 =	vld [tilespmem:s31+$0x80];
	_ =	sdelay $0x1  }
0x624: {  	v19 =	vmul.f32 v19, v11  }
0x625: {  	s4 =	sadd.s32 $0x200, s5;
	v20 =	vmul.f32 v20, v10  }
0x626: {  	v21 =	vmul.f32 v21, v9;
	[tilespmem:s4+$0x0] =	vst v19  }
0x627: {  	v22 =	vmul.f32 v22, v8;
	[tilespmem:s4+$0xFFFFFF80] =	vst v20;
	v19 =	vld [tilespmem:s31+$0x10]  }
0x628: {  	[tilespmem:s4+$0xFFFFFF00] =	vst v21;
	v20 =	vld [tilespmem:s31+$0xFFFFFF90]  }
0x629: {  	v21 =	vld [tilespmem:s31+$0xFFFFFF10];
	[tilespmem:s4+$0x80] =	vst v22  }
0x62a: {  	v22 =	vld [tilespmem:s31+$0x90];
	_ =	sdelay $0x1  }
0x62b: {  	v19 =	vmul.f32 v19, v11  }
0x62c: {  	[tilespmem:s1+$0x70] =	vst v18;
	v18 =	vmul.f32 v20, v10  }
0x62d: {  	[tilespmem:s4+$0x10] =	vst v19;
	v19 =	vmul.f32 v21, v9  }
0x62e: {  	v20 =	vmul.f32 v22, v8;
	[tilespmem:s4+$0xFFFFFF90] =	vst v18;
	v18 =	vld [tilespmem:s31+$0x20]  }
0x62f: {  	[tilespmem:s4+$0xFFFFFF10] =	vst v19;
	v19 =	vld [tilespmem:s31+$0xFFFFFFA0]  }
0x630: {  	v7 =	vmul.f32 v14, v7;
	[tilespmem:s4+$0x90] =	vst v20;
	v14 =	vld [tilespmem:s31+$0xFFFFFF20]  }
0x631: {  	v6 =	vmul.f32 v15, v6;
	[tilespmem:s1+$0xE0] =	vst v17;
	v15 =	vld [tilespmem:s31+$0xA0]  }
0x632: {  	v16 =	vmul.f32 v16, v3;
	[tilespmem:s1+$0xFFFFFFF0] =	vst v7  }
0x633: {  	[tilespmem:s1+$0xFFFFFF70] =	vst v6;
	v6 =	vmul.f32 v18, v11  }
0x634: {  	v7 =	vld [tilespmem:s0+$0xB0];
	[tilespmem:s5+$0x30] =	vst v16;
	v16 =	vmul.f32 v19, v10  }
0x635: {  	v17 =	vld [tilespmem:s3+$0xF0];
	v14 =	vmul.f32 v14, v9;
	[tilespmem:s4+$0x20] =	vst v6  }
0x636: {  	v15 =	vmul.f32 v15, v8;
	v6 =	vld [tilespmem:s31+$0x30];
	[tilespmem:s4+$0xFFFFFFA0] =	vst v16  }
0x637: {  	v12 =	vmul.f32 v12, v2;
	[tilespmem:s4+$0xFFFFFF20] =	vst v14;
	v14 =	vld [tilespmem:s31+$0xFFFFFFB0]  }
0x638: {  	v13 =	vmul.f32 v13, v4;
	[tilespmem:s4+$0xA0] =	vst v15;
	v16 =	vld [tilespmem:s31+$0xFFFFFF30]  }
0x639: {  	[tilespmem:s5+$0xFFFFFF30] =	vst v12;
	v7 =	vmul.f32 v7, v1;
	v12 =	vld [tilespmem:s31+$0xB0]  }
0x63a: {  	[tilespmem:s5+$0xFFFFFFB0] =	vst v13;
	v5 =	vmul.f32 v17, v5;
	v15 =	vld [tilespmem:s0+$0x40]  }
0x63b: {  	v13 =	vld [tilespmem:s0+$0xFFFFFFC0];
	[tilespmem:s5+$0xB0] =	vst v7;
	v6 =	vmul.f32 v6, v11  }
0x63c: {  	v7 =	vld [tilespmem:s0+$0xFFFFFF40];
	[tilespmem:s1+$0xF0] =	vst v5;
	v5 =	vmul.f32 v14, v10  }
0x63d: {  	v14 =	vld [tilespmem:s0+$0xC0];
	v16 =	vmul.f32 v16, v9;
	[tilespmem:s4+$0x30] =	vst v6  }
0x63e: {  	v12 =	vmul.f32 v12, v8;
	v6 =	vld [tilespmem:s31+$0x40];
	[tilespmem:s4+$0xFFFFFFB0] =	vst v5  }
0x63f: {  	v5 =	vmul.f32 v15, v3;
	[tilespmem:s4+$0xFFFFFF30] =	vst v16;
	v15 =	vld [tilespmem:s31+$0xFFFFFFC0]  }
0x640: {  	v13 =	vmul.f32 v13, v4;
	[tilespmem:s4+$0xB0] =	vst v12;
	v16 =	vld [tilespmem:s31+$0xFFFFFF40]  }
0x641: {  	v7 =	vmul.f32 v7, v2;
	[tilespmem:s5+$0x40] =	vst v5;
	v5 =	vld [tilespmem:s31+$0xC0]  }
0x642: {  	[tilespmem:s5+$0xFFFFFFC0] =	vst v13;
	v12 =	vld [tilespmem:s0+$0x50];
	v13 =	vmul.f32 v14, v1  }
0x643: {  	[tilespmem:s5+$0xFFFFFF40] =	vst v7;
	v7 =	vld [tilespmem:s0+$0xFFFFFFD0];
	v6 =	vmul.f32 v6, v11  }
0x644: {  	v14 =	vld [tilespmem:s0+$0xFFFFFF50];
	[tilespmem:s5+$0xC0] =	vst v13;
	v13 =	vmul.f32 v15, v10  }
0x645: {  	v15 =	vld [tilespmem:s0+$0xD0];
	v16 =	vmul.f32 v16, v9;
	[tilespmem:s4+$0x40] =	vst v6  }
0x646: {  	v5 =	vmul.f32 v5, v8;
	v6 =	vld [tilespmem:s31+$0x50];
	[tilespmem:s4+$0xFFFFFFC0] =	vst v13  }
0x647: {  	v12 =	vmul.f32 v12, v3;
	[tilespmem:s4+$0xFFFFFF40] =	vst v16;
	v13 =	vld [tilespmem:s31+$0xFFFFFFD0]  }
0x648: {  	v7 =	vmul.f32 v7, v4;
	[tilespmem:s4+$0xC0] =	vst v5;
	v16 =	vld [tilespmem:s31+$0xFFFFFF50]  }
0x649: {  	v5 =	vmul.f32 v14, v2;
	[tilespmem:s5+$0x50] =	vst v12;
	v12 =	vld [tilespmem:s31+$0xD0]  }
0x64a: {  	[tilespmem:s5+$0xFFFFFFD0] =	vst v7;
	v14 =	vld [tilespmem:s0+$0x60];
	v7 =	vmul.f32 v15, v1  }
0x64b: {  	[tilespmem:s5+$0xFFFFFF50] =	vst v5;
	v5 =	vld [tilespmem:s0+$0xFFFFFFE0];
	v6 =	vmul.f32 v6, v11  }
0x64c: {  	v15 =	vld [tilespmem:s0+$0xFFFFFF60];
	[tilespmem:s5+$0xD0] =	vst v7;
	v7 =	vmul.f32 v13, v10  }
0x64d: {  	v13 =	vld [tilespmem:s0+$0xE0];
	[tilespmem:s4+$0x50] =	vst v6;
	v6 =	vmul.f32 v16, v9  }
0x64e: {  	v16 =	vld [tilespmem:s31+$0x60];
	[tilespmem:s4+$0xFFFFFFD0] =	vst v7;
	v7 =	vmul.f32 v12, v8  }
0x64f: {  	v12 =	vmul.f32 v14, v3;
	[tilespmem:s4+$0xFFFFFF50] =	vst v6;
	v6 =	vld [tilespmem:s31+$0xFFFFFFE0]  }
0x650: {  	v5 =	vmul.f32 v5, v4;
	v14 =	vld [tilespmem:s31+$0xFFFFFF60];
	[tilespmem:s4+$0xD0] =	vst v7  }
0x651: {  	[tilespmem:s5+$0x60] =	vst v12;
	v7 =	vmul.f32 v15, v2;
	v12 =	vld [tilespmem:s31+$0xE0]  }
0x652: {  	[tilespmem:s5+$0xFFFFFFE0] =	vst v5;
	v15 =	vld [tilespmem:s0+$0x70];
	v5 =	vmul.f32 v13, v1  }
0x653: {  	[tilespmem:s5+$0xFFFFFF60] =	vst v7;
	v7 =	vld [tilespmem:s0+$0xFFFFFFF0];
	v13 =	vmul.f32 v16, v11  }
0x654: {  	v16 =	vld [tilespmem:s0+$0xFFFFFF70];
	[tilespmem:s5+$0xE0] =	vst v5;
	v5 =	vmul.f32 v6, v10  }
0x655: {  	v6 =	vld [tilespmem:s0+$0xF0];
	[tilespmem:s4+$0x60] =	vst v13;
	v13 =	vmul.f32 v14, v9  }
0x656: {  	v14 =	vld [tilespmem:s31+$0x70];
	[tilespmem:s4+$0xFFFFFFE0] =	vst v5;
	v5 =	vmul.f32 v12, v8  }
0x657: {  	v3 =	vmul.f32 v15, v3;
	[tilespmem:s4+$0xFFFFFF60] =	vst v13;
	v12 =	vld [tilespmem:s31+$0xFFFFFFF0]  }
0x658: {  	v4 =	vmul.f32 v7, v4;
	v7 =	vld [tilespmem:s31+$0xFFFFFF70];
	[tilespmem:s4+$0xE0] =	vst v5  }
0x659: {  	[tilespmem:s5+$0x70] =	vst v3;
	v2 =	vmul.f32 v16, v2;
	v3 =	vld [tilespmem:s31+$0xF0]  }
0x65a: {  	[tilespmem:s5+$0xFFFFFFF0] =	vst v4;
	v1 =	vmul.f32 v6, v1  }
0x65b: {  	[tilespmem:s5+$0xFFFFFF70] =	vst v2;
	v2 =	vmul.f32 v14, v11  }
0x65c: {  	[tilespmem:s5+$0xF0] =	vst v1;
	v1 =	vmul.f32 v12, v10  }
0x65d: {  	[tilespmem:s4+$0x70] =	vst v2;
	v2 =	vmul.f32 v7, v9  }
0x65e: {  	[tilespmem:s4+$0xFFFFFFF0] =	vst v1;
	v1 =	vmul.f32 v3, v8  }
0x65f: {  	[tilespmem:s4+$0xFFFFFF70] =	vst v2  }
0x660: {  	[tilespmem:s4+$0xF0] =	vst v1;
	s4 =	simm.s32 $0x8200  }
0x661: {  	[spmem:s2] =	stream.indirect.scatter.add.f32 [tilespmem:s4], [sflag:$0x12], $0x80, s22, s18, $0xb8;
	[tilespmem:$0x1E7F0] =	vst v63  }
0x662: {  	_ =	swait.ge [sflag:s6], $0x50  }
0x663: {  	[sflag:s6] =	ssyncset.done $0x0  }
0x664: {  	[sflag:s6] =	ssyncadd.s32 $0xFFFFFFB0  }
0x665: {  	_ =	swait.ge [sflag:s7], $0x50  }
0x666: {  	[sflag:s7] =	ssyncset.done $0x0  }
0x667: {  	[sflag:s7] =	ssyncadd.s32 $0xFFFFFFB0  }
0x668: {  	v1 =	vld [tilespmem:$0x800]  }
0x669: {  	v2 =	vld [tilespmem:$0x900];
	_ =	sdelay $0x4  }
0x66a: {  	v1 =	vadd.f32 v2, v1;
	_ =	sdelay $0x1  }
0x66b: {  	v1 =	vsub.f32 $0.0e+00, v1;
	_ =	sdelay $0x1  }
0x66c: {  	v1 =	vmul.f32 $1.442695020e+00, v1;
	_ =	sdelay $0x1  }
0x66d: {  	(erf) = vpow2.f32 v1  }
0x66e: {  	v2 =	vld [tilespmem:$0x910]  }
0x66f: {  	v1 =	vld [tilespmem:$0x810];
	_ =	sdelay $0x4  }
0x670: {  	v1 =	vadd.f32 v2, v1;
	_ =	sdelay $0x1  }
0x671: {  	v1 =	vsub.f32 $0.0e+00, v1;
	v2 =	vpop (erf)  }
0x672: {  	v2 =	vadd.f32 $1.000000000e+00, v2  }
0x673: {  	v1 =	vmul.f32 $1.442695020e+00, v1  }
0x674: {  	(erf) = vrcp.f32 v2  }
0x675: {  	(erf) = vpow2.f32 v1  }
0x676: {  	v2 =	vld [tilespmem:$0x920]  }
0x677: {  	v1 =	vld [tilespmem:$0x820];
	_ =	sdelay $0x4  }
0x678: {  	v1 =	vadd.f32 v2, v1  }
0x679: {  	v2 =	vpop (erf)  }
0x67a: {  	v1 =	vsub.f32 $0.0e+00, v1;
	v3 =	vpop (erf)  }
0x67b: {  	v3 =	vadd.f32 $1.000000000e+00, v3  }
0x67c: {  	v1 =	vmul.f32 $1.442695020e+00, v1  }
0x67d: {  	(erf) = vrcp.f32 v3  }
0x67e: {  	(erf) = vpow2.f32 v1  }
0x67f: {  	v3 =	vld [tilespmem:$0x930]  }
0x680: {  	v1 =	vld [tilespmem:$0x830];
	_ =	sdelay $0x4  }
0x681: {  	v1 =	vadd.f32 v3, v1  }
0x682: {  	v3 =	vpop (erf)  }
0x683: {  	v1 =	vsub.f32 $0.0e+00, v1;
	v4 =	vpop (erf)  }
0x684: {  	v4 =	vadd.f32 $1.000000000e+00, v4  }
0x685: {  	v1 =	vmul.f32 $1.442695020e+00, v1  }
0x686: {  	(erf) = vrcp.f32 v4  }
0x687: {  	(erf) = vpow2.f32 v1  }
0x688: {  	v4 =	vld [tilespmem:$0x940]  }
0x689: {  	v1 =	vld [tilespmem:$0x840];
	_ =	sdelay $0x4  }
0x68a: {  	v1 =	vadd.f32 v4, v1  }
0x68b: {  	v4 =	vpop (erf)  }
0x68c: {  	v1 =	vsub.f32 $0.0e+00, v1;
	v5 =	vpop (erf)  }
0x68d: {  	v5 =	vadd.f32 $1.000000000e+00, v5  }
0x68e: {  	v1 =	vmul.f32 $1.442695020e+00, v1  }
0x68f: {  	(erf) = vrcp.f32 v5  }
0x690: {  	(erf) = vpow2.f32 v1;
	_ =	sdelay $0x7  }
0x691: {  	v1 =	vpop (erf)  }
0x692: {  	v5 =	vpop (erf)  }
0x693: {  	v5 =	vadd.f32 $1.000000000e+00, v5;
	_ =	sdelay $0x1  }
0x694: {  	(erf) = vrcp.f32 v5;
	_ =	sdelay $0x5  }
0x695: {  	[tilespmem:$0xAA00] =	vst v2  }
0x696: {  	[tilespmem:$0xAA10] =	vst v3  }
0x697: {  	s5 =	simm.s32 $0x0;
	[tilespmem:$0xAA20] =	vst v4  }
0x698: {  	s16 =	simm.s32 $0x2;
	v2 =	vmov s5;
	[tilespmem:$0xAA30] =	vst v1;
	v1 =	vpop (erf)  }
0x699: {  	v3 =	vmov s16;
	[tilespmem:$0xAA40] =	vst v1;
	v1 =	vand.u32 $0xFFFFFFFC, v2  }
0x69a: {  	s12 =	simm.s32 $0x1;
	v3 =	vand.u32 $0xFFFFFFFE, v3;
	_ =	swait.ge [sflag:s30], $0x2800;
	v1 =	vbroadcast v1, $0x0  }
0x69b: {  	v3 =	vbroadcast v3, $0x0;
	v2 =	vmov s12;
	[sflag:s30] =	ssyncset.done $0x0  }
0x69c: {  	v2 =	vand.u32 $0xFFFFFFFD, v2;
	[sflag:s30] =	ssyncadd.s32 $0xFFFFD800  }
0x69d: {  	v2 =	vbroadcast v2, $0x0;
	_ =	swait.ge [sflag:s14], $0x2800  }
0x69e: {  	[sflag:s14] =	ssyncset.done $0x0  }
0x69f: {  	[sflag:s14] =	ssyncadd.s32 $0xFFFFD800  }
0x6a0: {  	v6 =	vld.idx.msk [tilespmem:v1+s9+$0x0], $0xffff  }
0x6a1: {  	s25 =	simm.s32 $0x3;
	s3 =	simm.s32 $0xB00;
	v8 =	vld.idx.msk [tilespmem:v3+s9+$0x0], $0xffff  }
0x6a2: {  	v1 =	vmov s25;
	v3 =	vld [tilespmem:s3+$0xFFFFFF00]  }
0x6a3: {  	v7 =	vld.idx.msk [tilespmem:v2+s9+$0x0], $0xffff  }
0x6a4: {  	v2 =	vld [tilespmem:s3+$0x0];
	_ =	sdelay $0x1  }
0x6a5: {  	v4 =	vld [tilespmem:s3+$0xFFFFFF80]  }
0x6a6: {  	v5 =	vld.idx.msk [tilespmem:v1+s9+$0x0], $0xffff  }
0x6a7: {  	v1 =	vld [tilespmem:s3+$0x80];
	v3 =	vmul.f32 v3, v6  }
0x6a8: {  	s1 =	simm.s32 $0x5B00;
	v2 =	vmul.f32 v2, v8  }
0x6a9: {  	[tilespmem:s1+$0xFFFFFF00] =	vst v3  }
0x6aa: {  	v4 =	vmul.f32 v4, v7;
	[tilespmem:s1+$0x0] =	vst v2;
	v3 =	vld [tilespmem:s3+$0xFFFFFF10]  }
0x6ab: {  	v2 =	vld [tilespmem:s3+$0x10]  }
0x6ac: {  	[tilespmem:s1+$0xFFFFFF80] =	vst v4;
	v1 =	vmul.f32 v1, v5  }
0x6ad: {  	v4 =	vld [tilespmem:s3+$0xFFFFFF90]  }
0x6ae: {  	[tilespmem:s1+$0x80] =	vst v1  }
0x6af: {  	v1 =	vld [tilespmem:s3+$0x90];
	v3 =	vmul.f32 v3, v6  }
0x6b0: {  	v2 =	vmul.f32 v2, v8  }
0x6b1: {  	[tilespmem:s1+$0xFFFFFF10] =	vst v3  }
0x6b2: {  	v4 =	vmul.f32 v4, v7;
	[tilespmem:s1+$0x10] =	vst v2;
	v3 =	vld [tilespmem:s3+$0xFFFFFF20]  }
0x6b3: {  	v2 =	vld [tilespmem:s3+$0x20]  }
0x6b4: {  	[tilespmem:s1+$0xFFFFFF90] =	vst v4;
	v1 =	vmul.f32 v1, v5  }
0x6b5: {  	v4 =	vld [tilespmem:s3+$0xFFFFFFA0]  }
0x6b6: {  	s31 =	simm.s32 $0x4;
	[tilespmem:s1+$0x90] =	vst v1  }
0x6b7: {  	v9 =	vmov s31;
	v1 =	vld [tilespmem:s3+$0xA0];
	v3 =	vmul.f32 v3, v6  }
0x6b8: {  	v9 =	vand.u32 $0xFFFFFFFC, v9;
	v2 =	vmul.f32 v2, v8  }
0x6b9: {  	v9 =	vbroadcast v9, $0x0;
	s4 =	simm.s32 $0x5;
	s5 =	simm.s32 $0x7;
	[tilespmem:s1+$0xFFFFFF20] =	vst v3  }
0x6ba: {  	v10 =	vmov s4;
	v4 =	vmul.f32 v4, v7;
	[tilespmem:s1+$0x20] =	vst v2;
	v2 =	vmov s5  }
0x6bb: {  	v10 =	vand.u32 $0xFFFFFFFD, v10;
	v11 =	vld [tilespmem:s3+$0xFFFFFF30]  }
0x6bc: {  	v10 =	vbroadcast v10, $0x0;
	[tilespmem:s1+$0xFFFFFFA0] =	vst v4;
	v3 =	vld [tilespmem:s3+$0x30];
	v1 =	vmul.f32 v1, v5  }
0x6bd: {  	s12 =	simm.s32 $0x6;
	v12 =	vld [tilespmem:s3+$0xFFFFFFB0]  }
0x6be: {  	[tilespmem:s1+$0xA0] =	vst v1;
	v1 =	vmov s12  }
0x6bf: {  	v4 =	vand.u32 $0xFFFFFFFE, v1;
	v1 =	vld.idx.msk [tilespmem:v2+s9+$0x0], $0xffff  }
0x6c0: {  	v2 =	vld.idx.msk [tilespmem:v9+s9+$0x0], $0xffff;
	v9 =	vmul.f32 v11, v6  }
0x6c1: {  	v3 =	vmul.f32 v3, v8  }
0x6c2: {  	v14 =	vbroadcast v4, $0x0;
	v4 =	vld.idx.msk [tilespmem:v10+s9+$0x0], $0xffff;
	v10 =	vmul.f32 v12, v7;
	[tilespmem:s1+$0xFFFFFF30] =	vst v9  }
0x6c3: {  	v13 =	vld [tilespmem:s3+$0xB0];
	[tilespmem:s1+$0x30] =	vst v3  }
0x6c4: {  	[tilespmem:s1+$0xFFFFFFB0] =	vst v10;
	v9 =	vld [tilespmem:s3+$0x40]  }
0x6c5: {  	s0 =	simm.s32 $0xD00;
	v10 =	vld [tilespmem:s3+$0xFFFFFFC0]  }
0x6c6: {  	v12 =	vld [tilespmem:s0+$0x0]  }
0x6c7: {  	v11 =	vld [tilespmem:s3+$0xFFFFFF40]  }
0x6c8: {  	v13 =	vmul.f32 v13, v5;
	v3 =	vld.idx.msk [tilespmem:v14+s9+$0x0], $0xffff  }
0x6c9: {  	v14 =	vld [tilespmem:s0+$0xFFFFFF00];
	v9 =	vmul.f32 v9, v8  }
0x6ca: {  	v15 =	vld [tilespmem:s0+$0xFFFFFF80];
	[tilespmem:s1+$0xB0] =	vst v13;
	v10 =	vmul.f32 v10, v7  }
0x6cb: {  	v16 =	vld [tilespmem:s0+$0x80];
	[tilespmem:s1+$0x40] =	vst v9  }
0x6cc: {  	v9 =	vmul.f32 v11, v6;
	[tilespmem:s1+$0xFFFFFFC0] =	vst v10;
	v10 =	vld [tilespmem:s3+$0xC0]  }
0x6cd: {  	v11 =	vld [tilespmem:s3+$0x50];
	v12 =	vmul.f32 v12, v3  }
0x6ce: {  	s5 =	simm.s32 $0x5D00;
	v13 =	vld [tilespmem:s3+$0xFFFFFFD0];
	[tilespmem:s1+$0xFFFFFF40] =	vst v9;
	v9 =	vmul.f32 v14, v2  }
0x6cf: {  	v14 =	vmul.f32 v15, v4;
	[tilespmem:s5+$0x0] =	vst v12;
	v12 =	vld [tilespmem:s3+$0xFFFFFF50]  }
0x6d0: {  	v15 =	vmul.f32 v16, v1;
	[tilespmem:s5+$0xFFFFFF00] =	vst v9;
	v9 =	vld [tilespmem:s0+$0x10]  }
0x6d1: {  	[tilespmem:s5+$0xFFFFFF80] =	vst v14;
	v16 =	vld [tilespmem:s0+$0xFFFFFF10];
	v10 =	vmul.f32 v10, v5  }
0x6d2: {  	[tilespmem:s5+$0x80] =	vst v15;
	v14 =	vld [tilespmem:s0+$0xFFFFFF90];
	v11 =	vmul.f32 v11, v8  }
0x6d3: {  	v15 =	vld [tilespmem:s0+$0x90];
	v13 =	vmul.f32 v13, v7;
	[tilespmem:s1+$0xC0] =	vst v10  }
0x6d4: {  	[tilespmem:s1+$0x50] =	vst v11;
	v11 =	vmul.f32 v12, v6;
	v10 =	vld [tilespmem:s3+$0xD0]  }
0x6d5: {  	[tilespmem:s1+$0xFFFFFFD0] =	vst v13;
	v12 =	vld [tilespmem:s3+$0x60];
	v9 =	vmul.f32 v9, v3  }
0x6d6: {  	v13 =	vmul.f32 v16, v2;
	[tilespmem:s1+$0xFFFFFF50] =	vst v11;
	v11 =	vld [tilespmem:s3+$0xFFFFFFE0]  }
0x6d7: {  	v14 =	vmul.f32 v14, v4;
	[tilespmem:s5+$0x10] =	vst v9;
	v9 =	vld [tilespmem:s3+$0xFFFFFF60]  }
0x6d8: {  	v15 =	vmul.f32 v15, v1;
	[tilespmem:s5+$0xFFFFFF10] =	vst v13;
	v13 =	vld [tilespmem:s0+$0x20]  }
0x6d9: {  	[tilespmem:s5+$0xFFFFFF90] =	vst v14;
	v16 =	vld [tilespmem:s0+$0xFFFFFF20];
	v10 =	vmul.f32 v10, v5  }
0x6da: {  	[tilespmem:s5+$0x90] =	vst v15;
	v12 =	vmul.f32 v12, v8  }
0x6db: {  	v17 =	vld [tilespmem:s0+$0xFFFFFFA0];
	v11 =	vmul.f32 v11, v7;
	[tilespmem:s1+$0xD0] =	vst v10  }
0x6dc: {  	v18 =	vld [tilespmem:s0+$0xA0];
	[tilespmem:s1+$0x60] =	vst v12;
	v9 =	vmul.f32 v9, v6  }
0x6dd: {  	v19 =	vld [tilespmem:s3+$0x70];
	v10 =	vmul.f32 v13, v3;
	[tilespmem:s1+$0xFFFFFFE0] =	vst v11  }
0x6de: {  	s16 =	simm.s32 $0x8;
	s25 =	simm.s32 $0x9;
	v20 =	vld [tilespmem:s3+$0xE0];
	v11 =	vmul.f32 v16, v2;
	[tilespmem:s1+$0xFFFFFF60] =	vst v9  }
0x6df: {  	s31 =	simm.s32 $0xB;
	v12 =	vmov s25;
	v14 =	vld [tilespmem:s3+$0xFFFFFFF0];
	v9 =	vmov s16;
	[tilespmem:s5+$0x20] =	vst v10  }
0x6e0: {  	v13 =	vmul.f32 v17, v4;
	v15 =	vld [tilespmem:s3+$0xFFFFFF70];
	v9 =	vand.u32 $0xFFFFFFFC, v9;
	[tilespmem:s5+$0xFFFFFF20] =	vst v11;
	v11 =	vmov s31  }
0x6e1: {  	v17 =	vmul.f32 v18, v1;
	v10 =	vand.u32 $0xFFFFFFFD, v12;
	v16 =	vld [tilespmem:s0+$0x30];
	v9 =	vbroadcast v9, $0x0  }
0x6e2: {  	v10 =	vbroadcast v10, $0x0;
	[tilespmem:s5+$0xFFFFFFA0] =	vst v13;
	v12 =	vld [tilespmem:s0+$0xFFFFFF30];
	v18 =	vmul.f32 v19, v8  }
0x6e3: {  	s4 =	simm.s32 $0xC;
	s12 =	simm.s32 $0xA;
	[tilespmem:s5+$0xA0] =	vst v17;
	v13 =	vld [tilespmem:s0+$0xFFFFFFB0];
	v17 =	vmul.f32 v20, v5  }
.LBB2_31:
0x6e4: {  	p3 =	slt.u32 s4, $0x4C;
	v8 =	vmov s12;
	v19 =	vld [tilespmem:s0+$0xB0];
	v14 =	vmul.f32 v14, v7;
	[tilespmem:s1+$0x70] =	vst v18;
	v7 =	vmov v4  }
0x6e5: {  	v4 =	vand.u32 $0xFFFFFFFE, v8;
	v8 =	vld.idx.msk [tilespmem:v11+s9+$0x0], $0xffff;
	v11 =	vmul.f32 v15, v6;
	[tilespmem:s1+$0xE0] =	vst v17;
	v6 =	vmov v2  }
0x6e6: {  	v15 =	vbroadcast v4, $0x0;
	v16 =	vmul.f32 v16, v3;
	[tilespmem:s1+$0xFFFFFFF0] =	vst v14;
	v14 =	vld [tilespmem:s3+$0xF0];
	s3 =	smov.u32 s0  }
0x6e7: {  	v2 =	vld.idx.msk [tilespmem:v9+s9+$0x0], $0xffff;
	v9 =	vmul.f32 v12, v6;
	[tilespmem:s1+$0xFFFFFF70] =	vst v11  }
0x6e8: {  	v4 =	vld.idx.msk [tilespmem:v10+s9+$0x0], $0xffff;
	v10 =	vmul.f32 v13, v7;
	[tilespmem:s5+$0x30] =	vst v16  }
0x6e9: {  	[tilespmem:s5+$0xFFFFFF30] =	vst v9;
	v9 =	vld [tilespmem:s0+$0x40];
	v11 =	vmul.f32 v19, v1  }
0x6ea: {  	v12 =	vld [tilespmem:s0+$0xFFFFFF40];
	[tilespmem:s5+$0xFFFFFFB0] =	vst v10  }
0x6eb: {  	v10 =	vld [tilespmem:s0+$0xFFFFFFC0];
	[tilespmem:s5+$0xB0] =	vst v11;
	v11 =	vmul.f32 v14, v5;
	v5 =	vmov v1;
	v1 =	vmov v8  }
0x6ec: {  	s0 =	sadd.s32 $0x200, s0;
	v8 =	vld.idx.msk [tilespmem:v15+s9+$0x0], $0xffff  }
0x6ed: {  	v13 =	vld [tilespmem:s0+$0x0];
	[tilespmem:s1+$0xF0] =	vst v11;
	s1 =	smov.u32 s5  }
0x6ee: {  	v11 =	vld [tilespmem:s0+$0xFFFFFF00];
	v9 =	vmul.f32 v9, v3  }
0x6ef: {  	v14 =	vld [tilespmem:s0+$0xFFFFFF80];
	v12 =	vmul.f32 v12, v6  }
0x6f0: {  	v15 =	vld [tilespmem:s0+$0x80];
	v10 =	vmul.f32 v10, v7;
	[tilespmem:s5+$0x40] =	vst v9  }
0x6f1: {  	[tilespmem:s5+$0xFFFFFF40] =	vst v12;
	v9 =	vld [tilespmem:s3+$0x50]  }
0x6f2: {  	v12 =	vmul.f32 v13, v8;
	[tilespmem:s5+$0xFFFFFFC0] =	vst v10;
	v10 =	vld [tilespmem:s3+$0xC0]  }
0x6f3: {  	s5 =	sadd.s32 $0x200, s5;
	v11 =	vmul.f32 v11, v2;
	v13 =	vld [tilespmem:s3+$0xFFFFFFD0]  }
0x6f4: {  	v14 =	vmul.f32 v14, v4;
	[tilespmem:s5+$0x0] =	vst v12;
	v12 =	vld [tilespmem:s3+$0xFFFFFF50]  }
0x6f5: {  	[tilespmem:s5+$0xFFFFFF00] =	vst v11;
	v11 =	vld [tilespmem:s0+$0x10];
	v15 =	vmul.f32 v15, v1  }
0x6f6: {  	v16 =	vld [tilespmem:s0+$0xFFFFFF10];
	[tilespmem:s5+$0xFFFFFF80] =	vst v14;
	v9 =	vmul.f32 v9, v3  }
0x6f7: {  	v14 =	vld [tilespmem:s0+$0xFFFFFF90];
	[tilespmem:s5+$0x80] =	vst v15;
	v10 =	vmul.f32 v10, v5  }
0x6f8: {  	v15 =	vld [tilespmem:s0+$0x90];
	v13 =	vmul.f32 v13, v7;
	[tilespmem:s1+$0x50] =	vst v9  }
0x6f9: {  	v9 =	vmul.f32 v12, v6;
	v12 =	vld [tilespmem:s3+$0x60];
	[tilespmem:s1+$0xC0] =	vst v10  }
0x6fa: {  	v10 =	vmul.f32 v11, v8;
	[tilespmem:s1+$0xFFFFFFD0] =	vst v13;
	v11 =	vld [tilespmem:s3+$0xD0]  }
0x6fb: {  	v13 =	vmul.f32 v16, v2;
	[tilespmem:s1+$0xFFFFFF50] =	vst v9;
	v9 =	vld [tilespmem:s3+$0xFFFFFFE0]  }
0x6fc: {  	v14 =	vmul.f32 v14, v4;
	[tilespmem:s5+$0x10] =	vst v10;
	v10 =	vld [tilespmem:s3+$0xFFFFFF60]  }
0x6fd: {  	[tilespmem:s5+$0xFFFFFF10] =	vst v13;
	v13 =	vld [tilespmem:s0+$0x20];
	v15 =	vmul.f32 v15, v1  }
0x6fe: {  	v16 =	vld [tilespmem:s0+$0xFFFFFF20];
	[tilespmem:s5+$0xFFFFFF90] =	vst v14;
	v12 =	vmul.f32 v12, v3  }
0x6ff: {  	v17 =	vld [tilespmem:s0+$0xFFFFFFA0];
	[tilespmem:s5+$0x90] =	vst v15;
	v11 =	vmul.f32 v11, v5  }
0x700: {  	v18 =	vld [tilespmem:s0+$0xA0];
	v9 =	vmul.f32 v9, v7;
	[tilespmem:s1+$0x60] =	vst v12  }
0x701: {  	v10 =	vmul.f32 v10, v6;
	v19 =	vld [tilespmem:s3+$0x70];
	[tilespmem:s1+$0xD0] =	vst v11  }
0x702: {  	s12 =	sadd.s32 $0x3, s4;
	v12 =	vmul.f32 v13, v8;
	[tilespmem:s1+$0xFFFFFFE0] =	vst v9;
	v20 =	vld [tilespmem:s3+$0xE0]  }
.Ltmp16:
0x703: {  	s16 =	sadd.s32 $0x1, s4;
	v11 =	vmov s12;
	v9 =	vmov s4;
	v13 =	vmul.f32 v16, v2;
	[tilespmem:s1+$0xFFFFFF60] =	vst v10;
	v14 =	vld [tilespmem:s3+$0xFFFFFFF0];
	(pc) =	sbr.rel @p3 .LBB2_31-.Ltmp16, $4  }
0x704: {  	v9 =	vand.u32 $0xFFFFFFFC, v9;
	v10 =	vmov s16;
	v17 =	vmul.f32 v17, v4;
	[tilespmem:s5+$0x20] =	vst v12;
	v15 =	vld [tilespmem:s3+$0xFFFFFF70]  }
0x705: {  	v9 =	vbroadcast v9, $0x0;
	v10 =	vand.u32 $0xFFFFFFFD, v10;
	[tilespmem:s5+$0xFFFFFF20] =	vst v13;
	v16 =	vld [tilespmem:s0+$0x30];
	v21 =	vmul.f32 v18, v1  }
0x706: {  	v10 =	vbroadcast v10, $0x0;
	v12 =	vld [tilespmem:s0+$0xFFFFFF30];
	[tilespmem:s5+$0xFFFFFFA0] =	vst v17;
	v18 =	vmul.f32 v19, v3;
	v3 =	vmov v8  }
0x707: {  	s12 =	sadd.s32 $0x2, s4;
	s4 =	sadd.s32 $0x4, s4;
	v13 =	vld [tilespmem:s0+$0xFFFFFFB0];
	[tilespmem:s5+$0xA0] =	vst v21;
	v17 =	vmul.f32 v20, v5  }
0x708: {  	_ = 	snop  }
0x709: {  	v8 =	vmov s12  }
0x70a: {  	v8 =	vand.u32 $0xFFFFFFFE, v8  }
0x70b: {  	v19 =	vbroadcast v8, $0x0  }
0x70c: {  	v9 =	vld.idx.msk [tilespmem:v9+s9+$0x0], $0xffff  }
0x70d: {  	v10 =	vld.idx.msk [tilespmem:v10+s9+$0x0], $0xffff;
	s31 =	sadd.s32 $0x200, s0  }
0x70e: {  	v52 =	vld [tilespmem:s31+$0x0]  }
0x70f: {  	v20 =	vld [tilespmem:s31+$0xFFFFFF80]  }
0x710: {  	v8 =	vld.idx.msk [tilespmem:v11+s9+$0x0], $0xffff  }
0x711: {  	v11 =	vld.idx.msk [tilespmem:v19+s9+$0x0], $0xffff  }
0x712: {  	v22 =	vld [tilespmem:s31+$0x80]  }
0x713: {  	v21 =	vld [tilespmem:s31+$0xFFFFFF00];
	_ =	sdelay $0x1  }
0x714: {  	v20 =	vmul.f32 v20, v10  }
0x715: {  	s4 =	sadd.s32 $0x200, s5;
	v19 =	vmul.f32 v52, v11  }
0x716: {  	v22 =	vmul.f32 v22, v8;
	[tilespmem:s4+$0xFFFFFF80] =	vst v20  }
0x717: {  	v21 =	vmul.f32 v21, v9;
	v20 =	vld [tilespmem:s31+$0xFFFFFF90];
	[tilespmem:s4+$0x0] =	vst v19  }
0x718: {  	[tilespmem:s4+$0x80] =	vst v22;
	v19 =	vld [tilespmem:s31+$0x10]  }
0x719: {  	[tilespmem:s4+$0xFFFFFF00] =	vst v21;
	v22 =	vld [tilespmem:s31+$0x90]  }
0x71a: {  	v21 =	vld [tilespmem:s31+$0xFFFFFF10];
	_ =	sdelay $0x1  }
0x71b: {  	v53 =	vmul.f32 v20, v10  }
0x71c: {  	[tilespmem:s1+$0xE0] =	vst v17;
	v19 =	vmul.f32 v19, v11  }
0x71d: {  	v56 =	vmul.f32 v22, v8;
	[tilespmem:s4+$0xFFFFFF90] =	vst v53  }
0x71e: {  	v54 =	vmul.f32 v21, v9;
	v57 =	vld [tilespmem:s31+$0xFFFFFFA0];
	[tilespmem:s4+$0x10] =	vst v19  }
0x71f: {  	v7 =	vmul.f32 v14, v7;
	[tilespmem:s4+$0x90] =	vst v56;
	v55 =	vld [tilespmem:s31+$0x20]  }
0x720: {  	v6 =	vmul.f32 v15, v6;
	[tilespmem:s4+$0xFFFFFF10] =	vst v54;
	v59 =	vld [tilespmem:s31+$0xA0]  }
0x721: {  	v16 =	vmul.f32 v16, v3;
	[tilespmem:s1+$0xFFFFFFF0] =	vst v7;
	v58 =	vld [tilespmem:s31+$0xFFFFFF20]  }
0x722: {  	[tilespmem:s1+$0xFFFFFF70] =	vst v6;
	v12 =	vmul.f32 v12, v2  }
0x723: {  	v61 =	vld [tilespmem:s0+$0xB0];
	[tilespmem:s5+$0x30] =	vst v16;
	v62 =	vmul.f32 v57, v10  }
0x724: {  	v17 =	vld [tilespmem:s3+$0xF0];
	[tilespmem:s5+$0xFFFFFF30] =	vst v12;
	v60 =	vmul.f32 v55, v11  }
0x725: {  	v22 =	vld [tilespmem:s0+$0x40];
	v15 =	vmul.f32 v59, v8;
	[tilespmem:s4+$0xFFFFFFA0] =	vst v62  }
0x726: {  	v14 =	vmul.f32 v58, v9;
	v63 =	vld [tilespmem:s31+$0xFFFFFFB0];
	[tilespmem:s4+$0x20] =	vst v60  }
0x727: {  	v13 =	vmul.f32 v13, v4;
	[tilespmem:s4+$0xA0] =	vst v15;
	v6 =	vld [tilespmem:s31+$0x30]  }
0x728: {  	v7 =	vmul.f32 v61, v1;
	[tilespmem:s4+$0xFFFFFF20] =	vst v14;
	v21 =	vld [tilespmem:s31+$0xB0]  }
0x729: {  	[tilespmem:s5+$0xFFFFFFB0] =	vst v13;
	v5 =	vmul.f32 v17, v5;
	v20 =	vld [tilespmem:s31+$0xFFFFFF30]  }
0x72a: {  	v23 =	vld [tilespmem:s0+$0xFFFFFF40];
	[tilespmem:s5+$0xB0] =	vst v7;
	v26 =	vmul.f32 v22, v3  }
0x72b: {  	v25 =	vld [tilespmem:s0+$0xC0];
	[tilespmem:s1+$0xF0] =	vst v5;
	v24 =	vmul.f32 v63, v10  }
0x72c: {  	v13 =	vld [tilespmem:s0+$0xFFFFFFC0];
	[tilespmem:s5+$0x40] =	vst v26;
	v6 =	vmul.f32 v6, v11  }
0x72d: {  	v29 =	vld [tilespmem:s0+$0x50];
	v12 =	vmul.f32 v21, v8;
	[tilespmem:s4+$0xFFFFFFB0] =	vst v24  }
0x72e: {  	v16 =	vmul.f32 v20, v9;
	v27 =	vld [tilespmem:s31+$0xFFFFFFC0];
	[tilespmem:s4+$0x30] =	vst v6  }
0x72f: {  	v7 =	vmul.f32 v23, v2;
	[tilespmem:s4+$0xB0] =	vst v12;
	v6 =	vld [tilespmem:s31+$0x40]  }
0x730: {  	v30 =	vmul.f32 v25, v1;
	[tilespmem:s4+$0xFFFFFF30] =	vst v16;
	v28 =	vld [tilespmem:s31+$0xC0]  }
0x731: {  	v13 =	vmul.f32 v13, v4;
	[tilespmem:s5+$0xFFFFFF40] =	vst v7;
	v16 =	vld [tilespmem:s31+$0xFFFFFF40]  }
0x732: {  	v32 =	vld [tilespmem:s0+$0xFFFFFF50];
	[tilespmem:s5+$0xC0] =	vst v30;
	v12 =	vmul.f32 v29, v3  }
0x733: {  	[tilespmem:s5+$0xFFFFFFC0] =	vst v13;
	v34 =	vld [tilespmem:s0+$0xD0];
	v33 =	vmul.f32 v27, v10  }
0x734: {  	v31 =	vld [tilespmem:s0+$0xFFFFFFD0];
	[tilespmem:s5+$0x50] =	vst v12;
	v6 =	vmul.f32 v6, v11  }
0x735: {  	v37 =	vld [tilespmem:s0+$0x60];
	v5 =	vmul.f32 v28, v8;
	[tilespmem:s4+$0xFFFFFFC0] =	vst v33  }
0x736: {  	v16 =	vmul.f32 v16, v9;
	v13 =	vld [tilespmem:s31+$0xFFFFFFD0];
	[tilespmem:s4+$0x40] =	vst v6  }
0x737: {  	v35 =	vmul.f32 v32, v2;
	[tilespmem:s4+$0xC0] =	vst v5;
	v6 =	vld [tilespmem:s31+$0x50]  }
0x738: {  	v38 =	vmul.f32 v34, v1;
	[tilespmem:s4+$0xFFFFFF40] =	vst v16;
	v36 =	vld [tilespmem:s31+$0xD0]  }
0x739: {  	v7 =	vmul.f32 v31, v4;
	[tilespmem:s5+$0xFFFFFF50] =	vst v35;
	v16 =	vld [tilespmem:s31+$0xFFFFFF50]  }
0x73a: {  	v40 =	vld [tilespmem:s0+$0xFFFFFF60];
	[tilespmem:s5+$0xD0] =	vst v38;
	v46 =	vmul.f32 v37, v3  }
0x73b: {  	[tilespmem:s5+$0xFFFFFFD0] =	vst v7;
	v42 =	vld [tilespmem:s0+$0xE0];
	v41 =	vmul.f32 v13, v10  }
0x73c: {  	v39 =	vld [tilespmem:s0+$0xFFFFFFE0];
	[tilespmem:s5+$0x60] =	vst v46;
	v6 =	vmul.f32 v6, v11  }
0x73d: {  	v51 =	vld [tilespmem:s0+$0x70];
	v45 =	vmul.f32 v36, v8;
	[tilespmem:s4+$0xFFFFFFD0] =	vst v41  }
0x73e: {  	v43 =	vmul.f32 v16, v9;
	v47 =	vld [tilespmem:s31+$0xFFFFFFE0];
	[tilespmem:s4+$0x50] =	vst v6  }
0x73f: {  	v49 =	vmul.f32 v40, v2;
	[tilespmem:s4+$0xD0] =	vst v45;
	v44 =	vld [tilespmem:s31+$0x60]  }
0x740: {  	v52 =	vmul.f32 v42, v1;
	[tilespmem:s4+$0xFFFFFF50] =	vst v43;
	v50 =	vld [tilespmem:s31+$0xE0]  }
0x741: {  	[tilespmem:s5+$0xFFFFFF60] =	vst v49;
	v5 =	vmul.f32 v39, v4;
	v48 =	vld [tilespmem:s31+$0xFFFFFF60]  }
0x742: {  	[tilespmem:s5+$0xE0] =	vst v52;
	v3 =	vmul.f32 v51, v3  }
0x743: {  	v55 =	vld [tilespmem:s0+$0xFFFFFF70];
	[tilespmem:s5+$0xFFFFFFE0] =	vst v5;
	v56 =	vmul.f32 v47, v10  }
0x744: {  	v57 =	vld [tilespmem:s0+$0xF0];
	[tilespmem:s5+$0x70] =	vst v3;
	v54 =	vmul.f32 v44, v11  }
0x745: {  	v53 =	vld [tilespmem:s0+$0xFFFFFFF0];
	v60 =	vmul.f32 v50, v8;
	[tilespmem:s4+$0xFFFFFFE0] =	vst v56  }
0x746: {  	v58 =	vmul.f32 v48, v9;
	v61 =	vld [tilespmem:s31+$0xFFFFFFF0];
	[tilespmem:s4+$0x60] =	vst v54  }
0x747: {  	[tilespmem:s4+$0xE0] =	vst v60;
	v59 =	vld [tilespmem:s31+$0x70]  }
0x748: {  	v2 =	vmul.f32 v55, v2;
	[tilespmem:s4+$0xFFFFFF60] =	vst v58;
	v3 =	vld [tilespmem:s31+$0xF0]  }
0x749: {  	[tilespmem:s1+$0x70] =	vst v18;
	v1 =	vmul.f32 v57, v1;
	v63 =	vld [tilespmem:s31+$0xFFFFFF70]  }
0x74a: {  	[tilespmem:s5+$0xFFFFFF70] =	vst v2;
	v62 =	vmul.f32 v53, v4  }
0x74b: {  	[tilespmem:s5+$0xF0] =	vst v1;
	v1 =	vmul.f32 v61, v10  }
0x74c: {  	[tilespmem:s5+$0xFFFFFFF0] =	vst v62;
	v2 =	vmul.f32 v59, v11  }
0x74d: {  	[tilespmem:s4+$0xFFFFFFF0] =	vst v1;
	v1 =	vmul.f32 v3, v8  }
0x74e: {  	[tilespmem:s4+$0x70] =	vst v2;
	v2 =	vmul.f32 v63, v9  }
0x74f: {  	[tilespmem:s4+$0xF0] =	vst v1  }
0x750: {  	s16 =	simm.s32 $0x5A00;
	[tilespmem:s4+$0xFFFFFF70] =	vst v2  }
0x751: {  	[spmem:s2] =	stream.indirect.scatter.add.f32 [tilespmem:s16], [sflag:$0x11], $0x80, s21, s18, $0xb8;
	[tilespmem:$0x1E7F0] =	vst v63  }
0x752: {  	p3 =	sgt.s32 s13, $0x0;
	_ =	swait.ge [sflag:s15], $0x2800  }
0x753: {  	s1 =	smov.u32 s13;
	s0 =	simm.s32 $0x0;
	[sflag:s15] =	ssyncset.done $0x0  }
0x754: {  	s1 =	smov.u32 @p3 s0;
	p3 =	sne.s32 s28, $0x50;
	[sflag:s15] =	ssyncadd.s32 $0xFFFFD800  }
.Ltmp17:
0x755: {  	_ =	swait.ge [sflag:s14], $0x2800;
	(pc) =	sbr.rel @!p3 .LBB2_33-.Ltmp17, $4  }
0x756: {  	[sflag:s14] =	ssyncset.done $0x0  }
0x757: {  	s3 =	sadd.s32 s26, s1;
	s1 =	simm.s32 $0x50;
	[sflag:s14] =	ssyncadd.s32 $0xFFFFD800  }
0x758: {  	s25 =	sshll.u32 s3, $0x7;
	s31 =	stileid.u32;
	[bflag:$0x0] =	sbarrier.arrive $0xFFFF  }
0x759: {  	s0 =	sshll.u32 s31, $0x6;
	s4 =	sand.u32 $0x3FFFFF80, s25;
	s21 =	simm.s32 $0x500  }
.LBB2_34:
0x75a: {  	p3 =	slt.s32 s1, s13;
	s4 =	sadd.s32 s4, s2;
	s3 =	sshll.u32 s3, $0x4  }
0x75b: {  	s5 =	sor.u32 $0x1C0B, s0;
	s3 =	sadd.s32 s3, s24;
	s4 =	sshrl.u32 s4, $0x3  }
0x75c: {  	[hbm:s3], [sflag:s5] =	dma.local [spmem:s4], $0x500  }
0x75d: {  	s3 =	smov.u32 s13  }
0x75e: {  	s3 =	smov.u32 @p3 s1;
	s1 =	sadd.s32 $0x50, s1  }
0x75f: {  	p3 =	sne.s32 s28, s1  }
.Ltmp18:
0x760: {  	_ = 	snop;
	(pc) =	sbr.rel @p3 .LBB2_34-.Ltmp18, $4  }
0x761: {  	_ = 	snop  }
0x762: {  	s3 =	sadd.s32 s26, s3  }
0x763: {  	s4 =	sshll.u32 s3, $0x7  }
0x764: {  	s4 =	sand.u32 $0x3FFFFF80, s4  }
0x765: {  	s12 =	rddreg [dreg:$0x6]  }
0x766: {  	s5 =	rddreg [dreg:$0x9]  }
.LBB2_36:
.Ltmp19:
0x767: {  	s1 =	sadd.s32 s4, s2;
	s3 =	sshll.u32 s3, $0x4;
	(pc) =	sbr.rel @!p2 .LBB2_38-.Ltmp19, $4  }
0x768: {  	s0 =	sor.u32 $0x1C0B, s0;
	s3 =	sadd.s32 s3, s24;
	s1 =	sshrl.u32 s1, $0x3  }
0x769: {  	[hbm:s3], [sflag:s0] =	dma.local [spmem:s1], $0x500  }
0x76a: {  	_ =	swait.ge [sflag:s30], $0x500  }
0x76b: {  	s0 =	sadd.s32 $0xFFFFFFFF, s5;
	[sflag:s30] =	ssyncset.done $0x0  }
.LBB2_37:
0x76c: {  	p2 =	sne.s32 s0, $0x1;
	s0 =	sadd.s32 $0xFFFFFFFF, s0;
	[sflag:s30] =	ssyncadd.s32 $0xFFFFFB00  }
.Ltmp20:
0x76d: {  	(pc) =	sbr.rel @p2 .LBB2_37-.Ltmp20, $3  }
0x76e: {  	_ =	sdelay $0x1  }
0x76f: {  	_ =	swait.ge [sflag:s30], $0x500  }
0x770: {  	[sflag:s30] =	ssyncset.done $0x0  }
.LBB2_38:
0x771: {  	s12 =	sadd.s32 $0x1, s12;
	s0 =	rddreg [dreg:$0x14]  }
0x772: {  	p2 =	sne.s32 s12, s0  }
.Ltmp21:
0x773: {  	_ = 	snop;
	(pc) =	sbr.rel @p2 .LBB2_1-.Ltmp21, $4  }
.Ltmp22:
0x774: {  	_ = 	snop;
	(pc) =	sbr.rel @!p2 .LBB2_39-.Ltmp22, $4  }
0x775: {  	_ = 	snop  }
0x776: {  	_ = 	snop  }
0x777: {  	[sflag:s30] =	ssyncadd.s32 $0xFFFFFB00  }
0x778: {  	_ = 	snop  }
.LBB2_4:
.Ltmp23:
0x779: {  	(pc) =	sbr.rel .LBB2_9-.Ltmp23, $2  }
0x77a: {  	_ =	sdelay $0x2  }
0x77b: {  	_ = 	snop  }
.LBB2_33:
.Ltmp24:
0x77c: {  	(pc) =	sbr.rel .LBB2_36-.Ltmp24, $3  }
0x77d: {  	_ =	sdelay $0x1  }
0x77e: {  	s12 =	rddreg [dreg:$0x6]  }
0x77f: {  	s5 =	rddreg [dreg:$0x9]  }
.LBB2_6:
.Ltmp25:
0x780: {  	(pc) =	sbr.rel .LBB2_9-.Ltmp25, $2  }
0x781: {  	_ =	sdelay $0x2  }
0x782: {  	s1 =	simm.s32 $0x50  }
.LBB2_39:
0x783: {  	_ =	sfence.sel $0x180000  }
0x784: {  	[bflag:$0x0] =	sbarrier.arrive $0xFFFF  }
0x785: {  	_ =	strace $0x90000047  }
0x786: {  	[bflag:$0x2] =	sbarrier.arrive $0xFFFF  }
0x787: {  	s0 =	rddreg [dreg:$0x5]  }
0x788: {  	s0 =	sadd.s32 @!p0 $0x100000, s0  }
0x789: {  	[sflag:s0] =	ssyncadd.tile.s32 @!p0 $0x1;
	_ =	shalt  }
.Lfunc_end2:
_tile_overlayer_lowered:
.L_overlay_start_2:
0x78a: {  	(tag) =	ssettag $0x2  }
0x78b: {  	s0 =	rddreg [dreg:$0x0];
	s2 =	stileid.u32  }
0x78c: {  	s1 =	rddreg [dreg:$0x1];
	p0 =	sne.s32 s2, $0x0  }
0x78d: {  	s3 =	rddreg [dreg:$0x2];
	[bflag:$0x3] =	sbarrier.arrive $0xFFFF;
	s2 =	simm.s32 @!p0 $0x1C13  }
0x78e: {  	[timem:s3], [sflag:s2] =	dma.local @!p0 [hbm:s0], s1  }
0x78f: {  	s0 =	simm.s32 @!p0 $0x13  }
0x790: {  	_ =	swait.ge @!p0 [sflag:s0], s1  }
0x791: {  	s1 =	ssub.s32 @!p0 $0x0, s1;
	[sflag:s0] =	ssyncset.done @!p0 $0x0  }
0x792: {  	[sflag:s0] =	ssyncadd.s32 @!p0 s1  }
0x793: {  	[bflag:$0x3] =	sbarrier.arrive $0xFFFF  }
0x794: {  	_ =	shalt  }

</sc_bundles>
